<compile_context>
chip_gen: v7x
topology: tpu7x:2x2x1
jax: 0.10.2.dev20260603
libtpu: 0.0.44.dev20260713+nightly
codegen_flags: <defaults>
</compile_context>

<pallas_src>
import jax
import jax.numpy as jnp
from jax import lax
from jax.experimental import pallas as pl
from jax.experimental.pallas import tpu as pltpu
from jax.experimental.pallas import tpu_sc as plsc

N_NODES = 10000
H_DIM = 128
NUM_RELS = 237
N_TRIPLETS = 320000

NC, NS, L = 2, 16, 16
NW = NC * NS
W_PER = N_TRIPLETS // NW
CHUNK = 80
NCHUNK = W_PER // CHUNK
HP = H_DIM // 2
ROWS_PER_TILE = 624
PC = 104
NPC = ROWS_PER_TILE // PC
TAIL_ROWS = N_NODES - NS * ROWS_PER_TILE


def _sc_body(emb_hbm, wrel_hbm, src_hbm, rel_hbm, dst_hbm, out_hbm, pk_hbm,
             src_all, rel_all, dst_all, wrel_v,
             s_v0, s_v1, o_v0, o_v1, out_v0, out_v1,
             stage_v, pack_v,
             sem_in0, sem_in1, sem_out0, sem_out1):
    s_v = (s_v0, s_v1)
    o_v = (o_v0, o_v1)
    out_v = (out_v0, out_v1)
    sem_in = (sem_in0, sem_in1)
    sem_out = (sem_out0, sem_out1)

    sid = lax.axis_index("s")
    cid = lax.axis_index("c")
    wid = sid * NC + cid
    wbase = wid * W_PER
    emb_pk = pk_hbm.at[cid]

    def pack_row_into(dst_ref, dst_row, src_ref, src_row):
        for u in range(HP // L):
            a = src_ref[src_row, pl.ds(u * 2 * L, L)]
            bq = src_ref[src_row, pl.ds(u * 2 * L + L, L)]
            pk = plsc.pack(a, bq, format=plsc.PackFormat.INTERLEAVED)
            dst_ref[dst_row, pl.ds(u * L, L)] = plsc.bitcast(pk, jnp.float32)

    def pack_emb_chunk(r0, ln):
        pltpu.sync_copy(emb_hbm.at[pl.ds(r0, ln)], stage_v.at[pl.ds(0, ln)])

        def prow(r, c):
            pack_row_into(pack_v, r, stage_v, r)
            return c

        lax.fori_loop(0, ln, prow, 0)
        pltpu.sync_copy(pack_v.at[pl.ds(0, ln)], emb_pk.at[pl.ds(r0, ln)])

    rows0 = sid * ROWS_PER_TILE
    for pc in range(NPC):
        pack_emb_chunk(rows0 + pc * PC, PC)

    @pl.when(sid == 0)
    def _():
        pack_emb_chunk(NS * ROWS_PER_TILE, TAIL_ROWS)

    for o0, ln in ((0, PC), (PC, PC), (2 * PC, NUM_RELS - 2 * PC)):
        pltpu.sync_copy(wrel_hbm.at[pl.ds(o0, ln)], stage_v.at[pl.ds(0, ln)])

        def wrow(r, c):
            pack_row_into(wrel_v, o0 + r, stage_v, r)
            return c

        lax.fori_loop(0, ln, wrow, 0)

    pltpu.sync_copy(src_hbm.at[pl.ds(wbase, W_PER)], src_all)
    pltpu.sync_copy(rel_hbm.at[pl.ds(wbase, W_PER)], rel_all)
    pltpu.sync_copy(dst_hbm.at[pl.ds(wbase, W_PER)], dst_all)

    plsc.subcore_barrier()

    def gathers(g, b):
        off = g * CHUNK
        c1 = pltpu.make_async_copy(
            emb_pk.at[src_all.at[pl.ds(off, CHUNK)]], s_v[b], sem_in[b])
        c2 = pltpu.make_async_copy(
            emb_pk.at[dst_all.at[pl.ds(off, CHUNK)]], o_v[b], sem_in[b])
        return c1, c2

    def fire_in(g, b):
        c1, c2 = gathers(g, b)
        c1.start()
        c2.start()

    def wait_in(g, b):
        c1, c2 = gathers(g, b)
        c1.wait()
        c2.wait()

    def out_store(g, b):
        return pltpu.make_async_copy(
            out_v[b], out_hbm.at[pl.ds(wbase + g * CHUNK, CHUNK)], sem_out[b])

    lanes = lax.iota(jnp.int32, L)

    def compute(g, b):
        sb = s_v[b]
        ob = o_v[b]
        goff = g * CHUNK

        def blk_body(tb, c):
            t0 = tb * L
            relv = rel_all[pl.ds(goff + t0, L)]
            acc = jnp.zeros((L,), jnp.float32)
            for j in range(L):
                ridx = lax.squeeze(lax.slice(relv, (j,), (j + 1,)), (0,))
                t = t0 + j
                pa = None
                pb = None
                for u in range(HP // L):
                    sv = plsc.bitcast(sb[t, pl.ds(u * L, L)], jnp.bfloat16)
                    rv = plsc.bitcast(wrel_v[ridx, pl.ds(u * L, L)],
                                      jnp.bfloat16)
                    ov = plsc.bitcast(ob[t, pl.ds(u * L, L)], jnp.bfloat16)
                    m = sv * rv * ov
                    ea, eb = plsc.unpack(
                        m, format=plsc.PackFormat.INTERLEAVED)
                    pa = ea if pa is None else pa + ea
                    pb = eb if pb is None else pb + eb
                acc = jnp.where(lanes == j, jnp.sum(pa + pb), acc)
            out_v[b][pl.ds(t0, L)] = acc
            return c

        lax.fori_loop(0, CHUNK // L, blk_body, 0)
        out_store(g, b).start()

    fire_in(0, 0)

    def loop_body(i, carry):
        for b in (0, 1):
            @pl.when(lax.rem(i, 2) == b)
            def _():
                @pl.when(i >= 2)
                def _():
                    out_store(i - 2, b).wait()
                wait_in(i, b)

                @pl.when(i + 1 < NCHUNK)
                def _():
                    fire_in(i + 1, 1 - b)
                compute(i, b)
        return carry

    lax.fori_loop(0, NCHUNK, loop_body, 0)
    out_store(NCHUNK - 2, (NCHUNK - 2) % 2).wait()
    out_store(NCHUNK - 1, (NCHUNK - 1) % 2).wait()


@jax.jit
def kernel(embedding0, w_relation, triplets):
    t = triplets.astype(jnp.int32)
    src = t[:, 0]
    rel = t[:, 1]
    dst = t[:, 2]
    mesh = plsc.VectorSubcoreMesh(core_axis_name="c", subcore_axis_name="s")
    k = pl.kernel(
        _sc_body,
        out_type=(
            jax.ShapeDtypeStruct((N_TRIPLETS,), jnp.float32),
            jax.ShapeDtypeStruct((NC, N_NODES, H_DIM), jnp.float32),
        ),
        mesh=mesh,
        compiler_params=pltpu.CompilerParams(needs_layout_passes=False),
        scratch_types=[
            pltpu.VMEM((W_PER,), jnp.int32),
            pltpu.VMEM((W_PER,), jnp.int32),
            pltpu.VMEM((W_PER,), jnp.int32),
            pltpu.VMEM((NUM_RELS, HP), jnp.float32),
            pltpu.VMEM((CHUNK, H_DIM), jnp.float32),
            pltpu.VMEM((CHUNK, H_DIM), jnp.float32),
            pltpu.VMEM((CHUNK, H_DIM), jnp.float32),
            pltpu.VMEM((CHUNK, H_DIM), jnp.float32),
            pltpu.VMEM((CHUNK,), jnp.float32),
            pltpu.VMEM((CHUNK,), jnp.float32),
            pltpu.VMEM((PC, H_DIM), jnp.float32),
            pltpu.VMEM((PC, H_DIM), jnp.float32),
            pltpu.SemaphoreType.DMA,
            pltpu.SemaphoreType.DMA,
            pltpu.SemaphoreType.DMA,
            pltpu.SemaphoreType.DMA,
        ],
    )
    score, _ = k(embedding0, w_relation, src, rel, dst)
    return score

# --- scband reference (transcript-rebuilt; emitter-appended) ---
"""Pipeline reference for scband-link-predict-82952998355823 (READ-ONLY COPY).

The authoritative reference and input builder live on the scoring server;
editing this copy changes nothing except your own understanding.
"""

import jax, jax.numpy as jnp
import numpy as np

N_NODES = 10000
H_DIM = 128
NUM_RELS = 237
N_TRIPLETS = 320000


def setup_inputs(seed: int = 0) -> dict:
    key = jax.random.key(seed)
    k1, k2, k3, k4, k5 = jax.random.split(key, 5)
    # node embeddings produced by the upstream GNN (embedding[0] in the torch code)
    embedding0 = jax.random.normal(k1, (N_NODES, H_DIM), dtype=jnp.float32)
    # w_relation parameter: xavier_uniform_ with gain=calculate_gain('relu')=sqrt(2)
    gain = float(np.sqrt(2.0))
    limit = gain * float(np.sqrt(6.0 / (NUM_RELS + H_DIM)))
    w_relation = jax.random.uniform(k2, (NUM_RELS, H_DIM), minval=-limit, maxval=limit, dtype=jnp.float32)
    src = jax.random.randint(k3, (N_TRIPLETS,), 0, N_NODES)
    rel = jax.random.randint(k4, (N_TRIPLETS,), 0, NUM_RELS)
    dst = jax.random.randint(k5, (N_TRIPLETS,), 0, N_NODES)
    triplets = jnp.stack([src, rel, dst], axis=1)
    return {"embedding0": embedding0, "w_relation": w_relation, "triplets": triplets}


def reference(embedding0, w_relation, triplets):
    # LinkPredict.calc_score: DistMult scoring over gathered embeddings
    t = triplets.astype(jnp.int32)
    s = jnp.take(embedding0, t[:, 0], axis=0)   # embedding[0][triplets[:, 0]]
    r = jnp.take(w_relation, t[:, 1], axis=0)   # self.w_relation[triplets[:, 1]]
    o = jnp.take(embedding0, t[:, 2], axis=0)   # embedding[0][triplets[:, 2]]
    score = jnp.sum(s * r * o, axis=1)
    return score

if __name__ == "__main__":
    import jax
    _d = setup_inputs()
    print(jax.jit(kernel)(*tuple(_d.values())))

</pallas_src>

<mosaic_0001>
#map = affine_map<(d0, d1) -> (0, 0)>
#map1 = affine_map<(d0, d1) -> (0)>
#map2 = affine_map<(d0, d1) -> (0, 0, 0)>
module attributes {stable_mosaic.version = 14 : i64} {
  func.func @_sc_body(%arg0: i32, %arg1: i32, %arg2: memref<10000x128xf32, #tpu.memory_space<hbm>>, %arg3: memref<237x128xf32, #tpu.memory_space<hbm>>, %arg4: memref<320000xi32, #tpu.memory_space<hbm>>, %arg5: memref<320000xi32, #tpu.memory_space<hbm>>, %arg6: memref<320000xi32, #tpu.memory_space<hbm>>, %arg7: memref<320000xf32, #tpu.memory_space<hbm>>, %arg8: memref<2x10000x128xf32, #tpu.memory_space<hbm>>, %arg9: memref<10000xi32, #tpu.memory_space<vmem>>, %arg10: memref<10000xi32, #tpu.memory_space<vmem>>, %arg11: memref<10000xi32, #tpu.memory_space<vmem>>, %arg12: memref<237x64xf32, #tpu.memory_space<vmem>>, %arg13: memref<80x128xf32, #tpu.memory_space<vmem>>, %arg14: memref<80x128xf32, #tpu.memory_space<vmem>>, %arg15: memref<80x128xf32, #tpu.memory_space<vmem>>, %arg16: memref<80x128xf32, #tpu.memory_space<vmem>>, %arg17: memref<80xf32, #tpu.memory_space<vmem>>, %arg18: memref<80xf32, #tpu.memory_space<vmem>>, %arg19: memref<104x128xf32, #tpu.memory_space<vmem>>, %arg20: memref<104x128xf32, #tpu.memory_space<vmem>>, %arg21: memref<!tpu.dma_semaphore, #tpu.memory_space<semaphore_mem>>, %arg22: memref<!tpu.dma_semaphore, #tpu.memory_space<semaphore_mem>>, %arg23: memref<!tpu.dma_semaphore, #tpu.memory_space<semaphore_mem>>, %arg24: memref<!tpu.dma_semaphore, #tpu.memory_space<semaphore_mem>>) attributes {dimension_semantics = [#tpu.dimension_semantics<core_parallel>, #tpu.dimension_semantics<subcore_parallel>], iteration_bounds = array<i64: 2, 16>, scalar_prefetch = 0 : i64, scratch_operands = 16 : i64, tpu.core_type = #tpu.core_type<sc_vector_subcore>, window_params = [{transform_indices = #map}, {transform_indices = #map}, {transform_indices = #map1}, {transform_indices = #map1}, {transform_indices = #map1}, {transform_indices = #map1}, {transform_indices = #map2}]} {
    %mul3A = arith.constant 2 : i32
    %mul3A_0 = arith.muli %arg1, %mul3A : i32
    %add3A = arith.addi %mul3A_0, %arg0 : i32
    %mul3A_1 = arith.constant 10000 : i32
    %mul3A_2 = arith.muli %add3A, %mul3A_1 : i32
    %mul3A_3 = arith.constant 624 : i32
    %mul3A_4 = arith.muli %arg1, %mul3A_3 : i32
    %add3A_5 = arith.constant 0 : i32
    %add3A_6 = arith.addi %mul3A_4, %add3A_5 : i32
    "tpu.region"() ({
      %run_scoped3A = tpu.sem_alloc : memref<!tpu.dma_semaphore, #tpu.memory_space<semaphore_mem>>
      %dma_start3A_102 = arith.constant 0 : i32
      %dma_start3A_103 = arith.constant 0 : i32
      %dma_start3A_104 = tpu.memref_slice %arg19[%dma_start3A_102, %dma_start3A_103] : memref<104x128xf32, #tpu.memory_space<vmem>> -> memref<104x128xf32, #tpu.memory_space<vmem>>
      %dma_start3A_105 = arith.constant 0 : i32
      %dma_start3A_106 = tpu.memref_slice %arg2[%add3A_6, %dma_start3A_105] : memref<10000x128xf32, #tpu.memory_space<hbm>> -> memref<104x128xf32, #tpu.memory_space<hbm>>
      %dma_start3A_107 = arith.constant 0 : i32
      %dma_start3A_108 = arith.constant 0 : i32
      %dma_start3A_109 = tpu.memref_slice %arg19[%dma_start3A_107, %dma_start3A_108] : memref<104x128xf32, #tpu.memory_space<vmem>> -> memref<104x128xf32, #tpu.memory_space<vmem>>
      %dma_start3A_110 = arith.constant 0 : i32
      %dma_start3A_111 = tpu.memref_slice %arg2[%add3A_6, %dma_start3A_110] : memref<10000x128xf32, #tpu.memory_space<hbm>> -> memref<104x128xf32, #tpu.memory_space<hbm>>
      tpu.enqueue_dma source(%dma_start3A_111 : memref<104x128xf32, #tpu.memory_space<hbm>>) target(%dma_start3A_109 : memref<104x128xf32, #tpu.memory_space<vmem>>) target_semaphore(%run_scoped3A : memref<!tpu.dma_semaphore, #tpu.memory_space<semaphore_mem>>)
      %dma_wait3A_112 = arith.constant 0 : i32
      %dma_wait3A_113 = arith.constant 0 : i32
      %dma_wait3A_114 = tpu.memref_slice %arg19[%dma_wait3A_112, %dma_wait3A_113] : memref<104x128xf32, #tpu.memory_space<vmem>> -> memref<104x128xf32, #tpu.memory_space<vmem>>
      %dma_wait3A_115 = arith.constant 0 : i32
      %dma_wait3A_116 = tpu.memref_slice %arg2[%add3A_6, %dma_wait3A_115] : memref<10000x128xf32, #tpu.memory_space<hbm>> -> memref<104x128xf32, #tpu.memory_space<hbm>>
      %dma_wait3A_117 = arith.constant 0 : i32
      %dma_wait3A_118 = arith.constant 0 : i32
      %dma_wait3A_119 = tpu.memref_slice %arg19[%dma_wait3A_117, %dma_wait3A_118] : memref<104x128xf32, #tpu.memory_space<vmem>> -> memref<104x128xf32, #tpu.memory_space<vmem>>
      %dma_wait3A_120 = arith.constant 0 : i32
      %dma_wait3A_121 = tpu.memref_slice %arg2[%add3A_6, %dma_wait3A_120] : memref<10000x128xf32, #tpu.memory_space<hbm>> -> memref<104x128xf32, #tpu.memory_space<hbm>>
      tpu.wait_dma2 semaphore(%run_scoped3A : memref<!tpu.dma_semaphore, #tpu.memory_space<semaphore_mem>>) src(%dma_wait3A_121 : memref<104x128xf32, #tpu.memory_space<hbm>>) dst(%dma_wait3A_119 : memref<104x128xf32, #tpu.memory_space<vmem>>)
      tpu.yield
    }) : () -> ()
    %scan3A = arith.constant 0 : i32
    %scan3A_7 = arith.constant 0 : i32
    %scan3A_8 = arith.constant 104 : i32
    %scan3A_9 = arith.addi %scan3A_7, %scan3A_8 : i32
    %scan3A_10 = arith.constant 1 : i32
    scf.for %scan3A_102 = %scan3A_7 to %scan3A_9 step %scan3A_10  : i32 {
      %get3A = arith.index_cast %scan3A_102 : i32 to index
      %get3A_103 = arith.constant 0 : index
      %get3A_104 = tpu.vector_load %arg19[%get3A, %get3A_103] {strides = array<i32>} : memref<104x128xf32, #tpu.memory_space<vmem>>, vector<16xf32>,
      %get3A_105 = arith.index_cast %scan3A_102 : i32 to index
      %get3A_106 = arith.constant 16 : index
      %get3A_107 = tpu.vector_load %arg19[%get3A_105, %get3A_106] {strides = array<i32>} : memref<104x128xf32, #tpu.memory_space<vmem>>, vector<16xf32>,
      %pack3A = tpu.pack_subelements %get3A_104, %get3A_107 {pack_format = #tpu.pack_format<interleaved>, positions = array<i32: 0, 1>} : vector<16xf32>, vector<16xf32> -> vector<32xbf16>
      %bitcast3A = vector.bitcast %pack3A : vector<32xbf16> to vector<16xf32>
      %swap3A = arith.index_cast %scan3A_102 : i32 to index
      %swap3A_108 = arith.constant 0 : index
      %swap3A_109 = tpu.vector_load %arg20[%swap3A, %swap3A_108] {strides = array<i32>} : memref<104x128xf32, #tpu.memory_space<vmem>>, vector<16xf32>,
      tpu.vector_store %arg20[%swap3A, %swap3A_108], %bitcast3A {strides = array<i32>} : memref<104x128xf32, #tpu.memory_space<vmem>>, vector<16xf32>,
      %get3A_110 = arith.index_cast %scan3A_102 : i32 to index
      %get3A_111 = arith.constant 32 : index
      %get3A_112 = tpu.vector_load %arg19[%get3A_110, %get3A_111] {strides = array<i32>} : memref<104x128xf32, #tpu.memory_space<vmem>>, vector<16xf32>,
      %get3A_113 = arith.index_cast %scan3A_102 : i32 to index
      %get3A_114 = arith.constant 48 : index
      %get3A_115 = tpu.vector_load %arg19[%get3A_113, %get3A_114] {strides = array<i32>} : memref<104x128xf32, #tpu.memory_space<vmem>>, vector<16xf32>,
      %pack3A_116 = tpu.pack_subelements %get3A_112, %get3A_115 {pack_format = #tpu.pack_format<interleaved>, positions = array<i32: 0, 1>} : vector<16xf32>, vector<16xf32> -> vector<32xbf16>
      %bitcast3A_117 = vector.bitcast %pack3A_116 : vector<32xbf16> to vector<16xf32>
      %swap3A_118 = arith.index_cast %scan3A_102 : i32 to index
      %swap3A_119 = arith.constant 16 : index
      %swap3A_120 = tpu.vector_load %arg20[%swap3A_118, %swap3A_119] {strides = array<i32>} : memref<104x128xf32, #tpu.memory_space<vmem>>, vector<16xf32>,
      tpu.vector_store %arg20[%swap3A_118, %swap3A_119], %bitcast3A_117 {strides = array<i32>} : memref<104x128xf32, #tpu.memory_space<vmem>>, vector<16xf32>,
      %get3A_121 = arith.index_cast %scan3A_102 : i32 to index
      %get3A_122 = arith.constant 64 : index
      %get3A_123 = tpu.vector_load %arg19[%get3A_121, %get3A_122] {strides = array<i32>} : memref<104x128xf32, #tpu.memory_space<vmem>>, vector<16xf32>,
      %get3A_124 = arith.index_cast %scan3A_102 : i32 to index
      %get3A_125 = arith.constant 80 : index
      %get3A_126 = tpu.vector_load %arg19[%get3A_124, %get3A_125] {strides = array<i32>} : memref<104x128xf32, #tpu.memory_space<vmem>>, vector<16xf32>,
      %pack3A_127 = tpu.pack_subelements %get3A_123, %get3A_126 {pack_format = #tpu.pack_format<interleaved>, positions = array<i32: 0, 1>} : vector<16xf32>, vector<16xf32> -> vector<32xbf16>
      %bitcast3A_128 = vector.bitcast %pack3A_127 : vector<32xbf16> to vector<16xf32>
      %swap3A_129 = arith.index_cast %scan3A_102 : i32 to index
      %swap3A_130 = arith.constant 32 : index
      %swap3A_131 = tpu.vector_load %arg20[%swap3A_129, %swap3A_130] {strides = array<i32>} : memref<104x128xf32, #tpu.memory_space<vmem>>, vector<16xf32>,
      tpu.vector_store %arg20[%swap3A_129, %swap3A_130], %bitcast3A_128 {strides = array<i32>} : memref<104x128xf32, #tpu.memory_space<vmem>>, vector<16xf32>,
      %get3A_132 = arith.index_cast %scan3A_102 : i32 to index
      %get3A_133 = arith.constant 96 : index
      %get3A_134 = tpu.vector_load %arg19[%get3A_132, %get3A_133] {strides = array<i32>} : memref<104x128xf32, #tpu.memory_space<vmem>>, vector<16xf32>,
      %get3A_135 = arith.index_cast %scan3A_102 : i32 to index
      %get3A_136 = arith.constant 112 : index
      %get3A_137 = tpu.vector_load %arg19[%get3A_135, %get3A_136] {strides = array<i32>} : memref<104x128xf32, #tpu.memory_space<vmem>>, vector<16xf32>,
      %pack3A_138 = tpu.pack_subelements %get3A_134, %get3A_137 {pack_format = #tpu.pack_format<interleaved>, positions = array<i32: 0, 1>} : vector<16xf32>, vector<16xf32> -> vector<32xbf16>
      %bitcast3A_139 = vector.bitcast %pack3A_138 : vector<32xbf16> to vector<16xf32>
      %swap3A_140 = arith.index_cast %scan3A_102 : i32 to index
      %swap3A_141 = arith.constant 48 : index
      %swap3A_142 = tpu.vector_load %arg20[%swap3A_140, %swap3A_141] {strides = array<i32>} : memref<104x128xf32, #tpu.memory_space<vmem>>, vector<16xf32>,
      tpu.vector_store %arg20[%swap3A_140, %swap3A_141], %bitcast3A_139 {strides = array<i32>} : memref<104x128xf32, #tpu.memory_space<vmem>>, vector<16xf32>,
    }
    %scan3A_11 = arith.constant 104 : i32
    "tpu.region"() ({
      %run_scoped3A = tpu.sem_alloc : memref<!tpu.dma_semaphore, #tpu.memory_space<semaphore_mem>>
      %dma_start3A_102 = arith.constant 0 : i32
      %dma_start3A_103 = arith.constant 0 : i32
      %dma_start3A_104 = tpu.memref_slice %arg20[%dma_start3A_102, %dma_start3A_103] : memref<104x128xf32, #tpu.memory_space<vmem>> -> memref<104x128xf32, #tpu.memory_space<vmem>>
      %dma_start3A_105 = arith.constant 0 : i32
      %dma_start3A_106 = arith.constant 0 : i32
      %dma_start3A_107 = tpu.memref_slice %arg8[%arg0, %dma_start3A_105, %dma_start3A_106] : memref<2x10000x128xf32, #tpu.memory_space<hbm>> -> memref<1x10000x128xf32, #tpu.memory_space<hbm>>
      %dma_start3A_108 = tpu.memref_squeeze %dma_start3A_107 : memref<1x10000x128xf32, #tpu.memory_space<hbm>> -> memref<10000x128xf32, #tpu.memory_space<hbm>>
      %dma_start3A_109 = arith.constant 0 : i32
      %dma_start3A_110 = tpu.memref_slice %dma_start3A_108[%add3A_6, %dma_start3A_109] : memref<10000x128xf32, #tpu.memory_space<hbm>> -> memref<104x128xf32, #tpu.memory_space<hbm>>
      %dma_start3A_111 = arith.constant 0 : i32
      %dma_start3A_112 = arith.constant 0 : i32
      %dma_start3A_113 = tpu.memref_slice %arg8[%arg0, %dma_start3A_111, %dma_start3A_112] : memref<2x10000x128xf32, #tpu.memory_space<hbm>> -> memref<1x10000x128xf32, #tpu.memory_space<hbm>>
      %dma_start3A_114 = tpu.memref_squeeze %dma_start3A_113 : memref<1x10000x128xf32, #tpu.memory_space<hbm>> -> memref<10000x128xf32, #tpu.memory_space<hbm>>
      %dma_start3A_115 = arith.constant 0 : i32
      %dma_start3A_116 = tpu.memref_slice %dma_start3A_114[%add3A_6, %dma_start3A_115] : memref<10000x128xf32, #tpu.memory_space<hbm>> -> memref<104x128xf32, #tpu.memory_space<hbm>>
      %dma_start3A_117 = arith.constant 0 : i32
      %dma_start3A_118 = arith.constant 0 : i32
      %dma_start3A_119 = tpu.memref_slice %arg20[%dma_start3A_117, %dma_start3A_118] : memref<104x128xf32, #tpu.memory_space<vmem>> -> memref<104x128xf32, #tpu.memory_space<vmem>>
      tpu.enqueue_dma source(%dma_start3A_119 : memref<104x128xf32, #tpu.memory_space<vmem>>) target(%dma_start3A_116 : memref<104x128xf32, #tpu.memory_space<hbm>>) target_semaphore(%run_scoped3A : memref<!tpu.dma_semaphore, #tpu.memory_space<semaphore_mem>>)
      %dma_wait3A_120 = arith.constant 0 : i32
      %dma_wait3A_121 = arith.constant 0 : i32
      %dma_wait3A_122 = tpu.memref_slice %arg20[%dma_wait3A_120, %dma_wait3A_121] : memref<104x128xf32, #tpu.memory_space<vmem>> -> memref<104x128xf32, #tpu.memory_space<vmem>>
      %dma_wait3A_123 = arith.constant 0 : i32
      %dma_wait3A_124 = arith.constant 0 : i32
      %dma_wait3A_125 = tpu.memref_slice %arg8[%arg0, %dma_wait3A_123, %dma_wait3A_124] : memref<2x10000x128xf32, #tpu.memory_space<hbm>> -> memref<1x10000x128xf32, #tpu.memory_space<hbm>>
      %dma_wait3A_126 = tpu.memref_squeeze %dma_wait3A_125 : memref<1x10000x128xf32, #tpu.memory_space<hbm>> -> memref<10000x128xf32, #tpu.memory_space<hbm>>
      %dma_wait3A_127 = arith.constant 0 : i32
      %dma_wait3A_128 = tpu.memref_slice %dma_wait3A_126[%add3A_6, %dma_wait3A_127] : memref<10000x128xf32, #tpu.memory_space<hbm>> -> memref<104x128xf32, #tpu.memory_space<hbm>>
      %dma_wait3A_129 = arith.constant 0 : i32
      %dma_wait3A_130 = arith.constant 0 : i32
      %dma_wait3A_131 = tpu.memref_slice %arg8[%arg0, %dma_wait3A_129, %dma_wait3A_130] : memref<2x10000x128xf32, #tpu.memory_space<hbm>> -> memref<1x10000x128xf32, #tpu.memory_space<hbm>>
      %dma_wait3A_132 = tpu.memref_squeeze %dma_wait3A_131 : memref<1x10000x128xf32, #tpu.memory_space<hbm>> -> memref<10000x128xf32, #tpu.memory_space<hbm>>
      %dma_wait3A_133 = arith.constant 0 : i32
      %dma_wait3A_134 = tpu.memref_slice %dma_wait3A_132[%add3A_6, %dma_wait3A_133] : memref<10000x128xf32, #tpu.memory_space<hbm>> -> memref<104x128xf32, #tpu.memory_space<hbm>>
      %dma_wait3A_135 = arith.constant 0 : i32
      %dma_wait3A_136 = arith.constant 0 : i32
      %dma_wait3A_137 = tpu.memref_slice %arg20[%dma_wait3A_135, %dma_wait3A_136] : memref<104x128xf32, #tpu.memory_space<vmem>> -> memref<104x128xf32, #tpu.memory_space<vmem>>
      tpu.wait_dma2 semaphore(%run_scoped3A : memref<!tpu.dma_semaphore, #tpu.memory_space<semaphore_mem>>) src(%dma_wait3A_137 : memref<104x128xf32, #tpu.memory_space<vmem>>) dst(%dma_wait3A_134 : memref<104x128xf32, #tpu.memory_space<hbm>>)
      tpu.yield
    }) : () -> ()
    %add3A_12 = arith.constant 104 : i32
    %add3A_13 = arith.addi %mul3A_4, %add3A_12 : i32
    "tpu.region"() ({
      %run_scoped3A = tpu.sem_alloc : memref<!tpu.dma_semaphore, #tpu.memory_space<semaphore_mem>>
      %dma_start3A_102 = arith.constant 0 : i32
      %dma_start3A_103 = arith.constant 0 : i32
      %dma_start3A_104 = tpu.memref_slice %arg19[%dma_start3A_102, %dma_start3A_103] : memref<104x128xf32, #tpu.memory_space<vmem>> -> memref<104x128xf32, #tpu.memory_space<vmem>>
      %dma_start3A_105 = arith.constant 0 : i32
      %dma_start3A_106 = tpu.memref_slice %arg2[%add3A_13, %dma_start3A_105] : memref<10000x128xf32, #tpu.memory_space<hbm>> -> memref<104x128xf32, #tpu.memory_space<hbm>>
      %dma_start3A_107 = arith.constant 0 : i32
      %dma_start3A_108 = arith.constant 0 : i32
      %dma_start3A_109 = tpu.memref_slice %arg19[%dma_start3A_107, %dma_start3A_108] : memref<104x128xf32, #tpu.memory_space<vmem>> -> memref<104x128xf32, #tpu.memory_space<vmem>>
      %dma_start3A_110 = arith.constant 0 : i32
      %dma_start3A_111 = tpu.memref_slice %arg2[%add3A_13, %dma_start3A_110] : memref<10000x128xf32, #tpu.memory_space<hbm>> -> memref<104x128xf32, #tpu.memory_space<hbm>>
      tpu.enqueue_dma source(%dma_start3A_111 : memref<104x128xf32, #tpu.memory_space<hbm>>) target(%dma_start3A_109 : memref<104x128xf32, #tpu.memory_space<vmem>>) target_semaphore(%run_scoped3A : memref<!tpu.dma_semaphore, #tpu.memory_space<semaphore_mem>>)
      %dma_wait3A_112 = arith.constant 0 : i32
      %dma_wait3A_113 = arith.constant 0 : i32
      %dma_wait3A_114 = tpu.memref_slice %arg19[%dma_wait3A_112, %dma_wait3A_113] : memref<104x128xf32, #tpu.memory_space<vmem>> -> memref<104x128xf32, #tpu.memory_space<vmem>>
      %dma_wait3A_115 = arith.constant 0 : i32
      %dma_wait3A_116 = tpu.memref_slice %arg2[%add3A_13, %dma_wait3A_115] : memref<10000x128xf32, #tpu.memory_space<hbm>> -> memref<104x128xf32, #tpu.memory_space<hbm>>
      %dma_wait3A_117 = arith.constant 0 : i32
      %dma_wait3A_118 = arith.constant 0 : i32
      %dma_wait3A_119 = tpu.memref_slice %arg19[%dma_wait3A_117, %dma_wait3A_118] : memref<104x128xf32, #tpu.memory_space<vmem>> -> memref<104x128xf32, #tpu.memory_space<vmem>>
      %dma_wait3A_120 = arith.constant 0 : i32
      %dma_wait3A_121 = tpu.memref_slice %arg2[%add3A_13, %dma_wait3A_120] : memref<10000x128xf32, #tpu.memory_space<hbm>> -> memref<104x128xf32, #tpu.memory_space<hbm>>
      tpu.wait_dma2 semaphore(%run_scoped3A : memref<!tpu.dma_semaphore, #tpu.memory_space<semaphore_mem>>) src(%dma_wait3A_121 : memref<104x128xf32, #tpu.memory_space<hbm>>) dst(%dma_wait3A_119 : memref<104x128xf32, #tpu.memory_space<vmem>>)
      tpu.yield
    }) : () -> ()
    %scan3A_14 = arith.constant 0 : i32
    %scan3A_15 = arith.constant 0 : i32
    %scan3A_16 = arith.constant 104 : i32
    %scan3A_17 = arith.addi %scan3A_15, %scan3A_16 : i32
    %scan3A_18 = arith.constant 1 : i32
    scf.for %scan3A_102 = %scan3A_15 to %scan3A_17 step %scan3A_18  : i32 {
      %get3A = arith.index_cast %scan3A_102 : i32 to index
      %get3A_103 = arith.constant 0 : index
      %get3A_104 = tpu.vector_load %arg19[%get3A, %get3A_103] {strides = array<i32>} : memref<104x128xf32, #tpu.memory_space<vmem>>, vector<16xf32>,
      %get3A_105 = arith.index_cast %scan3A_102 : i32 to index
      %get3A_106 = arith.constant 16 : index
      %get3A_107 = tpu.vector_load %arg19[%get3A_105, %get3A_106] {strides = array<i32>} : memref<104x128xf32, #tpu.memory_space<vmem>>, vector<16xf32>,
      %pack3A = tpu.pack_subelements %get3A_104, %get3A_107 {pack_format = #tpu.pack_format<interleaved>, positions = array<i32: 0, 1>} : vector<16xf32>, vector<16xf32> -> vector<32xbf16>
      %bitcast3A = vector.bitcast %pack3A : vector<32xbf16> to vector<16xf32>
      %swap3A = arith.index_cast %scan3A_102 : i32 to index
      %swap3A_108 = arith.constant 0 : index
      %swap3A_109 = tpu.vector_load %arg20[%swap3A, %swap3A_108] {strides = array<i32>} : memref<104x128xf32, #tpu.memory_space<vmem>>, vector<16xf32>,
      tpu.vector_store %arg20[%swap3A, %swap3A_108], %bitcast3A {strides = array<i32>} : memref<104x128xf32, #tpu.memory_space<vmem>>, vector<16xf32>,
      %get3A_110 = arith.index_cast %scan3A_102 : i32 to index
      %get3A_111 = arith.constant 32 : index
      %get3A_112 = tpu.vector_load %arg19[%get3A_110, %get3A_111] {strides = array<i32>} : memref<104x128xf32, #tpu.memory_space<vmem>>, vector<16xf32>,
      %get3A_113 = arith.index_cast %scan3A_102 : i32 to index
      %get3A_114 = arith.constant 48 : index
      %get3A_115 = tpu.vector_load %arg19[%get3A_113, %get3A_114] {strides = array<i32>} : memref<104x128xf32, #tpu.memory_space<vmem>>, vector<16xf32>,
      %pack3A_116 = tpu.pack_subelements %get3A_112, %get3A_115 {pack_format = #tpu.pack_format<interleaved>, positions = array<i32: 0, 1>} : vector<16xf32>, vector<16xf32> -> vector<32xbf16>
      %bitcast3A_117 = vector.bitcast %pack3A_116 : vector<32xbf16> to vector<16xf32>
      %swap3A_118 = arith.index_cast %scan3A_102 : i32 to index
      %swap3A_119 = arith.constant 16 : index
      %swap3A_120 = tpu.vector_load %arg20[%swap3A_118, %swap3A_119] {strides = array<i32>} : memref<104x128xf32, #tpu.memory_space<vmem>>, vector<16xf32>,
      tpu.vector_store %arg20[%swap3A_118, %swap3A_119], %bitcast3A_117 {strides = array<i32>} : memref<104x128xf32, #tpu.memory_space<vmem>>, vector<16xf32>,
      %get3A_121 = arith.index_cast %scan3A_102 : i32 to index
      %get3A_122 = arith.constant 64 : index
      %get3A_123 = tpu.vector_load %arg19[%get3A_121, %get3A_122] {strides = array<i32>} : memref<104x128xf32, #tpu.memory_space<vmem>>, vector<16xf32>,
      %get3A_124 = arith.index_cast %scan3A_102 : i32 to index
      %get3A_125 = arith.constant 80 : index
      %get3A_126 = tpu.vector_load %arg19[%get3A_124, %get3A_125] {strides = array<i32>} : memref<104x128xf32, #tpu.memory_space<vmem>>, vector<16xf32>,
      %pack3A_127 = tpu.pack_subelements %get3A_123, %get3A_126 {pack_format = #tpu.pack_format<interleaved>, positions = array<i32: 0, 1>} : vector<16xf32>, vector<16xf32> -> vector<32xbf16>
      %bitcast3A_128 = vector.bitcast %pack3A_127 : vector<32xbf16> to vector<16xf32>
      %swap3A_129 = arith.index_cast %scan3A_102 : i32 to index
      %swap3A_130 = arith.constant 32 : index
      %swap3A_131 = tpu.vector_load %arg20[%swap3A_129, %swap3A_130] {strides = array<i32>} : memref<104x128xf32, #tpu.memory_space<vmem>>, vector<16xf32>,
      tpu.vector_store %arg20[%swap3A_129, %swap3A_130], %bitcast3A_128 {strides = array<i32>} : memref<104x128xf32, #tpu.memory_space<vmem>>, vector<16xf32>,
      %get3A_132 = arith.index_cast %scan3A_102 : i32 to index
      %get3A_133 = arith.constant 96 : index
      %get3A_134 = tpu.vector_load %arg19[%get3A_132, %get3A_133] {strides = array<i32>} : memref<104x128xf32, #tpu.memory_space<vmem>>, vector<16xf32>,
      %get3A_135 = arith.index_cast %scan3A_102 : i32 to index
      %get3A_136 = arith.constant 112 : index
      %get3A_137 = tpu.vector_load %arg19[%get3A_135, %get3A_136] {strides = array<i32>} : memref<104x128xf32, #tpu.memory_space<vmem>>, vector<16xf32>,
      %pack3A_138 = tpu.pack_subelements %get3A_134, %get3A_137 {pack_format = #tpu.pack_format<interleaved>, positions = array<i32: 0, 1>} : vector<16xf32>, vector<16xf32> -> vector<32xbf16>
      %bitcast3A_139 = vector.bitcast %pack3A_138 : vector<32xbf16> to vector<16xf32>
      %swap3A_140 = arith.index_cast %scan3A_102 : i32 to index
      %swap3A_141 = arith.constant 48 : index
      %swap3A_142 = tpu.vector_load %arg20[%swap3A_140, %swap3A_141] {strides = array<i32>} : memref<104x128xf32, #tpu.memory_space<vmem>>, vector<16xf32>,
      tpu.vector_store %arg20[%swap3A_140, %swap3A_141], %bitcast3A_139 {strides = array<i32>} : memref<104x128xf32, #tpu.memory_space<vmem>>, vector<16xf32>,
    }
    %scan3A_19 = arith.constant 104 : i32
    "tpu.region"() ({
      %run_scoped3A = tpu.sem_alloc : memref<!tpu.dma_semaphore, #tpu.memory_space<semaphore_mem>>
      %dma_start3A_102 = arith.constant 0 : i32
      %dma_start3A_103 = arith.constant 0 : i32
      %dma_start3A_104 = tpu.memref_slice %arg20[%dma_start3A_102, %dma_start3A_103] : memref<104x128xf32, #tpu.memory_space<vmem>> -> memref<104x128xf32, #tpu.memory_space<vmem>>
      %dma_start3A_105 = arith.constant 0 : i32
      %dma_start3A_106 = arith.constant 0 : i32
      %dma_start3A_107 = tpu.memref_slice %arg8[%arg0, %dma_start3A_105, %dma_start3A_106] : memref<2x10000x128xf32, #tpu.memory_space<hbm>> -> memref<1x10000x128xf32, #tpu.memory_space<hbm>>
      %dma_start3A_108 = tpu.memref_squeeze %dma_start3A_107 : memref<1x10000x128xf32, #tpu.memory_space<hbm>> -> memref<10000x128xf32, #tpu.memory_space<hbm>>
      %dma_start3A_109 = arith.constant 0 : i32
      %dma_start3A_110 = tpu.memref_slice %dma_start3A_108[%add3A_13, %dma_start3A_109] : memref<10000x128xf32, #tpu.memory_space<hbm>> -> memref<104x128xf32, #tpu.memory_space<hbm>>
      %dma_start3A_111 = arith.constant 0 : i32
      %dma_start3A_112 = arith.constant 0 : i32
      %dma_start3A_113 = tpu.memref_slice %arg8[%arg0, %dma_start3A_111, %dma_start3A_112] : memref<2x10000x128xf32, #tpu.memory_space<hbm>> -> memref<1x10000x128xf32, #tpu.memory_space<hbm>>
      %dma_start3A_114 = tpu.memref_squeeze %dma_start3A_113 : memref<1x10000x128xf32, #tpu.memory_space<hbm>> -> memref<10000x128xf32, #tpu.memory_space<hbm>>
      %dma_start3A_115 = arith.constant 0 : i32
      %dma_start3A_116 = tpu.memref_slice %dma_start3A_114[%add3A_13, %dma_start3A_115] : memref<10000x128xf32, #tpu.memory_space<hbm>> -> memref<104x128xf32, #tpu.memory_space<hbm>>
      %dma_start3A_117 = arith.constant 0 : i32
      %dma_start3A_118 = arith.constant 0 : i32
      %dma_start3A_119 = tpu.memref_slice %arg20[%dma_start3A_117, %dma_start3A_118] : memref<104x128xf32, #tpu.memory_space<vmem>> -> memref<104x128xf32, #tpu.memory_space<vmem>>
      tpu.enqueue_dma source(%dma_start3A_119 : memref<104x128xf32, #tpu.memory_space<vmem>>) target(%dma_start3A_116 : memref<104x128xf32, #tpu.memory_space<hbm>>) target_semaphore(%run_scoped3A : memref<!tpu.dma_semaphore, #tpu.memory_space<semaphore_mem>>)
      %dma_wait3A_120 = arith.constant 0 : i32
      %dma_wait3A_121 = arith.constant 0 : i32
      %dma_wait3A_122 = tpu.memref_slice %arg20[%dma_wait3A_120, %dma_wait3A_121] : memref<104x128xf32, #tpu.memory_space<vmem>> -> memref<104x128xf32, #tpu.memory_space<vmem>>
      %dma_wait3A_123 = arith.constant 0 : i32
      %dma_wait3A_124 = arith.constant 0 : i32
      %dma_wait3A_125 = tpu.memref_slice %arg8[%arg0, %dma_wait3A_123, %dma_wait3A_124] : memref<2x10000x128xf32, #tpu.memory_space<hbm>> -> memref<1x10000x128xf32, #tpu.memory_space<hbm>>
      %dma_wait3A_126 = tpu.memref_squeeze %dma_wait3A_125 : memref<1x10000x128xf32, #tpu.memory_space<hbm>> -> memref<10000x128xf32, #tpu.memory_space<hbm>>
      %dma_wait3A_127 = arith.constant 0 : i32
      %dma_wait3A_128 = tpu.memref_slice %dma_wait3A_126[%add3A_13, %dma_wait3A_127] : memref<10000x128xf32, #tpu.memory_space<hbm>> -> memref<104x128xf32, #tpu.memory_space<hbm>>
      %dma_wait3A_129 = arith.constant 0 : i32
      %dma_wait3A_130 = arith.constant 0 : i32
      %dma_wait3A_131 = tpu.memref_slice %arg8[%arg0, %dma_wait3A_129, %dma_wait3A_130] : memref<2x10000x128xf32, #tpu.memory_space<hbm>> -> memref<1x10000x128xf32, #tpu.memory_space<hbm>>
      %dma_wait3A_132 = tpu.memref_squeeze %dma_wait3A_131 : memref<1x10000x128xf32, #tpu.memory_space<hbm>> -> memref<10000x128xf32, #tpu.memory_space<hbm>>
      %dma_wait3A_133 = arith.constant 0 : i32
      %dma_wait3A_134 = tpu.memref_slice %dma_wait3A_132[%add3A_13, %dma_wait3A_133] : memref<10000x128xf32, #tpu.memory_space<hbm>> -> memref<104x128xf32, #tpu.memory_space<hbm>>
      %dma_wait3A_135 = arith.constant 0 : i32
      %dma_wait3A_136 = arith.constant 0 : i32
      %dma_wait3A_137 = tpu.memref_slice %arg20[%dma_wait3A_135, %dma_wait3A_136] : memref<104x128xf32, #tpu.memory_space<vmem>> -> memref<104x128xf32, #tpu.memory_space<vmem>>
      tpu.wait_dma2 semaphore(%run_scoped3A : memref<!tpu.dma_semaphore, #tpu.memory_space<semaphore_mem>>) src(%dma_wait3A_137 : memref<104x128xf32, #tpu.memory_space<vmem>>) dst(%dma_wait3A_134 : memref<104x128xf32, #tpu.memory_space<hbm>>)
      tpu.yield
    }) : () -> ()
    %add3A_20 = arith.constant 208 : i32
    %add3A_21 = arith.addi %mul3A_4, %add3A_20 : i32
    "tpu.region"() ({
      %run_scoped3A = tpu.sem_alloc : memref<!tpu.dma_semaphore, #tpu.memory_space<semaphore_mem>>
      %dma_start3A_102 = arith.constant 0 : i32
      %dma_start3A_103 = arith.constant 0 : i32
      %dma_start3A_104 = tpu.memref_slice %arg19[%dma_start3A_102, %dma_start3A_103] : memref<104x128xf32, #tpu.memory_space<vmem>> -> memref<104x128xf32, #tpu.memory_space<vmem>>
      %dma_start3A_105 = arith.constant 0 : i32
      %dma_start3A_106 = tpu.memref_slice %arg2[%add3A_21, %dma_start3A_105] : memref<10000x128xf32, #tpu.memory_space<hbm>> -> memref<104x128xf32, #tpu.memory_space<hbm>>
      %dma_start3A_107 = arith.constant 0 : i32
      %dma_start3A_108 = arith.constant 0 : i32
      %dma_start3A_109 = tpu.memref_slice %arg19[%dma_start3A_107, %dma_start3A_108] : memref<104x128xf32, #tpu.memory_space<vmem>> -> memref<104x128xf32, #tpu.memory_space<vmem>>
      %dma_start3A_110 = arith.constant 0 : i32
      %dma_start3A_111 = tpu.memref_slice %arg2[%add3A_21, %dma_start3A_110] : memref<10000x128xf32, #tpu.memory_space<hbm>> -> memref<104x128xf32, #tpu.memory_space<hbm>>
      tpu.enqueue_dma source(%dma_start3A_111 : memref<104x128xf32, #tpu.memory_space<hbm>>) target(%dma_start3A_109 : memref<104x128xf32, #tpu.memory_space<vmem>>) target_semaphore(%run_scoped3A : memref<!tpu.dma_semaphore, #tpu.memory_space<semaphore_mem>>)
      %dma_wait3A_112 = arith.constant 0 : i32
      %dma_wait3A_113 = arith.constant 0 : i32
      %dma_wait3A_114 = tpu.memref_slice %arg19[%dma_wait3A_112, %dma_wait3A_113] : memref<104x128xf32, #tpu.memory_space<vmem>> -> memref<104x128xf32, #tpu.memory_space<vmem>>
      %dma_wait3A_115 = arith.constant 0 : i32
      %dma_wait3A_116 = tpu.memref_slice %arg2[%add3A_21, %dma_wait3A_115] : memref<10000x128xf32, #tpu.memory_space<hbm>> -> memref<104x128xf32, #tpu.memory_space<hbm>>
      %dma_wait3A_117 = arith.constant 0 : i32
      %dma_wait3A_118 = arith.constant 0 : i32
      %dma_wait3A_119 = tpu.memref_slice %arg19[%dma_wait3A_117, %dma_wait3A_118] : memref<104x128xf32, #tpu.memory_space<vmem>> -> memref<104x128xf32, #tpu.memory_space<vmem>>
      %dma_wait3A_120 = arith.constant 0 : i32
      %dma_wait3A_121 = tpu.memref_slice %arg2[%add3A_21, %dma_wait3A_120] : memref<10000x128xf32, #tpu.memory_space<hbm>> -> memref<104x128xf32, #tpu.memory_space<hbm>>
      tpu.wait_dma2 semaphore(%run_scoped3A : memref<!tpu.dma_semaphore, #tpu.memory_space<semaphore_mem>>) src(%dma_wait3A_121 : memref<104x128xf32, #tpu.memory_space<hbm>>) dst(%dma_wait3A_119 : memref<104x128xf32, #tpu.memory_space<vmem>>)
      tpu.yield
    }) : () -> ()
    %scan3A_22 = arith.constant 0 : i32
    %scan3A_23 = arith.constant 0 : i32
    %scan3A_24 = arith.constant 104 : i32
    %scan3A_25 = arith.addi %scan3A_23, %scan3A_24 : i32
    %scan3A_26 = arith.constant 1 : i32
    scf.for %scan3A_102 = %scan3A_23 to %scan3A_25 step %scan3A_26  : i32 {
      %get3A = arith.index_cast %scan3A_102 : i32 to index
      %get3A_103 = arith.constant 0 : index
      %get3A_104 = tpu.vector_load %arg19[%get3A, %get3A_103] {strides = array<i32>} : memref<104x128xf32, #tpu.memory_space<vmem>>, vector<16xf32>,
      %get3A_105 = arith.index_cast %scan3A_102 : i32 to index
      %get3A_106 = arith.constant 16 : index
      %get3A_107 = tpu.vector_load %arg19[%get3A_105, %get3A_106] {strides = array<i32>} : memref<104x128xf32, #tpu.memory_space<vmem>>, vector<16xf32>,
      %pack3A = tpu.pack_subelements %get3A_104, %get3A_107 {pack_format = #tpu.pack_format<interleaved>, positions = array<i32: 0, 1>} : vector<16xf32>, vector<16xf32> -> vector<32xbf16>
      %bitcast3A = vector.bitcast %pack3A : vector<32xbf16> to vector<16xf32>
      %swap3A = arith.index_cast %scan3A_102 : i32 to index
      %swap3A_108 = arith.constant 0 : index
      %swap3A_109 = tpu.vector_load %arg20[%swap3A, %swap3A_108] {strides = array<i32>} : memref<104x128xf32, #tpu.memory_space<vmem>>, vector<16xf32>,
      tpu.vector_store %arg20[%swap3A, %swap3A_108], %bitcast3A {strides = array<i32>} : memref<104x128xf32, #tpu.memory_space<vmem>>, vector<16xf32>,
      %get3A_110 = arith.index_cast %scan3A_102 : i32 to index
      %get3A_111 = arith.constant 32 : index
      %get3A_112 = tpu.vector_load %arg19[%get3A_110, %get3A_111] {strides = array<i32>} : memref<104x128xf32, #tpu.memory_space<vmem>>, vector<16xf32>,
      %get3A_113 = arith.index_cast %scan3A_102 : i32 to index
      %get3A_114 = arith.constant 48 : index
      %get3A_115 = tpu.vector_load %arg19[%get3A_113, %get3A_114] {strides = array<i32>} : memref<104x128xf32, #tpu.memory_space<vmem>>, vector<16xf32>,
      %pack3A_116 = tpu.pack_subelements %get3A_112, %get3A_115 {pack_format = #tpu.pack_format<interleaved>, positions = array<i32: 0, 1>} : vector<16xf32>, vector<16xf32> -> vector<32xbf16>
      %bitcast3A_117 = vector.bitcast %pack3A_116 : vector<32xbf16> to vector<16xf32>
      %swap3A_118 = arith.index_cast %scan3A_102 : i32 to index
      %swap3A_119 = arith.constant 16 : index
      %swap3A_120 = tpu.vector_load %arg20[%swap3A_118, %swap3A_119] {strides = array<i32>} : memref<104x128xf32, #tpu.memory_space<vmem>>, vector<16xf32>,
      tpu.vector_store %arg20[%swap3A_118, %swap3A_119], %bitcast3A_117 {strides = array<i32>} : memref<104x128xf32, #tpu.memory_space<vmem>>, vector<16xf32>,
      %get3A_121 = arith.index_cast %scan3A_102 : i32 to index
      %get3A_122 = arith.constant 64 : index
      %get3A_123 = tpu.vector_load %arg19[%get3A_121, %get3A_122] {strides = array<i32>} : memref<104x128xf32, #tpu.memory_space<vmem>>, vector<16xf32>,
      %get3A_124 = arith.index_cast %scan3A_102 : i32 to index
      %get3A_125 = arith.constant 80 : index
      %get3A_126 = tpu.vector_load %arg19[%get3A_124, %get3A_125] {strides = array<i32>} : memref<104x128xf32, #tpu.memory_space<vmem>>, vector<16xf32>,
      %pack3A_127 = tpu.pack_subelements %get3A_123, %get3A_126 {pack_format = #tpu.pack_format<interleaved>, positions = array<i32: 0, 1>} : vector<16xf32>, vector<16xf32> -> vector<32xbf16>
      %bitcast3A_128 = vector.bitcast %pack3A_127 : vector<32xbf16> to vector<16xf32>
      %swap3A_129 = arith.index_cast %scan3A_102 : i32 to index
      %swap3A_130 = arith.constant 32 : index
      %swap3A_131 = tpu.vector_load %arg20[%swap3A_129, %swap3A_130] {strides = array<i32>} : memref<104x128xf32, #tpu.memory_space<vmem>>, vector<16xf32>,
      tpu.vector_store %arg20[%swap3A_129, %swap3A_130], %bitcast3A_128 {strides = array<i32>} : memref<104x128xf32, #tpu.memory_space<vmem>>, vector<16xf32>,
      %get3A_132 = arith.index_cast %scan3A_102 : i32 to index
      %get3A_133 = arith.constant 96 : index
      %get3A_134 = tpu.vector_load %arg19[%get3A_132, %get3A_133] {strides = array<i32>} : memref<104x128xf32, #tpu.memory_space<vmem>>, vector<16xf32>,
      %get3A_135 = arith.index_cast %scan3A_102 : i32 to index
      %get3A_136 = arith.constant 112 : index
      %get3A_137 = tpu.vector_load %arg19[%get3A_135, %get3A_136] {strides = array<i32>} : memref<104x128xf32, #tpu.memory_space<vmem>>, vector<16xf32>,
      %pack3A_138 = tpu.pack_subelements %get3A_134, %get3A_137 {pack_format = #tpu.pack_format<interleaved>, positions = array<i32: 0, 1>} : vector<16xf32>, vector<16xf32> -> vector<32xbf16>
      %bitcast3A_139 = vector.bitcast %pack3A_138 : vector<32xbf16> to vector<16xf32>
      %swap3A_140 = arith.index_cast %scan3A_102 : i32 to index
      %swap3A_141 = arith.constant 48 : index
      %swap3A_142 = tpu.vector_load %arg20[%swap3A_140, %swap3A_141] {strides = array<i32>} : memref<104x128xf32, #tpu.memory_space<vmem>>, vector<16xf32>,
      tpu.vector_store %arg20[%swap3A_140, %swap3A_141], %bitcast3A_139 {strides = array<i32>} : memref<104x128xf32, #tpu.memory_space<vmem>>, vector<16xf32>,
    }
    %scan3A_27 = arith.constant 104 : i32
    "tpu.region"() ({
      %run_scoped3A = tpu.sem_alloc : memref<!tpu.dma_semaphore, #tpu.memory_space<semaphore_mem>>
      %dma_start3A_102 = arith.constant 0 : i32
      %dma_start3A_103 = arith.constant 0 : i32
      %dma_start3A_104 = tpu.memref_slice %arg20[%dma_start3A_102, %dma_start3A_103] : memref<104x128xf32, #tpu.memory_space<vmem>> -> memref<104x128xf32, #tpu.memory_space<vmem>>
      %dma_start3A_105 = arith.constant 0 : i32
      %dma_start3A_106 = arith.constant 0 : i32
      %dma_start3A_107 = tpu.memref_slice %arg8[%arg0, %dma_start3A_105, %dma_start3A_106] : memref<2x10000x128xf32, #tpu.memory_space<hbm>> -> memref<1x10000x128xf32, #tpu.memory_space<hbm>>
      %dma_start3A_108 = tpu.memref_squeeze %dma_start3A_107 : memref<1x10000x128xf32, #tpu.memory_space<hbm>> -> memref<10000x128xf32, #tpu.memory_space<hbm>>
      %dma_start3A_109 = arith.constant 0 : i32
      %dma_start3A_110 = tpu.memref_slice %dma_start3A_108[%add3A_21, %dma_start3A_109] : memref<10000x128xf32, #tpu.memory_space<hbm>> -> memref<104x128xf32, #tpu.memory_space<hbm>>
      %dma_start3A_111 = arith.constant 0 : i32
      %dma_start3A_112 = arith.constant 0 : i32
      %dma_start3A_113 = tpu.memref_slice %arg8[%arg0, %dma_start3A_111, %dma_start3A_112] : memref<2x10000x128xf32, #tpu.memory_space<hbm>> -> memref<1x10000x128xf32, #tpu.memory_space<hbm>>
      %dma_start3A_114 = tpu.memref_squeeze %dma_start3A_113 : memref<1x10000x128xf32, #tpu.memory_space<hbm>> -> memref<10000x128xf32, #tpu.memory_space<hbm>>
      %dma_start3A_115 = arith.constant 0 : i32
      %dma_start3A_116 = tpu.memref_slice %dma_start3A_114[%add3A_21, %dma_start3A_115] : memref<10000x128xf32, #tpu.memory_space<hbm>> -> memref<104x128xf32, #tpu.memory_space<hbm>>
      %dma_start3A_117 = arith.constant 0 : i32
      %dma_start3A_118 = arith.constant 0 : i32
      %dma_start3A_119 = tpu.memref_slice %arg20[%dma_start3A_117, %dma_start3A_118] : memref<104x128xf32, #tpu.memory_space<vmem>> -> memref<104x128xf32, #tpu.memory_space<vmem>>
      tpu.enqueue_dma source(%dma_start3A_119 : memref<104x128xf32, #tpu.memory_space<vmem>>) target(%dma_start3A_116 : memref<104x128xf32, #tpu.memory_space<hbm>>) target_semaphore(%run_scoped3A : memref<!tpu.dma_semaphore, #tpu.memory_space<semaphore_mem>>)
      %dma_wait3A_120 = arith.constant 0 : i32
      %dma_wait3A_121 = arith.constant 0 : i32
      %dma_wait3A_122 = tpu.memref_slice %arg20[%dma_wait3A_120, %dma_wait3A_121] : memref<104x128xf32, #tpu.memory_space<vmem>> -> memref<104x128xf32, #tpu.memory_space<vmem>>
      %dma_wait3A_123 = arith.constant 0 : i32
      %dma_wait3A_124 = arith.constant 0 : i32
      %dma_wait3A_125 = tpu.memref_slice %arg8[%arg0, %dma_wait3A_123, %dma_wait3A_124] : memref<2x10000x128xf32, #tpu.memory_space<hbm>> -> memref<1x10000x128xf32, #tpu.memory_space<hbm>>
      %dma_wait3A_126 = tpu.memref_squeeze %dma_wait3A_125 : memref<1x10000x128xf32, #tpu.memory_space<hbm>> -> memref<10000x128xf32, #tpu.memory_space<hbm>>
      %dma_wait3A_127 = arith.constant 0 : i32
      %dma_wait3A_128 = tpu.memref_slice %dma_wait3A_126[%add3A_21, %dma_wait3A_127] : memref<10000x128xf32, #tpu.memory_space<hbm>> -> memref<104x128xf32, #tpu.memory_space<hbm>>
      %dma_wait3A_129 = arith.constant 0 : i32
      %dma_wait3A_130 = arith.constant 0 : i32
      %dma_wait3A_131 = tpu.memref_slice %arg8[%arg0, %dma_wait3A_129, %dma_wait3A_130] : memref<2x10000x128xf32, #tpu.memory_space<hbm>> -> memref<1x10000x128xf32, #tpu.memory_space<hbm>>
      %dma_wait3A_132 = tpu.memref_squeeze %dma_wait3A_131 : memref<1x10000x128xf32, #tpu.memory_space<hbm>> -> memref<10000x128xf32, #tpu.memory_space<hbm>>
      %dma_wait3A_133 = arith.constant 0 : i32
      %dma_wait3A_134 = tpu.memref_slice %dma_wait3A_132[%add3A_21, %dma_wait3A_133] : memref<10000x128xf32, #tpu.memory_space<hbm>> -> memref<104x128xf32, #tpu.memory_space<hbm>>
      %dma_wait3A_135 = arith.constant 0 : i32
      %dma_wait3A_136 = arith.constant 0 : i32
      %dma_wait3A_137 = tpu.memref_slice %arg20[%dma_wait3A_135, %dma_wait3A_136] : memref<104x128xf32, #tpu.memory_space<vmem>> -> memref<104x128xf32, #tpu.memory_space<vmem>>
      tpu.wait_dma2 semaphore(%run_scoped3A : memref<!tpu.dma_semaphore, #tpu.memory_space<semaphore_mem>>) src(%dma_wait3A_137 : memref<104x128xf32, #tpu.memory_space<vmem>>) dst(%dma_wait3A_134 : memref<104x128xf32, #tpu.memory_space<hbm>>)
      tpu.yield
    }) : () -> ()
    %add3A_28 = arith.constant 312 : i32
    %add3A_29 = arith.addi %mul3A_4, %add3A_28 : i32
    "tpu.region"() ({
      %run_scoped3A = tpu.sem_alloc : memref<!tpu.dma_semaphore, #tpu.memory_space<semaphore_mem>>
      %dma_start3A_102 = arith.constant 0 : i32
      %dma_start3A_103 = arith.constant 0 : i32
      %dma_start3A_104 = tpu.memref_slice %arg19[%dma_start3A_102, %dma_start3A_103] : memref<104x128xf32, #tpu.memory_space<vmem>> -> memref<104x128xf32, #tpu.memory_space<vmem>>
      %dma_start3A_105 = arith.constant 0 : i32
      %dma_start3A_106 = tpu.memref_slice %arg2[%add3A_29, %dma_start3A_105] : memref<10000x128xf32, #tpu.memory_space<hbm>> -> memref<104x128xf32, #tpu.memory_space<hbm>>
      %dma_start3A_107 = arith.constant 0 : i32
      %dma_start3A_108 = arith.constant 0 : i32
      %dma_start3A_109 = tpu.memref_slice %arg19[%dma_start3A_107, %dma_start3A_108] : memref<104x128xf32, #tpu.memory_space<vmem>> -> memref<104x128xf32, #tpu.memory_space<vmem>>
      %dma_start3A_110 = arith.constant 0 : i32
      %dma_start3A_111 = tpu.memref_slice %arg2[%add3A_29, %dma_start3A_110] : memref<10000x128xf32, #tpu.memory_space<hbm>> -> memref<104x128xf32, #tpu.memory_space<hbm>>
      tpu.enqueue_dma source(%dma_start3A_111 : memref<104x128xf32, #tpu.memory_space<hbm>>) target(%dma_start3A_109 : memref<104x128xf32, #tpu.memory_space<vmem>>) target_semaphore(%run_scoped3A : memref<!tpu.dma_semaphore, #tpu.memory_space<semaphore_mem>>)
      %dma_wait3A_112 = arith.constant 0 : i32
      %dma_wait3A_113 = arith.constant 0 : i32
      %dma_wait3A_114 = tpu.memref_slice %arg19[%dma_wait3A_112, %dma_wait3A_113] : memref<104x128xf32, #tpu.memory_space<vmem>> -> memref<104x128xf32, #tpu.memory_space<vmem>>
      %dma_wait3A_115 = arith.constant 0 : i32
      %dma_wait3A_116 = tpu.memref_slice %arg2[%add3A_29, %dma_wait3A_115] : memref<10000x128xf32, #tpu.memory_space<hbm>> -> memref<104x128xf32, #tpu.memory_space<hbm>>
      %dma_wait3A_117 = arith.constant 0 : i32
      %dma_wait3A_118 = arith.constant 0 : i32
      %dma_wait3A_119 = tpu.memref_slice %arg19[%dma_wait3A_117, %dma_wait3A_118] : memref<104x128xf32, #tpu.memory_space<vmem>> -> memref<104x128xf32, #tpu.memory_space<vmem>>
      %dma_wait3A_120 = arith.constant 0 : i32
      %dma_wait3A_121 = tpu.memref_slice %arg2[%add3A_29, %dma_wait3A_120] : memref<10000x128xf32, #tpu.memory_space<hbm>> -> memref<104x128xf32, #tpu.memory_space<hbm>>
      tpu.wait_dma2 semaphore(%run_scoped3A : memref<!tpu.dma_semaphore, #tpu.memory_space<semaphore_mem>>) src(%dma_wait3A_121 : memref<104x128xf32, #tpu.memory_space<hbm>>) dst(%dma_wait3A_119 : memref<104x128xf32, #tpu.memory_space<vmem>>)
      tpu.yield
    }) : () -> ()
    %scan3A_30 = arith.constant 0 : i32
    %scan3A_31 = arith.constant 0 : i32
    %scan3A_32 = arith.constant 104 : i32
    %scan3A_33 = arith.addi %scan3A_31, %scan3A_32 : i32
    %scan3A_34 = arith.constant 1 : i32
    scf.for %scan3A_102 = %scan3A_31 to %scan3A_33 step %scan3A_34  : i32 {
      %get3A = arith.index_cast %scan3A_102 : i32 to index
      %get3A_103 = arith.constant 0 : index
      %get3A_104 = tpu.vector_load %arg19[%get3A, %get3A_103] {strides = array<i32>} : memref<104x128xf32, #tpu.memory_space<vmem>>, vector<16xf32>,
      %get3A_105 = arith.index_cast %scan3A_102 : i32 to index
      %get3A_106 = arith.constant 16 : index
      %get3A_107 = tpu.vector_load %arg19[%get3A_105, %get3A_106] {strides = array<i32>} : memref<104x128xf32, #tpu.memory_space<vmem>>, vector<16xf32>,
      %pack3A = tpu.pack_subelements %get3A_104, %get3A_107 {pack_format = #tpu.pack_format<interleaved>, positions = array<i32: 0, 1>} : vector<16xf32>, vector<16xf32> -> vector<32xbf16>
      %bitcast3A = vector.bitcast %pack3A : vector<32xbf16> to vector<16xf32>
      %swap3A = arith.index_cast %scan3A_102 : i32 to index
      %swap3A_108 = arith.constant 0 : index
      %swap3A_109 = tpu.vector_load %arg20[%swap3A, %swap3A_108] {strides = array<i32>} : memref<104x128xf32, #tpu.memory_space<vmem>>, vector<16xf32>,
      tpu.vector_store %arg20[%swap3A, %swap3A_108], %bitcast3A {strides = array<i32>} : memref<104x128xf32, #tpu.memory_space<vmem>>, vector<16xf32>,
      %get3A_110 = arith.index_cast %scan3A_102 : i32 to index
      %get3A_111 = arith.constant 32 : index
      %get3A_112 = tpu.vector_load %arg19[%get3A_110, %get3A_111] {strides = array<i32>} : memref<104x128xf32, #tpu.memory_space<vmem>>, vector<16xf32>,
      %get3A_113 = arith.index_cast %scan3A_102 : i32 to index
      %get3A_114 = arith.constant 48 : index
      %get3A_115 = tpu.vector_load %arg19[%get3A_113, %get3A_114] {strides = array<i32>} : memref<104x128xf32, #tpu.memory_space<vmem>>, vector<16xf32>,
      %pack3A_116 = tpu.pack_subelements %get3A_112, %get3A_115 {pack_format = #tpu.pack_format<interleaved>, positions = array<i32: 0, 1>} : vector<16xf32>, vector<16xf32> -> vector<32xbf16>
      %bitcast3A_117 = vector.bitcast %pack3A_116 : vector<32xbf16> to vector<16xf32>
      %swap3A_118 = arith.index_cast %scan3A_102 : i32 to index
      %swap3A_119 = arith.constant 16 : index
      %swap3A_120 = tpu.vector_load %arg20[%swap3A_118, %swap3A_119] {strides = array<i32>} : memref<104x128xf32, #tpu.memory_space<vmem>>, vector<16xf32>,
      tpu.vector_store %arg20[%swap3A_118, %swap3A_119], %bitcast3A_117 {strides = array<i32>} : memref<104x128xf32, #tpu.memory_space<vmem>>, vector<16xf32>,
      %get3A_121 = arith.index_cast %scan3A_102 : i32 to index
      %get3A_122 = arith.constant 64 : index
      %get3A_123 = tpu.vector_load %arg19[%get3A_121, %get3A_122] {strides = array<i32>} : memref<104x128xf32, #tpu.memory_space<vmem>>, vector<16xf32>,
      %get3A_124 = arith.index_cast %scan3A_102 : i32 to index
      %get3A_125 = arith.constant 80 : index
      %get3A_126 = tpu.vector_load %arg19[%get3A_124, %get3A_125] {strides = array<i32>} : memref<104x128xf32, #tpu.memory_space<vmem>>, vector<16xf32>,
      %pack3A_127 = tpu.pack_subelements %get3A_123, %get3A_126 {pack_format = #tpu.pack_format<interleaved>, positions = array<i32: 0, 1>} : vector<16xf32>, vector<16xf32> -> vector<32xbf16>
      %bitcast3A_128 = vector.bitcast %pack3A_127 : vector<32xbf16> to vector<16xf32>
      %swap3A_129 = arith.index_cast %scan3A_102 : i32 to index
      %swap3A_130 = arith.constant 32 : index
      %swap3A_131 = tpu.vector_load %arg20[%swap3A_129, %swap3A_130] {strides = array<i32>} : memref<104x128xf32, #tpu.memory_space<vmem>>, vector<16xf32>,
      tpu.vector_store %arg20[%swap3A_129, %swap3A_130], %bitcast3A_128 {strides = array<i32>} : memref<104x128xf32, #tpu.memory_space<vmem>>, vector<16xf32>,
      %get3A_132 = arith.index_cast %scan3A_102 : i32 to index
      %get3A_133 = arith.constant 96 : index
      %get3A_134 = tpu.vector_load %arg19[%get3A_132, %get3A_133] {strides = array<i32>} : memref<104x128xf32, #tpu.memory_space<vmem>>, vector<16xf32>,
      %get3A_135 = arith.index_cast %scan3A_102 : i32 to index
      %get3A_136 = arith.constant 112 : index
      %get3A_137 = tpu.vector_load %arg19[%get3A_135, %get3A_136] {strides = array<i32>} : memref<104x128xf32, #tpu.memory_space<vmem>>, vector<16xf32>,
      %pack3A_138 = tpu.pack_subelements %get3A_134, %get3A_137 {pack_format = #tpu.pack_format<interleaved>, positions = array<i32: 0, 1>} : vector<16xf32>, vector<16xf32> -> vector<32xbf16>
      %bitcast3A_139 = vector.bitcast %pack3A_138 : vector<32xbf16> to vector<16xf32>
      %swap3A_140 = arith.index_cast %scan3A_102 : i32 to index
      %swap3A_141 = arith.constant 48 : index
      %swap3A_142 = tpu.vector_load %arg20[%swap3A_140, %swap3A_141] {strides = array<i32>} : memref<104x128xf32, #tpu.memory_space<vmem>>, vector<16xf32>,
      tpu.vector_store %arg20[%swap3A_140, %swap3A_141], %bitcast3A_139 {strides = array<i32>} : memref<104x128xf32, #tpu.memory_space<vmem>>, vector<16xf32>,
    }
    %scan3A_35 = arith.constant 104 : i32
    "tpu.region"() ({
      %run_scoped3A = tpu.sem_alloc : memref<!tpu.dma_semaphore, #tpu.memory_space<semaphore_mem>>
      %dma_start3A_102 = arith.constant 0 : i32
      %dma_start3A_103 = arith.constant 0 : i32
      %dma_start3A_104 = tpu.memref_slice %arg20[%dma_start3A_102, %dma_start3A_103] : memref<104x128xf32, #tpu.memory_space<vmem>> -> memref<104x128xf32, #tpu.memory_space<vmem>>
      %dma_start3A_105 = arith.constant 0 : i32
      %dma_start3A_106 = arith.constant 0 : i32
      %dma_start3A_107 = tpu.memref_slice %arg8[%arg0, %dma_start3A_105, %dma_start3A_106] : memref<2x10000x128xf32, #tpu.memory_space<hbm>> -> memref<1x10000x128xf32, #tpu.memory_space<hbm>>
      %dma_start3A_108 = tpu.memref_squeeze %dma_start3A_107 : memref<1x10000x128xf32, #tpu.memory_space<hbm>> -> memref<10000x128xf32, #tpu.memory_space<hbm>>
      %dma_start3A_109 = arith.constant 0 : i32
      %dma_start3A_110 = tpu.memref_slice %dma_start3A_108[%add3A_29, %dma_start3A_109] : memref<10000x128xf32, #tpu.memory_space<hbm>> -> memref<104x128xf32, #tpu.memory_space<hbm>>
      %dma_start3A_111 = arith.constant 0 : i32
      %dma_start3A_112 = arith.constant 0 : i32
      %dma_start3A_113 = tpu.memref_slice %arg8[%arg0, %dma_start3A_111, %dma_start3A_112] : memref<2x10000x128xf32, #tpu.memory_space<hbm>> -> memref<1x10000x128xf32, #tpu.memory_space<hbm>>
      %dma_start3A_114 = tpu.memref_squeeze %dma_start3A_113 : memref<1x10000x128xf32, #tpu.memory_space<hbm>> -> memref<10000x128xf32, #tpu.memory_space<hbm>>
      %dma_start3A_115 = arith.constant 0 : i32
      %dma_start3A_116 = tpu.memref_slice %dma_start3A_114[%add3A_29, %dma_start3A_115] : memref<10000x128xf32, #tpu.memory_space<hbm>> -> memref<104x128xf32, #tpu.memory_space<hbm>>
      %dma_start3A_117 = arith.constant 0 : i32
      %dma_start3A_118 = arith.constant 0 : i32
      %dma_start3A_119 = tpu.memref_slice %arg20[%dma_start3A_117, %dma_start3A_118] : memref<104x128xf32, #tpu.memory_space<vmem>> -> memref<104x128xf32, #tpu.memory_space<vmem>>
      tpu.enqueue_dma source(%dma_start3A_119 : memref<104x128xf32, #tpu.memory_space<vmem>>) target(%dma_start3A_116 : memref<104x128xf32, #tpu.memory_space<hbm>>) target_semaphore(%run_scoped3A : memref<!tpu.dma_semaphore, #tpu.memory_space<semaphore_mem>>)
      %dma_wait3A_120 = arith.constant 0 : i32
      %dma_wait3A_121 = arith.constant 0 : i32
      %dma_wait3A_122 = tpu.memref_slice %arg20[%dma_wait3A_120, %dma_wait3A_121] : memref<104x128xf32, #tpu.memory_space<vmem>> -> memref<104x128xf32, #tpu.memory_space<vmem>>
      %dma_wait3A_123 = arith.constant 0 : i32
      %dma_wait3A_124 = arith.constant 0 : i32
      %dma_wait3A_125 = tpu.memref_slice %arg8[%arg0, %dma_wait3A_123, %dma_wait3A_124] : memref<2x10000x128xf32, #tpu.memory_space<hbm>> -> memref<1x10000x128xf32, #tpu.memory_space<hbm>>
      %dma_wait3A_126 = tpu.memref_squeeze %dma_wait3A_125 : memref<1x10000x128xf32, #tpu.memory_space<hbm>> -> memref<10000x128xf32, #tpu.memory_space<hbm>>
      %dma_wait3A_127 = arith.constant 0 : i32
      %dma_wait3A_128 = tpu.memref_slice %dma_wait3A_126[%add3A_29, %dma_wait3A_127] : memref<10000x128xf32, #tpu.memory_space<hbm>> -> memref<104x128xf32, #tpu.memory_space<hbm>>
      %dma_wait3A_129 = arith.constant 0 : i32
      %dma_wait3A_130 = arith.constant 0 : i32
      %dma_wait3A_131 = tpu.memref_slice %arg8[%arg0, %dma_wait3A_129, %dma_wait3A_130] : memref<2x10000x128xf32, #tpu.memory_space<hbm>> -> memref<1x10000x128xf32, #tpu.memory_space<hbm>>
      %dma_wait3A_132 = tpu.memref_squeeze %dma_wait3A_131 : memref<1x10000x128xf32, #tpu.memory_space<hbm>> -> memref<10000x128xf32, #tpu.memory_space<hbm>>
      %dma_wait3A_133 = arith.constant 0 : i32
      %dma_wait3A_134 = tpu.memref_slice %dma_wait3A_132[%add3A_29, %dma_wait3A_133] : memref<10000x128xf32, #tpu.memory_space<hbm>> -> memref<104x128xf32, #tpu.memory_space<hbm>>
      %dma_wait3A_135 = arith.constant 0 : i32
      %dma_wait3A_136 = arith.constant 0 : i32
      %dma_wait3A_137 = tpu.memref_slice %arg20[%dma_wait3A_135, %dma_wait3A_136] : memref<104x128xf32, #tpu.memory_space<vmem>> -> memref<104x128xf32, #tpu.memory_space<vmem>>
      tpu.wait_dma2 semaphore(%run_scoped3A : memref<!tpu.dma_semaphore, #tpu.memory_space<semaphore_mem>>) src(%dma_wait3A_137 : memref<104x128xf32, #tpu.memory_space<vmem>>) dst(%dma_wait3A_134 : memref<104x128xf32, #tpu.memory_space<hbm>>)
      tpu.yield
    }) : () -> ()
    %add3A_36 = arith.constant 416 : i32
    %add3A_37 = arith.addi %mul3A_4, %add3A_36 : i32
    "tpu.region"() ({
      %run_scoped3A = tpu.sem_alloc : memref<!tpu.dma_semaphore, #tpu.memory_space<semaphore_mem>>
      %dma_start3A_102 = arith.constant 0 : i32
      %dma_start3A_103 = arith.constant 0 : i32
      %dma_start3A_104 = tpu.memref_slice %arg19[%dma_start3A_102, %dma_start3A_103] : memref<104x128xf32, #tpu.memory_space<vmem>> -> memref<104x128xf32, #tpu.memory_space<vmem>>
      %dma_start3A_105 = arith.constant 0 : i32
      %dma_start3A_106 = tpu.memref_slice %arg2[%add3A_37, %dma_start3A_105] : memref<10000x128xf32, #tpu.memory_space<hbm>> -> memref<104x128xf32, #tpu.memory_space<hbm>>
      %dma_start3A_107 = arith.constant 0 : i32
      %dma_start3A_108 = arith.constant 0 : i32
      %dma_start3A_109 = tpu.memref_slice %arg19[%dma_start3A_107, %dma_start3A_108] : memref<104x128xf32, #tpu.memory_space<vmem>> -> memref<104x128xf32, #tpu.memory_space<vmem>>
      %dma_start3A_110 = arith.constant 0 : i32
      %dma_start3A_111 = tpu.memref_slice %arg2[%add3A_37, %dma_start3A_110] : memref<10000x128xf32, #tpu.memory_space<hbm>> -> memref<104x128xf32, #tpu.memory_space<hbm>>
      tpu.enqueue_dma source(%dma_start3A_111 : memref<104x128xf32, #tpu.memory_space<hbm>>) target(%dma_start3A_109 : memref<104x128xf32, #tpu.memory_space<vmem>>) target_semaphore(%run_scoped3A : memref<!tpu.dma_semaphore, #tpu.memory_space<semaphore_mem>>)
      %dma_wait3A_112 = arith.constant 0 : i32
      %dma_wait3A_113 = arith.constant 0 : i32
      %dma_wait3A_114 = tpu.memref_slice %arg19[%dma_wait3A_112, %dma_wait3A_113] : memref<104x128xf32, #tpu.memory_space<vmem>> -> memref<104x128xf32, #tpu.memory_space<vmem>>
      %dma_wait3A_115 = arith.constant 0 : i32
      %dma_wait3A_116 = tpu.memref_slice %arg2[%add3A_37, %dma_wait3A_115] : memref<10000x128xf32, #tpu.memory_space<hbm>> -> memref<104x128xf32, #tpu.memory_space<hbm>>
      %dma_wait3A_117 = arith.constant 0 : i32
      %dma_wait3A_118 = arith.constant 0 : i32
      %dma_wait3A_119 = tpu.memref_slice %arg19[%dma_wait3A_117, %dma_wait3A_118] : memref<104x128xf32, #tpu.memory_space<vmem>> -> memref<104x128xf32, #tpu.memory_space<vmem>>
      %dma_wait3A_120 = arith.constant 0 : i32
      %dma_wait3A_121 = tpu.memref_slice %arg2[%add3A_37, %dma_wait3A_120] : memref<10000x128xf32, #tpu.memory_space<hbm>> -> memref<104x128xf32, #tpu.memory_space<hbm>>
      tpu.wait_dma2 semaphore(%run_scoped3A : memref<!tpu.dma_semaphore, #tpu.memory_space<semaphore_mem>>) src(%dma_wait3A_121 : memref<104x128xf32, #tpu.memory_space<hbm>>) dst(%dma_wait3A_119 : memref<104x128xf32, #tpu.memory_space<vmem>>)
      tpu.yield
    }) : () -> ()
    %scan3A_38 = arith.constant 0 : i32
    %scan3A_39 = arith.constant 0 : i32
    %scan3A_40 = arith.constant 104 : i32
    %scan3A_41 = arith.addi %scan3A_39, %scan3A_40 : i32
    %scan3A_42 = arith.constant 1 : i32
    scf.for %scan3A_102 = %scan3A_39 to %scan3A_41 step %scan3A_42  : i32 {
      %get3A = arith.index_cast %scan3A_102 : i32 to index
      %get3A_103 = arith.constant 0 : index
      %get3A_104 = tpu.vector_load %arg19[%get3A, %get3A_103] {strides = array<i32>} : memref<104x128xf32, #tpu.memory_space<vmem>>, vector<16xf32>,
      %get3A_105 = arith.index_cast %scan3A_102 : i32 to index
      %get3A_106 = arith.constant 16 : index
      %get3A_107 = tpu.vector_load %arg19[%get3A_105, %get3A_106] {strides = array<i32>} : memref<104x128xf32, #tpu.memory_space<vmem>>, vector<16xf32>,
      %pack3A = tpu.pack_subelements %get3A_104, %get3A_107 {pack_format = #tpu.pack_format<interleaved>, positions = array<i32: 0, 1>} : vector<16xf32>, vector<16xf32> -> vector<32xbf16>
      %bitcast3A = vector.bitcast %pack3A : vector<32xbf16> to vector<16xf32>
      %swap3A = arith.index_cast %scan3A_102 : i32 to index
      %swap3A_108 = arith.constant 0 : index
      %swap3A_109 = tpu.vector_load %arg20[%swap3A, %swap3A_108] {strides = array<i32>} : memref<104x128xf32, #tpu.memory_space<vmem>>, vector<16xf32>,
      tpu.vector_store %arg20[%swap3A, %swap3A_108], %bitcast3A {strides = array<i32>} : memref<104x128xf32, #tpu.memory_space<vmem>>, vector<16xf32>,
      %get3A_110 = arith.index_cast %scan3A_102 : i32 to index
      %get3A_111 = arith.constant 32 : index
      %get3A_112 = tpu.vector_load %arg19[%get3A_110, %get3A_111] {strides = array<i32>} : memref<104x128xf32, #tpu.memory_space<vmem>>, vector<16xf32>,
      %get3A_113 = arith.index_cast %scan3A_102 : i32 to index
      %get3A_114 = arith.constant 48 : index
      %get3A_115 = tpu.vector_load %arg19[%get3A_113, %get3A_114] {strides = array<i32>} : memref<104x128xf32, #tpu.memory_space<vmem>>, vector<16xf32>,
      %pack3A_116 = tpu.pack_subelements %get3A_112, %get3A_115 {pack_format = #tpu.pack_format<interleaved>, positions = array<i32: 0, 1>} : vector<16xf32>, vector<16xf32> -> vector<32xbf16>
      %bitcast3A_117 = vector.bitcast %pack3A_116 : vector<32xbf16> to vector<16xf32>
      %swap3A_118 = arith.index_cast %scan3A_102 : i32 to index
      %swap3A_119 = arith.constant 16 : index
      %swap3A_120 = tpu.vector_load %arg20[%swap3A_118, %swap3A_119] {strides = array<i32>} : memref<104x128xf32, #tpu.memory_space<vmem>>, vector<16xf32>,
      tpu.vector_store %arg20[%swap3A_118, %swap3A_119], %bitcast3A_117 {strides = array<i32>} : memref<104x128xf32, #tpu.memory_space<vmem>>, vector<16xf32>,
      %get3A_121 = arith.index_cast %scan3A_102 : i32 to index
      %get3A_122 = arith.constant 64 : index
      %get3A_123 = tpu.vector_load %arg19[%get3A_121, %get3A_122] {strides = array<i32>} : memref<104x128xf32, #tpu.memory_space<vmem>>, vector<16xf32>,
      %get3A_124 = arith.index_cast %scan3A_102 : i32 to index
      %get3A_125 = arith.constant 80 : index
      %get3A_126 = tpu.vector_load %arg19[%get3A_124, %get3A_125] {strides = array<i32>} : memref<104x128xf32, #tpu.memory_space<vmem>>, vector<16xf32>,
      %pack3A_127 = tpu.pack_subelements %get3A_123, %get3A_126 {pack_format = #tpu.pack_format<interleaved>, positions = array<i32: 0, 1>} : vector<16xf32>, vector<16xf32> -> vector<32xbf16>
      %bitcast3A_128 = vector.bitcast %pack3A_127 : vector<32xbf16> to vector<16xf32>
      %swap3A_129 = arith.index_cast %scan3A_102 : i32 to index
      %swap3A_130 = arith.constant 32 : index
      %swap3A_131 = tpu.vector_load %arg20[%swap3A_129, %swap3A_130] {strides = array<i32>} : memref<104x128xf32, #tpu.memory_space<vmem>>, vector<16xf32>,
      tpu.vector_store %arg20[%swap3A_129, %swap3A_130], %bitcast3A_128 {strides = array<i32>} : memref<104x128xf32, #tpu.memory_space<vmem>>, vector<16xf32>,
      %get3A_132 = arith.index_cast %scan3A_102 : i32 to index
      %get3A_133 = arith.constant 96 : index
      %get3A_134 = tpu.vector_load %arg19[%get3A_132, %get3A_133] {strides = array<i32>} : memref<104x128xf32, #tpu.memory_space<vmem>>, vector<16xf32>,
      %get3A_135 = arith.index_cast %scan3A_102 : i32 to index
      %get3A_136 = arith.constant 112 : index
      %get3A_137 = tpu.vector_load %arg19[%get3A_135, %get3A_136] {strides = array<i32>} : memref<104x128xf32, #tpu.memory_space<vmem>>, vector<16xf32>,
      %pack3A_138 = tpu.pack_subelements %get3A_134, %get3A_137 {pack_format = #tpu.pack_format<interleaved>, positions = array<i32: 0, 1>} : vector<16xf32>, vector<16xf32> -> vector<32xbf16>
      %bitcast3A_139 = vector.bitcast %pack3A_138 : vector<32xbf16> to vector<16xf32>
      %swap3A_140 = arith.index_cast %scan3A_102 : i32 to index
      %swap3A_141 = arith.constant 48 : index
      %swap3A_142 = tpu.vector_load %arg20[%swap3A_140, %swap3A_141] {strides = array<i32>} : memref<104x128xf32, #tpu.memory_space<vmem>>, vector<16xf32>,
      tpu.vector_store %arg20[%swap3A_140, %swap3A_141], %bitcast3A_139 {strides = array<i32>} : memref<104x128xf32, #tpu.memory_space<vmem>>, vector<16xf32>,
    }
    %scan3A_43 = arith.constant 104 : i32
    "tpu.region"() ({
      %run_scoped3A = tpu.sem_alloc : memref<!tpu.dma_semaphore, #tpu.memory_space<semaphore_mem>>
      %dma_start3A_102 = arith.constant 0 : i32
      %dma_start3A_103 = arith.constant 0 : i32
      %dma_start3A_104 = tpu.memref_slice %arg20[%dma_start3A_102, %dma_start3A_103] : memref<104x128xf32, #tpu.memory_space<vmem>> -> memref<104x128xf32, #tpu.memory_space<vmem>>
      %dma_start3A_105 = arith.constant 0 : i32
      %dma_start3A_106 = arith.constant 0 : i32
      %dma_start3A_107 = tpu.memref_slice %arg8[%arg0, %dma_start3A_105, %dma_start3A_106] : memref<2x10000x128xf32, #tpu.memory_space<hbm>> -> memref<1x10000x128xf32, #tpu.memory_space<hbm>>
      %dma_start3A_108 = tpu.memref_squeeze %dma_start3A_107 : memref<1x10000x128xf32, #tpu.memory_space<hbm>> -> memref<10000x128xf32, #tpu.memory_space<hbm>>
      %dma_start3A_109 = arith.constant 0 : i32
      %dma_start3A_110 = tpu.memref_slice %dma_start3A_108[%add3A_37, %dma_start3A_109] : memref<10000x128xf32, #tpu.memory_space<hbm>> -> memref<104x128xf32, #tpu.memory_space<hbm>>
      %dma_start3A_111 = arith.constant 0 : i32
      %dma_start3A_112 = arith.constant 0 : i32
      %dma_start3A_113 = tpu.memref_slice %arg8[%arg0, %dma_start3A_111, %dma_start3A_112] : memref<2x10000x128xf32, #tpu.memory_space<hbm>> -> memref<1x10000x128xf32, #tpu.memory_space<hbm>>
      %dma_start3A_114 = tpu.memref_squeeze %dma_start3A_113 : memref<1x10000x128xf32, #tpu.memory_space<hbm>> -> memref<10000x128xf32, #tpu.memory_space<hbm>>
      %dma_start3A_115 = arith.constant 0 : i32
      %dma_start3A_116 = tpu.memref_slice %dma_start3A_114[%add3A_37, %dma_start3A_115] : memref<10000x128xf32, #tpu.memory_space<hbm>> -> memref<104x128xf32, #tpu.memory_space<hbm>>
      %dma_start3A_117 = arith.constant 0 : i32
      %dma_start3A_118 = arith.constant 0 : i32
      %dma_start3A_119 = tpu.memref_slice %arg20[%dma_start3A_117, %dma_start3A_118] : memref<104x128xf32, #tpu.memory_space<vmem>> -> memref<104x128xf32, #tpu.memory_space<vmem>>
      tpu.enqueue_dma source(%dma_start3A_119 : memref<104x128xf32, #tpu.memory_space<vmem>>) target(%dma_start3A_116 : memref<104x128xf32, #tpu.memory_space<hbm>>) target_semaphore(%run_scoped3A : memref<!tpu.dma_semaphore, #tpu.memory_space<semaphore_mem>>)
      %dma_wait3A_120 = arith.constant 0 : i32
      %dma_wait3A_121 = arith.constant 0 : i32
      %dma_wait3A_122 = tpu.memref_slice %arg20[%dma_wait3A_120, %dma_wait3A_121] : memref<104x128xf32, #tpu.memory_space<vmem>> -> memref<104x128xf32, #tpu.memory_space<vmem>>
      %dma_wait3A_123 = arith.constant 0 : i32
      %dma_wait3A_124 = arith.constant 0 : i32
      %dma_wait3A_125 = tpu.memref_slice %arg8[%arg0, %dma_wait3A_123, %dma_wait3A_124] : memref<2x10000x128xf32, #tpu.memory_space<hbm>> -> memref<1x10000x128xf32, #tpu.memory_space<hbm>>
      %dma_wait3A_126 = tpu.memref_squeeze %dma_wait3A_125 : memref<1x10000x128xf32, #tpu.memory_space<hbm>> -> memref<10000x128xf32, #tpu.memory_space<hbm>>
      %dma_wait3A_127 = arith.constant 0 : i32
      %dma_wait3A_128 = tpu.memref_slice %dma_wait3A_126[%add3A_37, %dma_wait3A_127] : memref<10000x128xf32, #tpu.memory_space<hbm>> -> memref<104x128xf32, #tpu.memory_space<hbm>>
      %dma_wait3A_129 = arith.constant 0 : i32
      %dma_wait3A_130 = arith.constant 0 : i32
      %dma_wait3A_131 = tpu.memref_slice %arg8[%arg0, %dma_wait3A_129, %dma_wait3A_130] : memref<2x10000x128xf32, #tpu.memory_space<hbm>> -> memref<1x10000x128xf32, #tpu.memory_space<hbm>>
      %dma_wait3A_132 = tpu.memref_squeeze %dma_wait3A_131 : memref<1x10000x128xf32, #tpu.memory_space<hbm>> -> memref<10000x128xf32, #tpu.memory_space<hbm>>
      %dma_wait3A_133 = arith.constant 0 : i32
      %dma_wait3A_134 = tpu.memref_slice %dma_wait3A_132[%add3A_37, %dma_wait3A_133] : memref<10000x128xf32, #tpu.memory_space<hbm>> -> memref<104x128xf32, #tpu.memory_space<hbm>>
      %dma_wait3A_135 = arith.constant 0 : i32
      %dma_wait3A_136 = arith.constant 0 : i32
      %dma_wait3A_137 = tpu.memref_slice %arg20[%dma_wait3A_135, %dma_wait3A_136] : memref<104x128xf32, #tpu.memory_space<vmem>> -> memref<104x128xf32, #tpu.memory_space<vmem>>
      tpu.wait_dma2 semaphore(%run_scoped3A : memref<!tpu.dma_semaphore, #tpu.memory_space<semaphore_mem>>) src(%dma_wait3A_137 : memref<104x128xf32, #tpu.memory_space<vmem>>) dst(%dma_wait3A_134 : memref<104x128xf32, #tpu.memory_space<hbm>>)
      tpu.yield
    }) : () -> ()
    %add3A_44 = arith.constant 520 : i32
    %add3A_45 = arith.addi %mul3A_4, %add3A_44 : i32
    "tpu.region"() ({
      %run_scoped3A = tpu.sem_alloc : memref<!tpu.dma_semaphore, #tpu.memory_space<semaphore_mem>>
      %dma_start3A_102 = arith.constant 0 : i32
      %dma_start3A_103 = arith.constant 0 : i32
      %dma_start3A_104 = tpu.memref_slice %arg19[%dma_start3A_102, %dma_start3A_103] : memref<104x128xf32, #tpu.memory_space<vmem>> -> memref<104x128xf32, #tpu.memory_space<vmem>>
      %dma_start3A_105 = arith.constant 0 : i32
      %dma_start3A_106 = tpu.memref_slice %arg2[%add3A_45, %dma_start3A_105] : memref<10000x128xf32, #tpu.memory_space<hbm>> -> memref<104x128xf32, #tpu.memory_space<hbm>>
      %dma_start3A_107 = arith.constant 0 : i32
      %dma_start3A_108 = arith.constant 0 : i32
      %dma_start3A_109 = tpu.memref_slice %arg19[%dma_start3A_107, %dma_start3A_108] : memref<104x128xf32, #tpu.memory_space<vmem>> -> memref<104x128xf32, #tpu.memory_space<vmem>>
      %dma_start3A_110 = arith.constant 0 : i32
      %dma_start3A_111 = tpu.memref_slice %arg2[%add3A_45, %dma_start3A_110] : memref<10000x128xf32, #tpu.memory_space<hbm>> -> memref<104x128xf32, #tpu.memory_space<hbm>>
      tpu.enqueue_dma source(%dma_start3A_111 : memref<104x128xf32, #tpu.memory_space<hbm>>) target(%dma_start3A_109 : memref<104x128xf32, #tpu.memory_space<vmem>>) target_semaphore(%run_scoped3A : memref<!tpu.dma_semaphore, #tpu.memory_space<semaphore_mem>>)
      %dma_wait3A_112 = arith.constant 0 : i32
      %dma_wait3A_113 = arith.constant 0 : i32
      %dma_wait3A_114 = tpu.memref_slice %arg19[%dma_wait3A_112, %dma_wait3A_113] : memref<104x128xf32, #tpu.memory_space<vmem>> -> memref<104x128xf32, #tpu.memory_space<vmem>>
      %dma_wait3A_115 = arith.constant 0 : i32
      %dma_wait3A_116 = tpu.memref_slice %arg2[%add3A_45, %dma_wait3A_115] : memref<10000x128xf32, #tpu.memory_space<hbm>> -> memref<104x128xf32, #tpu.memory_space<hbm>>
      %dma_wait3A_117 = arith.constant 0 : i32
      %dma_wait3A_118 = arith.constant 0 : i32
      %dma_wait3A_119 = tpu.memref_slice %arg19[%dma_wait3A_117, %dma_wait3A_118] : memref<104x128xf32, #tpu.memory_space<vmem>> -> memref<104x128xf32, #tpu.memory_space<vmem>>
      %dma_wait3A_120 = arith.constant 0 : i32
      %dma_wait3A_121 = tpu.memref_slice %arg2[%add3A_45, %dma_wait3A_120] : memref<10000x128xf32, #tpu.memory_space<hbm>> -> memref<104x128xf32, #tpu.memory_space<hbm>>
      tpu.wait_dma2 semaphore(%run_scoped3A : memref<!tpu.dma_semaphore, #tpu.memory_space<semaphore_mem>>) src(%dma_wait3A_121 : memref<104x128xf32, #tpu.memory_space<hbm>>) dst(%dma_wait3A_119 : memref<104x128xf32, #tpu.memory_space<vmem>>)
      tpu.yield
    }) : () -> ()
    %scan3A_46 = arith.constant 0 : i32
    %scan3A_47 = arith.constant 0 : i32
    %scan3A_48 = arith.constant 104 : i32
    %scan3A_49 = arith.addi %scan3A_47, %scan3A_48 : i32
    %scan3A_50 = arith.constant 1 : i32
    scf.for %scan3A_102 = %scan3A_47 to %scan3A_49 step %scan3A_50  : i32 {
      %get3A = arith.index_cast %scan3A_102 : i32 to index
      %get3A_103 = arith.constant 0 : index
      %get3A_104 = tpu.vector_load %arg19[%get3A, %get3A_103] {strides = array<i32>} : memref<104x128xf32, #tpu.memory_space<vmem>>, vector<16xf32>,
      %get3A_105 = arith.index_cast %scan3A_102 : i32 to index
      %get3A_106 = arith.constant 16 : index
      %get3A_107 = tpu.vector_load %arg19[%get3A_105, %get3A_106] {strides = array<i32>} : memref<104x128xf32, #tpu.memory_space<vmem>>, vector<16xf32>,
      %pack3A = tpu.pack_subelements %get3A_104, %get3A_107 {pack_format = #tpu.pack_format<interleaved>, positions = array<i32: 0, 1>} : vector<16xf32>, vector<16xf32> -> vector<32xbf16>
      %bitcast3A = vector.bitcast %pack3A : vector<32xbf16> to vector<16xf32>
      %swap3A = arith.index_cast %scan3A_102 : i32 to index
      %swap3A_108 = arith.constant 0 : index
      %swap3A_109 = tpu.vector_load %arg20[%swap3A, %swap3A_108] {strides = array<i32>} : memref<104x128xf32, #tpu.memory_space<vmem>>, vector<16xf32>,
      tpu.vector_store %arg20[%swap3A, %swap3A_108], %bitcast3A {strides = array<i32>} : memref<104x128xf32, #tpu.memory_space<vmem>>, vector<16xf32>,
      %get3A_110 = arith.index_cast %scan3A_102 : i32 to index
      %get3A_111 = arith.constant 32 : index
      %get3A_112 = tpu.vector_load %arg19[%get3A_110, %get3A_111] {strides = array<i32>} : memref<104x128xf32, #tpu.memory_space<vmem>>, vector<16xf32>,
      %get3A_113 = arith.index_cast %scan3A_102 : i32 to index
      %get3A_114 = arith.constant 48 : index
      %get3A_115 = tpu.vector_load %arg19[%get3A_113, %get3A_114] {strides = array<i32>} : memref<104x128xf32, #tpu.memory_space<vmem>>, vector<16xf32>,
      %pack3A_116 = tpu.pack_subelements %get3A_112, %get3A_115 {pack_format = #tpu.pack_format<interleaved>, positions = array<i32: 0, 1>} : vector<16xf32>, vector<16xf32> -> vector<32xbf16>
      %bitcast3A_117 = vector.bitcast %pack3A_116 : vector<32xbf16> to vector<16xf32>
      %swap3A_118 = arith.index_cast %scan3A_102 : i32 to index
      %swap3A_119 = arith.constant 16 : index
      %swap3A_120 = tpu.vector_load %arg20[%swap3A_118, %swap3A_119] {strides = array<i32>} : memref<104x128xf32, #tpu.memory_space<vmem>>, vector<16xf32>,
      tpu.vector_store %arg20[%swap3A_118, %swap3A_119], %bitcast3A_117 {strides = array<i32>} : memref<104x128xf32, #tpu.memory_space<vmem>>, vector<16xf32>,
      %get3A_121 = arith.index_cast %scan3A_102 : i32 to index
      %get3A_122 = arith.constant 64 : index
      %get3A_123 = tpu.vector_load %arg19[%get3A_121, %get3A_122] {strides = array<i32>} : memref<104x128xf32, #tpu.memory_space<vmem>>, vector<16xf32>,
      %get3A_124 = arith.index_cast %scan3A_102 : i32 to index
      %get3A_125 = arith.constant 80 : index
      %get3A_126 = tpu.vector_load %arg19[%get3A_124, %get3A_125] {strides = array<i32>} : memref<104x128xf32, #tpu.memory_space<vmem>>, vector<16xf32>,
      %pack3A_127 = tpu.pack_subelements %get3A_123, %get3A_126 {pack_format = #tpu.pack_format<interleaved>, positions = array<i32: 0, 1>} : vector<16xf32>, vector<16xf32> -> vector<32xbf16>
      %bitcast3A_128 = vector.bitcast %pack3A_127 : vector<32xbf16> to vector<16xf32>
      %swap3A_129 = arith.index_cast %scan3A_102 : i32 to index
      %swap3A_130 = arith.constant 32 : index
      %swap3A_131 = tpu.vector_load %arg20[%swap3A_129, %swap3A_130] {strides = array<i32>} : memref<104x128xf32, #tpu.memory_space<vmem>>, vector<16xf32>,
      tpu.vector_store %arg20[%swap3A_129, %swap3A_130], %bitcast3A_128 {strides = array<i32>} : memref<104x128xf32, #tpu.memory_space<vmem>>, vector<16xf32>,
      %get3A_132 = arith.index_cast %scan3A_102 : i32 to index
      %get3A_133 = arith.constant 96 : index
      %get3A_134 = tpu.vector_load %arg19[%get3A_132, %get3A_133] {strides = array<i32>} : memref<104x128xf32, #tpu.memory_space<vmem>>, vector<16xf32>,
      %get3A_135 = arith.index_cast %scan3A_102 : i32 to index
      %get3A_136 = arith.constant 112 : index
      %get3A_137 = tpu.vector_load %arg19[%get3A_135, %get3A_136] {strides = array<i32>} : memref<104x128xf32, #tpu.memory_space<vmem>>, vector<16xf32>,
      %pack3A_138 = tpu.pack_subelements %get3A_134, %get3A_137 {pack_format = #tpu.pack_format<interleaved>, positions = array<i32: 0, 1>} : vector<16xf32>, vector<16xf32> -> vector<32xbf16>
      %bitcast3A_139 = vector.bitcast %pack3A_138 : vector<32xbf16> to vector<16xf32>
      %swap3A_140 = arith.index_cast %scan3A_102 : i32 to index
      %swap3A_141 = arith.constant 48 : index
      %swap3A_142 = tpu.vector_load %arg20[%swap3A_140, %swap3A_141] {strides = array<i32>} : memref<104x128xf32, #tpu.memory_space<vmem>>, vector<16xf32>,
      tpu.vector_store %arg20[%swap3A_140, %swap3A_141], %bitcast3A_139 {strides = array<i32>} : memref<104x128xf32, #tpu.memory_space<vmem>>, vector<16xf32>,
    }
    %scan3A_51 = arith.constant 104 : i32
    "tpu.region"() ({
      %run_scoped3A = tpu.sem_alloc : memref<!tpu.dma_semaphore, #tpu.memory_space<semaphore_mem>>
      %dma_start3A_102 = arith.constant 0 : i32
      %dma_start3A_103 = arith.constant 0 : i32
      %dma_start3A_104 = tpu.memref_slice %arg20[%dma_start3A_102, %dma_start3A_103] : memref<104x128xf32, #tpu.memory_space<vmem>> -> memref<104x128xf32, #tpu.memory_space<vmem>>
      %dma_start3A_105 = arith.constant 0 : i32
      %dma_start3A_106 = arith.constant 0 : i32
      %dma_start3A_107 = tpu.memref_slice %arg8[%arg0, %dma_start3A_105, %dma_start3A_106] : memref<2x10000x128xf32, #tpu.memory_space<hbm>> -> memref<1x10000x128xf32, #tpu.memory_space<hbm>>
      %dma_start3A_108 = tpu.memref_squeeze %dma_start3A_107 : memref<1x10000x128xf32, #tpu.memory_space<hbm>> -> memref<10000x128xf32, #tpu.memory_space<hbm>>
      %dma_start3A_109 = arith.constant 0 : i32
      %dma_start3A_110 = tpu.memref_slice %dma_start3A_108[%add3A_45, %dma_start3A_109] : memref<10000x128xf32, #tpu.memory_space<hbm>> -> memref<104x128xf32, #tpu.memory_space<hbm>>
      %dma_start3A_111 = arith.constant 0 : i32
      %dma_start3A_112 = arith.constant 0 : i32
      %dma_start3A_113 = tpu.memref_slice %arg8[%arg0, %dma_start3A_111, %dma_start3A_112] : memref<2x10000x128xf32, #tpu.memory_space<hbm>> -> memref<1x10000x128xf32, #tpu.memory_space<hbm>>
      %dma_start3A_114 = tpu.memref_squeeze %dma_start3A_113 : memref<1x10000x128xf32, #tpu.memory_space<hbm>> -> memref<10000x128xf32, #tpu.memory_space<hbm>>
      %dma_start3A_115 = arith.constant 0 : i32
      %dma_start3A_116 = tpu.memref_slice %dma_start3A_114[%add3A_45, %dma_start3A_115] : memref<10000x128xf32, #tpu.memory_space<hbm>> -> memref<104x128xf32, #tpu.memory_space<hbm>>
      %dma_start3A_117 = arith.constant 0 : i32
      %dma_start3A_118 = arith.constant 0 : i32
      %dma_start3A_119 = tpu.memref_slice %arg20[%dma_start3A_117, %dma_start3A_118] : memref<104x128xf32, #tpu.memory_space<vmem>> -> memref<104x128xf32, #tpu.memory_space<vmem>>
      tpu.enqueue_dma source(%dma_start3A_119 : memref<104x128xf32, #tpu.memory_space<vmem>>) target(%dma_start3A_116 : memref<104x128xf32, #tpu.memory_space<hbm>>) target_semaphore(%run_scoped3A : memref<!tpu.dma_semaphore, #tpu.memory_space<semaphore_mem>>)
      %dma_wait3A_120 = arith.constant 0 : i32
      %dma_wait3A_121 = arith.constant 0 : i32
      %dma_wait3A_122 = tpu.memref_slice %arg20[%dma_wait3A_120, %dma_wait3A_121] : memref<104x128xf32, #tpu.memory_space<vmem>> -> memref<104x128xf32, #tpu.memory_space<vmem>>
      %dma_wait3A_123 = arith.constant 0 : i32
      %dma_wait3A_124 = arith.constant 0 : i32
      %dma_wait3A_125 = tpu.memref_slice %arg8[%arg0, %dma_wait3A_123, %dma_wait3A_124] : memref<2x10000x128xf32, #tpu.memory_space<hbm>> -> memref<1x10000x128xf32, #tpu.memory_space<hbm>>
      %dma_wait3A_126 = tpu.memref_squeeze %dma_wait3A_125 : memref<1x10000x128xf32, #tpu.memory_space<hbm>> -> memref<10000x128xf32, #tpu.memory_space<hbm>>
      %dma_wait3A_127 = arith.constant 0 : i32
      %dma_wait3A_128 = tpu.memref_slice %dma_wait3A_126[%add3A_45, %dma_wait3A_127] : memref<10000x128xf32, #tpu.memory_space<hbm>> -> memref<104x128xf32, #tpu.memory_space<hbm>>
      %dma_wait3A_129 = arith.constant 0 : i32
      %dma_wait3A_130 = arith.constant 0 : i32
      %dma_wait3A_131 = tpu.memref_slice %arg8[%arg0, %dma_wait3A_129, %dma_wait3A_130] : memref<2x10000x128xf32, #tpu.memory_space<hbm>> -> memref<1x10000x128xf32, #tpu.memory_space<hbm>>
      %dma_wait3A_132 = tpu.memref_squeeze %dma_wait3A_131 : memref<1x10000x128xf32, #tpu.memory_space<hbm>> -> memref<10000x128xf32, #tpu.memory_space<hbm>>
      %dma_wait3A_133 = arith.constant 0 : i32
      %dma_wait3A_134 = tpu.memref_slice %dma_wait3A_132[%add3A_45, %dma_wait3A_133] : memref<10000x128xf32, #tpu.memory_space<hbm>> -> memref<104x128xf32, #tpu.memory_space<hbm>>
      %dma_wait3A_135 = arith.constant 0 : i32
      %dma_wait3A_136 = arith.constant 0 : i32
      %dma_wait3A_137 = tpu.memref_slice %arg20[%dma_wait3A_135, %dma_wait3A_136] : memref<104x128xf32, #tpu.memory_space<vmem>> -> memref<104x128xf32, #tpu.memory_space<vmem>>
      tpu.wait_dma2 semaphore(%run_scoped3A : memref<!tpu.dma_semaphore, #tpu.memory_space<semaphore_mem>>) src(%dma_wait3A_137 : memref<104x128xf32, #tpu.memory_space<vmem>>) dst(%dma_wait3A_134 : memref<104x128xf32, #tpu.memory_space<hbm>>)
      tpu.yield
    }) : () -> ()
    %eq3A = arith.constant 0 : i32
    %eq3A_52 = arith.cmpi eq, %arg1, %eq3A : i32
    %convert_element_type3A = arith.extui %eq3A_52 : i1 to i32
    %cond3A = arith.constant 0 : i32
    %cond3A_53 = arith.cmpi ne, %convert_element_type3A, %cond3A : i32
    scf.if %cond3A_53 {
      "tpu.region"() ({
        %run_scoped3A = tpu.sem_alloc : memref<!tpu.dma_semaphore, #tpu.memory_space<semaphore_mem>>
        %dma_start3A_108 = arith.constant 0 : i32
        %dma_start3A_109 = arith.constant 0 : i32
        %dma_start3A_110 = tpu.memref_slice %arg19[%dma_start3A_108, %dma_start3A_109] : memref<104x128xf32, #tpu.memory_space<vmem>> -> memref<16x128xf32, #tpu.memory_space<vmem>>
        %dma_start3A_111 = arith.constant 9984 : i32
        %dma_start3A_112 = arith.constant 0 : i32
        %dma_start3A_113 = tpu.memref_slice %arg2[%dma_start3A_111, %dma_start3A_112] : memref<10000x128xf32, #tpu.memory_space<hbm>> -> memref<16x128xf32, #tpu.memory_space<hbm>>
        %dma_start3A_114 = arith.constant 0 : i32
        %dma_start3A_115 = arith.constant 0 : i32
        %dma_start3A_116 = tpu.memref_slice %arg19[%dma_start3A_114, %dma_start3A_115] : memref<104x128xf32, #tpu.memory_space<vmem>> -> memref<16x128xf32, #tpu.memory_space<vmem>>
        %dma_start3A_117 = arith.constant 9984 : i32
        %dma_start3A_118 = arith.constant 0 : i32
        %dma_start3A_119 = tpu.memref_slice %arg2[%dma_start3A_117, %dma_start3A_118] : memref<10000x128xf32, #tpu.memory_space<hbm>> -> memref<16x128xf32, #tpu.memory_space<hbm>>
        tpu.enqueue_dma source(%dma_start3A_119 : memref<16x128xf32, #tpu.memory_space<hbm>>) target(%dma_start3A_116 : memref<16x128xf32, #tpu.memory_space<vmem>>) target_semaphore(%run_scoped3A : memref<!tpu.dma_semaphore, #tpu.memory_space<semaphore_mem>>)
        %dma_wait3A_120 = arith.constant 0 : i32
        %dma_wait3A_121 = arith.constant 0 : i32
        %dma_wait3A_122 = tpu.memref_slice %arg19[%dma_wait3A_120, %dma_wait3A_121] : memref<104x128xf32, #tpu.memory_space<vmem>> -> memref<16x128xf32, #tpu.memory_space<vmem>>
        %dma_wait3A_123 = arith.constant 9984 : i32
        %dma_wait3A_124 = arith.constant 0 : i32
        %dma_wait3A_125 = tpu.memref_slice %arg2[%dma_wait3A_123, %dma_wait3A_124] : memref<10000x128xf32, #tpu.memory_space<hbm>> -> memref<16x128xf32, #tpu.memory_space<hbm>>
        %dma_wait3A_126 = arith.constant 0 : i32
        %dma_wait3A_127 = arith.constant 0 : i32
        %dma_wait3A_128 = tpu.memref_slice %arg19[%dma_wait3A_126, %dma_wait3A_127] : memref<104x128xf32, #tpu.memory_space<vmem>> -> memref<16x128xf32, #tpu.memory_space<vmem>>
        %dma_wait3A_129 = arith.constant 9984 : i32
        %dma_wait3A_130 = arith.constant 0 : i32
        %dma_wait3A_131 = tpu.memref_slice %arg2[%dma_wait3A_129, %dma_wait3A_130] : memref<10000x128xf32, #tpu.memory_space<hbm>> -> memref<16x128xf32, #tpu.memory_space<hbm>>
        tpu.wait_dma2 semaphore(%run_scoped3A : memref<!tpu.dma_semaphore, #tpu.memory_space<semaphore_mem>>) src(%dma_wait3A_131 : memref<16x128xf32, #tpu.memory_space<hbm>>) dst(%dma_wait3A_128 : memref<16x128xf32, #tpu.memory_space<vmem>>)
        tpu.yield
      }) : () -> ()
      %scan3A_102 = arith.constant 0 : i32
      %scan3A_103 = arith.constant 0 : i32
      %scan3A_104 = arith.constant 16 : i32
      %scan3A_105 = arith.addi %scan3A_103, %scan3A_104 : i32
      %scan3A_106 = arith.constant 1 : i32
      scf.for %scan3A_108 = %scan3A_103 to %scan3A_105 step %scan3A_106  : i32 {
        %get3A = arith.index_cast %scan3A_108 : i32 to index
        %get3A_109 = arith.constant 0 : index
        %get3A_110 = tpu.vector_load %arg19[%get3A, %get3A_109] {strides = array<i32>} : memref<104x128xf32, #tpu.memory_space<vmem>>, vector<16xf32>,
        %get3A_111 = arith.index_cast %scan3A_108 : i32 to index
        %get3A_112 = arith.constant 16 : index
        %get3A_113 = tpu.vector_load %arg19[%get3A_111, %get3A_112] {strides = array<i32>} : memref<104x128xf32, #tpu.memory_space<vmem>>, vector<16xf32>,
        %pack3A = tpu.pack_subelements %get3A_110, %get3A_113 {pack_format = #tpu.pack_format<interleaved>, positions = array<i32: 0, 1>} : vector<16xf32>, vector<16xf32> -> vector<32xbf16>
        %bitcast3A = vector.bitcast %pack3A : vector<32xbf16> to vector<16xf32>
        %swap3A = arith.index_cast %scan3A_108 : i32 to index
        %swap3A_114 = arith.constant 0 : index
        %swap3A_115 = tpu.vector_load %arg20[%swap3A, %swap3A_114] {strides = array<i32>} : memref<104x128xf32, #tpu.memory_space<vmem>>, vector<16xf32>,
        tpu.vector_store %arg20[%swap3A, %swap3A_114], %bitcast3A {strides = array<i32>} : memref<104x128xf32, #tpu.memory_space<vmem>>, vector<16xf32>,
        %get3A_116 = arith.index_cast %scan3A_108 : i32 to index
        %get3A_117 = arith.constant 32 : index
        %get3A_118 = tpu.vector_load %arg19[%get3A_116, %get3A_117] {strides = array<i32>} : memref<104x128xf32, #tpu.memory_space<vmem>>, vector<16xf32>,
        %get3A_119 = arith.index_cast %scan3A_108 : i32 to index
        %get3A_120 = arith.constant 48 : index
        %get3A_121 = tpu.vector_load %arg19[%get3A_119, %get3A_120] {strides = array<i32>} : memref<104x128xf32, #tpu.memory_space<vmem>>, vector<16xf32>,
        %pack3A_122 = tpu.pack_subelements %get3A_118, %get3A_121 {pack_format = #tpu.pack_format<interleaved>, positions = array<i32: 0, 1>} : vector<16xf32>, vector<16xf32> -> vector<32xbf16>
        %bitcast3A_123 = vector.bitcast %pack3A_122 : vector<32xbf16> to vector<16xf32>
        %swap3A_124 = arith.index_cast %scan3A_108 : i32 to index
        %swap3A_125 = arith.constant 16 : index
        %swap3A_126 = tpu.vector_load %arg20[%swap3A_124, %swap3A_125] {strides = array<i32>} : memref<104x128xf32, #tpu.memory_space<vmem>>, vector<16xf32>,
        tpu.vector_store %arg20[%swap3A_124, %swap3A_125], %bitcast3A_123 {strides = array<i32>} : memref<104x128xf32, #tpu.memory_space<vmem>>, vector<16xf32>,
        %get3A_127 = arith.index_cast %scan3A_108 : i32 to index
        %get3A_128 = arith.constant 64 : index
        %get3A_129 = tpu.vector_load %arg19[%get3A_127, %get3A_128] {strides = array<i32>} : memref<104x128xf32, #tpu.memory_space<vmem>>, vector<16xf32>,
        %get3A_130 = arith.index_cast %scan3A_108 : i32 to index
        %get3A_131 = arith.constant 80 : index
        %get3A_132 = tpu.vector_load %arg19[%get3A_130, %get3A_131] {strides = array<i32>} : memref<104x128xf32, #tpu.memory_space<vmem>>, vector<16xf32>,
        %pack3A_133 = tpu.pack_subelements %get3A_129, %get3A_132 {pack_format = #tpu.pack_format<interleaved>, positions = array<i32: 0, 1>} : vector<16xf32>, vector<16xf32> -> vector<32xbf16>
        %bitcast3A_134 = vector.bitcast %pack3A_133 : vector<32xbf16> to vector<16xf32>
        %swap3A_135 = arith.index_cast %scan3A_108 : i32 to index
        %swap3A_136 = arith.constant 32 : index
        %swap3A_137 = tpu.vector_load %arg20[%swap3A_135, %swap3A_136] {strides = array<i32>} : memref<104x128xf32, #tpu.memory_space<vmem>>, vector<16xf32>,
        tpu.vector_store %arg20[%swap3A_135, %swap3A_136], %bitcast3A_134 {strides = array<i32>} : memref<104x128xf32, #tpu.memory_space<vmem>>, vector<16xf32>,
        %get3A_138 = arith.index_cast %scan3A_108 : i32 to index
        %get3A_139 = arith.constant 96 : index
        %get3A_140 = tpu.vector_load %arg19[%get3A_138, %get3A_139] {strides = array<i32>} : memref<104x128xf32, #tpu.memory_space<vmem>>, vector<16xf32>,
        %get3A_141 = arith.index_cast %scan3A_108 : i32 to index
        %get3A_142 = arith.constant 112 : index
        %get3A_143 = tpu.vector_load %arg19[%get3A_141, %get3A_142] {strides = array<i32>} : memref<104x128xf32, #tpu.memory_space<vmem>>, vector<16xf32>,
        %pack3A_144 = tpu.pack_subelements %get3A_140, %get3A_143 {pack_format = #tpu.pack_format<interleaved>, positions = array<i32: 0, 1>} : vector<16xf32>, vector<16xf32> -> vector<32xbf16>
        %bitcast3A_145 = vector.bitcast %pack3A_144 : vector<32xbf16> to vector<16xf32>
        %swap3A_146 = arith.index_cast %scan3A_108 : i32 to index
        %swap3A_147 = arith.constant 48 : index
        %swap3A_148 = tpu.vector_load %arg20[%swap3A_146, %swap3A_147] {strides = array<i32>} : memref<104x128xf32, #tpu.memory_space<vmem>>, vector<16xf32>,
        tpu.vector_store %arg20[%swap3A_146, %swap3A_147], %bitcast3A_145 {strides = array<i32>} : memref<104x128xf32, #tpu.memory_space<vmem>>, vector<16xf32>,
      }
      %scan3A_107 = arith.constant 16 : i32
      "tpu.region"() ({
        %run_scoped3A = tpu.sem_alloc : memref<!tpu.dma_semaphore, #tpu.memory_space<semaphore_mem>>
        %dma_start3A_108 = arith.constant 0 : i32
        %dma_start3A_109 = arith.constant 0 : i32
        %dma_start3A_110 = tpu.memref_slice %arg20[%dma_start3A_108, %dma_start3A_109] : memref<104x128xf32, #tpu.memory_space<vmem>> -> memref<16x128xf32, #tpu.memory_space<vmem>>
        %dma_start3A_111 = arith.constant 0 : i32
        %dma_start3A_112 = arith.constant 0 : i32
        %dma_start3A_113 = tpu.memref_slice %arg8[%arg0, %dma_start3A_111, %dma_start3A_112] : memref<2x10000x128xf32, #tpu.memory_space<hbm>> -> memref<1x10000x128xf32, #tpu.memory_space<hbm>>
        %dma_start3A_114 = tpu.memref_squeeze %dma_start3A_113 : memref<1x10000x128xf32, #tpu.memory_space<hbm>> -> memref<10000x128xf32, #tpu.memory_space<hbm>>
        %dma_start3A_115 = arith.constant 9984 : i32
        %dma_start3A_116 = arith.constant 0 : i32
        %dma_start3A_117 = tpu.memref_slice %dma_start3A_114[%dma_start3A_115, %dma_start3A_116] : memref<10000x128xf32, #tpu.memory_space<hbm>> -> memref<16x128xf32, #tpu.memory_space<hbm>>
        %dma_start3A_118 = arith.constant 0 : i32
        %dma_start3A_119 = arith.constant 0 : i32
        %dma_start3A_120 = tpu.memref_slice %arg8[%arg0, %dma_start3A_118, %dma_start3A_119] : memref<2x10000x128xf32, #tpu.memory_space<hbm>> -> memref<1x10000x128xf32, #tpu.memory_space<hbm>>
        %dma_start3A_121 = tpu.memref_squeeze %dma_start3A_120 : memref<1x10000x128xf32, #tpu.memory_space<hbm>> -> memref<10000x128xf32, #tpu.memory_space<hbm>>
        %dma_start3A_122 = arith.constant 9984 : i32
        %dma_start3A_123 = arith.constant 0 : i32
        %dma_start3A_124 = tpu.memref_slice %dma_start3A_121[%dma_start3A_122, %dma_start3A_123] : memref<10000x128xf32, #tpu.memory_space<hbm>> -> memref<16x128xf32, #tpu.memory_space<hbm>>
        %dma_start3A_125 = arith.constant 0 : i32
        %dma_start3A_126 = arith.constant 0 : i32
        %dma_start3A_127 = tpu.memref_slice %arg20[%dma_start3A_125, %dma_start3A_126] : memref<104x128xf32, #tpu.memory_space<vmem>> -> memref<16x128xf32, #tpu.memory_space<vmem>>
        tpu.enqueue_dma source(%dma_start3A_127 : memref<16x128xf32, #tpu.memory_space<vmem>>) target(%dma_start3A_124 : memref<16x128xf32, #tpu.memory_space<hbm>>) target_semaphore(%run_scoped3A : memref<!tpu.dma_semaphore, #tpu.memory_space<semaphore_mem>>)
        %dma_wait3A_128 = arith.constant 0 : i32
        %dma_wait3A_129 = arith.constant 0 : i32
        %dma_wait3A_130 = tpu.memref_slice %arg20[%dma_wait3A_128, %dma_wait3A_129] : memref<104x128xf32, #tpu.memory_space<vmem>> -> memref<16x128xf32, #tpu.memory_space<vmem>>
        %dma_wait3A_131 = arith.constant 0 : i32
        %dma_wait3A_132 = arith.constant 0 : i32
        %dma_wait3A_133 = tpu.memref_slice %arg8[%arg0, %dma_wait3A_131, %dma_wait3A_132] : memref<2x10000x128xf32, #tpu.memory_space<hbm>> -> memref<1x10000x128xf32, #tpu.memory_space<hbm>>
        %dma_wait3A_134 = tpu.memref_squeeze %dma_wait3A_133 : memref<1x10000x128xf32, #tpu.memory_space<hbm>> -> memref<10000x128xf32, #tpu.memory_space<hbm>>
        %dma_wait3A_135 = arith.constant 9984 : i32
        %dma_wait3A_136 = arith.constant 0 : i32
        %dma_wait3A_137 = tpu.memref_slice %dma_wait3A_134[%dma_wait3A_135, %dma_wait3A_136] : memref<10000x128xf32, #tpu.memory_space<hbm>> -> memref<16x128xf32, #tpu.memory_space<hbm>>
        %dma_wait3A_138 = arith.constant 0 : i32
        %dma_wait3A_139 = arith.constant 0 : i32
        %dma_wait3A_140 = tpu.memref_slice %arg8[%arg0, %dma_wait3A_138, %dma_wait3A_139] : memref<2x10000x128xf32, #tpu.memory_space<hbm>> -> memref<1x10000x128xf32, #tpu.memory_space<hbm>>
        %dma_wait3A_141 = tpu.memref_squeeze %dma_wait3A_140 : memref<1x10000x128xf32, #tpu.memory_space<hbm>> -> memref<10000x128xf32, #tpu.memory_space<hbm>>
        %dma_wait3A_142 = arith.constant 9984 : i32
        %dma_wait3A_143 = arith.constant 0 : i32
        %dma_wait3A_144 = tpu.memref_slice %dma_wait3A_141[%dma_wait3A_142, %dma_wait3A_143] : memref<10000x128xf32, #tpu.memory_space<hbm>> -> memref<16x128xf32, #tpu.memory_space<hbm>>
        %dma_wait3A_145 = arith.constant 0 : i32
        %dma_wait3A_146 = arith.constant 0 : i32
        %dma_wait3A_147 = tpu.memref_slice %arg20[%dma_wait3A_145, %dma_wait3A_146] : memref<104x128xf32, #tpu.memory_space<vmem>> -> memref<16x128xf32, #tpu.memory_space<vmem>>
        tpu.wait_dma2 semaphore(%run_scoped3A : memref<!tpu.dma_semaphore, #tpu.memory_space<semaphore_mem>>) src(%dma_wait3A_147 : memref<16x128xf32, #tpu.memory_space<vmem>>) dst(%dma_wait3A_144 : memref<16x128xf32, #tpu.memory_space<hbm>>)
        tpu.yield
      }) : () -> ()
    } else {
    }
    "tpu.region"() ({
      %run_scoped3A = tpu.sem_alloc : memref<!tpu.dma_semaphore, #tpu.memory_space<semaphore_mem>>
      %dma_start3A_102 = arith.constant 0 : i32
      %dma_start3A_103 = arith.constant 0 : i32
      %dma_start3A_104 = tpu.memref_slice %arg19[%dma_start3A_102, %dma_start3A_103] : memref<104x128xf32, #tpu.memory_space<vmem>> -> memref<104x128xf32, #tpu.memory_space<vmem>>
      %dma_start3A_105 = arith.constant 0 : i32
      %dma_start3A_106 = arith.constant 0 : i32
      %dma_start3A_107 = tpu.memref_slice %arg3[%dma_start3A_105, %dma_start3A_106] : memref<237x128xf32, #tpu.memory_space<hbm>> -> memref<104x128xf32, #tpu.memory_space<hbm>>
      %dma_start3A_108 = arith.constant 0 : i32
      %dma_start3A_109 = arith.constant 0 : i32
      %dma_start3A_110 = tpu.memref_slice %arg19[%dma_start3A_108, %dma_start3A_109] : memref<104x128xf32, #tpu.memory_space<vmem>> -> memref<104x128xf32, #tpu.memory_space<vmem>>
      %dma_start3A_111 = arith.constant 0 : i32
      %dma_start3A_112 = arith.constant 0 : i32
      %dma_start3A_113 = tpu.memref_slice %arg3[%dma_start3A_111, %dma_start3A_112] : memref<237x128xf32, #tpu.memory_space<hbm>> -> memref<104x128xf32, #tpu.memory_space<hbm>>
      tpu.enqueue_dma source(%dma_start3A_113 : memref<104x128xf32, #tpu.memory_space<hbm>>) target(%dma_start3A_110 : memref<104x128xf32, #tpu.memory_space<vmem>>) target_semaphore(%run_scoped3A : memref<!tpu.dma_semaphore, #tpu.memory_space<semaphore_mem>>)
      %dma_wait3A_114 = arith.constant 0 : i32
      %dma_wait3A_115 = arith.constant 0 : i32
      %dma_wait3A_116 = tpu.memref_slice %arg19[%dma_wait3A_114, %dma_wait3A_115] : memref<104x128xf32, #tpu.memory_space<vmem>> -> memref<104x128xf32, #tpu.memory_space<vmem>>
      %dma_wait3A_117 = arith.constant 0 : i32
      %dma_wait3A_118 = arith.constant 0 : i32
      %dma_wait3A_119 = tpu.memref_slice %arg3[%dma_wait3A_117, %dma_wait3A_118] : memref<237x128xf32, #tpu.memory_space<hbm>> -> memref<104x128xf32, #tpu.memory_space<hbm>>
      %dma_wait3A_120 = arith.constant 0 : i32
      %dma_wait3A_121 = arith.constant 0 : i32
      %dma_wait3A_122 = tpu.memref_slice %arg19[%dma_wait3A_120, %dma_wait3A_121] : memref<104x128xf32, #tpu.memory_space<vmem>> -> memref<104x128xf32, #tpu.memory_space<vmem>>
      %dma_wait3A_123 = arith.constant 0 : i32
      %dma_wait3A_124 = arith.constant 0 : i32
      %dma_wait3A_125 = tpu.memref_slice %arg3[%dma_wait3A_123, %dma_wait3A_124] : memref<237x128xf32, #tpu.memory_space<hbm>> -> memref<104x128xf32, #tpu.memory_space<hbm>>
      tpu.wait_dma2 semaphore(%run_scoped3A : memref<!tpu.dma_semaphore, #tpu.memory_space<semaphore_mem>>) src(%dma_wait3A_125 : memref<104x128xf32, #tpu.memory_space<hbm>>) dst(%dma_wait3A_122 : memref<104x128xf32, #tpu.memory_space<vmem>>)
      tpu.yield
    }) : () -> ()
    %scan3A_54 = arith.constant 0 : i32
    %scan3A_55 = arith.constant 0 : i32
    %scan3A_56 = arith.constant 104 : i32
    %scan3A_57 = arith.addi %scan3A_55, %scan3A_56 : i32
    %scan3A_58 = arith.constant 1 : i32
    scf.for %scan3A_102 = %scan3A_55 to %scan3A_57 step %scan3A_58  : i32 {
      %add3A_103 = arith.constant 0 : i32
      %add3A_104 = arith.addi %add3A_103, %scan3A_102 : i32
      %get3A = arith.index_cast %scan3A_102 : i32 to index
      %get3A_105 = arith.constant 0 : index
      %get3A_106 = tpu.vector_load %arg19[%get3A, %get3A_105] {strides = array<i32>} : memref<104x128xf32, #tpu.memory_space<vmem>>, vector<16xf32>,
      %get3A_107 = arith.index_cast %scan3A_102 : i32 to index
      %get3A_108 = arith.constant 16 : index
      %get3A_109 = tpu.vector_load %arg19[%get3A_107, %get3A_108] {strides = array<i32>} : memref<104x128xf32, #tpu.memory_space<vmem>>, vector<16xf32>,
      %pack3A = tpu.pack_subelements %get3A_106, %get3A_109 {pack_format = #tpu.pack_format<interleaved>, positions = array<i32: 0, 1>} : vector<16xf32>, vector<16xf32> -> vector<32xbf16>
      %bitcast3A = vector.bitcast %pack3A : vector<32xbf16> to vector<16xf32>
      %swap3A = arith.index_cast %add3A_104 : i32 to index
      %swap3A_110 = arith.constant 0 : index
      %swap3A_111 = tpu.vector_load %arg12[%swap3A, %swap3A_110] {strides = array<i32>} : memref<237x64xf32, #tpu.memory_space<vmem>>, vector<16xf32>,
      tpu.vector_store %arg12[%swap3A, %swap3A_110], %bitcast3A {strides = array<i32>} : memref<237x64xf32, #tpu.memory_space<vmem>>, vector<16xf32>,
      %get3A_112 = arith.index_cast %scan3A_102 : i32 to index
      %get3A_113 = arith.constant 32 : index
      %get3A_114 = tpu.vector_load %arg19[%get3A_112, %get3A_113] {strides = array<i32>} : memref<104x128xf32, #tpu.memory_space<vmem>>, vector<16xf32>,
      %get3A_115 = arith.index_cast %scan3A_102 : i32 to index
      %get3A_116 = arith.constant 48 : index
      %get3A_117 = tpu.vector_load %arg19[%get3A_115, %get3A_116] {strides = array<i32>} : memref<104x128xf32, #tpu.memory_space<vmem>>, vector<16xf32>,
      %pack3A_118 = tpu.pack_subelements %get3A_114, %get3A_117 {pack_format = #tpu.pack_format<interleaved>, positions = array<i32: 0, 1>} : vector<16xf32>, vector<16xf32> -> vector<32xbf16>
      %bitcast3A_119 = vector.bitcast %pack3A_118 : vector<32xbf16> to vector<16xf32>
      %swap3A_120 = arith.index_cast %add3A_104 : i32 to index
      %swap3A_121 = arith.constant 16 : index
      %swap3A_122 = tpu.vector_load %arg12[%swap3A_120, %swap3A_121] {strides = array<i32>} : memref<237x64xf32, #tpu.memory_space<vmem>>, vector<16xf32>,
      tpu.vector_store %arg12[%swap3A_120, %swap3A_121], %bitcast3A_119 {strides = array<i32>} : memref<237x64xf32, #tpu.memory_space<vmem>>, vector<16xf32>,
      %get3A_123 = arith.index_cast %scan3A_102 : i32 to index
      %get3A_124 = arith.constant 64 : index
      %get3A_125 = tpu.vector_load %arg19[%get3A_123, %get3A_124] {strides = array<i32>} : memref<104x128xf32, #tpu.memory_space<vmem>>, vector<16xf32>,
      %get3A_126 = arith.index_cast %scan3A_102 : i32 to index
      %get3A_127 = arith.constant 80 : index
      %get3A_128 = tpu.vector_load %arg19[%get3A_126, %get3A_127] {strides = array<i32>} : memref<104x128xf32, #tpu.memory_space<vmem>>, vector<16xf32>,
      %pack3A_129 = tpu.pack_subelements %get3A_125, %get3A_128 {pack_format = #tpu.pack_format<interleaved>, positions = array<i32: 0, 1>} : vector<16xf32>, vector<16xf32> -> vector<32xbf16>
      %bitcast3A_130 = vector.bitcast %pack3A_129 : vector<32xbf16> to vector<16xf32>
      %swap3A_131 = arith.index_cast %add3A_104 : i32 to index
      %swap3A_132 = arith.constant 32 : index
      %swap3A_133 = tpu.vector_load %arg12[%swap3A_131, %swap3A_132] {strides = array<i32>} : memref<237x64xf32, #tpu.memory_space<vmem>>, vector<16xf32>,
      tpu.vector_store %arg12[%swap3A_131, %swap3A_132], %bitcast3A_130 {strides = array<i32>} : memref<237x64xf32, #tpu.memory_space<vmem>>, vector<16xf32>,
      %get3A_134 = arith.index_cast %scan3A_102 : i32 to index
      %get3A_135 = arith.constant 96 : index
      %get3A_136 = tpu.vector_load %arg19[%get3A_134, %get3A_135] {strides = array<i32>} : memref<104x128xf32, #tpu.memory_space<vmem>>, vector<16xf32>,
      %get3A_137 = arith.index_cast %scan3A_102 : i32 to index
      %get3A_138 = arith.constant 112 : index
      %get3A_139 = tpu.vector_load %arg19[%get3A_137, %get3A_138] {strides = array<i32>} : memref<104x128xf32, #tpu.memory_space<vmem>>, vector<16xf32>,
      %pack3A_140 = tpu.pack_subelements %get3A_136, %get3A_139 {pack_format = #tpu.pack_format<interleaved>, positions = array<i32: 0, 1>} : vector<16xf32>, vector<16xf32> -> vector<32xbf16>
      %bitcast3A_141 = vector.bitcast %pack3A_140 : vector<32xbf16> to vector<16xf32>
      %swap3A_142 = arith.index_cast %add3A_104 : i32 to index
      %swap3A_143 = arith.constant 48 : index
      %swap3A_144 = tpu.vector_load %arg12[%swap3A_142, %swap3A_143] {strides = array<i32>} : memref<237x64xf32, #tpu.memory_space<vmem>>, vector<16xf32>,
      tpu.vector_store %arg12[%swap3A_142, %swap3A_143], %bitcast3A_141 {strides = array<i32>} : memref<237x64xf32, #tpu.memory_space<vmem>>, vector<16xf32>,
    }
    %scan3A_59 = arith.constant 104 : i32
    "tpu.region"() ({
      %run_scoped3A = tpu.sem_alloc : memref<!tpu.dma_semaphore, #tpu.memory_space<semaphore_mem>>
      %dma_start3A_102 = arith.constant 0 : i32
      %dma_start3A_103 = arith.constant 0 : i32
      %dma_start3A_104 = tpu.memref_slice %arg19[%dma_start3A_102, %dma_start3A_103] : memref<104x128xf32, #tpu.memory_space<vmem>> -> memref<104x128xf32, #tpu.memory_space<vmem>>
      %dma_start3A_105 = arith.constant 104 : i32
      %dma_start3A_106 = arith.constant 0 : i32
      %dma_start3A_107 = tpu.memref_slice %arg3[%dma_start3A_105, %dma_start3A_106] : memref<237x128xf32, #tpu.memory_space<hbm>> -> memref<104x128xf32, #tpu.memory_space<hbm>>
      %dma_start3A_108 = arith.constant 0 : i32
      %dma_start3A_109 = arith.constant 0 : i32
      %dma_start3A_110 = tpu.memref_slice %arg19[%dma_start3A_108, %dma_start3A_109] : memref<104x128xf32, #tpu.memory_space<vmem>> -> memref<104x128xf32, #tpu.memory_space<vmem>>
      %dma_start3A_111 = arith.constant 104 : i32
      %dma_start3A_112 = arith.constant 0 : i32
      %dma_start3A_113 = tpu.memref_slice %arg3[%dma_start3A_111, %dma_start3A_112] : memref<237x128xf32, #tpu.memory_space<hbm>> -> memref<104x128xf32, #tpu.memory_space<hbm>>
      tpu.enqueue_dma source(%dma_start3A_113 : memref<104x128xf32, #tpu.memory_space<hbm>>) target(%dma_start3A_110 : memref<104x128xf32, #tpu.memory_space<vmem>>) target_semaphore(%run_scoped3A : memref<!tpu.dma_semaphore, #tpu.memory_space<semaphore_mem>>)
      %dma_wait3A_114 = arith.constant 0 : i32
      %dma_wait3A_115 = arith.constant 0 : i32
      %dma_wait3A_116 = tpu.memref_slice %arg19[%dma_wait3A_114, %dma_wait3A_115] : memref<104x128xf32, #tpu.memory_space<vmem>> -> memref<104x128xf32, #tpu.memory_space<vmem>>
      %dma_wait3A_117 = arith.constant 104 : i32
      %dma_wait3A_118 = arith.constant 0 : i32
      %dma_wait3A_119 = tpu.memref_slice %arg3[%dma_wait3A_117, %dma_wait3A_118] : memref<237x128xf32, #tpu.memory_space<hbm>> -> memref<104x128xf32, #tpu.memory_space<hbm>>
      %dma_wait3A_120 = arith.constant 0 : i32
      %dma_wait3A_121 = arith.constant 0 : i32
      %dma_wait3A_122 = tpu.memref_slice %arg19[%dma_wait3A_120, %dma_wait3A_121] : memref<104x128xf32, #tpu.memory_space<vmem>> -> memref<104x128xf32, #tpu.memory_space<vmem>>
      %dma_wait3A_123 = arith.constant 104 : i32
      %dma_wait3A_124 = arith.constant 0 : i32
      %dma_wait3A_125 = tpu.memref_slice %arg3[%dma_wait3A_123, %dma_wait3A_124] : memref<237x128xf32, #tpu.memory_space<hbm>> -> memref<104x128xf32, #tpu.memory_space<hbm>>
      tpu.wait_dma2 semaphore(%run_scoped3A : memref<!tpu.dma_semaphore, #tpu.memory_space<semaphore_mem>>) src(%dma_wait3A_125 : memref<104x128xf32, #tpu.memory_space<hbm>>) dst(%dma_wait3A_122 : memref<104x128xf32, #tpu.memory_space<vmem>>)
      tpu.yield
    }) : () -> ()
    %scan3A_60 = arith.constant 0 : i32
    %scan3A_61 = arith.constant 0 : i32
    %scan3A_62 = arith.constant 104 : i32
    %scan3A_63 = arith.addi %scan3A_61, %scan3A_62 : i32
    %scan3A_64 = arith.constant 1 : i32
    scf.for %scan3A_102 = %scan3A_61 to %scan3A_63 step %scan3A_64  : i32 {
      %add3A_103 = arith.constant 104 : i32
      %add3A_104 = arith.addi %add3A_103, %scan3A_102 : i32
      %get3A = arith.index_cast %scan3A_102 : i32 to index
      %get3A_105 = arith.constant 0 : index
      %get3A_106 = tpu.vector_load %arg19[%get3A, %get3A_105] {strides = array<i32>} : memref<104x128xf32, #tpu.memory_space<vmem>>, vector<16xf32>,
      %get3A_107 = arith.index_cast %scan3A_102 : i32 to index
      %get3A_108 = arith.constant 16 : index
      %get3A_109 = tpu.vector_load %arg19[%get3A_107, %get3A_108] {strides = array<i32>} : memref<104x128xf32, #tpu.memory_space<vmem>>, vector<16xf32>,
      %pack3A = tpu.pack_subelements %get3A_106, %get3A_109 {pack_format = #tpu.pack_format<interleaved>, positions = array<i32: 0, 1>} : vector<16xf32>, vector<16xf32> -> vector<32xbf16>
      %bitcast3A = vector.bitcast %pack3A : vector<32xbf16> to vector<16xf32>
      %swap3A = arith.index_cast %add3A_104 : i32 to index
      %swap3A_110 = arith.constant 0 : index
      %swap3A_111 = tpu.vector_load %arg12[%swap3A, %swap3A_110] {strides = array<i32>} : memref<237x64xf32, #tpu.memory_space<vmem>>, vector<16xf32>,
      tpu.vector_store %arg12[%swap3A, %swap3A_110], %bitcast3A {strides = array<i32>} : memref<237x64xf32, #tpu.memory_space<vmem>>, vector<16xf32>,
      %get3A_112 = arith.index_cast %scan3A_102 : i32 to index
      %get3A_113 = arith.constant 32 : index
      %get3A_114 = tpu.vector_load %arg19[%get3A_112, %get3A_113] {strides = array<i32>} : memref<104x128xf32, #tpu.memory_space<vmem>>, vector<16xf32>,
      %get3A_115 = arith.index_cast %scan3A_102 : i32 to index
      %get3A_116 = arith.constant 48 : index
      %get3A_117 = tpu.vector_load %arg19[%get3A_115, %get3A_116] {strides = array<i32>} : memref<104x128xf32, #tpu.memory_space<vmem>>, vector<16xf32>,
      %pack3A_118 = tpu.pack_subelements %get3A_114, %get3A_117 {pack_format = #tpu.pack_format<interleaved>, positions = array<i32: 0, 1>} : vector<16xf32>, vector<16xf32> -> vector<32xbf16>
      %bitcast3A_119 = vector.bitcast %pack3A_118 : vector<32xbf16> to vector<16xf32>
      %swap3A_120 = arith.index_cast %add3A_104 : i32 to index
      %swap3A_121 = arith.constant 16 : index
      %swap3A_122 = tpu.vector_load %arg12[%swap3A_120, %swap3A_121] {strides = array<i32>} : memref<237x64xf32, #tpu.memory_space<vmem>>, vector<16xf32>,
      tpu.vector_store %arg12[%swap3A_120, %swap3A_121], %bitcast3A_119 {strides = array<i32>} : memref<237x64xf32, #tpu.memory_space<vmem>>, vector<16xf32>,
      %get3A_123 = arith.index_cast %scan3A_102 : i32 to index
      %get3A_124 = arith.constant 64 : index
      %get3A_125 = tpu.vector_load %arg19[%get3A_123, %get3A_124] {strides = array<i32>} : memref<104x128xf32, #tpu.memory_space<vmem>>, vector<16xf32>,
      %get3A_126 = arith.index_cast %scan3A_102 : i32 to index
      %get3A_127 = arith.constant 80 : index
      %get3A_128 = tpu.vector_load %arg19[%get3A_126, %get3A_127] {strides = array<i32>} : memref<104x128xf32, #tpu.memory_space<vmem>>, vector<16xf32>,
      %pack3A_129 = tpu.pack_subelements %get3A_125, %get3A_128 {pack_format = #tpu.pack_format<interleaved>, positions = array<i32: 0, 1>} : vector<16xf32>, vector<16xf32> -> vector<32xbf16>
      %bitcast3A_130 = vector.bitcast %pack3A_129 : vector<32xbf16> to vector<16xf32>
      %swap3A_131 = arith.index_cast %add3A_104 : i32 to index
      %swap3A_132 = arith.constant 32 : index
      %swap3A_133 = tpu.vector_load %arg12[%swap3A_131, %swap3A_132] {strides = array<i32>} : memref<237x64xf32, #tpu.memory_space<vmem>>, vector<16xf32>,
      tpu.vector_store %arg12[%swap3A_131, %swap3A_132], %bitcast3A_130 {strides = array<i32>} : memref<237x64xf32, #tpu.memory_space<vmem>>, vector<16xf32>,
      %get3A_134 = arith.index_cast %scan3A_102 : i32 to index
      %get3A_135 = arith.constant 96 : index
      %get3A_136 = tpu.vector_load %arg19[%get3A_134, %get3A_135] {strides = array<i32>} : memref<104x128xf32, #tpu.memory_space<vmem>>, vector<16xf32>,
      %get3A_137 = arith.index_cast %scan3A_102 : i32 to index
      %get3A_138 = arith.constant 112 : index
      %get3A_139 = tpu.vector_load %arg19[%get3A_137, %get3A_138] {strides = array<i32>} : memref<104x128xf32, #tpu.memory_space<vmem>>, vector<16xf32>,
      %pack3A_140 = tpu.pack_subelements %get3A_136, %get3A_139 {pack_format = #tpu.pack_format<interleaved>, positions = array<i32: 0, 1>} : vector<16xf32>, vector<16xf32> -> vector<32xbf16>
      %bitcast3A_141 = vector.bitcast %pack3A_140 : vector<32xbf16> to vector<16xf32>
      %swap3A_142 = arith.index_cast %add3A_104 : i32 to index
      %swap3A_143 = arith.constant 48 : index
      %swap3A_144 = tpu.vector_load %arg12[%swap3A_142, %swap3A_143] {strides = array<i32>} : memref<237x64xf32, #tpu.memory_space<vmem>>, vector<16xf32>,
      tpu.vector_store %arg12[%swap3A_142, %swap3A_143], %bitcast3A_141 {strides = array<i32>} : memref<237x64xf32, #tpu.memory_space<vmem>>, vector<16xf32>,
    }
    %scan3A_65 = arith.constant 104 : i32
    "tpu.region"() ({
      %run_scoped3A = tpu.sem_alloc : memref<!tpu.dma_semaphore, #tpu.memory_space<semaphore_mem>>
      %dma_start3A_102 = arith.constant 0 : i32
      %dma_start3A_103 = arith.constant 0 : i32
      %dma_start3A_104 = tpu.memref_slice %arg19[%dma_start3A_102, %dma_start3A_103] : memref<104x128xf32, #tpu.memory_space<vmem>> -> memref<29x128xf32, #tpu.memory_space<vmem>>
      %dma_start3A_105 = arith.constant 208 : i32
      %dma_start3A_106 = arith.constant 0 : i32
      %dma_start3A_107 = tpu.memref_slice %arg3[%dma_start3A_105, %dma_start3A_106] : memref<237x128xf32, #tpu.memory_space<hbm>> -> memref<29x128xf32, #tpu.memory_space<hbm>>
      %dma_start3A_108 = arith.constant 0 : i32
      %dma_start3A_109 = arith.constant 0 : i32
      %dma_start3A_110 = tpu.memref_slice %arg19[%dma_start3A_108, %dma_start3A_109] : memref<104x128xf32, #tpu.memory_space<vmem>> -> memref<29x128xf32, #tpu.memory_space<vmem>>
      %dma_start3A_111 = arith.constant 208 : i32
      %dma_start3A_112 = arith.constant 0 : i32
      %dma_start3A_113 = tpu.memref_slice %arg3[%dma_start3A_111, %dma_start3A_112] : memref<237x128xf32, #tpu.memory_space<hbm>> -> memref<29x128xf32, #tpu.memory_space<hbm>>
      tpu.enqueue_dma source(%dma_start3A_113 : memref<29x128xf32, #tpu.memory_space<hbm>>) target(%dma_start3A_110 : memref<29x128xf32, #tpu.memory_space<vmem>>) target_semaphore(%run_scoped3A : memref<!tpu.dma_semaphore, #tpu.memory_space<semaphore_mem>>)
      %dma_wait3A_114 = arith.constant 0 : i32
      %dma_wait3A_115 = arith.constant 0 : i32
      %dma_wait3A_116 = tpu.memref_slice %arg19[%dma_wait3A_114, %dma_wait3A_115] : memref<104x128xf32, #tpu.memory_space<vmem>> -> memref<29x128xf32, #tpu.memory_space<vmem>>
      %dma_wait3A_117 = arith.constant 208 : i32
      %dma_wait3A_118 = arith.constant 0 : i32
      %dma_wait3A_119 = tpu.memref_slice %arg3[%dma_wait3A_117, %dma_wait3A_118] : memref<237x128xf32, #tpu.memory_space<hbm>> -> memref<29x128xf32, #tpu.memory_space<hbm>>
      %dma_wait3A_120 = arith.constant 0 : i32
      %dma_wait3A_121 = arith.constant 0 : i32
      %dma_wait3A_122 = tpu.memref_slice %arg19[%dma_wait3A_120, %dma_wait3A_121] : memref<104x128xf32, #tpu.memory_space<vmem>> -> memref<29x128xf32, #tpu.memory_space<vmem>>
      %dma_wait3A_123 = arith.constant 208 : i32
      %dma_wait3A_124 = arith.constant 0 : i32
      %dma_wait3A_125 = tpu.memref_slice %arg3[%dma_wait3A_123, %dma_wait3A_124] : memref<237x128xf32, #tpu.memory_space<hbm>> -> memref<29x128xf32, #tpu.memory_space<hbm>>
      tpu.wait_dma2 semaphore(%run_scoped3A : memref<!tpu.dma_semaphore, #tpu.memory_space<semaphore_mem>>) src(%dma_wait3A_125 : memref<29x128xf32, #tpu.memory_space<hbm>>) dst(%dma_wait3A_122 : memref<29x128xf32, #tpu.memory_space<vmem>>)
      tpu.yield
    }) : () -> ()
    %scan3A_66 = arith.constant 0 : i32
    %scan3A_67 = arith.constant 0 : i32
    %scan3A_68 = arith.constant 29 : i32
    %scan3A_69 = arith.addi %scan3A_67, %scan3A_68 : i32
    %scan3A_70 = arith.constant 1 : i32
    scf.for %scan3A_102 = %scan3A_67 to %scan3A_69 step %scan3A_70  : i32 {
      %add3A_103 = arith.constant 208 : i32
      %add3A_104 = arith.addi %add3A_103, %scan3A_102 : i32
      %get3A = arith.index_cast %scan3A_102 : i32 to index
      %get3A_105 = arith.constant 0 : index
      %get3A_106 = tpu.vector_load %arg19[%get3A, %get3A_105] {strides = array<i32>} : memref<104x128xf32, #tpu.memory_space<vmem>>, vector<16xf32>,
      %get3A_107 = arith.index_cast %scan3A_102 : i32 to index
      %get3A_108 = arith.constant 16 : index
      %get3A_109 = tpu.vector_load %arg19[%get3A_107, %get3A_108] {strides = array<i32>} : memref<104x128xf32, #tpu.memory_space<vmem>>, vector<16xf32>,
      %pack3A = tpu.pack_subelements %get3A_106, %get3A_109 {pack_format = #tpu.pack_format<interleaved>, positions = array<i32: 0, 1>} : vector<16xf32>, vector<16xf32> -> vector<32xbf16>
      %bitcast3A = vector.bitcast %pack3A : vector<32xbf16> to vector<16xf32>
      %swap3A = arith.index_cast %add3A_104 : i32 to index
      %swap3A_110 = arith.constant 0 : index
      %swap3A_111 = tpu.vector_load %arg12[%swap3A, %swap3A_110] {strides = array<i32>} : memref<237x64xf32, #tpu.memory_space<vmem>>, vector<16xf32>,
      tpu.vector_store %arg12[%swap3A, %swap3A_110], %bitcast3A {strides = array<i32>} : memref<237x64xf32, #tpu.memory_space<vmem>>, vector<16xf32>,
      %get3A_112 = arith.index_cast %scan3A_102 : i32 to index
      %get3A_113 = arith.constant 32 : index
      %get3A_114 = tpu.vector_load %arg19[%get3A_112, %get3A_113] {strides = array<i32>} : memref<104x128xf32, #tpu.memory_space<vmem>>, vector<16xf32>,
      %get3A_115 = arith.index_cast %scan3A_102 : i32 to index
      %get3A_116 = arith.constant 48 : index
      %get3A_117 = tpu.vector_load %arg19[%get3A_115, %get3A_116] {strides = array<i32>} : memref<104x128xf32, #tpu.memory_space<vmem>>, vector<16xf32>,
      %pack3A_118 = tpu.pack_subelements %get3A_114, %get3A_117 {pack_format = #tpu.pack_format<interleaved>, positions = array<i32: 0, 1>} : vector<16xf32>, vector<16xf32> -> vector<32xbf16>
      %bitcast3A_119 = vector.bitcast %pack3A_118 : vector<32xbf16> to vector<16xf32>
      %swap3A_120 = arith.index_cast %add3A_104 : i32 to index
      %swap3A_121 = arith.constant 16 : index
      %swap3A_122 = tpu.vector_load %arg12[%swap3A_120, %swap3A_121] {strides = array<i32>} : memref<237x64xf32, #tpu.memory_space<vmem>>, vector<16xf32>,
      tpu.vector_store %arg12[%swap3A_120, %swap3A_121], %bitcast3A_119 {strides = array<i32>} : memref<237x64xf32, #tpu.memory_space<vmem>>, vector<16xf32>,
      %get3A_123 = arith.index_cast %scan3A_102 : i32 to index
      %get3A_124 = arith.constant 64 : index
      %get3A_125 = tpu.vector_load %arg19[%get3A_123, %get3A_124] {strides = array<i32>} : memref<104x128xf32, #tpu.memory_space<vmem>>, vector<16xf32>,
      %get3A_126 = arith.index_cast %scan3A_102 : i32 to index
      %get3A_127 = arith.constant 80 : index
      %get3A_128 = tpu.vector_load %arg19[%get3A_126, %get3A_127] {strides = array<i32>} : memref<104x128xf32, #tpu.memory_space<vmem>>, vector<16xf32>,
      %pack3A_129 = tpu.pack_subelements %get3A_125, %get3A_128 {pack_format = #tpu.pack_format<interleaved>, positions = array<i32: 0, 1>} : vector<16xf32>, vector<16xf32> -> vector<32xbf16>
      %bitcast3A_130 = vector.bitcast %pack3A_129 : vector<32xbf16> to vector<16xf32>
      %swap3A_131 = arith.index_cast %add3A_104 : i32 to index
      %swap3A_132 = arith.constant 32 : index
      %swap3A_133 = tpu.vector_load %arg12[%swap3A_131, %swap3A_132] {strides = array<i32>} : memref<237x64xf32, #tpu.memory_space<vmem>>, vector<16xf32>,
      tpu.vector_store %arg12[%swap3A_131, %swap3A_132], %bitcast3A_130 {strides = array<i32>} : memref<237x64xf32, #tpu.memory_space<vmem>>, vector<16xf32>,
      %get3A_134 = arith.index_cast %scan3A_102 : i32 to index
      %get3A_135 = arith.constant 96 : index
      %get3A_136 = tpu.vector_load %arg19[%get3A_134, %get3A_135] {strides = array<i32>} : memref<104x128xf32, #tpu.memory_space<vmem>>, vector<16xf32>,
      %get3A_137 = arith.index_cast %scan3A_102 : i32 to index
      %get3A_138 = arith.constant 112 : index
      %get3A_139 = tpu.vector_load %arg19[%get3A_137, %get3A_138] {strides = array<i32>} : memref<104x128xf32, #tpu.memory_space<vmem>>, vector<16xf32>,
      %pack3A_140 = tpu.pack_subelements %get3A_136, %get3A_139 {pack_format = #tpu.pack_format<interleaved>, positions = array<i32: 0, 1>} : vector<16xf32>, vector<16xf32> -> vector<32xbf16>
      %bitcast3A_141 = vector.bitcast %pack3A_140 : vector<32xbf16> to vector<16xf32>
      %swap3A_142 = arith.index_cast %add3A_104 : i32 to index
      %swap3A_143 = arith.constant 48 : index
      %swap3A_144 = tpu.vector_load %arg12[%swap3A_142, %swap3A_143] {strides = array<i32>} : memref<237x64xf32, #tpu.memory_space<vmem>>, vector<16xf32>,
      tpu.vector_store %arg12[%swap3A_142, %swap3A_143], %bitcast3A_141 {strides = array<i32>} : memref<237x64xf32, #tpu.memory_space<vmem>>, vector<16xf32>,
    }
    %scan3A_71 = arith.constant 29 : i32
    "tpu.region"() ({
      %run_scoped3A = tpu.sem_alloc : memref<!tpu.dma_semaphore, #tpu.memory_space<semaphore_mem>>
      %dma_start3A_102 = tpu.memref_slice %arg4[%mul3A_2] : memref<320000xi32, #tpu.memory_space<hbm>> -> memref<10000xi32, #tpu.memory_space<hbm>>
      %dma_start3A_103 = tpu.memref_slice %arg4[%mul3A_2] : memref<320000xi32, #tpu.memory_space<hbm>> -> memref<10000xi32, #tpu.memory_space<hbm>>
      tpu.enqueue_dma source(%dma_start3A_103 : memref<10000xi32, #tpu.memory_space<hbm>>) target(%arg9 : memref<10000xi32, #tpu.memory_space<vmem>>) target_semaphore(%run_scoped3A : memref<!tpu.dma_semaphore, #tpu.memory_space<semaphore_mem>>)
      %dma_wait3A_104 = tpu.memref_slice %arg4[%mul3A_2] : memref<320000xi32, #tpu.memory_space<hbm>> -> memref<10000xi32, #tpu.memory_space<hbm>>
      %dma_wait3A_105 = tpu.memref_slice %arg4[%mul3A_2] : memref<320000xi32, #tpu.memory_space<hbm>> -> memref<10000xi32, #tpu.memory_space<hbm>>
      tpu.wait_dma2 semaphore(%run_scoped3A : memref<!tpu.dma_semaphore, #tpu.memory_space<semaphore_mem>>) src(%dma_wait3A_105 : memref<10000xi32, #tpu.memory_space<hbm>>) dst(%arg9 : memref<10000xi32, #tpu.memory_space<vmem>>)
      tpu.yield
    }) : () -> ()
    "tpu.region"() ({
      %run_scoped3A = tpu.sem_alloc : memref<!tpu.dma_semaphore, #tpu.memory_space<semaphore_mem>>
      %dma_start3A_102 = tpu.memref_slice %arg5[%mul3A_2] : memref<320000xi32, #tpu.memory_space<hbm>> -> memref<10000xi32, #tpu.memory_space<hbm>>
      %dma_start3A_103 = tpu.memref_slice %arg5[%mul3A_2] : memref<320000xi32, #tpu.memory_space<hbm>> -> memref<10000xi32, #tpu.memory_space<hbm>>
      tpu.enqueue_dma source(%dma_start3A_103 : memref<10000xi32, #tpu.memory_space<hbm>>) target(%arg10 : memref<10000xi32, #tpu.memory_space<vmem>>) target_semaphore(%run_scoped3A : memref<!tpu.dma_semaphore, #tpu.memory_space<semaphore_mem>>)
      %dma_wait3A_104 = tpu.memref_slice %arg5[%mul3A_2] : memref<320000xi32, #tpu.memory_space<hbm>> -> memref<10000xi32, #tpu.memory_space<hbm>>
      %dma_wait3A_105 = tpu.memref_slice %arg5[%mul3A_2] : memref<320000xi32, #tpu.memory_space<hbm>> -> memref<10000xi32, #tpu.memory_space<hbm>>
      tpu.wait_dma2 semaphore(%run_scoped3A : memref<!tpu.dma_semaphore, #tpu.memory_space<semaphore_mem>>) src(%dma_wait3A_105 : memref<10000xi32, #tpu.memory_space<hbm>>) dst(%arg10 : memref<10000xi32, #tpu.memory_space<vmem>>)
      tpu.yield
    }) : () -> ()
    "tpu.region"() ({
      %run_scoped3A = tpu.sem_alloc : memref<!tpu.dma_semaphore, #tpu.memory_space<semaphore_mem>>
      %dma_start3A_102 = tpu.memref_slice %arg6[%mul3A_2] : memref<320000xi32, #tpu.memory_space<hbm>> -> memref<10000xi32, #tpu.memory_space<hbm>>
      %dma_start3A_103 = tpu.memref_slice %arg6[%mul3A_2] : memref<320000xi32, #tpu.memory_space<hbm>> -> memref<10000xi32, #tpu.memory_space<hbm>>
      tpu.enqueue_dma source(%dma_start3A_103 : memref<10000xi32, #tpu.memory_space<hbm>>) target(%arg11 : memref<10000xi32, #tpu.memory_space<vmem>>) target_semaphore(%run_scoped3A : memref<!tpu.dma_semaphore, #tpu.memory_space<semaphore_mem>>)
      %dma_wait3A_104 = tpu.memref_slice %arg6[%mul3A_2] : memref<320000xi32, #tpu.memory_space<hbm>> -> memref<10000xi32, #tpu.memory_space<hbm>>
      %dma_wait3A_105 = tpu.memref_slice %arg6[%mul3A_2] : memref<320000xi32, #tpu.memory_space<hbm>> -> memref<10000xi32, #tpu.memory_space<hbm>>
      tpu.wait_dma2 semaphore(%run_scoped3A : memref<!tpu.dma_semaphore, #tpu.memory_space<semaphore_mem>>) src(%dma_wait3A_105 : memref<10000xi32, #tpu.memory_space<hbm>>) dst(%arg11 : memref<10000xi32, #tpu.memory_space<vmem>>)
      tpu.yield
    }) : () -> ()
    %barrier3A = arith.constant 0 : index
    tpu.barrier barrier_id(%barrier3A)
    %iota3A = tpu.iota {dimensions = array<i32: 0>} : vector<16xi32>
    %dma_start3A = arith.constant 0 : i32
    %dma_start3A_72 = tpu.memref_slice %arg9[%dma_start3A] : memref<10000xi32, #tpu.memory_space<vmem>> -> memref<80xi32, #tpu.memory_space<vmem>>
    %dma_start3A_73 = arith.constant 0 : i32
    %dma_start3A_74 = arith.constant 0 : i32
    %dma_start3A_75 = tpu.memref_slice %arg8[%arg0, %dma_start3A_73, %dma_start3A_74] : memref<2x10000x128xf32, #tpu.memory_space<hbm>> -> memref<1x10000x128xf32, #tpu.memory_space<hbm>>
    %dma_start3A_76 = tpu.memref_squeeze %dma_start3A_75 : memref<1x10000x128xf32, #tpu.memory_space<hbm>> -> memref<10000x128xf32, #tpu.memory_space<hbm>>
    %dma_start3A_77 = arith.constant 0 : i32
    %dma_start3A_78 = arith.constant 0 : i32
    %dma_start3A_79 = tpu.memref_slice %dma_start3A_76[%dma_start3A_77, %dma_start3A_78] : memref<10000x128xf32, #tpu.memory_space<hbm>> -> memref<10000x128xf32, #tpu.memory_space<hbm>>
    tpu.enqueue_indirect_dma source(%dma_start3A_79 : memref<10000x128xf32, #tpu.memory_space<hbm>>) target(%arg13 : memref<80x128xf32, #tpu.memory_space<vmem>>) offsets(%dma_start3A_72 : memref<80xi32, #tpu.memory_space<vmem>>) semaphore(%arg21 : memref<!tpu.dma_semaphore, #tpu.memory_space<semaphore_mem>>)
    %dma_start3A_80 = arith.constant 0 : i32
    %dma_start3A_81 = tpu.memref_slice %arg11[%dma_start3A_80] : memref<10000xi32, #tpu.memory_space<vmem>> -> memref<80xi32, #tpu.memory_space<vmem>>
    %dma_start3A_82 = arith.constant 0 : i32
    %dma_start3A_83 = arith.constant 0 : i32
    %dma_start3A_84 = tpu.memref_slice %arg8[%arg0, %dma_start3A_82, %dma_start3A_83] : memref<2x10000x128xf32, #tpu.memory_space<hbm>> -> memref<1x10000x128xf32, #tpu.memory_space<hbm>>
    %dma_start3A_85 = tpu.memref_squeeze %dma_start3A_84 : memref<1x10000x128xf32, #tpu.memory_space<hbm>> -> memref<10000x128xf32, #tpu.memory_space<hbm>>
    %dma_start3A_86 = arith.constant 0 : i32
    %dma_start3A_87 = arith.constant 0 : i32
    %dma_start3A_88 = tpu.memref_slice %dma_start3A_85[%dma_start3A_86, %dma_start3A_87] : memref<10000x128xf32, #tpu.memory_space<hbm>> -> memref<10000x128xf32, #tpu.memory_space<hbm>>
    tpu.enqueue_indirect_dma source(%dma_start3A_88 : memref<10000x128xf32, #tpu.memory_space<hbm>>) target(%arg15 : memref<80x128xf32, #tpu.memory_space<vmem>>) offsets(%dma_start3A_81 : memref<80xi32, #tpu.memory_space<vmem>>) semaphore(%arg21 : memref<!tpu.dma_semaphore, #tpu.memory_space<semaphore_mem>>)
    %scan3A_89 = arith.constant 0 : i32
    %scan3A_90 = arith.constant 0 : i32
    %scan3A_91 = arith.constant 125 : i32
    %scan3A_92 = arith.addi %scan3A_90, %scan3A_91 : i32
    %scan3A_93 = arith.constant 1 : i32
    scf.for %scan3A_102 = %scan3A_90 to %scan3A_92 step %scan3A_93  : i32 {
      %rem3A = arith.constant 2 : i32
      %rem3A_103 = arith.remsi %scan3A_102, %rem3A : i32
      %eq3A_104 = arith.constant 0 : i32
      %eq3A_105 = arith.cmpi eq, %rem3A_103, %eq3A_104 : i32
      %convert_element_type3A_106 = arith.extui %eq3A_105 : i1 to i32
      %cond3A_107 = arith.constant 0 : i32
      %cond3A_108 = arith.cmpi ne, %convert_element_type3A_106, %cond3A_107 : i32
      scf.if %cond3A_108 {
        %ge3A = arith.constant 2 : i32
        %ge3A_116 = arith.cmpi sge, %scan3A_102, %ge3A : i32
        %convert_element_type3A_117 = arith.extui %ge3A_116 : i1 to i32
        %cond3A_118 = arith.constant 0 : i32
        %cond3A_119 = arith.cmpi ne, %convert_element_type3A_117, %cond3A_118 : i32
        scf.if %cond3A_119 {
          %sub3A = arith.constant 2 : i32
          %sub3A_157 = arith.subi %scan3A_102, %sub3A : i32
          %mul3A_158 = arith.constant 80 : i32
          %mul3A_159 = arith.muli %sub3A_157, %mul3A_158 : i32
          %add3A_160 = arith.addi %mul3A_2, %mul3A_159 : i32
          %dma_wait3A_161 = tpu.memref_slice %arg7[%add3A_160] : memref<320000xf32, #tpu.memory_space<hbm>> -> memref<80xf32, #tpu.memory_space<hbm>>
          %dma_wait3A_162 = tpu.memref_slice %arg7[%add3A_160] : memref<320000xf32, #tpu.memory_space<hbm>> -> memref<80xf32, #tpu.memory_space<hbm>>
          tpu.wait_dma2 semaphore(%arg23 : memref<!tpu.dma_semaphore, #tpu.memory_space<semaphore_mem>>) src(%arg17 : memref<80xf32, #tpu.memory_space<vmem>>) dst(%dma_wait3A_162 : memref<80xf32, #tpu.memory_space<hbm>>)
        } else {
        }
        %mul3A_120 = arith.constant 80 : i32
        %mul3A_121 = arith.muli %scan3A_102, %mul3A_120 : i32
        %dma_wait3A_122 = tpu.memref_slice %arg9[%mul3A_121] : memref<10000xi32, #tpu.memory_space<vmem>> -> memref<80xi32, #tpu.memory_space<vmem>>
        %dma_wait3A_123 = arith.constant 0 : i32
        %dma_wait3A_124 = arith.constant 0 : i32
        %dma_wait3A_125 = tpu.memref_slice %arg8[%arg0, %dma_wait3A_123, %dma_wait3A_124] : memref<2x10000x128xf32, #tpu.memory_space<hbm>> -> memref<1x10000x128xf32, #tpu.memory_space<hbm>>
        %dma_wait3A_126 = tpu.memref_squeeze %dma_wait3A_125 : memref<1x10000x128xf32, #tpu.memory_space<hbm>> -> memref<10000x128xf32, #tpu.memory_space<hbm>>
        %dma_wait3A_127 = arith.constant 0 : i32
        %dma_wait3A_128 = arith.constant 0 : i32
        %dma_wait3A_129 = tpu.memref_slice %dma_wait3A_126[%dma_wait3A_127, %dma_wait3A_128] : memref<10000x128xf32, #tpu.memory_space<hbm>> -> memref<10000x128xf32, #tpu.memory_space<hbm>>
        tpu.wait_indirect_dma semaphore(%arg21 : memref<!tpu.dma_semaphore, #tpu.memory_space<semaphore_mem>>) src(%dma_wait3A_129 : memref<10000x128xf32, #tpu.memory_space<hbm>>) dst(%arg13 : memref<80x128xf32, #tpu.memory_space<vmem>>)
        %dma_wait3A_130 = tpu.memref_slice %arg11[%mul3A_121] : memref<10000xi32, #tpu.memory_space<vmem>> -> memref<80xi32, #tpu.memory_space<vmem>>
        %dma_wait3A_131 = arith.constant 0 : i32
        %dma_wait3A_132 = arith.constant 0 : i32
        %dma_wait3A_133 = tpu.memref_slice %arg8[%arg0, %dma_wait3A_131, %dma_wait3A_132] : memref<2x10000x128xf32, #tpu.memory_space<hbm>> -> memref<1x10000x128xf32, #tpu.memory_space<hbm>>
        %dma_wait3A_134 = tpu.memref_squeeze %dma_wait3A_133 : memref<1x10000x128xf32, #tpu.memory_space<hbm>> -> memref<10000x128xf32, #tpu.memory_space<hbm>>
        %dma_wait3A_135 = arith.constant 0 : i32
        %dma_wait3A_136 = arith.constant 0 : i32
        %dma_wait3A_137 = tpu.memref_slice %dma_wait3A_134[%dma_wait3A_135, %dma_wait3A_136] : memref<10000x128xf32, #tpu.memory_space<hbm>> -> memref<10000x128xf32, #tpu.memory_space<hbm>>
        tpu.wait_indirect_dma semaphore(%arg21 : memref<!tpu.dma_semaphore, #tpu.memory_space<semaphore_mem>>) src(%dma_wait3A_137 : memref<10000x128xf32, #tpu.memory_space<hbm>>) dst(%arg15 : memref<80x128xf32, #tpu.memory_space<vmem>>)
        %add3A_138 = arith.constant 1 : i32
        %add3A_139 = arith.addi %scan3A_102, %add3A_138 : i32
        %lt3A = arith.constant 125 : i32
        %lt3A_140 = arith.cmpi slt, %add3A_139, %lt3A : i32
        %convert_element_type3A_141 = arith.extui %lt3A_140 : i1 to i32
        %cond3A_142 = arith.constant 0 : i32
        %cond3A_143 = arith.cmpi ne, %convert_element_type3A_141, %cond3A_142 : i32
        scf.if %cond3A_143 {
          %add3A_157 = arith.constant 1 : i32
          %add3A_158 = arith.addi %scan3A_102, %add3A_157 : i32
          %mul3A_159 = arith.constant 80 : i32
          %mul3A_160 = arith.muli %add3A_158, %mul3A_159 : i32
          %dma_start3A_161 = tpu.memref_slice %arg9[%mul3A_160] : memref<10000xi32, #tpu.memory_space<vmem>> -> memref<80xi32, #tpu.memory_space<vmem>>
          %dma_start3A_162 = arith.constant 0 : i32
          %dma_start3A_163 = arith.constant 0 : i32
          %dma_start3A_164 = tpu.memref_slice %arg8[%arg0, %dma_start3A_162, %dma_start3A_163] : memref<2x10000x128xf32, #tpu.memory_space<hbm>> -> memref<1x10000x128xf32, #tpu.memory_space<hbm>>
          %dma_start3A_165 = tpu.memref_squeeze %dma_start3A_164 : memref<1x10000x128xf32, #tpu.memory_space<hbm>> -> memref<10000x128xf32, #tpu.memory_space<hbm>>
          %dma_start3A_166 = arith.constant 0 : i32
          %dma_start3A_167 = arith.constant 0 : i32
          %dma_start3A_168 = tpu.memref_slice %dma_start3A_165[%dma_start3A_166, %dma_start3A_167] : memref<10000x128xf32, #tpu.memory_space<hbm>> -> memref<10000x128xf32, #tpu.memory_space<hbm>>
          tpu.enqueue_indirect_dma source(%dma_start3A_168 : memref<10000x128xf32, #tpu.memory_space<hbm>>) target(%arg14 : memref<80x128xf32, #tpu.memory_space<vmem>>) offsets(%dma_start3A_161 : memref<80xi32, #tpu.memory_space<vmem>>) semaphore(%arg22 : memref<!tpu.dma_semaphore, #tpu.memory_space<semaphore_mem>>)
          %dma_start3A_169 = tpu.memref_slice %arg11[%mul3A_160] : memref<10000xi32, #tpu.memory_space<vmem>> -> memref<80xi32, #tpu.memory_space<vmem>>
          %dma_start3A_170 = arith.constant 0 : i32
          %dma_start3A_171 = arith.constant 0 : i32
          %dma_start3A_172 = tpu.memref_slice %arg8[%arg0, %dma_start3A_170, %dma_start3A_171] : memref<2x10000x128xf32, #tpu.memory_space<hbm>> -> memref<1x10000x128xf32, #tpu.memory_space<hbm>>
          %dma_start3A_173 = tpu.memref_squeeze %dma_start3A_172 : memref<1x10000x128xf32, #tpu.memory_space<hbm>> -> memref<10000x128xf32, #tpu.memory_space<hbm>>
          %dma_start3A_174 = arith.constant 0 : i32
          %dma_start3A_175 = arith.constant 0 : i32
          %dma_start3A_176 = tpu.memref_slice %dma_start3A_173[%dma_start3A_174, %dma_start3A_175] : memref<10000x128xf32, #tpu.memory_space<hbm>> -> memref<10000x128xf32, #tpu.memory_space<hbm>>
          tpu.enqueue_indirect_dma source(%dma_start3A_176 : memref<10000x128xf32, #tpu.memory_space<hbm>>) target(%arg16 : memref<80x128xf32, #tpu.memory_space<vmem>>) offsets(%dma_start3A_169 : memref<80xi32, #tpu.memory_space<vmem>>) semaphore(%arg22 : memref<!tpu.dma_semaphore, #tpu.memory_space<semaphore_mem>>)
        } else {
        }
        %mul3A_144 = arith.constant 80 : i32
        %mul3A_145 = arith.muli %scan3A_102, %mul3A_144 : i32
        %scan3A_146 = arith.constant 0 : i32
        %scan3A_147 = arith.constant 0 : i32
        %scan3A_148 = arith.constant 5 : i32
        %scan3A_149 = arith.addi %scan3A_147, %scan3A_148 : i32
        %scan3A_150 = arith.constant 1 : i32
        scf.for %scan3A_157 = %scan3A_147 to %scan3A_149 step %scan3A_150  : i32 {
          %mul3A_158 = arith.constant 16 : i32
          %mul3A_159 = arith.muli %scan3A_157, %mul3A_158 : i32
          %add3A_160 = arith.addi %mul3A_145, %mul3A_159 : i32
          %get3A = arith.index_cast %add3A_160 : i32 to index
          %get3A_161 = tpu.vector_load %arg10[%get3A] {strides = array<i32>} : memref<10000xi32, #tpu.memory_space<vmem>>, vector<16xi32>,
          %broadcast_in_dim3A = arith.constant 0.000000e+00 : f32
          %broadcast_in_dim3A_162 = vector.broadcast %broadcast_in_dim3A : f32 to vector<16xf32>
          %slice3A = vector.extract_strided_slice %get3A_161 {offsets = [0], sizes = [1], strides = [1]} : vector<16xi32> to vector<1xi32>
          %squeeze3A = vector.extract %slice3A[0] : i32 from vector<1xi32>
          %add3A_163 = arith.constant 0 : i32
          %add3A_164 = arith.addi %mul3A_159, %add3A_163 : i32
          %get3A_165 = arith.index_cast %add3A_164 : i32 to index
          %get3A_166 = arith.constant 0 : index
          %get3A_167 = tpu.vector_load %arg13[%get3A_165, %get3A_166] {strides = array<i32>} : memref<80x128xf32, #tpu.memory_space<vmem>>, vector<16xf32>,
          %bitcast3A = vector.bitcast %get3A_167 : vector<16xf32> to vector<32xbf16>
          %get3A_168 = arith.index_cast %squeeze3A : i32 to index
          %get3A_169 = arith.constant 0 : index
          %get3A_170 = tpu.vector_load %arg12[%get3A_168, %get3A_169] {strides = array<i32>} : memref<237x64xf32, #tpu.memory_space<vmem>>, vector<16xf32>,
          %bitcast3A_171 = vector.bitcast %get3A_170 : vector<16xf32> to vector<32xbf16>
          %get3A_172 = arith.index_cast %add3A_164 : i32 to index
          %get3A_173 = arith.constant 0 : index
          %get3A_174 = tpu.vector_load %arg15[%get3A_172, %get3A_173] {strides = array<i32>} : memref<80x128xf32, #tpu.memory_space<vmem>>, vector<16xf32>,
          %bitcast3A_175 = vector.bitcast %get3A_174 : vector<16xf32> to vector<32xbf16>
          %mul3A_176 = arith.mulf %bitcast3A, %bitcast3A_171 : vector<32xbf16>
          %mul3A_177 = arith.mulf %mul3A_176, %bitcast3A_175 : vector<32xbf16>
          %unpack3A = tpu.unpack_subelements %mul3A_177, 0 {pack_format = #tpu.pack_format<interleaved>} : vector<32xbf16> -> vector<16xf32>
          %unpack3A_178 = tpu.unpack_subelements %mul3A_177, 1 {pack_format = #tpu.pack_format<interleaved>} : vector<32xbf16> -> vector<16xf32>
          %get3A_179 = arith.index_cast %add3A_164 : i32 to index
          %get3A_180 = arith.constant 16 : index
          %get3A_181 = tpu.vector_load %arg13[%get3A_179, %get3A_180] {strides = array<i32>} : memref<80x128xf32, #tpu.memory_space<vmem>>, vector<16xf32>,
          %bitcast3A_182 = vector.bitcast %get3A_181 : vector<16xf32> to vector<32xbf16>
          %get3A_183 = arith.index_cast %squeeze3A : i32 to index
          %get3A_184 = arith.constant 16 : index
          %get3A_185 = tpu.vector_load %arg12[%get3A_183, %get3A_184] {strides = array<i32>} : memref<237x64xf32, #tpu.memory_space<vmem>>, vector<16xf32>,
          %bitcast3A_186 = vector.bitcast %get3A_185 : vector<16xf32> to vector<32xbf16>
          %get3A_187 = arith.index_cast %add3A_164 : i32 to index
          %get3A_188 = arith.constant 16 : index
          %get3A_189 = tpu.vector_load %arg15[%get3A_187, %get3A_188] {strides = array<i32>} : memref<80x128xf32, #tpu.memory_space<vmem>>, vector<16xf32>,
          %bitcast3A_190 = vector.bitcast %get3A_189 : vector<16xf32> to vector<32xbf16>
          %mul3A_191 = arith.mulf %bitcast3A_182, %bitcast3A_186 : vector<32xbf16>
          %mul3A_192 = arith.mulf %mul3A_191, %bitcast3A_190 : vector<32xbf16>
          %unpack3A_193 = tpu.unpack_subelements %mul3A_192, 0 {pack_format = #tpu.pack_format<interleaved>} : vector<32xbf16> -> vector<16xf32>
          %unpack3A_194 = tpu.unpack_subelements %mul3A_192, 1 {pack_format = #tpu.pack_format<interleaved>} : vector<32xbf16> -> vector<16xf32>
          %add3A_195 = arith.addf %unpack3A, %unpack3A_193 : vector<16xf32>
          %add3A_196 = arith.addf %unpack3A_178, %unpack3A_194 : vector<16xf32>
          %get3A_197 = arith.index_cast %add3A_164 : i32 to index
          %get3A_198 = arith.constant 32 : index
          %get3A_199 = tpu.vector_load %arg13[%get3A_197, %get3A_198] {strides = array<i32>} : memref<80x128xf32, #tpu.memory_space<vmem>>, vector<16xf32>,
          %bitcast3A_200 = vector.bitcast %get3A_199 : vector<16xf32> to vector<32xbf16>
          %get3A_201 = arith.index_cast %squeeze3A : i32 to index
          %get3A_202 = arith.constant 32 : index
          %get3A_203 = tpu.vector_load %arg12[%get3A_201, %get3A_202] {strides = array<i32>} : memref<237x64xf32, #tpu.memory_space<vmem>>, vector<16xf32>,
          %bitcast3A_204 = vector.bitcast %get3A_203 : vector<16xf32> to vector<32xbf16>
          %get3A_205 = arith.index_cast %add3A_164 : i32 to index
          %get3A_206 = arith.constant 32 : index
          %get3A_207 = tpu.vector_load %arg15[%get3A_205, %get3A_206] {strides = array<i32>} : memref<80x128xf32, #tpu.memory_space<vmem>>, vector<16xf32>,
          %bitcast3A_208 = vector.bitcast %get3A_207 : vector<16xf32> to vector<32xbf16>
          %mul3A_209 = arith.mulf %bitcast3A_200, %bitcast3A_204 : vector<32xbf16>
          %mul3A_210 = arith.mulf %mul3A_209, %bitcast3A_208 : vector<32xbf16>
          %unpack3A_211 = tpu.unpack_subelements %mul3A_210, 0 {pack_format = #tpu.pack_format<interleaved>} : vector<32xbf16> -> vector<16xf32>
          %unpack3A_212 = tpu.unpack_subelements %mul3A_210, 1 {pack_format = #tpu.pack_format<interleaved>} : vector<32xbf16> -> vector<16xf32>
          %add3A_213 = arith.addf %add3A_195, %unpack3A_211 : vector<16xf32>
          %add3A_214 = arith.addf %add3A_196, %unpack3A_212 : vector<16xf32>
          %get3A_215 = arith.index_cast %add3A_164 : i32 to index
          %get3A_216 = arith.constant 48 : index
          %get3A_217 = tpu.vector_load %arg13[%get3A_215, %get3A_216] {strides = array<i32>} : memref<80x128xf32, #tpu.memory_space<vmem>>, vector<16xf32>,
          %bitcast3A_218 = vector.bitcast %get3A_217 : vector<16xf32> to vector<32xbf16>
          %get3A_219 = arith.index_cast %squeeze3A : i32 to index
          %get3A_220 = arith.constant 48 : index
          %get3A_221 = tpu.vector_load %arg12[%get3A_219, %get3A_220] {strides = array<i32>} : memref<237x64xf32, #tpu.memory_space<vmem>>, vector<16xf32>,
          %bitcast3A_222 = vector.bitcast %get3A_221 : vector<16xf32> to vector<32xbf16>
          %get3A_223 = arith.index_cast %add3A_164 : i32 to index
          %get3A_224 = arith.constant 48 : index
          %get3A_225 = tpu.vector_load %arg15[%get3A_223, %get3A_224] {strides = array<i32>} : memref<80x128xf32, #tpu.memory_space<vmem>>, vector<16xf32>,
          %bitcast3A_226 = vector.bitcast %get3A_225 : vector<16xf32> to vector<32xbf16>
          %mul3A_227 = arith.mulf %bitcast3A_218, %bitcast3A_222 : vector<32xbf16>
          %mul3A_228 = arith.mulf %mul3A_227, %bitcast3A_226 : vector<32xbf16>
          %unpack3A_229 = tpu.unpack_subelements %mul3A_228, 0 {pack_format = #tpu.pack_format<interleaved>} : vector<32xbf16> -> vector<16xf32>
          %unpack3A_230 = tpu.unpack_subelements %mul3A_228, 1 {pack_format = #tpu.pack_format<interleaved>} : vector<32xbf16> -> vector<16xf32>
          %add3A_231 = arith.addf %add3A_213, %unpack3A_229 : vector<16xf32>
          %add3A_232 = arith.addf %add3A_214, %unpack3A_230 : vector<16xf32>
          %eq3A_233 = arith.constant 0 : i32
          %eq3A_234 = vector.broadcast %eq3A_233 : i32 to vector<16xi32>
          %eq3A_235 = arith.cmpi eq, %iota3A, %eq3A_234 : vector<16xi32>
          %add3A_236 = arith.addf %add3A_231, %add3A_232 : vector<16xf32>
          %reduce_sum3A = arith.constant true
          %reduce_sum3A_237 = vector.broadcast %reduce_sum3A : i1 to vector<16xi1>
          %reduce_sum3A_238 = tpu.scan <sum>, %add3A_236 masked %reduce_sum3A_237 : vector<16xf32>, vector<16xi1> -> vector<16xf32>
          %reduce_sum3A_239 = vector.extract %reduce_sum3A_238[15] : f32 from vector<16xf32>
          %broadcast_in_dim3A_240 = vector.broadcast %reduce_sum3A_239 : f32 to vector<16xf32>
          %select_n3A = arith.select %eq3A_235, %broadcast_in_dim3A_240, %broadcast_in_dim3A_162 : vector<16xi1>, vector<16xf32>
          %slice3A_241 = vector.extract_strided_slice %get3A_161 {offsets = [1], sizes = [1], strides = [1]} : vector<16xi32> to vector<1xi32>
          %squeeze3A_242 = vector.extract %slice3A_241[0] : i32 from vector<1xi32>
          %add3A_243 = arith.constant 1 : i32
          %add3A_244 = arith.addi %mul3A_159, %add3A_243 : i32
          %get3A_245 = arith.index_cast %add3A_244 : i32 to index
          %get3A_246 = arith.constant 0 : index
          %get3A_247 = tpu.vector_load %arg13[%get3A_245, %get3A_246] {strides = array<i32>} : memref<80x128xf32, #tpu.memory_space<vmem>>, vector<16xf32>,
          %bitcast3A_248 = vector.bitcast %get3A_247 : vector<16xf32> to vector<32xbf16>
          %get3A_249 = arith.index_cast %squeeze3A_242 : i32 to index
          %get3A_250 = arith.constant 0 : index
          %get3A_251 = tpu.vector_load %arg12[%get3A_249, %get3A_250] {strides = array<i32>} : memref<237x64xf32, #tpu.memory_space<vmem>>, vector<16xf32>,
          %bitcast3A_252 = vector.bitcast %get3A_251 : vector<16xf32> to vector<32xbf16>
          %get3A_253 = arith.index_cast %add3A_244 : i32 to index
          %get3A_254 = arith.constant 0 : index
          %get3A_255 = tpu.vector_load %arg15[%get3A_253, %get3A_254] {strides = array<i32>} : memref<80x128xf32, #tpu.memory_space<vmem>>, vector<16xf32>,
          %bitcast3A_256 = vector.bitcast %get3A_255 : vector<16xf32> to vector<32xbf16>
          %mul3A_257 = arith.mulf %bitcast3A_248, %bitcast3A_252 : vector<32xbf16>
          %mul3A_258 = arith.mulf %mul3A_257, %bitcast3A_256 : vector<32xbf16>
          %unpack3A_259 = tpu.unpack_subelements %mul3A_258, 0 {pack_format = #tpu.pack_format<interleaved>} : vector<32xbf16> -> vector<16xf32>
          %unpack3A_260 = tpu.unpack_subelements %mul3A_258, 1 {pack_format = #tpu.pack_format<interleaved>} : vector<32xbf16> -> vector<16xf32>
          %get3A_261 = arith.index_cast %add3A_244 : i32 to index
          %get3A_262 = arith.constant 16 : index
          %get3A_263 = tpu.vector_load %arg13[%get3A_261, %get3A_262] {strides = array<i32>} : memref<80x128xf32, #tpu.memory_space<vmem>>, vector<16xf32>,
          %bitcast3A_264 = vector.bitcast %get3A_263 : vector<16xf32> to vector<32xbf16>
          %get3A_265 = arith.index_cast %squeeze3A_242 : i32 to index
          %get3A_266 = arith.constant 16 : index
          %get3A_267 = tpu.vector_load %arg12[%get3A_265, %get3A_266] {strides = array<i32>} : memref<237x64xf32, #tpu.memory_space<vmem>>, vector<16xf32>,
          %bitcast3A_268 = vector.bitcast %get3A_267 : vector<16xf32> to vector<32xbf16>
          %get3A_269 = arith.index_cast %add3A_244 : i32 to index
          %get3A_270 = arith.constant 16 : index
          %get3A_271 = tpu.vector_load %arg15[%get3A_269, %get3A_270] {strides = array<i32>} : memref<80x128xf32, #tpu.memory_space<vmem>>, vector<16xf32>,
          %bitcast3A_272 = vector.bitcast %get3A_271 : vector<16xf32> to vector<32xbf16>
          %mul3A_273 = arith.mulf %bitcast3A_264, %bitcast3A_268 : vector<32xbf16>
          %mul3A_274 = arith.mulf %mul3A_273, %bitcast3A_272 : vector<32xbf16>
          %unpack3A_275 = tpu.unpack_subelements %mul3A_274, 0 {pack_format = #tpu.pack_format<interleaved>} : vector<32xbf16> -> vector<16xf32>
          %unpack3A_276 = tpu.unpack_subelements %mul3A_274, 1 {pack_format = #tpu.pack_format<interleaved>} : vector<32xbf16> -> vector<16xf32>
          %add3A_277 = arith.addf %unpack3A_259, %unpack3A_275 : vector<16xf32>
          %add3A_278 = arith.addf %unpack3A_260, %unpack3A_276 : vector<16xf32>
          %get3A_279 = arith.index_cast %add3A_244 : i32 to index
          %get3A_280 = arith.constant 32 : index
          %get3A_281 = tpu.vector_load %arg13[%get3A_279, %get3A_280] {strides = array<i32>} : memref<80x128xf32, #tpu.memory_space<vmem>>, vector<16xf32>,
          %bitcast3A_282 = vector.bitcast %get3A_281 : vector<16xf32> to vector<32xbf16>
          %get3A_283 = arith.index_cast %squeeze3A_242 : i32 to index
          %get3A_284 = arith.constant 32 : index
          %get3A_285 = tpu.vector_load %arg12[%get3A_283, %get3A_284] {strides = array<i32>} : memref<237x64xf32, #tpu.memory_space<vmem>>, vector<16xf32>,
          %bitcast3A_286 = vector.bitcast %get3A_285 : vector<16xf32> to vector<32xbf16>
          %get3A_287 = arith.index_cast %add3A_244 : i32 to index
          %get3A_288 = arith.constant 32 : index
          %get3A_289 = tpu.vector_load %arg15[%get3A_287, %get3A_288] {strides = array<i32>} : memref<80x128xf32, #tpu.memory_space<vmem>>, vector<16xf32>,
          %bitcast3A_290 = vector.bitcast %get3A_289 : vector<16xf32> to vector<32xbf16>
          %mul3A_291 = arith.mulf %bitcast3A_282, %bitcast3A_286 : vector<32xbf16>
          %mul3A_292 = arith.mulf %mul3A_291, %bitcast3A_290 : vector<32xbf16>
          %unpack3A_293 = tpu.unpack_subelements %mul3A_292, 0 {pack_format = #tpu.pack_format<interleaved>} : vector<32xbf16> -> vector<16xf32>
          %unpack3A_294 = tpu.unpack_subelements %mul3A_292, 1 {pack_format = #tpu.pack_format<interleaved>} : vector<32xbf16> -> vector<16xf32>
          %add3A_295 = arith.addf %add3A_277, %unpack3A_293 : vector<16xf32>
          %add3A_296 = arith.addf %add3A_278, %unpack3A_294 : vector<16xf32>
          %get3A_297 = arith.index_cast %add3A_244 : i32 to index
          %get3A_298 = arith.constant 48 : index
          %get3A_299 = tpu.vector_load %arg13[%get3A_297, %get3A_298] {strides = array<i32>} : memref<80x128xf32, #tpu.memory_space<vmem>>, vector<16xf32>,
          %bitcast3A_300 = vector.bitcast %get3A_299 : vector<16xf32> to vector<32xbf16>
          %get3A_301 = arith.index_cast %squeeze3A_242 : i32 to index
          %get3A_302 = arith.constant 48 : index
          %get3A_303 = tpu.vector_load %arg12[%get3A_301, %get3A_302] {strides = array<i32>} : memref<237x64xf32, #tpu.memory_space<vmem>>, vector<16xf32>,
          %bitcast3A_304 = vector.bitcast %get3A_303 : vector<16xf32> to vector<32xbf16>
          %get3A_305 = arith.index_cast %add3A_244 : i32 to index
          %get3A_306 = arith.constant 48 : index
          %get3A_307 = tpu.vector_load %arg15[%get3A_305, %get3A_306] {strides = array<i32>} : memref<80x128xf32, #tpu.memory_space<vmem>>, vector<16xf32>,
          %bitcast3A_308 = vector.bitcast %get3A_307 : vector<16xf32> to vector<32xbf16>
          %mul3A_309 = arith.mulf %bitcast3A_300, %bitcast3A_304 : vector<32xbf16>
          %mul3A_310 = arith.mulf %mul3A_309, %bitcast3A_308 : vector<32xbf16>
          %unpack3A_311 = tpu.unpack_subelements %mul3A_310, 0 {pack_format = #tpu.pack_format<interleaved>} : vector<32xbf16> -> vector<16xf32>
          %unpack3A_312 = tpu.unpack_subelements %mul3A_310, 1 {pack_format = #tpu.pack_format<interleaved>} : vector<32xbf16> -> vector<16xf32>
          %add3A_313 = arith.addf %add3A_295, %unpack3A_311 : vector<16xf32>
          %add3A_314 = arith.addf %add3A_296, %unpack3A_312 : vector<16xf32>
          %eq3A_315 = arith.constant 1 : i32
          %eq3A_316 = vector.broadcast %eq3A_315 : i32 to vector<16xi32>
          %eq3A_317 = arith.cmpi eq, %iota3A, %eq3A_316 : vector<16xi32>
          %add3A_318 = arith.addf %add3A_313, %add3A_314 : vector<16xf32>
          %reduce_sum3A_319 = arith.constant true
          %reduce_sum3A_320 = vector.broadcast %reduce_sum3A_319 : i1 to vector<16xi1>
          %reduce_sum3A_321 = tpu.scan <sum>, %add3A_318 masked %reduce_sum3A_320 : vector<16xf32>, vector<16xi1> -> vector<16xf32>
          %reduce_sum3A_322 = vector.extract %reduce_sum3A_321[15] : f32 from vector<16xf32>
          %broadcast_in_dim3A_323 = vector.broadcast %reduce_sum3A_322 : f32 to vector<16xf32>
          %select_n3A_324 = arith.select %eq3A_317, %broadcast_in_dim3A_323, %select_n3A : vector<16xi1>, vector<16xf32>
          %slice3A_325 = vector.extract_strided_slice %get3A_161 {offsets = [2], sizes = [1], strides = [1]} : vector<16xi32> to vector<1xi32>
          %squeeze3A_326 = vector.extract %slice3A_325[0] : i32 from vector<1xi32>
          %add3A_327 = arith.constant 2 : i32
          %add3A_328 = arith.addi %mul3A_159, %add3A_327 : i32
          %get3A_329 = arith.index_cast %add3A_328 : i32 to index
          %get3A_330 = arith.constant 0 : index
          %get3A_331 = tpu.vector_load %arg13[%get3A_329, %get3A_330] {strides = array<i32>} : memref<80x128xf32, #tpu.memory_space<vmem>>, vector<16xf32>,
          %bitcast3A_332 = vector.bitcast %get3A_331 : vector<16xf32> to vector<32xbf16>
          %get3A_333 = arith.index_cast %squeeze3A_326 : i32 to index
          %get3A_334 = arith.constant 0 : index
          %get3A_335 = tpu.vector_load %arg12[%get3A_333, %get3A_334] {strides = array<i32>} : memref<237x64xf32, #tpu.memory_space<vmem>>, vector<16xf32>,
          %bitcast3A_336 = vector.bitcast %get3A_335 : vector<16xf32> to vector<32xbf16>
          %get3A_337 = arith.index_cast %add3A_328 : i32 to index
          %get3A_338 = arith.constant 0 : index
          %get3A_339 = tpu.vector_load %arg15[%get3A_337, %get3A_338] {strides = array<i32>} : memref<80x128xf32, #tpu.memory_space<vmem>>, vector<16xf32>,
          %bitcast3A_340 = vector.bitcast %get3A_339 : vector<16xf32> to vector<32xbf16>
          %mul3A_341 = arith.mulf %bitcast3A_332, %bitcast3A_336 : vector<32xbf16>
          %mul3A_342 = arith.mulf %mul3A_341, %bitcast3A_340 : vector<32xbf16>
          %unpack3A_343 = tpu.unpack_subelements %mul3A_342, 0 {pack_format = #tpu.pack_format<interleaved>} : vector<32xbf16> -> vector<16xf32>
          %unpack3A_344 = tpu.unpack_subelements %mul3A_342, 1 {pack_format = #tpu.pack_format<interleaved>} : vector<32xbf16> -> vector<16xf32>
          %get3A_345 = arith.index_cast %add3A_328 : i32 to index
          %get3A_346 = arith.constant 16 : index
          %get3A_347 = tpu.vector_load %arg13[%get3A_345, %get3A_346] {strides = array<i32>} : memref<80x128xf32, #tpu.memory_space<vmem>>, vector<16xf32>,
          %bitcast3A_348 = vector.bitcast %get3A_347 : vector<16xf32> to vector<32xbf16>
          %get3A_349 = arith.index_cast %squeeze3A_326 : i32 to index
          %get3A_350 = arith.constant 16 : index
          %get3A_351 = tpu.vector_load %arg12[%get3A_349, %get3A_350] {strides = array<i32>} : memref<237x64xf32, #tpu.memory_space<vmem>>, vector<16xf32>,
          %bitcast3A_352 = vector.bitcast %get3A_351 : vector<16xf32> to vector<32xbf16>
          %get3A_353 = arith.index_cast %add3A_328 : i32 to index
          %get3A_354 = arith.constant 16 : index
          %get3A_355 = tpu.vector_load %arg15[%get3A_353, %get3A_354] {strides = array<i32>} : memref<80x128xf32, #tpu.memory_space<vmem>>, vector<16xf32>,
          %bitcast3A_356 = vector.bitcast %get3A_355 : vector<16xf32> to vector<32xbf16>
          %mul3A_357 = arith.mulf %bitcast3A_348, %bitcast3A_352 : vector<32xbf16>
          %mul3A_358 = arith.mulf %mul3A_357, %bitcast3A_356 : vector<32xbf16>
          %unpack3A_359 = tpu.unpack_subelements %mul3A_358, 0 {pack_format = #tpu.pack_format<interleaved>} : vector<32xbf16> -> vector<16xf32>
          %unpack3A_360 = tpu.unpack_subelements %mul3A_358, 1 {pack_format = #tpu.pack_format<interleaved>} : vector<32xbf16> -> vector<16xf32>
          %add3A_361 = arith.addf %unpack3A_343, %unpack3A_359 : vector<16xf32>
          %add3A_362 = arith.addf %unpack3A_344, %unpack3A_360 : vector<16xf32>
          %get3A_363 = arith.index_cast %add3A_328 : i32 to index
          %get3A_364 = arith.constant 32 : index
          %get3A_365 = tpu.vector_load %arg13[%get3A_363, %get3A_364] {strides = array<i32>} : memref<80x128xf32, #tpu.memory_space<vmem>>, vector<16xf32>,
          %bitcast3A_366 = vector.bitcast %get3A_365 : vector<16xf32> to vector<32xbf16>
          %get3A_367 = arith.index_cast %squeeze3A_326 : i32 to index
          %get3A_368 = arith.constant 32 : index
          %get3A_369 = tpu.vector_load %arg12[%get3A_367, %get3A_368] {strides = array<i32>} : memref<237x64xf32, #tpu.memory_space<vmem>>, vector<16xf32>,
          %bitcast3A_370 = vector.bitcast %get3A_369 : vector<16xf32> to vector<32xbf16>
          %get3A_371 = arith.index_cast %add3A_328 : i32 to index
          %get3A_372 = arith.constant 32 : index
          %get3A_373 = tpu.vector_load %arg15[%get3A_371, %get3A_372] {strides = array<i32>} : memref<80x128xf32, #tpu.memory_space<vmem>>, vector<16xf32>,
          %bitcast3A_374 = vector.bitcast %get3A_373 : vector<16xf32> to vector<32xbf16>
          %mul3A_375 = arith.mulf %bitcast3A_366, %bitcast3A_370 : vector<32xbf16>
          %mul3A_376 = arith.mulf %mul3A_375, %bitcast3A_374 : vector<32xbf16>
          %unpack3A_377 = tpu.unpack_subelements %mul3A_376, 0 {pack_format = #tpu.pack_format<interleaved>} : vector<32xbf16> -> vector<16xf32>
          %unpack3A_378 = tpu.unpack_subelements %mul3A_376, 1 {pack_format = #tpu.pack_format<interleaved>} : vector<32xbf16> -> vector<16xf32>
          %add3A_379 = arith.addf %add3A_361, %unpack3A_377 : vector<16xf32>
          %add3A_380 = arith.addf %add3A_362, %unpack3A_378 : vector<16xf32>
          %get3A_381 = arith.index_cast %add3A_328 : i32 to index
          %get3A_382 = arith.constant 48 : index
          %get3A_383 = tpu.vector_load %arg13[%get3A_381, %get3A_382] {strides = array<i32>} : memref<80x128xf32, #tpu.memory_space<vmem>>, vector<16xf32>,
          %bitcast3A_384 = vector.bitcast %get3A_383 : vector<16xf32> to vector<32xbf16>
          %get3A_385 = arith.index_cast %squeeze3A_326 : i32 to index
          %get3A_386 = arith.constant 48 : index
          %get3A_387 = tpu.vector_load %arg12[%get3A_385, %get3A_386] {strides = array<i32>} : memref<237x64xf32, #tpu.memory_space<vmem>>, vector<16xf32>,
          %bitcast3A_388 = vector.bitcast %get3A_387 : vector<16xf32> to vector<32xbf16>
          %get3A_389 = arith.index_cast %add3A_328 : i32 to index
          %get3A_390 = arith.constant 48 : index
          %get3A_391 = tpu.vector_load %arg15[%get3A_389, %get3A_390] {strides = array<i32>} : memref<80x128xf32, #tpu.memory_space<vmem>>, vector<16xf32>,
          %bitcast3A_392 = vector.bitcast %get3A_391 : vector<16xf32> to vector<32xbf16>
          %mul3A_393 = arith.mulf %bitcast3A_384, %bitcast3A_388 : vector<32xbf16>
          %mul3A_394 = arith.mulf %mul3A_393, %bitcast3A_392 : vector<32xbf16>
          %unpack3A_395 = tpu.unpack_subelements %mul3A_394, 0 {pack_format = #tpu.pack_format<interleaved>} : vector<32xbf16> -> vector<16xf32>
          %unpack3A_396 = tpu.unpack_subelements %mul3A_394, 1 {pack_format = #tpu.pack_format<interleaved>} : vector<32xbf16> -> vector<16xf32>
          %add3A_397 = arith.addf %add3A_379, %unpack3A_395 : vector<16xf32>
          %add3A_398 = arith.addf %add3A_380, %unpack3A_396 : vector<16xf32>
          %eq3A_399 = arith.constant 2 : i32
          %eq3A_400 = vector.broadcast %eq3A_399 : i32 to vector<16xi32>
          %eq3A_401 = arith.cmpi eq, %iota3A, %eq3A_400 : vector<16xi32>
          %add3A_402 = arith.addf %add3A_397, %add3A_398 : vector<16xf32>
          %reduce_sum3A_403 = arith.constant true
          %reduce_sum3A_404 = vector.broadcast %reduce_sum3A_403 : i1 to vector<16xi1>
          %reduce_sum3A_405 = tpu.scan <sum>, %add3A_402 masked %reduce_sum3A_404 : vector<16xf32>, vector<16xi1> -> vector<16xf32>
          %reduce_sum3A_406 = vector.extract %reduce_sum3A_405[15] : f32 from vector<16xf32>
          %broadcast_in_dim3A_407 = vector.broadcast %reduce_sum3A_406 : f32 to vector<16xf32>
          %select_n3A_408 = arith.select %eq3A_401, %broadcast_in_dim3A_407, %select_n3A_324 : vector<16xi1>, vector<16xf32>
          %slice3A_409 = vector.extract_strided_slice %get3A_161 {offsets = [3], sizes = [1], strides = [1]} : vector<16xi32> to vector<1xi32>
          %squeeze3A_410 = vector.extract %slice3A_409[0] : i32 from vector<1xi32>
          %add3A_411 = arith.constant 3 : i32
          %add3A_412 = arith.addi %mul3A_159, %add3A_411 : i32
          %get3A_413 = arith.index_cast %add3A_412 : i32 to index
          %get3A_414 = arith.constant 0 : index
          %get3A_415 = tpu.vector_load %arg13[%get3A_413, %get3A_414] {strides = array<i32>} : memref<80x128xf32, #tpu.memory_space<vmem>>, vector<16xf32>,
          %bitcast3A_416 = vector.bitcast %get3A_415 : vector<16xf32> to vector<32xbf16>
          %get3A_417 = arith.index_cast %squeeze3A_410 : i32 to index
          %get3A_418 = arith.constant 0 : index
          %get3A_419 = tpu.vector_load %arg12[%get3A_417, %get3A_418] {strides = array<i32>} : memref<237x64xf32, #tpu.memory_space<vmem>>, vector<16xf32>,
          %bitcast3A_420 = vector.bitcast %get3A_419 : vector<16xf32> to vector<32xbf16>
          %get3A_421 = arith.index_cast %add3A_412 : i32 to index
          %get3A_422 = arith.constant 0 : index
          %get3A_423 = tpu.vector_load %arg15[%get3A_421, %get3A_422] {strides = array<i32>} : memref<80x128xf32, #tpu.memory_space<vmem>>, vector<16xf32>,
          %bitcast3A_424 = vector.bitcast %get3A_423 : vector<16xf32> to vector<32xbf16>
          %mul3A_425 = arith.mulf %bitcast3A_416, %bitcast3A_420 : vector<32xbf16>
          %mul3A_426 = arith.mulf %mul3A_425, %bitcast3A_424 : vector<32xbf16>
          %unpack3A_427 = tpu.unpack_subelements %mul3A_426, 0 {pack_format = #tpu.pack_format<interleaved>} : vector<32xbf16> -> vector<16xf32>
          %unpack3A_428 = tpu.unpack_subelements %mul3A_426, 1 {pack_format = #tpu.pack_format<interleaved>} : vector<32xbf16> -> vector<16xf32>
          %get3A_429 = arith.index_cast %add3A_412 : i32 to index
          %get3A_430 = arith.constant 16 : index
          %get3A_431 = tpu.vector_load %arg13[%get3A_429, %get3A_430] {strides = array<i32>} : memref<80x128xf32, #tpu.memory_space<vmem>>, vector<16xf32>,
          %bitcast3A_432 = vector.bitcast %get3A_431 : vector<16xf32> to vector<32xbf16>
          %get3A_433 = arith.index_cast %squeeze3A_410 : i32 to index
          %get3A_434 = arith.constant 16 : index
          %get3A_435 = tpu.vector_load %arg12[%get3A_433, %get3A_434] {strides = array<i32>} : memref<237x64xf32, #tpu.memory_space<vmem>>, vector<16xf32>,
          %bitcast3A_436 = vector.bitcast %get3A_435 : vector<16xf32> to vector<32xbf16>
          %get3A_437 = arith.index_cast %add3A_412 : i32 to index
          %get3A_438 = arith.constant 16 : index
          %get3A_439 = tpu.vector_load %arg15[%get3A_437, %get3A_438] {strides = array<i32>} : memref<80x128xf32, #tpu.memory_space<vmem>>, vector<16xf32>,
          %bitcast3A_440 = vector.bitcast %get3A_439 : vector<16xf32> to vector<32xbf16>
          %mul3A_441 = arith.mulf %bitcast3A_432, %bitcast3A_436 : vector<32xbf16>
          %mul3A_442 = arith.mulf %mul3A_441, %bitcast3A_440 : vector<32xbf16>
          %unpack3A_443 = tpu.unpack_subelements %mul3A_442, 0 {pack_format = #tpu.pack_format<interleaved>} : vector<32xbf16> -> vector<16xf32>
          %unpack3A_444 = tpu.unpack_subelements %mul3A_442, 1 {pack_format = #tpu.pack_format<interleaved>} : vector<32xbf16> -> vector<16xf32>
          %add3A_445 = arith.addf %unpack3A_427, %unpack3A_443 : vector<16xf32>
          %add3A_446 = arith.addf %unpack3A_428, %unpack3A_444 : vector<16xf32>
          %get3A_447 = arith.index_cast %add3A_412 : i32 to index
          %get3A_448 = arith.constant 32 : index
          %get3A_449 = tpu.vector_load %arg13[%get3A_447, %get3A_448] {strides = array<i32>} : memref<80x128xf32, #tpu.memory_space<vmem>>, vector<16xf32>,
          %bitcast3A_450 = vector.bitcast %get3A_449 : vector<16xf32> to vector<32xbf16>
          %get3A_451 = arith.index_cast %squeeze3A_410 : i32 to index
          %get3A_452 = arith.constant 32 : index
          %get3A_453 = tpu.vector_load %arg12[%get3A_451, %get3A_452] {strides = array<i32>} : memref<237x64xf32, #tpu.memory_space<vmem>>, vector<16xf32>,
          %bitcast3A_454 = vector.bitcast %get3A_453 : vector<16xf32> to vector<32xbf16>
          %get3A_455 = arith.index_cast %add3A_412 : i32 to index
          %get3A_456 = arith.constant 32 : index
          %get3A_457 = tpu.vector_load %arg15[%get3A_455, %get3A_456] {strides = array<i32>} : memref<80x128xf32, #tpu.memory_space<vmem>>, vector<16xf32>,
          %bitcast3A_458 = vector.bitcast %get3A_457 : vector<16xf32> to vector<32xbf16>
          %mul3A_459 = arith.mulf %bitcast3A_450, %bitcast3A_454 : vector<32xbf16>
          %mul3A_460 = arith.mulf %mul3A_459, %bitcast3A_458 : vector<32xbf16>
          %unpack3A_461 = tpu.unpack_subelements %mul3A_460, 0 {pack_format = #tpu.pack_format<interleaved>} : vector<32xbf16> -> vector<16xf32>
          %unpack3A_462 = tpu.unpack_subelements %mul3A_460, 1 {pack_format = #tpu.pack_format<interleaved>} : vector<32xbf16> -> vector<16xf32>
          %add3A_463 = arith.addf %add3A_445, %unpack3A_461 : vector<16xf32>
          %add3A_464 = arith.addf %add3A_446, %unpack3A_462 : vector<16xf32>
          %get3A_465 = arith.index_cast %add3A_412 : i32 to index
          %get3A_466 = arith.constant 48 : index
          %get3A_467 = tpu.vector_load %arg13[%get3A_465, %get3A_466] {strides = array<i32>} : memref<80x128xf32, #tpu.memory_space<vmem>>, vector<16xf32>,
          %bitcast3A_468 = vector.bitcast %get3A_467 : vector<16xf32> to vector<32xbf16>
          %get3A_469 = arith.index_cast %squeeze3A_410 : i32 to index
          %get3A_470 = arith.constant 48 : index
          %get3A_471 = tpu.vector_load %arg12[%get3A_469, %get3A_470] {strides = array<i32>} : memref<237x64xf32, #tpu.memory_space<vmem>>, vector<16xf32>,
          %bitcast3A_472 = vector.bitcast %get3A_471 : vector<16xf32> to vector<32xbf16>
          %get3A_473 = arith.index_cast %add3A_412 : i32 to index
          %get3A_474 = arith.constant 48 : index
          %get3A_475 = tpu.vector_load %arg15[%get3A_473, %get3A_474] {strides = array<i32>} : memref<80x128xf32, #tpu.memory_space<vmem>>, vector<16xf32>,
          %bitcast3A_476 = vector.bitcast %get3A_475 : vector<16xf32> to vector<32xbf16>
          %mul3A_477 = arith.mulf %bitcast3A_468, %bitcast3A_472 : vector<32xbf16>
          %mul3A_478 = arith.mulf %mul3A_477, %bitcast3A_476 : vector<32xbf16>
          %unpack3A_479 = tpu.unpack_subelements %mul3A_478, 0 {pack_format = #tpu.pack_format<interleaved>} : vector<32xbf16> -> vector<16xf32>
          %unpack3A_480 = tpu.unpack_subelements %mul3A_478, 1 {pack_format = #tpu.pack_format<interleaved>} : vector<32xbf16> -> vector<16xf32>
          %add3A_481 = arith.addf %add3A_463, %unpack3A_479 : vector<16xf32>
          %add3A_482 = arith.addf %add3A_464, %unpack3A_480 : vector<16xf32>
          %eq3A_483 = arith.constant 3 : i32
          %eq3A_484 = vector.broadcast %eq3A_483 : i32 to vector<16xi32>
          %eq3A_485 = arith.cmpi eq, %iota3A, %eq3A_484 : vector<16xi32>
          %add3A_486 = arith.addf %add3A_481, %add3A_482 : vector<16xf32>
          %reduce_sum3A_487 = arith.constant true
          %reduce_sum3A_488 = vector.broadcast %reduce_sum3A_487 : i1 to vector<16xi1>
          %reduce_sum3A_489 = tpu.scan <sum>, %add3A_486 masked %reduce_sum3A_488 : vector<16xf32>, vector<16xi1> -> vector<16xf32>
          %reduce_sum3A_490 = vector.extract %reduce_sum3A_489[15] : f32 from vector<16xf32>
          %broadcast_in_dim3A_491 = vector.broadcast %reduce_sum3A_490 : f32 to vector<16xf32>
          %select_n3A_492 = arith.select %eq3A_485, %broadcast_in_dim3A_491, %select_n3A_408 : vector<16xi1>, vector<16xf32>
          %slice3A_493 = vector.extract_strided_slice %get3A_161 {offsets = [4], sizes = [1], strides = [1]} : vector<16xi32> to vector<1xi32>
          %squeeze3A_494 = vector.extract %slice3A_493[0] : i32 from vector<1xi32>
          %add3A_495 = arith.constant 4 : i32
          %add3A_496 = arith.addi %mul3A_159, %add3A_495 : i32
          %get3A_497 = arith.index_cast %add3A_496 : i32 to index
          %get3A_498 = arith.constant 0 : index
          %get3A_499 = tpu.vector_load %arg13[%get3A_497, %get3A_498] {strides = array<i32>} : memref<80x128xf32, #tpu.memory_space<vmem>>, vector<16xf32>,
          %bitcast3A_500 = vector.bitcast %get3A_499 : vector<16xf32> to vector<32xbf16>
          %get3A_501 = arith.index_cast %squeeze3A_494 : i32 to index
          %get3A_502 = arith.constant 0 : index
          %get3A_503 = tpu.vector_load %arg12[%get3A_501, %get3A_502] {strides = array<i32>} : memref<237x64xf32, #tpu.memory_space<vmem>>, vector<16xf32>,
          %bitcast3A_504 = vector.bitcast %get3A_503 : vector<16xf32> to vector<32xbf16>
          %get3A_505 = arith.index_cast %add3A_496 : i32 to index
          %get3A_506 = arith.constant 0 : index
          %get3A_507 = tpu.vector_load %arg15[%get3A_505, %get3A_506] {strides = array<i32>} : memref<80x128xf32, #tpu.memory_space<vmem>>, vector<16xf32>,
          %bitcast3A_508 = vector.bitcast %get3A_507 : vector<16xf32> to vector<32xbf16>
          %mul3A_509 = arith.mulf %bitcast3A_500, %bitcast3A_504 : vector<32xbf16>
          %mul3A_510 = arith.mulf %mul3A_509, %bitcast3A_508 : vector<32xbf16>
          %unpack3A_511 = tpu.unpack_subelements %mul3A_510, 0 {pack_format = #tpu.pack_format<interleaved>} : vector<32xbf16> -> vector<16xf32>
          %unpack3A_512 = tpu.unpack_subelements %mul3A_510, 1 {pack_format = #tpu.pack_format<interleaved>} : vector<32xbf16> -> vector<16xf32>
          %get3A_513 = arith.index_cast %add3A_496 : i32 to index
          %get3A_514 = arith.constant 16 : index
          %get3A_515 = tpu.vector_load %arg13[%get3A_513, %get3A_514] {strides = array<i32>} : memref<80x128xf32, #tpu.memory_space<vmem>>, vector<16xf32>,
          %bitcast3A_516 = vector.bitcast %get3A_515 : vector<16xf32> to vector<32xbf16>
          %get3A_517 = arith.index_cast %squeeze3A_494 : i32 to index
          %get3A_518 = arith.constant 16 : index
          %get3A_519 = tpu.vector_load %arg12[%get3A_517, %get3A_518] {strides = array<i32>} : memref<237x64xf32, #tpu.memory_space<vmem>>, vector<16xf32>,
          %bitcast3A_520 = vector.bitcast %get3A_519 : vector<16xf32> to vector<32xbf16>
          %get3A_521 = arith.index_cast %add3A_496 : i32 to index
          %get3A_522 = arith.constant 16 : index
          %get3A_523 = tpu.vector_load %arg15[%get3A_521, %get3A_522] {strides = array<i32>} : memref<80x128xf32, #tpu.memory_space<vmem>>, vector<16xf32>,
          %bitcast3A_524 = vector.bitcast %get3A_523 : vector<16xf32> to vector<32xbf16>
          %mul3A_525 = arith.mulf %bitcast3A_516, %bitcast3A_520 : vector<32xbf16>
          %mul3A_526 = arith.mulf %mul3A_525, %bitcast3A_524 : vector<32xbf16>
          %unpack3A_527 = tpu.unpack_subelements %mul3A_526, 0 {pack_format = #tpu.pack_format<interleaved>} : vector<32xbf16> -> vector<16xf32>
          %unpack3A_528 = tpu.unpack_subelements %mul3A_526, 1 {pack_format = #tpu.pack_format<interleaved>} : vector<32xbf16> -> vector<16xf32>
          %add3A_529 = arith.addf %unpack3A_511, %unpack3A_527 : vector<16xf32>
          %add3A_530 = arith.addf %unpack3A_512, %unpack3A_528 : vector<16xf32>
          %get3A_531 = arith.index_cast %add3A_496 : i32 to index
          %get3A_532 = arith.constant 32 : index
          %get3A_533 = tpu.vector_load %arg13[%get3A_531, %get3A_532] {strides = array<i32>} : memref<80x128xf32, #tpu.memory_space<vmem>>, vector<16xf32>,
          %bitcast3A_534 = vector.bitcast %get3A_533 : vector<16xf32> to vector<32xbf16>
          %get3A_535 = arith.index_cast %squeeze3A_494 : i32 to index
          %get3A_536 = arith.constant 32 : index
          %get3A_537 = tpu.vector_load %arg12[%get3A_535, %get3A_536] {strides = array<i32>} : memref<237x64xf32, #tpu.memory_space<vmem>>, vector<16xf32>,
          %bitcast3A_538 = vector.bitcast %get3A_537 : vector<16xf32> to vector<32xbf16>
          %get3A_539 = arith.index_cast %add3A_496 : i32 to index
          %get3A_540 = arith.constant 32 : index
          %get3A_541 = tpu.vector_load %arg15[%get3A_539, %get3A_540] {strides = array<i32>} : memref<80x128xf32, #tpu.memory_space<vmem>>, vector<16xf32>,
          %bitcast3A_542 = vector.bitcast %get3A_541 : vector<16xf32> to vector<32xbf16>
          %mul3A_543 = arith.mulf %bitcast3A_534, %bitcast3A_538 : vector<32xbf16>
          %mul3A_544 = arith.mulf %mul3A_543, %bitcast3A_542 : vector<32xbf16>
          %unpack3A_545 = tpu.unpack_subelements %mul3A_544, 0 {pack_format = #tpu.pack_format<interleaved>} : vector<32xbf16> -> vector<16xf32>
          %unpack3A_546 = tpu.unpack_subelements %mul3A_544, 1 {pack_format = #tpu.pack_format<interleaved>} : vector<32xbf16> -> vector<16xf32>
          %add3A_547 = arith.addf %add3A_529, %unpack3A_545 : vector<16xf32>
          %add3A_548 = arith.addf %add3A_530, %unpack3A_546 : vector<16xf32>
          %get3A_549 = arith.index_cast %add3A_496 : i32 to index
          %get3A_550 = arith.constant 48 : index
          %get3A_551 = tpu.vector_load %arg13[%get3A_549, %get3A_550] {strides = array<i32>} : memref<80x128xf32, #tpu.memory_space<vmem>>, vector<16xf32>,
          %bitcast3A_552 = vector.bitcast %get3A_551 : vector<16xf32> to vector<32xbf16>
          %get3A_553 = arith.index_cast %squeeze3A_494 : i32 to index
          %get3A_554 = arith.constant 48 : index
          %get3A_555 = tpu.vector_load %arg12[%get3A_553, %get3A_554] {strides = array<i32>} : memref<237x64xf32, #tpu.memory_space<vmem>>, vector<16xf32>,
          %bitcast3A_556 = vector.bitcast %get3A_555 : vector<16xf32> to vector<32xbf16>
          %get3A_557 = arith.index_cast %add3A_496 : i32 to index
          %get3A_558 = arith.constant 48 : index
          %get3A_559 = tpu.vector_load %arg15[%get3A_557, %get3A_558] {strides = array<i32>} : memref<80x128xf32, #tpu.memory_space<vmem>>, vector<16xf32>,
          %bitcast3A_560 = vector.bitcast %get3A_559 : vector<16xf32> to vector<32xbf16>
          %mul3A_561 = arith.mulf %bitcast3A_552, %bitcast3A_556 : vector<32xbf16>
          %mul3A_562 = arith.mulf %mul3A_561, %bitcast3A_560 : vector<32xbf16>
          %unpack3A_563 = tpu.unpack_subelements %mul3A_562, 0 {pack_format = #tpu.pack_format<interleaved>} : vector<32xbf16> -> vector<16xf32>
          %unpack3A_564 = tpu.unpack_subelements %mul3A_562, 1 {pack_format = #tpu.pack_format<interleaved>} : vector<32xbf16> -> vector<16xf32>
          %add3A_565 = arith.addf %add3A_547, %unpack3A_563 : vector<16xf32>
          %add3A_566 = arith.addf %add3A_548, %unpack3A_564 : vector<16xf32>
          %eq3A_567 = arith.constant 4 : i32
          %eq3A_568 = vector.broadcast %eq3A_567 : i32 to vector<16xi32>
          %eq3A_569 = arith.cmpi eq, %iota3A, %eq3A_568 : vector<16xi32>
          %add3A_570 = arith.addf %add3A_565, %add3A_566 : vector<16xf32>
          %reduce_sum3A_571 = arith.constant true
          %reduce_sum3A_572 = vector.broadcast %reduce_sum3A_571 : i1 to vector<16xi1>
          %reduce_sum3A_573 = tpu.scan <sum>, %add3A_570 masked %reduce_sum3A_572 : vector<16xf32>, vector<16xi1> -> vector<16xf32>
          %reduce_sum3A_574 = vector.extract %reduce_sum3A_573[15] : f32 from vector<16xf32>
          %broadcast_in_dim3A_575 = vector.broadcast %reduce_sum3A_574 : f32 to vector<16xf32>
          %select_n3A_576 = arith.select %eq3A_569, %broadcast_in_dim3A_575, %select_n3A_492 : vector<16xi1>, vector<16xf32>
          %slice3A_577 = vector.extract_strided_slice %get3A_161 {offsets = [5], sizes = [1], strides = [1]} : vector<16xi32> to vector<1xi32>
          %squeeze3A_578 = vector.extract %slice3A_577[0] : i32 from vector<1xi32>
          %add3A_579 = arith.constant 5 : i32
          %add3A_580 = arith.addi %mul3A_159, %add3A_579 : i32
          %get3A_581 = arith.index_cast %add3A_580 : i32 to index
          %get3A_582 = arith.constant 0 : index
          %get3A_583 = tpu.vector_load %arg13[%get3A_581, %get3A_582] {strides = array<i32>} : memref<80x128xf32, #tpu.memory_space<vmem>>, vector<16xf32>,
          %bitcast3A_584 = vector.bitcast %get3A_583 : vector<16xf32> to vector<32xbf16>
          %get3A_585 = arith.index_cast %squeeze3A_578 : i32 to index
          %get3A_586 = arith.constant 0 : index
          %get3A_587 = tpu.vector_load %arg12[%get3A_585, %get3A_586] {strides = array<i32>} : memref<237x64xf32, #tpu.memory_space<vmem>>, vector<16xf32>,
          %bitcast3A_588 = vector.bitcast %get3A_587 : vector<16xf32> to vector<32xbf16>
          %get3A_589 = arith.index_cast %add3A_580 : i32 to index
          %get3A_590 = arith.constant 0 : index
          %get3A_591 = tpu.vector_load %arg15[%get3A_589, %get3A_590] {strides = array<i32>} : memref<80x128xf32, #tpu.memory_space<vmem>>, vector<16xf32>,
          %bitcast3A_592 = vector.bitcast %get3A_591 : vector<16xf32> to vector<32xbf16>
          %mul3A_593 = arith.mulf %bitcast3A_584, %bitcast3A_588 : vector<32xbf16>
          %mul3A_594 = arith.mulf %mul3A_593, %bitcast3A_592 : vector<32xbf16>
          %unpack3A_595 = tpu.unpack_subelements %mul3A_594, 0 {pack_format = #tpu.pack_format<interleaved>} : vector<32xbf16> -> vector<16xf32>
          %unpack3A_596 = tpu.unpack_subelements %mul3A_594, 1 {pack_format = #tpu.pack_format<interleaved>} : vector<32xbf16> -> vector<16xf32>
          %get3A_597 = arith.index_cast %add3A_580 : i32 to index
          %get3A_598 = arith.constant 16 : index
          %get3A_599 = tpu.vector_load %arg13[%get3A_597, %get3A_598] {strides = array<i32>} : memref<80x128xf32, #tpu.memory_space<vmem>>, vector<16xf32>,
          %bitcast3A_600 = vector.bitcast %get3A_599 : vector<16xf32> to vector<32xbf16>
          %get3A_601 = arith.index_cast %squeeze3A_578 : i32 to index
          %get3A_602 = arith.constant 16 : index
          %get3A_603 = tpu.vector_load %arg12[%get3A_601, %get3A_602] {strides = array<i32>} : memref<237x64xf32, #tpu.memory_space<vmem>>, vector<16xf32>,
          %bitcast3A_604 = vector.bitcast %get3A_603 : vector<16xf32> to vector<32xbf16>
          %get3A_605 = arith.index_cast %add3A_580 : i32 to index
          %get3A_606 = arith.constant 16 : index
          %get3A_607 = tpu.vector_load %arg15[%get3A_605, %get3A_606] {strides = array<i32>} : memref<80x128xf32, #tpu.memory_space<vmem>>, vector<16xf32>,
          %bitcast3A_608 = vector.bitcast %get3A_607 : vector<16xf32> to vector<32xbf16>
          %mul3A_609 = arith.mulf %bitcast3A_600, %bitcast3A_604 : vector<32xbf16>
          %mul3A_610 = arith.mulf %mul3A_609, %bitcast3A_608 : vector<32xbf16>
          %unpack3A_611 = tpu.unpack_subelements %mul3A_610, 0 {pack_format = #tpu.pack_format<interleaved>} : vector<32xbf16> -> vector<16xf32>
          %unpack3A_612 = tpu.unpack_subelements %mul3A_610, 1 {pack_format = #tpu.pack_format<interleaved>} : vector<32xbf16> -> vector<16xf32>
          %add3A_613 = arith.addf %unpack3A_595, %unpack3A_611 : vector<16xf32>
          %add3A_614 = arith.addf %unpack3A_596, %unpack3A_612 : vector<16xf32>
          %get3A_615 = arith.index_cast %add3A_580 : i32 to index
          %get3A_616 = arith.constant 32 : index
          %get3A_617 = tpu.vector_load %arg13[%get3A_615, %get3A_616] {strides = array<i32>} : memref<80x128xf32, #tpu.memory_space<vmem>>, vector<16xf32>,
          %bitcast3A_618 = vector.bitcast %get3A_617 : vector<16xf32> to vector<32xbf16>
          %get3A_619 = arith.index_cast %squeeze3A_578 : i32 to index
          %get3A_620 = arith.constant 32 : index
          %get3A_621 = tpu.vector_load %arg12[%get3A_619, %get3A_620] {strides = array<i32>} : memref<237x64xf32, #tpu.memory_space<vmem>>, vector<16xf32>,
          %bitcast3A_622 = vector.bitcast %get3A_621 : vector<16xf32> to vector<32xbf16>
          %get3A_623 = arith.index_cast %add3A_580 : i32 to index
          %get3A_624 = arith.constant 32 : index
          %get3A_625 = tpu.vector_load %arg15[%get3A_623, %get3A_624] {strides = array<i32>} : memref<80x128xf32, #tpu.memory_space<vmem>>, vector<16xf32>,
          %bitcast3A_626 = vector.bitcast %get3A_625 : vector<16xf32> to vector<32xbf16>
          %mul3A_627 = arith.mulf %bitcast3A_618, %bitcast3A_622 : vector<32xbf16>
          %mul3A_628 = arith.mulf %mul3A_627, %bitcast3A_626 : vector<32xbf16>
          %unpack3A_629 = tpu.unpack_subelements %mul3A_628, 0 {pack_format = #tpu.pack_format<interleaved>} : vector<32xbf16> -> vector<16xf32>
          %unpack3A_630 = tpu.unpack_subelements %mul3A_628, 1 {pack_format = #tpu.pack_format<interleaved>} : vector<32xbf16> -> vector<16xf32>
          %add3A_631 = arith.addf %add3A_613, %unpack3A_629 : vector<16xf32>
          %add3A_632 = arith.addf %add3A_614, %unpack3A_630 : vector<16xf32>
          %get3A_633 = arith.index_cast %add3A_580 : i32 to index
          %get3A_634 = arith.constant 48 : index
          %get3A_635 = tpu.vector_load %arg13[%get3A_633, %get3A_634] {strides = array<i32>} : memref<80x128xf32, #tpu.memory_space<vmem>>, vector<16xf32>,
          %bitcast3A_636 = vector.bitcast %get3A_635 : vector<16xf32> to vector<32xbf16>
          %get3A_637 = arith.index_cast %squeeze3A_578 : i32 to index
          %get3A_638 = arith.constant 48 : index
          %get3A_639 = tpu.vector_load %arg12[%get3A_637, %get3A_638] {strides = array<i32>} : memref<237x64xf32, #tpu.memory_space<vmem>>, vector<16xf32>,
          %bitcast3A_640 = vector.bitcast %get3A_639 : vector<16xf32> to vector<32xbf16>
          %get3A_641 = arith.index_cast %add3A_580 : i32 to index
          %get3A_642 = arith.constant 48 : index
          %get3A_643 = tpu.vector_load %arg15[%get3A_641, %get3A_642] {strides = array<i32>} : memref<80x128xf32, #tpu.memory_space<vmem>>, vector<16xf32>,
          %bitcast3A_644 = vector.bitcast %get3A_643 : vector<16xf32> to vector<32xbf16>
          %mul3A_645 = arith.mulf %bitcast3A_636, %bitcast3A_640 : vector<32xbf16>
          %mul3A_646 = arith.mulf %mul3A_645, %bitcast3A_644 : vector<32xbf16>
          %unpack3A_647 = tpu.unpack_subelements %mul3A_646, 0 {pack_format = #tpu.pack_format<interleaved>} : vector<32xbf16> -> vector<16xf32>
          %unpack3A_648 = tpu.unpack_subelements %mul3A_646, 1 {pack_format = #tpu.pack_format<interleaved>} : vector<32xbf16> -> vector<16xf32>
          %add3A_649 = arith.addf %add3A_631, %unpack3A_647 : vector<16xf32>
          %add3A_650 = arith.addf %add3A_632, %unpack3A_648 : vector<16xf32>
          %eq3A_651 = arith.constant 5 : i32
          %eq3A_652 = vector.broadcast %eq3A_651 : i32 to vector<16xi32>
          %eq3A_653 = arith.cmpi eq, %iota3A, %eq3A_652 : vector<16xi32>
          %add3A_654 = arith.addf %add3A_649, %add3A_650 : vector<16xf32>
          %reduce_sum3A_655 = arith.constant true
          %reduce_sum3A_656 = vector.broadcast %reduce_sum3A_655 : i1 to vector<16xi1>
          %reduce_sum3A_657 = tpu.scan <sum>, %add3A_654 masked %reduce_sum3A_656 : vector<16xf32>, vector<16xi1> -> vector<16xf32>
          %reduce_sum3A_658 = vector.extract %reduce_sum3A_657[15] : f32 from vector<16xf32>
          %broadcast_in_dim3A_659 = vector.broadcast %reduce_sum3A_658 : f32 to vector<16xf32>
          %select_n3A_660 = arith.select %eq3A_653, %broadcast_in_dim3A_659, %select_n3A_576 : vector<16xi1>, vector<16xf32>
          %slice3A_661 = vector.extract_strided_slice %get3A_161 {offsets = [6], sizes = [1], strides = [1]} : vector<16xi32> to vector<1xi32>
          %squeeze3A_662 = vector.extract %slice3A_661[0] : i32 from vector<1xi32>
          %add3A_663 = arith.constant 6 : i32
          %add3A_664 = arith.addi %mul3A_159, %add3A_663 : i32
          %get3A_665 = arith.index_cast %add3A_664 : i32 to index
          %get3A_666 = arith.constant 0 : index
          %get3A_667 = tpu.vector_load %arg13[%get3A_665, %get3A_666] {strides = array<i32>} : memref<80x128xf32, #tpu.memory_space<vmem>>, vector<16xf32>,
          %bitcast3A_668 = vector.bitcast %get3A_667 : vector<16xf32> to vector<32xbf16>
          %get3A_669 = arith.index_cast %squeeze3A_662 : i32 to index
          %get3A_670 = arith.constant 0 : index
          %get3A_671 = tpu.vector_load %arg12[%get3A_669, %get3A_670] {strides = array<i32>} : memref<237x64xf32, #tpu.memory_space<vmem>>, vector<16xf32>,
          %bitcast3A_672 = vector.bitcast %get3A_671 : vector<16xf32> to vector<32xbf16>
          %get3A_673 = arith.index_cast %add3A_664 : i32 to index
          %get3A_674 = arith.constant 0 : index
          %get3A_675 = tpu.vector_load %arg15[%get3A_673, %get3A_674] {strides = array<i32>} : memref<80x128xf32, #tpu.memory_space<vmem>>, vector<16xf32>,
          %bitcast3A_676 = vector.bitcast %get3A_675 : vector<16xf32> to vector<32xbf16>
          %mul3A_677 = arith.mulf %bitcast3A_668, %bitcast3A_672 : vector<32xbf16>
          %mul3A_678 = arith.mulf %mul3A_677, %bitcast3A_676 : vector<32xbf16>
          %unpack3A_679 = tpu.unpack_subelements %mul3A_678, 0 {pack_format = #tpu.pack_format<interleaved>} : vector<32xbf16> -> vector<16xf32>
          %unpack3A_680 = tpu.unpack_subelements %mul3A_678, 1 {pack_format = #tpu.pack_format<interleaved>} : vector<32xbf16> -> vector<16xf32>
          %get3A_681 = arith.index_cast %add3A_664 : i32 to index
          %get3A_682 = arith.constant 16 : index
          %get3A_683 = tpu.vector_load %arg13[%get3A_681, %get3A_682] {strides = array<i32>} : memref<80x128xf32, #tpu.memory_space<vmem>>, vector<16xf32>,
          %bitcast3A_684 = vector.bitcast %get3A_683 : vector<16xf32> to vector<32xbf16>
          %get3A_685 = arith.index_cast %squeeze3A_662 : i32 to index
          %get3A_686 = arith.constant 16 : index
          %get3A_687 = tpu.vector_load %arg12[%get3A_685, %get3A_686] {strides = array<i32>} : memref<237x64xf32, #tpu.memory_space<vmem>>, vector<16xf32>,
          %bitcast3A_688 = vector.bitcast %get3A_687 : vector<16xf32> to vector<32xbf16>
          %get3A_689 = arith.index_cast %add3A_664 : i32 to index
          %get3A_690 = arith.constant 16 : index
          %get3A_691 = tpu.vector_load %arg15[%get3A_689, %get3A_690] {strides = array<i32>} : memref<80x128xf32, #tpu.memory_space<vmem>>, vector<16xf32>,
          %bitcast3A_692 = vector.bitcast %get3A_691 : vector<16xf32> to vector<32xbf16>
          %mul3A_693 = arith.mulf %bitcast3A_684, %bitcast3A_688 : vector<32xbf16>
          %mul3A_694 = arith.mulf %mul3A_693, %bitcast3A_692 : vector<32xbf16>
          %unpack3A_695 = tpu.unpack_subelements %mul3A_694, 0 {pack_format = #tpu.pack_format<interleaved>} : vector<32xbf16> -> vector<16xf32>
          %unpack3A_696 = tpu.unpack_subelements %mul3A_694, 1 {pack_format = #tpu.pack_format<interleaved>} : vector<32xbf16> -> vector<16xf32>
          %add3A_697 = arith.addf %unpack3A_679, %unpack3A_695 : vector<16xf32>
          %add3A_698 = arith.addf %unpack3A_680, %unpack3A_696 : vector<16xf32>
          %get3A_699 = arith.index_cast %add3A_664 : i32 to index
          %get3A_700 = arith.constant 32 : index
          %get3A_701 = tpu.vector_load %arg13[%get3A_699, %get3A_700] {strides = array<i32>} : memref<80x128xf32, #tpu.memory_space<vmem>>, vector<16xf32>,
          %bitcast3A_702 = vector.bitcast %get3A_701 : vector<16xf32> to vector<32xbf16>
          %get3A_703 = arith.index_cast %squeeze3A_662 : i32 to index
          %get3A_704 = arith.constant 32 : index
          %get3A_705 = tpu.vector_load %arg12[%get3A_703, %get3A_704] {strides = array<i32>} : memref<237x64xf32, #tpu.memory_space<vmem>>, vector<16xf32>,
          %bitcast3A_706 = vector.bitcast %get3A_705 : vector<16xf32> to vector<32xbf16>
          %get3A_707 = arith.index_cast %add3A_664 : i32 to index
          %get3A_708 = arith.constant 32 : index
          %get3A_709 = tpu.vector_load %arg15[%get3A_707, %get3A_708] {strides = array<i32>} : memref<80x128xf32, #tpu.memory_space<vmem>>, vector<16xf32>,
          %bitcast3A_710 = vector.bitcast %get3A_709 : vector<16xf32> to vector<32xbf16>
          %mul3A_711 = arith.mulf %bitcast3A_702, %bitcast3A_706 : vector<32xbf16>
          %mul3A_712 = arith.mulf %mul3A_711, %bitcast3A_710 : vector<32xbf16>
          %unpack3A_713 = tpu.unpack_subelements %mul3A_712, 0 {pack_format = #tpu.pack_format<interleaved>} : vector<32xbf16> -> vector<16xf32>
          %unpack3A_714 = tpu.unpack_subelements %mul3A_712, 1 {pack_format = #tpu.pack_format<interleaved>} : vector<32xbf16> -> vector<16xf32>
          %add3A_715 = arith.addf %add3A_697, %unpack3A_713 : vector<16xf32>
          %add3A_716 = arith.addf %add3A_698, %unpack3A_714 : vector<16xf32>
          %get3A_717 = arith.index_cast %add3A_664 : i32 to index
          %get3A_718 = arith.constant 48 : index
          %get3A_719 = tpu.vector_load %arg13[%get3A_717, %get3A_718] {strides = array<i32>} : memref<80x128xf32, #tpu.memory_space<vmem>>, vector<16xf32>,
          %bitcast3A_720 = vector.bitcast %get3A_719 : vector<16xf32> to vector<32xbf16>
          %get3A_721 = arith.index_cast %squeeze3A_662 : i32 to index
          %get3A_722 = arith.constant 48 : index
          %get3A_723 = tpu.vector_load %arg12[%get3A_721, %get3A_722] {strides = array<i32>} : memref<237x64xf32, #tpu.memory_space<vmem>>, vector<16xf32>,
          %bitcast3A_724 = vector.bitcast %get3A_723 : vector<16xf32> to vector<32xbf16>
          %get3A_725 = arith.index_cast %add3A_664 : i32 to index
          %get3A_726 = arith.constant 48 : index
          %get3A_727 = tpu.vector_load %arg15[%get3A_725, %get3A_726] {strides = array<i32>} : memref<80x128xf32, #tpu.memory_space<vmem>>, vector<16xf32>,
          %bitcast3A_728 = vector.bitcast %get3A_727 : vector<16xf32> to vector<32xbf16>
          %mul3A_729 = arith.mulf %bitcast3A_720, %bitcast3A_724 : vector<32xbf16>
          %mul3A_730 = arith.mulf %mul3A_729, %bitcast3A_728 : vector<32xbf16>
          %unpack3A_731 = tpu.unpack_subelements %mul3A_730, 0 {pack_format = #tpu.pack_format<interleaved>} : vector<32xbf16> -> vector<16xf32>
          %unpack3A_732 = tpu.unpack_subelements %mul3A_730, 1 {pack_format = #tpu.pack_format<interleaved>} : vector<32xbf16> -> vector<16xf32>
          %add3A_733 = arith.addf %add3A_715, %unpack3A_731 : vector<16xf32>
          %add3A_734 = arith.addf %add3A_716, %unpack3A_732 : vector<16xf32>
          %eq3A_735 = arith.constant 6 : i32
          %eq3A_736 = vector.broadcast %eq3A_735 : i32 to vector<16xi32>
          %eq3A_737 = arith.cmpi eq, %iota3A, %eq3A_736 : vector<16xi32>
          %add3A_738 = arith.addf %add3A_733, %add3A_734 : vector<16xf32>
          %reduce_sum3A_739 = arith.constant true
          %reduce_sum3A_740 = vector.broadcast %reduce_sum3A_739 : i1 to vector<16xi1>
          %reduce_sum3A_741 = tpu.scan <sum>, %add3A_738 masked %reduce_sum3A_740 : vector<16xf32>, vector<16xi1> -> vector<16xf32>
          %reduce_sum3A_742 = vector.extract %reduce_sum3A_741[15] : f32 from vector<16xf32>
          %broadcast_in_dim3A_743 = vector.broadcast %reduce_sum3A_742 : f32 to vector<16xf32>
          %select_n3A_744 = arith.select %eq3A_737, %broadcast_in_dim3A_743, %select_n3A_660 : vector<16xi1>, vector<16xf32>
          %slice3A_745 = vector.extract_strided_slice %get3A_161 {offsets = [7], sizes = [1], strides = [1]} : vector<16xi32> to vector<1xi32>
          %squeeze3A_746 = vector.extract %slice3A_745[0] : i32 from vector<1xi32>
          %add3A_747 = arith.constant 7 : i32
          %add3A_748 = arith.addi %mul3A_159, %add3A_747 : i32
          %get3A_749 = arith.index_cast %add3A_748 : i32 to index
          %get3A_750 = arith.constant 0 : index
          %get3A_751 = tpu.vector_load %arg13[%get3A_749, %get3A_750] {strides = array<i32>} : memref<80x128xf32, #tpu.memory_space<vmem>>, vector<16xf32>,
          %bitcast3A_752 = vector.bitcast %get3A_751 : vector<16xf32> to vector<32xbf16>
          %get3A_753 = arith.index_cast %squeeze3A_746 : i32 to index
          %get3A_754 = arith.constant 0 : index
          %get3A_755 = tpu.vector_load %arg12[%get3A_753, %get3A_754] {strides = array<i32>} : memref<237x64xf32, #tpu.memory_space<vmem>>, vector<16xf32>,
          %bitcast3A_756 = vector.bitcast %get3A_755 : vector<16xf32> to vector<32xbf16>
          %get3A_757 = arith.index_cast %add3A_748 : i32 to index
          %get3A_758 = arith.constant 0 : index
          %get3A_759 = tpu.vector_load %arg15[%get3A_757, %get3A_758] {strides = array<i32>} : memref<80x128xf32, #tpu.memory_space<vmem>>, vector<16xf32>,
          %bitcast3A_760 = vector.bitcast %get3A_759 : vector<16xf32> to vector<32xbf16>
          %mul3A_761 = arith.mulf %bitcast3A_752, %bitcast3A_756 : vector<32xbf16>
          %mul3A_762 = arith.mulf %mul3A_761, %bitcast3A_760 : vector<32xbf16>
          %unpack3A_763 = tpu.unpack_subelements %mul3A_762, 0 {pack_format = #tpu.pack_format<interleaved>} : vector<32xbf16> -> vector<16xf32>
          %unpack3A_764 = tpu.unpack_subelements %mul3A_762, 1 {pack_format = #tpu.pack_format<interleaved>} : vector<32xbf16> -> vector<16xf32>
          %get3A_765 = arith.index_cast %add3A_748 : i32 to index
          %get3A_766 = arith.constant 16 : index
          %get3A_767 = tpu.vector_load %arg13[%get3A_765, %get3A_766] {strides = array<i32>} : memref<80x128xf32, #tpu.memory_space<vmem>>, vector<16xf32>,
          %bitcast3A_768 = vector.bitcast %get3A_767 : vector<16xf32> to vector<32xbf16>
          %get3A_769 = arith.index_cast %squeeze3A_746 : i32 to index
          %get3A_770 = arith.constant 16 : index
          %get3A_771 = tpu.vector_load %arg12[%get3A_769, %get3A_770] {strides = array<i32>} : memref<237x64xf32, #tpu.memory_space<vmem>>, vector<16xf32>,
          %bitcast3A_772 = vector.bitcast %get3A_771 : vector<16xf32> to vector<32xbf16>
          %get3A_773 = arith.index_cast %add3A_748 : i32 to index
          %get3A_774 = arith.constant 16 : index
          %get3A_775 = tpu.vector_load %arg15[%get3A_773, %get3A_774] {strides = array<i32>} : memref<80x128xf32, #tpu.memory_space<vmem>>, vector<16xf32>,
          %bitcast3A_776 = vector.bitcast %get3A_775 : vector<16xf32> to vector<32xbf16>
          %mul3A_777 = arith.mulf %bitcast3A_768, %bitcast3A_772 : vector<32xbf16>
          %mul3A_778 = arith.mulf %mul3A_777, %bitcast3A_776 : vector<32xbf16>
          %unpack3A_779 = tpu.unpack_subelements %mul3A_778, 0 {pack_format = #tpu.pack_format<interleaved>} : vector<32xbf16> -> vector<16xf32>
          %unpack3A_780 = tpu.unpack_subelements %mul3A_778, 1 {pack_format = #tpu.pack_format<interleaved>} : vector<32xbf16> -> vector<16xf32>
          %add3A_781 = arith.addf %unpack3A_763, %unpack3A_779 : vector<16xf32>
          %add3A_782 = arith.addf %unpack3A_764, %unpack3A_780 : vector<16xf32>
          %get3A_783 = arith.index_cast %add3A_748 : i32 to index
          %get3A_784 = arith.constant 32 : index
          %get3A_785 = tpu.vector_load %arg13[%get3A_783, %get3A_784] {strides = array<i32>} : memref<80x128xf32, #tpu.memory_space<vmem>>, vector<16xf32>,
          %bitcast3A_786 = vector.bitcast %get3A_785 : vector<16xf32> to vector<32xbf16>
          %get3A_787 = arith.index_cast %squeeze3A_746 : i32 to index
          %get3A_788 = arith.constant 32 : index
          %get3A_789 = tpu.vector_load %arg12[%get3A_787, %get3A_788] {strides = array<i32>} : memref<237x64xf32, #tpu.memory_space<vmem>>, vector<16xf32>,
          %bitcast3A_790 = vector.bitcast %get3A_789 : vector<16xf32> to vector<32xbf16>
          %get3A_791 = arith.index_cast %add3A_748 : i32 to index
          %get3A_792 = arith.constant 32 : index
          %get3A_793 = tpu.vector_load %arg15[%get3A_791, %get3A_792] {strides = array<i32>} : memref<80x128xf32, #tpu.memory_space<vmem>>, vector<16xf32>,
          %bitcast3A_794 = vector.bitcast %get3A_793 : vector<16xf32> to vector<32xbf16>
          %mul3A_795 = arith.mulf %bitcast3A_786, %bitcast3A_790 : vector<32xbf16>
          %mul3A_796 = arith.mulf %mul3A_795, %bitcast3A_794 : vector<32xbf16>
          %unpack3A_797 = tpu.unpack_subelements %mul3A_796, 0 {pack_format = #tpu.pack_format<interleaved>} : vector<32xbf16> -> vector<16xf32>
          %unpack3A_798 = tpu.unpack_subelements %mul3A_796, 1 {pack_format = #tpu.pack_format<interleaved>} : vector<32xbf16> -> vector<16xf32>
          %add3A_799 = arith.addf %add3A_781, %unpack3A_797 : vector<16xf32>
          %add3A_800 = arith.addf %add3A_782, %unpack3A_798 : vector<16xf32>
          %get3A_801 = arith.index_cast %add3A_748 : i32 to index
          %get3A_802 = arith.constant 48 : index
          %get3A_803 = tpu.vector_load %arg13[%get3A_801, %get3A_802] {strides = array<i32>} : memref<80x128xf32, #tpu.memory_space<vmem>>, vector<16xf32>,
          %bitcast3A_804 = vector.bitcast %get3A_803 : vector<16xf32> to vector<32xbf16>
          %get3A_805 = arith.index_cast %squeeze3A_746 : i32 to index
          %get3A_806 = arith.constant 48 : index
          %get3A_807 = tpu.vector_load %arg12[%get3A_805, %get3A_806] {strides = array<i32>} : memref<237x64xf32, #tpu.memory_space<vmem>>, vector<16xf32>,
          %bitcast3A_808 = vector.bitcast %get3A_807 : vector<16xf32> to vector<32xbf16>
          %get3A_809 = arith.index_cast %add3A_748 : i32 to index
          %get3A_810 = arith.constant 48 : index
          %get3A_811 = tpu.vector_load %arg15[%get3A_809, %get3A_810] {strides = array<i32>} : memref<80x128xf32, #tpu.memory_space<vmem>>, vector<16xf32>,
          %bitcast3A_812 = vector.bitcast %get3A_811 : vector<16xf32> to vector<32xbf16>
          %mul3A_813 = arith.mulf %bitcast3A_804, %bitcast3A_808 : vector<32xbf16>
          %mul3A_814 = arith.mulf %mul3A_813, %bitcast3A_812 : vector<32xbf16>
          %unpack3A_815 = tpu.unpack_subelements %mul3A_814, 0 {pack_format = #tpu.pack_format<interleaved>} : vector<32xbf16> -> vector<16xf32>
          %unpack3A_816 = tpu.unpack_subelements %mul3A_814, 1 {pack_format = #tpu.pack_format<interleaved>} : vector<32xbf16> -> vector<16xf32>
          %add3A_817 = arith.addf %add3A_799, %unpack3A_815 : vector<16xf32>
          %add3A_818 = arith.addf %add3A_800, %unpack3A_816 : vector<16xf32>
          %eq3A_819 = arith.constant 7 : i32
          %eq3A_820 = vector.broadcast %eq3A_819 : i32 to vector<16xi32>
          %eq3A_821 = arith.cmpi eq, %iota3A, %eq3A_820 : vector<16xi32>
          %add3A_822 = arith.addf %add3A_817, %add3A_818 : vector<16xf32>
          %reduce_sum3A_823 = arith.constant true
          %reduce_sum3A_824 = vector.broadcast %reduce_sum3A_823 : i1 to vector<16xi1>
          %reduce_sum3A_825 = tpu.scan <sum>, %add3A_822 masked %reduce_sum3A_824 : vector<16xf32>, vector<16xi1> -> vector<16xf32>
          %reduce_sum3A_826 = vector.extract %reduce_sum3A_825[15] : f32 from vector<16xf32>
          %broadcast_in_dim3A_827 = vector.broadcast %reduce_sum3A_826 : f32 to vector<16xf32>
          %select_n3A_828 = arith.select %eq3A_821, %broadcast_in_dim3A_827, %select_n3A_744 : vector<16xi1>, vector<16xf32>
          %slice3A_829 = vector.extract_strided_slice %get3A_161 {offsets = [8], sizes = [1], strides = [1]} : vector<16xi32> to vector<1xi32>
          %squeeze3A_830 = vector.extract %slice3A_829[0] : i32 from vector<1xi32>
          %add3A_831 = arith.constant 8 : i32
          %add3A_832 = arith.addi %mul3A_159, %add3A_831 : i32
          %get3A_833 = arith.index_cast %add3A_832 : i32 to index
          %get3A_834 = arith.constant 0 : index
          %get3A_835 = tpu.vector_load %arg13[%get3A_833, %get3A_834] {strides = array<i32>} : memref<80x128xf32, #tpu.memory_space<vmem>>, vector<16xf32>,
          %bitcast3A_836 = vector.bitcast %get3A_835 : vector<16xf32> to vector<32xbf16>
          %get3A_837 = arith.index_cast %squeeze3A_830 : i32 to index
          %get3A_838 = arith.constant 0 : index
          %get3A_839 = tpu.vector_load %arg12[%get3A_837, %get3A_838] {strides = array<i32>} : memref<237x64xf32, #tpu.memory_space<vmem>>, vector<16xf32>,
          %bitcast3A_840 = vector.bitcast %get3A_839 : vector<16xf32> to vector<32xbf16>
          %get3A_841 = arith.index_cast %add3A_832 : i32 to index
          %get3A_842 = arith.constant 0 : index
          %get3A_843 = tpu.vector_load %arg15[%get3A_841, %get3A_842] {strides = array<i32>} : memref<80x128xf32, #tpu.memory_space<vmem>>, vector<16xf32>,
          %bitcast3A_844 = vector.bitcast %get3A_843 : vector<16xf32> to vector<32xbf16>
          %mul3A_845 = arith.mulf %bitcast3A_836, %bitcast3A_840 : vector<32xbf16>
          %mul3A_846 = arith.mulf %mul3A_845, %bitcast3A_844 : vector<32xbf16>
          %unpack3A_847 = tpu.unpack_subelements %mul3A_846, 0 {pack_format = #tpu.pack_format<interleaved>} : vector<32xbf16> -> vector<16xf32>
          %unpack3A_848 = tpu.unpack_subelements %mul3A_846, 1 {pack_format = #tpu.pack_format<interleaved>} : vector<32xbf16> -> vector<16xf32>
          %get3A_849 = arith.index_cast %add3A_832 : i32 to index
          %get3A_850 = arith.constant 16 : index
          %get3A_851 = tpu.vector_load %arg13[%get3A_849, %get3A_850] {strides = array<i32>} : memref<80x128xf32, #tpu.memory_space<vmem>>, vector<16xf32>,
          %bitcast3A_852 = vector.bitcast %get3A_851 : vector<16xf32> to vector<32xbf16>
          %get3A_853 = arith.index_cast %squeeze3A_830 : i32 to index
          %get3A_854 = arith.constant 16 : index
          %get3A_855 = tpu.vector_load %arg12[%get3A_853, %get3A_854] {strides = array<i32>} : memref<237x64xf32, #tpu.memory_space<vmem>>, vector<16xf32>,
          %bitcast3A_856 = vector.bitcast %get3A_855 : vector<16xf32> to vector<32xbf16>
          %get3A_857 = arith.index_cast %add3A_832 : i32 to index
          %get3A_858 = arith.constant 16 : index
          %get3A_859 = tpu.vector_load %arg15[%get3A_857, %get3A_858] {strides = array<i32>} : memref<80x128xf32, #tpu.memory_space<vmem>>, vector<16xf32>,
          %bitcast3A_860 = vector.bitcast %get3A_859 : vector<16xf32> to vector<32xbf16>
          %mul3A_861 = arith.mulf %bitcast3A_852, %bitcast3A_856 : vector<32xbf16>
          %mul3A_862 = arith.mulf %mul3A_861, %bitcast3A_860 : vector<32xbf16>
          %unpack3A_863 = tpu.unpack_subelements %mul3A_862, 0 {pack_format = #tpu.pack_format<interleaved>} : vector<32xbf16> -> vector<16xf32>
          %unpack3A_864 = tpu.unpack_subelements %mul3A_862, 1 {pack_format = #tpu.pack_format<interleaved>} : vector<32xbf16> -> vector<16xf32>
          %add3A_865 = arith.addf %unpack3A_847, %unpack3A_863 : vector<16xf32>
          %add3A_866 = arith.addf %unpack3A_848, %unpack3A_864 : vector<16xf32>
          %get3A_867 = arith.index_cast %add3A_832 : i32 to index
          %get3A_868 = arith.constant 32 : index
          %get3A_869 = tpu.vector_load %arg13[%get3A_867, %get3A_868] {strides = array<i32>} : memref<80x128xf32, #tpu.memory_space<vmem>>, vector<16xf32>,
          %bitcast3A_870 = vector.bitcast %get3A_869 : vector<16xf32> to vector<32xbf16>
          %get3A_871 = arith.index_cast %squeeze3A_830 : i32 to index
          %get3A_872 = arith.constant 32 : index
          %get3A_873 = tpu.vector_load %arg12[%get3A_871, %get3A_872] {strides = array<i32>} : memref<237x64xf32, #tpu.memory_space<vmem>>, vector<16xf32>,
          %bitcast3A_874 = vector.bitcast %get3A_873 : vector<16xf32> to vector<32xbf16>
          %get3A_875 = arith.index_cast %add3A_832 : i32 to index
          %get3A_876 = arith.constant 32 : index
          %get3A_877 = tpu.vector_load %arg15[%get3A_875, %get3A_876] {strides = array<i32>} : memref<80x128xf32, #tpu.memory_space<vmem>>, vector<16xf32>,
          %bitcast3A_878 = vector.bitcast %get3A_877 : vector<16xf32> to vector<32xbf16>
          %mul3A_879 = arith.mulf %bitcast3A_870, %bitcast3A_874 : vector<32xbf16>
          %mul3A_880 = arith.mulf %mul3A_879, %bitcast3A_878 : vector<32xbf16>
          %unpack3A_881 = tpu.unpack_subelements %mul3A_880, 0 {pack_format = #tpu.pack_format<interleaved>} : vector<32xbf16> -> vector<16xf32>
          %unpack3A_882 = tpu.unpack_subelements %mul3A_880, 1 {pack_format = #tpu.pack_format<interleaved>} : vector<32xbf16> -> vector<16xf32>
          %add3A_883 = arith.addf %add3A_865, %unpack3A_881 : vector<16xf32>
          %add3A_884 = arith.addf %add3A_866, %unpack3A_882 : vector<16xf32>
          %get3A_885 = arith.index_cast %add3A_832 : i32 to index
          %get3A_886 = arith.constant 48 : index
          %get3A_887 = tpu.vector_load %arg13[%get3A_885, %get3A_886] {strides = array<i32>} : memref<80x128xf32, #tpu.memory_space<vmem>>, vector<16xf32>,
          %bitcast3A_888 = vector.bitcast %get3A_887 : vector<16xf32> to vector<32xbf16>
          %get3A_889 = arith.index_cast %squeeze3A_830 : i32 to index
          %get3A_890 = arith.constant 48 : index
          %get3A_891 = tpu.vector_load %arg12[%get3A_889, %get3A_890] {strides = array<i32>} : memref<237x64xf32, #tpu.memory_space<vmem>>, vector<16xf32>,
          %bitcast3A_892 = vector.bitcast %get3A_891 : vector<16xf32> to vector<32xbf16>
          %get3A_893 = arith.index_cast %add3A_832 : i32 to index
          %get3A_894 = arith.constant 48 : index
          %get3A_895 = tpu.vector_load %arg15[%get3A_893, %get3A_894] {strides = array<i32>} : memref<80x128xf32, #tpu.memory_space<vmem>>, vector<16xf32>,
          %bitcast3A_896 = vector.bitcast %get3A_895 : vector<16xf32> to vector<32xbf16>
          %mul3A_897 = arith.mulf %bitcast3A_888, %bitcast3A_892 : vector<32xbf16>
          %mul3A_898 = arith.mulf %mul3A_897, %bitcast3A_896 : vector<32xbf16>
          %unpack3A_899 = tpu.unpack_subelements %mul3A_898, 0 {pack_format = #tpu.pack_format<interleaved>} : vector<32xbf16> -> vector<16xf32>
          %unpack3A_900 = tpu.unpack_subelements %mul3A_898, 1 {pack_format = #tpu.pack_format<interleaved>} : vector<32xbf16> -> vector<16xf32>
          %add3A_901 = arith.addf %add3A_883, %unpack3A_899 : vector<16xf32>
          %add3A_902 = arith.addf %add3A_884, %unpack3A_900 : vector<16xf32>
          %eq3A_903 = arith.constant 8 : i32
          %eq3A_904 = vector.broadcast %eq3A_903 : i32 to vector<16xi32>
          %eq3A_905 = arith.cmpi eq, %iota3A, %eq3A_904 : vector<16xi32>
          %add3A_906 = arith.addf %add3A_901, %add3A_902 : vector<16xf32>
          %reduce_sum3A_907 = arith.constant true
          %reduce_sum3A_908 = vector.broadcast %reduce_sum3A_907 : i1 to vector<16xi1>
          %reduce_sum3A_909 = tpu.scan <sum>, %add3A_906 masked %reduce_sum3A_908 : vector<16xf32>, vector<16xi1> -> vector<16xf32>
          %reduce_sum3A_910 = vector.extract %reduce_sum3A_909[15] : f32 from vector<16xf32>
          %broadcast_in_dim3A_911 = vector.broadcast %reduce_sum3A_910 : f32 to vector<16xf32>
          %select_n3A_912 = arith.select %eq3A_905, %broadcast_in_dim3A_911, %select_n3A_828 : vector<16xi1>, vector<16xf32>
          %slice3A_913 = vector.extract_strided_slice %get3A_161 {offsets = [9], sizes = [1], strides = [1]} : vector<16xi32> to vector<1xi32>
          %squeeze3A_914 = vector.extract %slice3A_913[0] : i32 from vector<1xi32>
          %add3A_915 = arith.constant 9 : i32
          %add3A_916 = arith.addi %mul3A_159, %add3A_915 : i32
          %get3A_917 = arith.index_cast %add3A_916 : i32 to index
          %get3A_918 = arith.constant 0 : index
          %get3A_919 = tpu.vector_load %arg13[%get3A_917, %get3A_918] {strides = array<i32>} : memref<80x128xf32, #tpu.memory_space<vmem>>, vector<16xf32>,
          %bitcast3A_920 = vector.bitcast %get3A_919 : vector<16xf32> to vector<32xbf16>
          %get3A_921 = arith.index_cast %squeeze3A_914 : i32 to index
          %get3A_922 = arith.constant 0 : index
          %get3A_923 = tpu.vector_load %arg12[%get3A_921, %get3A_922] {strides = array<i32>} : memref<237x64xf32, #tpu.memory_space<vmem>>, vector<16xf32>,
          %bitcast3A_924 = vector.bitcast %get3A_923 : vector<16xf32> to vector<32xbf16>
          %get3A_925 = arith.index_cast %add3A_916 : i32 to index
          %get3A_926 = arith.constant 0 : index
          %get3A_927 = tpu.vector_load %arg15[%get3A_925, %get3A_926] {strides = array<i32>} : memref<80x128xf32, #tpu.memory_space<vmem>>, vector<16xf32>,
          %bitcast3A_928 = vector.bitcast %get3A_927 : vector<16xf32> to vector<32xbf16>
          %mul3A_929 = arith.mulf %bitcast3A_920, %bitcast3A_924 : vector<32xbf16>
          %mul3A_930 = arith.mulf %mul3A_929, %bitcast3A_928 : vector<32xbf16>
          %unpack3A_931 = tpu.unpack_subelements %mul3A_930, 0 {pack_format = #tpu.pack_format<interleaved>} : vector<32xbf16> -> vector<16xf32>
          %unpack3A_932 = tpu.unpack_subelements %mul3A_930, 1 {pack_format = #tpu.pack_format<interleaved>} : vector<32xbf16> -> vector<16xf32>
          %get3A_933 = arith.index_cast %add3A_916 : i32 to index
          %get3A_934 = arith.constant 16 : index
          %get3A_935 = tpu.vector_load %arg13[%get3A_933, %get3A_934] {strides = array<i32>} : memref<80x128xf32, #tpu.memory_space<vmem>>, vector<16xf32>,
          %bitcast3A_936 = vector.bitcast %get3A_935 : vector<16xf32> to vector<32xbf16>
          %get3A_937 = arith.index_cast %squeeze3A_914 : i32 to index
          %get3A_938 = arith.constant 16 : index
          %get3A_939 = tpu.vector_load %arg12[%get3A_937, %get3A_938] {strides = array<i32>} : memref<237x64xf32, #tpu.memory_space<vmem>>, vector<16xf32>,
          %bitcast3A_940 = vector.bitcast %get3A_939 : vector<16xf32> to vector<32xbf16>
          %get3A_941 = arith.index_cast %add3A_916 : i32 to index
          %get3A_942 = arith.constant 16 : index
          %get3A_943 = tpu.vector_load %arg15[%get3A_941, %get3A_942] {strides = array<i32>} : memref<80x128xf32, #tpu.memory_space<vmem>>, vector<16xf32>,
          %bitcast3A_944 = vector.bitcast %get3A_943 : vector<16xf32> to vector<32xbf16>
          %mul3A_945 = arith.mulf %bitcast3A_936, %bitcast3A_940 : vector<32xbf16>
          %mul3A_946 = arith.mulf %mul3A_945, %bitcast3A_944 : vector<32xbf16>
          %unpack3A_947 = tpu.unpack_subelements %mul3A_946, 0 {pack_format = #tpu.pack_format<interleaved>} : vector<32xbf16> -> vector<16xf32>
          %unpack3A_948 = tpu.unpack_subelements %mul3A_946, 1 {pack_format = #tpu.pack_format<interleaved>} : vector<32xbf16> -> vector<16xf32>
          %add3A_949 = arith.addf %unpack3A_931, %unpack3A_947 : vector<16xf32>
          %add3A_950 = arith.addf %unpack3A_932, %unpack3A_948 : vector<16xf32>
          %get3A_951 = arith.index_cast %add3A_916 : i32 to index
          %get3A_952 = arith.constant 32 : index
          %get3A_953 = tpu.vector_load %arg13[%get3A_951, %get3A_952] {strides = array<i32>} : memref<80x128xf32, #tpu.memory_space<vmem>>, vector<16xf32>,
          %bitcast3A_954 = vector.bitcast %get3A_953 : vector<16xf32> to vector<32xbf16>
          %get3A_955 = arith.index_cast %squeeze3A_914 : i32 to index
          %get3A_956 = arith.constant 32 : index
          %get3A_957 = tpu.vector_load %arg12[%get3A_955, %get3A_956] {strides = array<i32>} : memref<237x64xf32, #tpu.memory_space<vmem>>, vector<16xf32>,
          %bitcast3A_958 = vector.bitcast %get3A_957 : vector<16xf32> to vector<32xbf16>
          %get3A_959 = arith.index_cast %add3A_916 : i32 to index
          %get3A_960 = arith.constant 32 : index
          %get3A_961 = tpu.vector_load %arg15[%get3A_959, %get3A_960] {strides = array<i32>} : memref<80x128xf32, #tpu.memory_space<vmem>>, vector<16xf32>,
          %bitcast3A_962 = vector.bitcast %get3A_961 : vector<16xf32> to vector<32xbf16>
          %mul3A_963 = arith.mulf %bitcast3A_954, %bitcast3A_958 : vector<32xbf16>
          %mul3A_964 = arith.mulf %mul3A_963, %bitcast3A_962 : vector<32xbf16>
          %unpack3A_965 = tpu.unpack_subelements %mul3A_964, 0 {pack_format = #tpu.pack_format<interleaved>} : vector<32xbf16> -> vector<16xf32>
          %unpack3A_966 = tpu.unpack_subelements %mul3A_964, 1 {pack_format = #tpu.pack_format<interleaved>} : vector<32xbf16> -> vector<16xf32>
          %add3A_967 = arith.addf %add3A_949, %unpack3A_965 : vector<16xf32>
          %add3A_968 = arith.addf %add3A_950, %unpack3A_966 : vector<16xf32>
          %get3A_969 = arith.index_cast %add3A_916 : i32 to index
          %get3A_970 = arith.constant 48 : index
          %get3A_971 = tpu.vector_load %arg13[%get3A_969, %get3A_970] {strides = array<i32>} : memref<80x128xf32, #tpu.memory_space<vmem>>, vector<16xf32>,
          %bitcast3A_972 = vector.bitcast %get3A_971 : vector<16xf32> to vector<32xbf16>
          %get3A_973 = arith.index_cast %squeeze3A_914 : i32 to index
          %get3A_974 = arith.constant 48 : index
          %get3A_975 = tpu.vector_load %arg12[%get3A_973, %get3A_974] {strides = array<i32>} : memref<237x64xf32, #tpu.memory_space<vmem>>, vector<16xf32>,
          %bitcast3A_976 = vector.bitcast %get3A_975 : vector<16xf32> to vector<32xbf16>
          %get3A_977 = arith.index_cast %add3A_916 : i32 to index
          %get3A_978 = arith.constant 48 : index
          %get3A_979 = tpu.vector_load %arg15[%get3A_977, %get3A_978] {strides = array<i32>} : memref<80x128xf32, #tpu.memory_space<vmem>>, vector<16xf32>,
          %bitcast3A_980 = vector.bitcast %get3A_979 : vector<16xf32> to vector<32xbf16>
          %mul3A_981 = arith.mulf %bitcast3A_972, %bitcast3A_976 : vector<32xbf16>
          %mul3A_982 = arith.mulf %mul3A_981, %bitcast3A_980 : vector<32xbf16>
          %unpack3A_983 = tpu.unpack_subelements %mul3A_982, 0 {pack_format = #tpu.pack_format<interleaved>} : vector<32xbf16> -> vector<16xf32>
          %unpack3A_984 = tpu.unpack_subelements %mul3A_982, 1 {pack_format = #tpu.pack_format<interleaved>} : vector<32xbf16> -> vector<16xf32>
          %add3A_985 = arith.addf %add3A_967, %unpack3A_983 : vector<16xf32>
          %add3A_986 = arith.addf %add3A_968, %unpack3A_984 : vector<16xf32>
          %eq3A_987 = arith.constant 9 : i32
          %eq3A_988 = vector.broadcast %eq3A_987 : i32 to vector<16xi32>
          %eq3A_989 = arith.cmpi eq, %iota3A, %eq3A_988 : vector<16xi32>
          %add3A_990 = arith.addf %add3A_985, %add3A_986 : vector<16xf32>
          %reduce_sum3A_991 = arith.constant true
          %reduce_sum3A_992 = vector.broadcast %reduce_sum3A_991 : i1 to vector<16xi1>
          %reduce_sum3A_993 = tpu.scan <sum>, %add3A_990 masked %reduce_sum3A_992 : vector<16xf32>, vector<16xi1> -> vector<16xf32>
          %reduce_sum3A_994 = vector.extract %reduce_sum3A_993[15] : f32 from vector<16xf32>
          %broadcast_in_dim3A_995 = vector.broadcast %reduce_sum3A_994 : f32 to vector<16xf32>
          %select_n3A_996 = arith.select %eq3A_989, %broadcast_in_dim3A_995, %select_n3A_912 : vector<16xi1>, vector<16xf32>
          %slice3A_997 = vector.extract_strided_slice %get3A_161 {offsets = [10], sizes = [1], strides = [1]} : vector<16xi32> to vector<1xi32>
          %squeeze3A_998 = vector.extract %slice3A_997[0] : i32 from vector<1xi32>
          %add3A_999 = arith.constant 10 : i32
          %add3A_1000 = arith.addi %mul3A_159, %add3A_999 : i32
          %get3A_1001 = arith.index_cast %add3A_1000 : i32 to index
          %get3A_1002 = arith.constant 0 : index
          %get3A_1003 = tpu.vector_load %arg13[%get3A_1001, %get3A_1002] {strides = array<i32>} : memref<80x128xf32, #tpu.memory_space<vmem>>, vector<16xf32>,
          %bitcast3A_1004 = vector.bitcast %get3A_1003 : vector<16xf32> to vector<32xbf16>
          %get3A_1005 = arith.index_cast %squeeze3A_998 : i32 to index
          %get3A_1006 = arith.constant 0 : index
          %get3A_1007 = tpu.vector_load %arg12[%get3A_1005, %get3A_1006] {strides = array<i32>} : memref<237x64xf32, #tpu.memory_space<vmem>>, vector<16xf32>,
          %bitcast3A_1008 = vector.bitcast %get3A_1007 : vector<16xf32> to vector<32xbf16>
          %get3A_1009 = arith.index_cast %add3A_1000 : i32 to index
          %get3A_1010 = arith.constant 0 : index
          %get3A_1011 = tpu.vector_load %arg15[%get3A_1009, %get3A_1010] {strides = array<i32>} : memref<80x128xf32, #tpu.memory_space<vmem>>, vector<16xf32>,
          %bitcast3A_1012 = vector.bitcast %get3A_1011 : vector<16xf32> to vector<32xbf16>
          %mul3A_1013 = arith.mulf %bitcast3A_1004, %bitcast3A_1008 : vector<32xbf16>
          %mul3A_1014 = arith.mulf %mul3A_1013, %bitcast3A_1012 : vector<32xbf16>
          %unpack3A_1015 = tpu.unpack_subelements %mul3A_1014, 0 {pack_format = #tpu.pack_format<interleaved>} : vector<32xbf16> -> vector<16xf32>
          %unpack3A_1016 = tpu.unpack_subelements %mul3A_1014, 1 {pack_format = #tpu.pack_format<interleaved>} : vector<32xbf16> -> vector<16xf32>
          %get3A_1017 = arith.index_cast %add3A_1000 : i32 to index
          %get3A_1018 = arith.constant 16 : index
          %get3A_1019 = tpu.vector_load %arg13[%get3A_1017, %get3A_1018] {strides = array<i32>} : memref<80x128xf32, #tpu.memory_space<vmem>>, vector<16xf32>,
          %bitcast3A_1020 = vector.bitcast %get3A_1019 : vector<16xf32> to vector<32xbf16>
          %get3A_1021 = arith.index_cast %squeeze3A_998 : i32 to index
          %get3A_1022 = arith.constant 16 : index
          %get3A_1023 = tpu.vector_load %arg12[%get3A_1021, %get3A_1022] {strides = array<i32>} : memref<237x64xf32, #tpu.memory_space<vmem>>, vector<16xf32>,
          %bitcast3A_1024 = vector.bitcast %get3A_1023 : vector<16xf32> to vector<32xbf16>
          %get3A_1025 = arith.index_cast %add3A_1000 : i32 to index
          %get3A_1026 = arith.constant 16 : index
          %get3A_1027 = tpu.vector_load %arg15[%get3A_1025, %get3A_1026] {strides = array<i32>} : memref<80x128xf32, #tpu.memory_space<vmem>>, vector<16xf32>,
          %bitcast3A_1028 = vector.bitcast %get3A_1027 : vector<16xf32> to vector<32xbf16>
          %mul3A_1029 = arith.mulf %bitcast3A_1020, %bitcast3A_1024 : vector<32xbf16>
          %mul3A_1030 = arith.mulf %mul3A_1029, %bitcast3A_1028 : vector<32xbf16>
          %unpack3A_1031 = tpu.unpack_subelements %mul3A_1030, 0 {pack_format = #tpu.pack_format<interleaved>} : vector<32xbf16> -> vector<16xf32>
          %unpack3A_1032 = tpu.unpack_subelements %mul3A_1030, 1 {pack_format = #tpu.pack_format<interleaved>} : vector<32xbf16> -> vector<16xf32>
          %add3A_1033 = arith.addf %unpack3A_1015, %unpack3A_1031 : vector<16xf32>
          %add3A_1034 = arith.addf %unpack3A_1016, %unpack3A_1032 : vector<16xf32>
          %get3A_1035 = arith.index_cast %add3A_1000 : i32 to index
          %get3A_1036 = arith.constant 32 : index
          %get3A_1037 = tpu.vector_load %arg13[%get3A_1035, %get3A_1036] {strides = array<i32>} : memref<80x128xf32, #tpu.memory_space<vmem>>, vector<16xf32>,
          %bitcast3A_1038 = vector.bitcast %get3A_1037 : vector<16xf32> to vector<32xbf16>
          %get3A_1039 = arith.index_cast %squeeze3A_998 : i32 to index
          %get3A_1040 = arith.constant 32 : index
          %get3A_1041 = tpu.vector_load %arg12[%get3A_1039, %get3A_1040] {strides = array<i32>} : memref<237x64xf32, #tpu.memory_space<vmem>>, vector<16xf32>,
          %bitcast3A_1042 = vector.bitcast %get3A_1041 : vector<16xf32> to vector<32xbf16>
          %get3A_1043 = arith.index_cast %add3A_1000 : i32 to index
          %get3A_1044 = arith.constant 32 : index
          %get3A_1045 = tpu.vector_load %arg15[%get3A_1043, %get3A_1044] {strides = array<i32>} : memref<80x128xf32, #tpu.memory_space<vmem>>, vector<16xf32>,
          %bitcast3A_1046 = vector.bitcast %get3A_1045 : vector<16xf32> to vector<32xbf16>
          %mul3A_1047 = arith.mulf %bitcast3A_1038, %bitcast3A_1042 : vector<32xbf16>
          %mul3A_1048 = arith.mulf %mul3A_1047, %bitcast3A_1046 : vector<32xbf16>
          %unpack3A_1049 = tpu.unpack_subelements %mul3A_1048, 0 {pack_format = #tpu.pack_format<interleaved>} : vector<32xbf16> -> vector<16xf32>
          %unpack3A_1050 = tpu.unpack_subelements %mul3A_1048, 1 {pack_format = #tpu.pack_format<interleaved>} : vector<32xbf16> -> vector<16xf32>
          %add3A_1051 = arith.addf %add3A_1033, %unpack3A_1049 : vector<16xf32>
          %add3A_1052 = arith.addf %add3A_1034, %unpack3A_1050 : vector<16xf32>
          %get3A_1053 = arith.index_cast %add3A_1000 : i32 to index
          %get3A_1054 = arith.constant 48 : index
          %get3A_1055 = tpu.vector_load %arg13[%get3A_1053, %get3A_1054] {strides = array<i32>} : memref<80x128xf32, #tpu.memory_space<vmem>>, vector<16xf32>,
          %bitcast3A_1056 = vector.bitcast %get3A_1055 : vector<16xf32> to vector<32xbf16>
          %get3A_1057 = arith.index_cast %squeeze3A_998 : i32 to index
          %get3A_1058 = arith.constant 48 : index
          %get3A_1059 = tpu.vector_load %arg12[%get3A_1057, %get3A_1058] {strides = array<i32>} : memref<237x64xf32, #tpu.memory_space<vmem>>, vector<16xf32>,
          %bitcast3A_1060 = vector.bitcast %get3A_1059 : vector<16xf32> to vector<32xbf16>
          %get3A_1061 = arith.index_cast %add3A_1000 : i32 to index
          %get3A_1062 = arith.constant 48 : index
          %get3A_1063 = tpu.vector_load %arg15[%get3A_1061, %get3A_1062] {strides = array<i32>} : memref<80x128xf32, #tpu.memory_space<vmem>>, vector<16xf32>,
          %bitcast3A_1064 = vector.bitcast %get3A_1063 : vector<16xf32> to vector<32xbf16>
          %mul3A_1065 = arith.mulf %bitcast3A_1056, %bitcast3A_1060 : vector<32xbf16>
          %mul3A_1066 = arith.mulf %mul3A_1065, %bitcast3A_1064 : vector<32xbf16>
          %unpack3A_1067 = tpu.unpack_subelements %mul3A_1066, 0 {pack_format = #tpu.pack_format<interleaved>} : vector<32xbf16> -> vector<16xf32>
          %unpack3A_1068 = tpu.unpack_subelements %mul3A_1066, 1 {pack_format = #tpu.pack_format<interleaved>} : vector<32xbf16> -> vector<16xf32>
          %add3A_1069 = arith.addf %add3A_1051, %unpack3A_1067 : vector<16xf32>
          %add3A_1070 = arith.addf %add3A_1052, %unpack3A_1068 : vector<16xf32>
          %eq3A_1071 = arith.constant 10 : i32
          %eq3A_1072 = vector.broadcast %eq3A_1071 : i32 to vector<16xi32>
          %eq3A_1073 = arith.cmpi eq, %iota3A, %eq3A_1072 : vector<16xi32>
          %add3A_1074 = arith.addf %add3A_1069, %add3A_1070 : vector<16xf32>
          %reduce_sum3A_1075 = arith.constant true
          %reduce_sum3A_1076 = vector.broadcast %reduce_sum3A_1075 : i1 to vector<16xi1>
          %reduce_sum3A_1077 = tpu.scan <sum>, %add3A_1074 masked %reduce_sum3A_1076 : vector<16xf32>, vector<16xi1> -> vector<16xf32>
          %reduce_sum3A_1078 = vector.extract %reduce_sum3A_1077[15] : f32 from vector<16xf32>
          %broadcast_in_dim3A_1079 = vector.broadcast %reduce_sum3A_1078 : f32 to vector<16xf32>
          %select_n3A_1080 = arith.select %eq3A_1073, %broadcast_in_dim3A_1079, %select_n3A_996 : vector<16xi1>, vector<16xf32>
          %slice3A_1081 = vector.extract_strided_slice %get3A_161 {offsets = [11], sizes = [1], strides = [1]} : vector<16xi32> to vector<1xi32>
          %squeeze3A_1082 = vector.extract %slice3A_1081[0] : i32 from vector<1xi32>
          %add3A_1083 = arith.constant 11 : i32
          %add3A_1084 = arith.addi %mul3A_159, %add3A_1083 : i32
          %get3A_1085 = arith.index_cast %add3A_1084 : i32 to index
          %get3A_1086 = arith.constant 0 : index
          %get3A_1087 = tpu.vector_load %arg13[%get3A_1085, %get3A_1086] {strides = array<i32>} : memref<80x128xf32, #tpu.memory_space<vmem>>, vector<16xf32>,
          %bitcast3A_1088 = vector.bitcast %get3A_1087 : vector<16xf32> to vector<32xbf16>
          %get3A_1089 = arith.index_cast %squeeze3A_1082 : i32 to index
          %get3A_1090 = arith.constant 0 : index
          %get3A_1091 = tpu.vector_load %arg12[%get3A_1089, %get3A_1090] {strides = array<i32>} : memref<237x64xf32, #tpu.memory_space<vmem>>, vector<16xf32>,
          %bitcast3A_1092 = vector.bitcast %get3A_1091 : vector<16xf32> to vector<32xbf16>
          %get3A_1093 = arith.index_cast %add3A_1084 : i32 to index
          %get3A_1094 = arith.constant 0 : index
          %get3A_1095 = tpu.vector_load %arg15[%get3A_1093, %get3A_1094] {strides = array<i32>} : memref<80x128xf32, #tpu.memory_space<vmem>>, vector<16xf32>,
          %bitcast3A_1096 = vector.bitcast %get3A_1095 : vector<16xf32> to vector<32xbf16>
          %mul3A_1097 = arith.mulf %bitcast3A_1088, %bitcast3A_1092 : vector<32xbf16>
          %mul3A_1098 = arith.mulf %mul3A_1097, %bitcast3A_1096 : vector<32xbf16>
          %unpack3A_1099 = tpu.unpack_subelements %mul3A_1098, 0 {pack_format = #tpu.pack_format<interleaved>} : vector<32xbf16> -> vector<16xf32>
          %unpack3A_1100 = tpu.unpack_subelements %mul3A_1098, 1 {pack_format = #tpu.pack_format<interleaved>} : vector<32xbf16> -> vector<16xf32>
          %get3A_1101 = arith.index_cast %add3A_1084 : i32 to index
          %get3A_1102 = arith.constant 16 : index
          %get3A_1103 = tpu.vector_load %arg13[%get3A_1101, %get3A_1102] {strides = array<i32>} : memref<80x128xf32, #tpu.memory_space<vmem>>, vector<16xf32>,
          %bitcast3A_1104 = vector.bitcast %get3A_1103 : vector<16xf32> to vector<32xbf16>
          %get3A_1105 = arith.index_cast %squeeze3A_1082 : i32 to index
          %get3A_1106 = arith.constant 16 : index
          %get3A_1107 = tpu.vector_load %arg12[%get3A_1105, %get3A_1106] {strides = array<i32>} : memref<237x64xf32, #tpu.memory_space<vmem>>, vector<16xf32>,
          %bitcast3A_1108 = vector.bitcast %get3A_1107 : vector<16xf32> to vector<32xbf16>
          %get3A_1109 = arith.index_cast %add3A_1084 : i32 to index
          %get3A_1110 = arith.constant 16 : index
          %get3A_1111 = tpu.vector_load %arg15[%get3A_1109, %get3A_1110] {strides = array<i32>} : memref<80x128xf32, #tpu.memory_space<vmem>>, vector<16xf32>,
          %bitcast3A_1112 = vector.bitcast %get3A_1111 : vector<16xf32> to vector<32xbf16>
          %mul3A_1113 = arith.mulf %bitcast3A_1104, %bitcast3A_1108 : vector<32xbf16>
          %mul3A_1114 = arith.mulf %mul3A_1113, %bitcast3A_1112 : vector<32xbf16>
          %unpack3A_1115 = tpu.unpack_subelements %mul3A_1114, 0 {pack_format = #tpu.pack_format<interleaved>} : vector<32xbf16> -> vector<16xf32>
          %unpack3A_1116 = tpu.unpack_subelements %mul3A_1114, 1 {pack_format = #tpu.pack_format<interleaved>} : vector<32xbf16> -> vector<16xf32>
          %add3A_1117 = arith.addf %unpack3A_1099, %unpack3A_1115 : vector<16xf32>
          %add3A_1118 = arith.addf %unpack3A_1100, %unpack3A_1116 : vector<16xf32>
          %get3A_1119 = arith.index_cast %add3A_1084 : i32 to index
          %get3A_1120 = arith.constant 32 : index
          %get3A_1121 = tpu.vector_load %arg13[%get3A_1119, %get3A_1120] {strides = array<i32>} : memref<80x128xf32, #tpu.memory_space<vmem>>, vector<16xf32>,
          %bitcast3A_1122 = vector.bitcast %get3A_1121 : vector<16xf32> to vector<32xbf16>
          %get3A_1123 = arith.index_cast %squeeze3A_1082 : i32 to index
          %get3A_1124 = arith.constant 32 : index
          %get3A_1125 = tpu.vector_load %arg12[%get3A_1123, %get3A_1124] {strides = array<i32>} : memref<237x64xf32, #tpu.memory_space<vmem>>, vector<16xf32>,
          %bitcast3A_1126 = vector.bitcast %get3A_1125 : vector<16xf32> to vector<32xbf16>
          %get3A_1127 = arith.index_cast %add3A_1084 : i32 to index
          %get3A_1128 = arith.constant 32 : index
          %get3A_1129 = tpu.vector_load %arg15[%get3A_1127, %get3A_1128] {strides = array<i32>} : memref<80x128xf32, #tpu.memory_space<vmem>>, vector<16xf32>,
          %bitcast3A_1130 = vector.bitcast %get3A_1129 : vector<16xf32> to vector<32xbf16>
          %mul3A_1131 = arith.mulf %bitcast3A_1122, %bitcast3A_1126 : vector<32xbf16>
          %mul3A_1132 = arith.mulf %mul3A_1131, %bitcast3A_1130 : vector<32xbf16>
          %unpack3A_1133 = tpu.unpack_subelements %mul3A_1132, 0 {pack_format = #tpu.pack_format<interleaved>} : vector<32xbf16> -> vector<16xf32>
          %unpack3A_1134 = tpu.unpack_subelements %mul3A_1132, 1 {pack_format = #tpu.pack_format<interleaved>} : vector<32xbf16> -> vector<16xf32>
          %add3A_1135 = arith.addf %add3A_1117, %unpack3A_1133 : vector<16xf32>
          %add3A_1136 = arith.addf %add3A_1118, %unpack3A_1134 : vector<16xf32>
          %get3A_1137 = arith.index_cast %add3A_1084 : i32 to index
          %get3A_1138 = arith.constant 48 : index
          %get3A_1139 = tpu.vector_load %arg13[%get3A_1137, %get3A_1138] {strides = array<i32>} : memref<80x128xf32, #tpu.memory_space<vmem>>, vector<16xf32>,
          %bitcast3A_1140 = vector.bitcast %get3A_1139 : vector<16xf32> to vector<32xbf16>
          %get3A_1141 = arith.index_cast %squeeze3A_1082 : i32 to index
          %get3A_1142 = arith.constant 48 : index
          %get3A_1143 = tpu.vector_load %arg12[%get3A_1141, %get3A_1142] {strides = array<i32>} : memref<237x64xf32, #tpu.memory_space<vmem>>, vector<16xf32>,
          %bitcast3A_1144 = vector.bitcast %get3A_1143 : vector<16xf32> to vector<32xbf16>
          %get3A_1145 = arith.index_cast %add3A_1084 : i32 to index
          %get3A_1146 = arith.constant 48 : index
          %get3A_1147 = tpu.vector_load %arg15[%get3A_1145, %get3A_1146] {strides = array<i32>} : memref<80x128xf32, #tpu.memory_space<vmem>>, vector<16xf32>,
          %bitcast3A_1148 = vector.bitcast %get3A_1147 : vector<16xf32> to vector<32xbf16>
          %mul3A_1149 = arith.mulf %bitcast3A_1140, %bitcast3A_1144 : vector<32xbf16>
          %mul3A_1150 = arith.mulf %mul3A_1149, %bitcast3A_1148 : vector<32xbf16>
          %unpack3A_1151 = tpu.unpack_subelements %mul3A_1150, 0 {pack_format = #tpu.pack_format<interleaved>} : vector<32xbf16> -> vector<16xf32>
          %unpack3A_1152 = tpu.unpack_subelements %mul3A_1150, 1 {pack_format = #tpu.pack_format<interleaved>} : vector<32xbf16> -> vector<16xf32>
          %add3A_1153 = arith.addf %add3A_1135, %unpack3A_1151 : vector<16xf32>
          %add3A_1154 = arith.addf %add3A_1136, %unpack3A_1152 : vector<16xf32>
          %eq3A_1155 = arith.constant 11 : i32
          %eq3A_1156 = vector.broadcast %eq3A_1155 : i32 to vector<16xi32>
          %eq3A_1157 = arith.cmpi eq, %iota3A, %eq3A_1156 : vector<16xi32>
          %add3A_1158 = arith.addf %add3A_1153, %add3A_1154 : vector<16xf32>
          %reduce_sum3A_1159 = arith.constant true
          %reduce_sum3A_1160 = vector.broadcast %reduce_sum3A_1159 : i1 to vector<16xi1>
          %reduce_sum3A_1161 = tpu.scan <sum>, %add3A_1158 masked %reduce_sum3A_1160 : vector<16xf32>, vector<16xi1> -> vector<16xf32>
          %reduce_sum3A_1162 = vector.extract %reduce_sum3A_1161[15] : f32 from vector<16xf32>
          %broadcast_in_dim3A_1163 = vector.broadcast %reduce_sum3A_1162 : f32 to vector<16xf32>
          %select_n3A_1164 = arith.select %eq3A_1157, %broadcast_in_dim3A_1163, %select_n3A_1080 : vector<16xi1>, vector<16xf32>
          %slice3A_1165 = vector.extract_strided_slice %get3A_161 {offsets = [12], sizes = [1], strides = [1]} : vector<16xi32> to vector<1xi32>
          %squeeze3A_1166 = vector.extract %slice3A_1165[0] : i32 from vector<1xi32>
          %add3A_1167 = arith.constant 12 : i32
          %add3A_1168 = arith.addi %mul3A_159, %add3A_1167 : i32
          %get3A_1169 = arith.index_cast %add3A_1168 : i32 to index
          %get3A_1170 = arith.constant 0 : index
          %get3A_1171 = tpu.vector_load %arg13[%get3A_1169, %get3A_1170] {strides = array<i32>} : memref<80x128xf32, #tpu.memory_space<vmem>>, vector<16xf32>,
          %bitcast3A_1172 = vector.bitcast %get3A_1171 : vector<16xf32> to vector<32xbf16>
          %get3A_1173 = arith.index_cast %squeeze3A_1166 : i32 to index
          %get3A_1174 = arith.constant 0 : index
          %get3A_1175 = tpu.vector_load %arg12[%get3A_1173, %get3A_1174] {strides = array<i32>} : memref<237x64xf32, #tpu.memory_space<vmem>>, vector<16xf32>,
          %bitcast3A_1176 = vector.bitcast %get3A_1175 : vector<16xf32> to vector<32xbf16>
          %get3A_1177 = arith.index_cast %add3A_1168 : i32 to index
          %get3A_1178 = arith.constant 0 : index
          %get3A_1179 = tpu.vector_load %arg15[%get3A_1177, %get3A_1178] {strides = array<i32>} : memref<80x128xf32, #tpu.memory_space<vmem>>, vector<16xf32>,
          %bitcast3A_1180 = vector.bitcast %get3A_1179 : vector<16xf32> to vector<32xbf16>
          %mul3A_1181 = arith.mulf %bitcast3A_1172, %bitcast3A_1176 : vector<32xbf16>
          %mul3A_1182 = arith.mulf %mul3A_1181, %bitcast3A_1180 : vector<32xbf16>
          %unpack3A_1183 = tpu.unpack_subelements %mul3A_1182, 0 {pack_format = #tpu.pack_format<interleaved>} : vector<32xbf16> -> vector<16xf32>
          %unpack3A_1184 = tpu.unpack_subelements %mul3A_1182, 1 {pack_format = #tpu.pack_format<interleaved>} : vector<32xbf16> -> vector<16xf32>
          %get3A_1185 = arith.index_cast %add3A_1168 : i32 to index
          %get3A_1186 = arith.constant 16 : index
          %get3A_1187 = tpu.vector_load %arg13[%get3A_1185, %get3A_1186] {strides = array<i32>} : memref<80x128xf32, #tpu.memory_space<vmem>>, vector<16xf32>,
          %bitcast3A_1188 = vector.bitcast %get3A_1187 : vector<16xf32> to vector<32xbf16>
          %get3A_1189 = arith.index_cast %squeeze3A_1166 : i32 to index
          %get3A_1190 = arith.constant 16 : index
          %get3A_1191 = tpu.vector_load %arg12[%get3A_1189, %get3A_1190] {strides = array<i32>} : memref<237x64xf32, #tpu.memory_space<vmem>>, vector<16xf32>,
          %bitcast3A_1192 = vector.bitcast %get3A_1191 : vector<16xf32> to vector<32xbf16>
          %get3A_1193 = arith.index_cast %add3A_1168 : i32 to index
          %get3A_1194 = arith.constant 16 : index
          %get3A_1195 = tpu.vector_load %arg15[%get3A_1193, %get3A_1194] {strides = array<i32>} : memref<80x128xf32, #tpu.memory_space<vmem>>, vector<16xf32>,
          %bitcast3A_1196 = vector.bitcast %get3A_1195 : vector<16xf32> to vector<32xbf16>
          %mul3A_1197 = arith.mulf %bitcast3A_1188, %bitcast3A_1192 : vector<32xbf16>
          %mul3A_1198 = arith.mulf %mul3A_1197, %bitcast3A_1196 : vector<32xbf16>
          %unpack3A_1199 = tpu.unpack_subelements %mul3A_1198, 0 {pack_format = #tpu.pack_format<interleaved>} : vector<32xbf16> -> vector<16xf32>
          %unpack3A_1200 = tpu.unpack_subelements %mul3A_1198, 1 {pack_format = #tpu.pack_format<interleaved>} : vector<32xbf16> -> vector<16xf32>
          %add3A_1201 = arith.addf %unpack3A_1183, %unpack3A_1199 : vector<16xf32>
          %add3A_1202 = arith.addf %unpack3A_1184, %unpack3A_1200 : vector<16xf32>
          %get3A_1203 = arith.index_cast %add3A_1168 : i32 to index
          %get3A_1204 = arith.constant 32 : index
          %get3A_1205 = tpu.vector_load %arg13[%get3A_1203, %get3A_1204] {strides = array<i32>} : memref<80x128xf32, #tpu.memory_space<vmem>>, vector<16xf32>,
          %bitcast3A_1206 = vector.bitcast %get3A_1205 : vector<16xf32> to vector<32xbf16>
          %get3A_1207 = arith.index_cast %squeeze3A_1166 : i32 to index
          %get3A_1208 = arith.constant 32 : index
          %get3A_1209 = tpu.vector_load %arg12[%get3A_1207, %get3A_1208] {strides = array<i32>} : memref<237x64xf32, #tpu.memory_space<vmem>>, vector<16xf32>,
          %bitcast3A_1210 = vector.bitcast %get3A_1209 : vector<16xf32> to vector<32xbf16>
          %get3A_1211 = arith.index_cast %add3A_1168 : i32 to index
          %get3A_1212 = arith.constant 32 : index
          %get3A_1213 = tpu.vector_load %arg15[%get3A_1211, %get3A_1212] {strides = array<i32>} : memref<80x128xf32, #tpu.memory_space<vmem>>, vector<16xf32>,
          %bitcast3A_1214 = vector.bitcast %get3A_1213 : vector<16xf32> to vector<32xbf16>
          %mul3A_1215 = arith.mulf %bitcast3A_1206, %bitcast3A_1210 : vector<32xbf16>
          %mul3A_1216 = arith.mulf %mul3A_1215, %bitcast3A_1214 : vector<32xbf16>
          %unpack3A_1217 = tpu.unpack_subelements %mul3A_1216, 0 {pack_format = #tpu.pack_format<interleaved>} : vector<32xbf16> -> vector<16xf32>
          %unpack3A_1218 = tpu.unpack_subelements %mul3A_1216, 1 {pack_format = #tpu.pack_format<interleaved>} : vector<32xbf16> -> vector<16xf32>
          %add3A_1219 = arith.addf %add3A_1201, %unpack3A_1217 : vector<16xf32>
          %add3A_1220 = arith.addf %add3A_1202, %unpack3A_1218 : vector<16xf32>
          %get3A_1221 = arith.index_cast %add3A_1168 : i32 to index
          %get3A_1222 = arith.constant 48 : index
          %get3A_1223 = tpu.vector_load %arg13[%get3A_1221, %get3A_1222] {strides = array<i32>} : memref<80x128xf32, #tpu.memory_space<vmem>>, vector<16xf32>,
          %bitcast3A_1224 = vector.bitcast %get3A_1223 : vector<16xf32> to vector<32xbf16>
          %get3A_1225 = arith.index_cast %squeeze3A_1166 : i32 to index
          %get3A_1226 = arith.constant 48 : index
          %get3A_1227 = tpu.vector_load %arg12[%get3A_1225, %get3A_1226] {strides = array<i32>} : memref<237x64xf32, #tpu.memory_space<vmem>>, vector<16xf32>,
          %bitcast3A_1228 = vector.bitcast %get3A_1227 : vector<16xf32> to vector<32xbf16>
          %get3A_1229 = arith.index_cast %add3A_1168 : i32 to index
          %get3A_1230 = arith.constant 48 : index
          %get3A_1231 = tpu.vector_load %arg15[%get3A_1229, %get3A_1230] {strides = array<i32>} : memref<80x128xf32, #tpu.memory_space<vmem>>, vector<16xf32>,
          %bitcast3A_1232 = vector.bitcast %get3A_1231 : vector<16xf32> to vector<32xbf16>
          %mul3A_1233 = arith.mulf %bitcast3A_1224, %bitcast3A_1228 : vector<32xbf16>
          %mul3A_1234 = arith.mulf %mul3A_1233, %bitcast3A_1232 : vector<32xbf16>
          %unpack3A_1235 = tpu.unpack_subelements %mul3A_1234, 0 {pack_format = #tpu.pack_format<interleaved>} : vector<32xbf16> -> vector<16xf32>
          %unpack3A_1236 = tpu.unpack_subelements %mul3A_1234, 1 {pack_format = #tpu.pack_format<interleaved>} : vector<32xbf16> -> vector<16xf32>
          %add3A_1237 = arith.addf %add3A_1219, %unpack3A_1235 : vector<16xf32>
          %add3A_1238 = arith.addf %add3A_1220, %unpack3A_1236 : vector<16xf32>
          %eq3A_1239 = arith.constant 12 : i32
          %eq3A_1240 = vector.broadcast %eq3A_1239 : i32 to vector<16xi32>
          %eq3A_1241 = arith.cmpi eq, %iota3A, %eq3A_1240 : vector<16xi32>
          %add3A_1242 = arith.addf %add3A_1237, %add3A_1238 : vector<16xf32>
          %reduce_sum3A_1243 = arith.constant true
          %reduce_sum3A_1244 = vector.broadcast %reduce_sum3A_1243 : i1 to vector<16xi1>
          %reduce_sum3A_1245 = tpu.scan <sum>, %add3A_1242 masked %reduce_sum3A_1244 : vector<16xf32>, vector<16xi1> -> vector<16xf32>
          %reduce_sum3A_1246 = vector.extract %reduce_sum3A_1245[15] : f32 from vector<16xf32>
          %broadcast_in_dim3A_1247 = vector.broadcast %reduce_sum3A_1246 : f32 to vector<16xf32>
          %select_n3A_1248 = arith.select %eq3A_1241, %broadcast_in_dim3A_1247, %select_n3A_1164 : vector<16xi1>, vector<16xf32>
          %slice3A_1249 = vector.extract_strided_slice %get3A_161 {offsets = [13], sizes = [1], strides = [1]} : vector<16xi32> to vector<1xi32>
          %squeeze3A_1250 = vector.extract %slice3A_1249[0] : i32 from vector<1xi32>
          %add3A_1251 = arith.constant 13 : i32
          %add3A_1252 = arith.addi %mul3A_159, %add3A_1251 : i32
          %get3A_1253 = arith.index_cast %add3A_1252 : i32 to index
          %get3A_1254 = arith.constant 0 : index
          %get3A_1255 = tpu.vector_load %arg13[%get3A_1253, %get3A_1254] {strides = array<i32>} : memref<80x128xf32, #tpu.memory_space<vmem>>, vector<16xf32>,
          %bitcast3A_1256 = vector.bitcast %get3A_1255 : vector<16xf32> to vector<32xbf16>
          %get3A_1257 = arith.index_cast %squeeze3A_1250 : i32 to index
          %get3A_1258 = arith.constant 0 : index
          %get3A_1259 = tpu.vector_load %arg12[%get3A_1257, %get3A_1258] {strides = array<i32>} : memref<237x64xf32, #tpu.memory_space<vmem>>, vector<16xf32>,
          %bitcast3A_1260 = vector.bitcast %get3A_1259 : vector<16xf32> to vector<32xbf16>
          %get3A_1261 = arith.index_cast %add3A_1252 : i32 to index
          %get3A_1262 = arith.constant 0 : index
          %get3A_1263 = tpu.vector_load %arg15[%get3A_1261, %get3A_1262] {strides = array<i32>} : memref<80x128xf32, #tpu.memory_space<vmem>>, vector<16xf32>,
          %bitcast3A_1264 = vector.bitcast %get3A_1263 : vector<16xf32> to vector<32xbf16>
          %mul3A_1265 = arith.mulf %bitcast3A_1256, %bitcast3A_1260 : vector<32xbf16>
          %mul3A_1266 = arith.mulf %mul3A_1265, %bitcast3A_1264 : vector<32xbf16>
          %unpack3A_1267 = tpu.unpack_subelements %mul3A_1266, 0 {pack_format = #tpu.pack_format<interleaved>} : vector<32xbf16> -> vector<16xf32>
          %unpack3A_1268 = tpu.unpack_subelements %mul3A_1266, 1 {pack_format = #tpu.pack_format<interleaved>} : vector<32xbf16> -> vector<16xf32>
          %get3A_1269 = arith.index_cast %add3A_1252 : i32 to index
          %get3A_1270 = arith.constant 16 : index
          %get3A_1271 = tpu.vector_load %arg13[%get3A_1269, %get3A_1270] {strides = array<i32>} : memref<80x128xf32, #tpu.memory_space<vmem>>, vector<16xf32>,
          %bitcast3A_1272 = vector.bitcast %get3A_1271 : vector<16xf32> to vector<32xbf16>
          %get3A_1273 = arith.index_cast %squeeze3A_1250 : i32 to index
          %get3A_1274 = arith.constant 16 : index
          %get3A_1275 = tpu.vector_load %arg12[%get3A_1273, %get3A_1274] {strides = array<i32>} : memref<237x64xf32, #tpu.memory_space<vmem>>, vector<16xf32>,
          %bitcast3A_1276 = vector.bitcast %get3A_1275 : vector<16xf32> to vector<32xbf16>
          %get3A_1277 = arith.index_cast %add3A_1252 : i32 to index
          %get3A_1278 = arith.constant 16 : index
          %get3A_1279 = tpu.vector_load %arg15[%get3A_1277, %get3A_1278] {strides = array<i32>} : memref<80x128xf32, #tpu.memory_space<vmem>>, vector<16xf32>,
          %bitcast3A_1280 = vector.bitcast %get3A_1279 : vector<16xf32> to vector<32xbf16>
          %mul3A_1281 = arith.mulf %bitcast3A_1272, %bitcast3A_1276 : vector<32xbf16>
          %mul3A_1282 = arith.mulf %mul3A_1281, %bitcast3A_1280 : vector<32xbf16>
          %unpack3A_1283 = tpu.unpack_subelements %mul3A_1282, 0 {pack_format = #tpu.pack_format<interleaved>} : vector<32xbf16> -> vector<16xf32>
          %unpack3A_1284 = tpu.unpack_subelements %mul3A_1282, 1 {pack_format = #tpu.pack_format<interleaved>} : vector<32xbf16> -> vector<16xf32>
          %add3A_1285 = arith.addf %unpack3A_1267, %unpack3A_1283 : vector<16xf32>
          %add3A_1286 = arith.addf %unpack3A_1268, %unpack3A_1284 : vector<16xf32>
          %get3A_1287 = arith.index_cast %add3A_1252 : i32 to index
          %get3A_1288 = arith.constant 32 : index
          %get3A_1289 = tpu.vector_load %arg13[%get3A_1287, %get3A_1288] {strides = array<i32>} : memref<80x128xf32, #tpu.memory_space<vmem>>, vector<16xf32>,
          %bitcast3A_1290 = vector.bitcast %get3A_1289 : vector<16xf32> to vector<32xbf16>
          %get3A_1291 = arith.index_cast %squeeze3A_1250 : i32 to index
          %get3A_1292 = arith.constant 32 : index
          %get3A_1293 = tpu.vector_load %arg12[%get3A_1291, %get3A_1292] {strides = array<i32>} : memref<237x64xf32, #tpu.memory_space<vmem>>, vector<16xf32>,
          %bitcast3A_1294 = vector.bitcast %get3A_1293 : vector<16xf32> to vector<32xbf16>
          %get3A_1295 = arith.index_cast %add3A_1252 : i32 to index
          %get3A_1296 = arith.constant 32 : index
          %get3A_1297 = tpu.vector_load %arg15[%get3A_1295, %get3A_1296] {strides = array<i32>} : memref<80x128xf32, #tpu.memory_space<vmem>>, vector<16xf32>,
          %bitcast3A_1298 = vector.bitcast %get3A_1297 : vector<16xf32> to vector<32xbf16>
          %mul3A_1299 = arith.mulf %bitcast3A_1290, %bitcast3A_1294 : vector<32xbf16>
          %mul3A_1300 = arith.mulf %mul3A_1299, %bitcast3A_1298 : vector<32xbf16>
          %unpack3A_1301 = tpu.unpack_subelements %mul3A_1300, 0 {pack_format = #tpu.pack_format<interleaved>} : vector<32xbf16> -> vector<16xf32>
          %unpack3A_1302 = tpu.unpack_subelements %mul3A_1300, 1 {pack_format = #tpu.pack_format<interleaved>} : vector<32xbf16> -> vector<16xf32>
          %add3A_1303 = arith.addf %add3A_1285, %unpack3A_1301 : vector<16xf32>
          %add3A_1304 = arith.addf %add3A_1286, %unpack3A_1302 : vector<16xf32>
          %get3A_1305 = arith.index_cast %add3A_1252 : i32 to index
          %get3A_1306 = arith.constant 48 : index
          %get3A_1307 = tpu.vector_load %arg13[%get3A_1305, %get3A_1306] {strides = array<i32>} : memref<80x128xf32, #tpu.memory_space<vmem>>, vector<16xf32>,
          %bitcast3A_1308 = vector.bitcast %get3A_1307 : vector<16xf32> to vector<32xbf16>
          %get3A_1309 = arith.index_cast %squeeze3A_1250 : i32 to index
          %get3A_1310 = arith.constant 48 : index
          %get3A_1311 = tpu.vector_load %arg12[%get3A_1309, %get3A_1310] {strides = array<i32>} : memref<237x64xf32, #tpu.memory_space<vmem>>, vector<16xf32>,
          %bitcast3A_1312 = vector.bitcast %get3A_1311 : vector<16xf32> to vector<32xbf16>
          %get3A_1313 = arith.index_cast %add3A_1252 : i32 to index
          %get3A_1314 = arith.constant 48 : index
          %get3A_1315 = tpu.vector_load %arg15[%get3A_1313, %get3A_1314] {strides = array<i32>} : memref<80x128xf32, #tpu.memory_space<vmem>>, vector<16xf32>,
          %bitcast3A_1316 = vector.bitcast %get3A_1315 : vector<16xf32> to vector<32xbf16>
          %mul3A_1317 = arith.mulf %bitcast3A_1308, %bitcast3A_1312 : vector<32xbf16>
          %mul3A_1318 = arith.mulf %mul3A_1317, %bitcast3A_1316 : vector<32xbf16>
          %unpack3A_1319 = tpu.unpack_subelements %mul3A_1318, 0 {pack_format = #tpu.pack_format<interleaved>} : vector<32xbf16> -> vector<16xf32>
          %unpack3A_1320 = tpu.unpack_subelements %mul3A_1318, 1 {pack_format = #tpu.pack_format<interleaved>} : vector<32xbf16> -> vector<16xf32>
          %add3A_1321 = arith.addf %add3A_1303, %unpack3A_1319 : vector<16xf32>
          %add3A_1322 = arith.addf %add3A_1304, %unpack3A_1320 : vector<16xf32>
          %eq3A_1323 = arith.constant 13 : i32
          %eq3A_1324 = vector.broadcast %eq3A_1323 : i32 to vector<16xi32>
          %eq3A_1325 = arith.cmpi eq, %iota3A, %eq3A_1324 : vector<16xi32>
          %add3A_1326 = arith.addf %add3A_1321, %add3A_1322 : vector<16xf32>
          %reduce_sum3A_1327 = arith.constant true
          %reduce_sum3A_1328 = vector.broadcast %reduce_sum3A_1327 : i1 to vector<16xi1>
          %reduce_sum3A_1329 = tpu.scan <sum>, %add3A_1326 masked %reduce_sum3A_1328 : vector<16xf32>, vector<16xi1> -> vector<16xf32>
          %reduce_sum3A_1330 = vector.extract %reduce_sum3A_1329[15] : f32 from vector<16xf32>
          %broadcast_in_dim3A_1331 = vector.broadcast %reduce_sum3A_1330 : f32 to vector<16xf32>
          %select_n3A_1332 = arith.select %eq3A_1325, %broadcast_in_dim3A_1331, %select_n3A_1248 : vector<16xi1>, vector<16xf32>
          %slice3A_1333 = vector.extract_strided_slice %get3A_161 {offsets = [14], sizes = [1], strides = [1]} : vector<16xi32> to vector<1xi32>
          %squeeze3A_1334 = vector.extract %slice3A_1333[0] : i32 from vector<1xi32>
          %add3A_1335 = arith.constant 14 : i32
          %add3A_1336 = arith.addi %mul3A_159, %add3A_1335 : i32
          %get3A_1337 = arith.index_cast %add3A_1336 : i32 to index
          %get3A_1338 = arith.constant 0 : index
          %get3A_1339 = tpu.vector_load %arg13[%get3A_1337, %get3A_1338] {strides = array<i32>} : memref<80x128xf32, #tpu.memory_space<vmem>>, vector<16xf32>,
          %bitcast3A_1340 = vector.bitcast %get3A_1339 : vector<16xf32> to vector<32xbf16>
          %get3A_1341 = arith.index_cast %squeeze3A_1334 : i32 to index
          %get3A_1342 = arith.constant 0 : index
          %get3A_1343 = tpu.vector_load %arg12[%get3A_1341, %get3A_1342] {strides = array<i32>} : memref<237x64xf32, #tpu.memory_space<vmem>>, vector<16xf32>,
          %bitcast3A_1344 = vector.bitcast %get3A_1343 : vector<16xf32> to vector<32xbf16>
          %get3A_1345 = arith.index_cast %add3A_1336 : i32 to index
          %get3A_1346 = arith.constant 0 : index
          %get3A_1347 = tpu.vector_load %arg15[%get3A_1345, %get3A_1346] {strides = array<i32>} : memref<80x128xf32, #tpu.memory_space<vmem>>, vector<16xf32>,
          %bitcast3A_1348 = vector.bitcast %get3A_1347 : vector<16xf32> to vector<32xbf16>
          %mul3A_1349 = arith.mulf %bitcast3A_1340, %bitcast3A_1344 : vector<32xbf16>
          %mul3A_1350 = arith.mulf %mul3A_1349, %bitcast3A_1348 : vector<32xbf16>
          %unpack3A_1351 = tpu.unpack_subelements %mul3A_1350, 0 {pack_format = #tpu.pack_format<interleaved>} : vector<32xbf16> -> vector<16xf32>
          %unpack3A_1352 = tpu.unpack_subelements %mul3A_1350, 1 {pack_format = #tpu.pack_format<interleaved>} : vector<32xbf16> -> vector<16xf32>
          %get3A_1353 = arith.index_cast %add3A_1336 : i32 to index
          %get3A_1354 = arith.constant 16 : index
          %get3A_1355 = tpu.vector_load %arg13[%get3A_1353, %get3A_1354] {strides = array<i32>} : memref<80x128xf32, #tpu.memory_space<vmem>>, vector<16xf32>,
          %bitcast3A_1356 = vector.bitcast %get3A_1355 : vector<16xf32> to vector<32xbf16>
          %get3A_1357 = arith.index_cast %squeeze3A_1334 : i32 to index
          %get3A_1358 = arith.constant 16 : index
          %get3A_1359 = tpu.vector_load %arg12[%get3A_1357, %get3A_1358] {strides = array<i32>} : memref<237x64xf32, #tpu.memory_space<vmem>>, vector<16xf32>,
          %bitcast3A_1360 = vector.bitcast %get3A_1359 : vector<16xf32> to vector<32xbf16>
          %get3A_1361 = arith.index_cast %add3A_1336 : i32 to index
          %get3A_1362 = arith.constant 16 : index
          %get3A_1363 = tpu.vector_load %arg15[%get3A_1361, %get3A_1362] {strides = array<i32>} : memref<80x128xf32, #tpu.memory_space<vmem>>, vector<16xf32>,
          %bitcast3A_1364 = vector.bitcast %get3A_1363 : vector<16xf32> to vector<32xbf16>
          %mul3A_1365 = arith.mulf %bitcast3A_1356, %bitcast3A_1360 : vector<32xbf16>
          %mul3A_1366 = arith.mulf %mul3A_1365, %bitcast3A_1364 : vector<32xbf16>
          %unpack3A_1367 = tpu.unpack_subelements %mul3A_1366, 0 {pack_format = #tpu.pack_format<interleaved>} : vector<32xbf16> -> vector<16xf32>
          %unpack3A_1368 = tpu.unpack_subelements %mul3A_1366, 1 {pack_format = #tpu.pack_format<interleaved>} : vector<32xbf16> -> vector<16xf32>
          %add3A_1369 = arith.addf %unpack3A_1351, %unpack3A_1367 : vector<16xf32>
          %add3A_1370 = arith.addf %unpack3A_1352, %unpack3A_1368 : vector<16xf32>
          %get3A_1371 = arith.index_cast %add3A_1336 : i32 to index
          %get3A_1372 = arith.constant 32 : index
          %get3A_1373 = tpu.vector_load %arg13[%get3A_1371, %get3A_1372] {strides = array<i32>} : memref<80x128xf32, #tpu.memory_space<vmem>>, vector<16xf32>,
          %bitcast3A_1374 = vector.bitcast %get3A_1373 : vector<16xf32> to vector<32xbf16>
          %get3A_1375 = arith.index_cast %squeeze3A_1334 : i32 to index
          %get3A_1376 = arith.constant 32 : index
          %get3A_1377 = tpu.vector_load %arg12[%get3A_1375, %get3A_1376] {strides = array<i32>} : memref<237x64xf32, #tpu.memory_space<vmem>>, vector<16xf32>,
          %bitcast3A_1378 = vector.bitcast %get3A_1377 : vector<16xf32> to vector<32xbf16>
          %get3A_1379 = arith.index_cast %add3A_1336 : i32 to index
          %get3A_1380 = arith.constant 32 : index
          %get3A_1381 = tpu.vector_load %arg15[%get3A_1379, %get3A_1380] {strides = array<i32>} : memref<80x128xf32, #tpu.memory_space<vmem>>, vector<16xf32>,
          %bitcast3A_1382 = vector.bitcast %get3A_1381 : vector<16xf32> to vector<32xbf16>
          %mul3A_1383 = arith.mulf %bitcast3A_1374, %bitcast3A_1378 : vector<32xbf16>
          %mul3A_1384 = arith.mulf %mul3A_1383, %bitcast3A_1382 : vector<32xbf16>
          %unpack3A_1385 = tpu.unpack_subelements %mul3A_1384, 0 {pack_format = #tpu.pack_format<interleaved>} : vector<32xbf16> -> vector<16xf32>
          %unpack3A_1386 = tpu.unpack_subelements %mul3A_1384, 1 {pack_format = #tpu.pack_format<interleaved>} : vector<32xbf16> -> vector<16xf32>
          %add3A_1387 = arith.addf %add3A_1369, %unpack3A_1385 : vector<16xf32>
          %add3A_1388 = arith.addf %add3A_1370, %unpack3A_1386 : vector<16xf32>
          %get3A_1389 = arith.index_cast %add3A_1336 : i32 to index
          %get3A_1390 = arith.constant 48 : index
          %get3A_1391 = tpu.vector_load %arg13[%get3A_1389, %get3A_1390] {strides = array<i32>} : memref<80x128xf32, #tpu.memory_space<vmem>>, vector<16xf32>,
          %bitcast3A_1392 = vector.bitcast %get3A_1391 : vector<16xf32> to vector<32xbf16>
          %get3A_1393 = arith.index_cast %squeeze3A_1334 : i32 to index
          %get3A_1394 = arith.constant 48 : index
          %get3A_1395 = tpu.vector_load %arg12[%get3A_1393, %get3A_1394] {strides = array<i32>} : memref<237x64xf32, #tpu.memory_space<vmem>>, vector<16xf32>,
          %bitcast3A_1396 = vector.bitcast %get3A_1395 : vector<16xf32> to vector<32xbf16>
          %get3A_1397 = arith.index_cast %add3A_1336 : i32 to index
          %get3A_1398 = arith.constant 48 : index
          %get3A_1399 = tpu.vector_load %arg15[%get3A_1397, %get3A_1398] {strides = array<i32>} : memref<80x128xf32, #tpu.memory_space<vmem>>, vector<16xf32>,
          %bitcast3A_1400 = vector.bitcast %get3A_1399 : vector<16xf32> to vector<32xbf16>
          %mul3A_1401 = arith.mulf %bitcast3A_1392, %bitcast3A_1396 : vector<32xbf16>
          %mul3A_1402 = arith.mulf %mul3A_1401, %bitcast3A_1400 : vector<32xbf16>
          %unpack3A_1403 = tpu.unpack_subelements %mul3A_1402, 0 {pack_format = #tpu.pack_format<interleaved>} : vector<32xbf16> -> vector<16xf32>
          %unpack3A_1404 = tpu.unpack_subelements %mul3A_1402, 1 {pack_format = #tpu.pack_format<interleaved>} : vector<32xbf16> -> vector<16xf32>
          %add3A_1405 = arith.addf %add3A_1387, %unpack3A_1403 : vector<16xf32>
          %add3A_1406 = arith.addf %add3A_1388, %unpack3A_1404 : vector<16xf32>
          %eq3A_1407 = arith.constant 14 : i32
          %eq3A_1408 = vector.broadcast %eq3A_1407 : i32 to vector<16xi32>
          %eq3A_1409 = arith.cmpi eq, %iota3A, %eq3A_1408 : vector<16xi32>
          %add3A_1410 = arith.addf %add3A_1405, %add3A_1406 : vector<16xf32>
          %reduce_sum3A_1411 = arith.constant true
          %reduce_sum3A_1412 = vector.broadcast %reduce_sum3A_1411 : i1 to vector<16xi1>
          %reduce_sum3A_1413 = tpu.scan <sum>, %add3A_1410 masked %reduce_sum3A_1412 : vector<16xf32>, vector<16xi1> -> vector<16xf32>
          %reduce_sum3A_1414 = vector.extract %reduce_sum3A_1413[15] : f32 from vector<16xf32>
          %broadcast_in_dim3A_1415 = vector.broadcast %reduce_sum3A_1414 : f32 to vector<16xf32>
          %select_n3A_1416 = arith.select %eq3A_1409, %broadcast_in_dim3A_1415, %select_n3A_1332 : vector<16xi1>, vector<16xf32>
          %slice3A_1417 = vector.extract_strided_slice %get3A_161 {offsets = [15], sizes = [1], strides = [1]} : vector<16xi32> to vector<1xi32>
          %squeeze3A_1418 = vector.extract %slice3A_1417[0] : i32 from vector<1xi32>
          %add3A_1419 = arith.constant 15 : i32
          %add3A_1420 = arith.addi %mul3A_159, %add3A_1419 : i32
          %get3A_1421 = arith.index_cast %add3A_1420 : i32 to index
          %get3A_1422 = arith.constant 0 : index
          %get3A_1423 = tpu.vector_load %arg13[%get3A_1421, %get3A_1422] {strides = array<i32>} : memref<80x128xf32, #tpu.memory_space<vmem>>, vector<16xf32>,
          %bitcast3A_1424 = vector.bitcast %get3A_1423 : vector<16xf32> to vector<32xbf16>
          %get3A_1425 = arith.index_cast %squeeze3A_1418 : i32 to index
          %get3A_1426 = arith.constant 0 : index
          %get3A_1427 = tpu.vector_load %arg12[%get3A_1425, %get3A_1426] {strides = array<i32>} : memref<237x64xf32, #tpu.memory_space<vmem>>, vector<16xf32>,
          %bitcast3A_1428 = vector.bitcast %get3A_1427 : vector<16xf32> to vector<32xbf16>
          %get3A_1429 = arith.index_cast %add3A_1420 : i32 to index
          %get3A_1430 = arith.constant 0 : index
          %get3A_1431 = tpu.vector_load %arg15[%get3A_1429, %get3A_1430] {strides = array<i32>} : memref<80x128xf32, #tpu.memory_space<vmem>>, vector<16xf32>,
          %bitcast3A_1432 = vector.bitcast %get3A_1431 : vector<16xf32> to vector<32xbf16>
          %mul3A_1433 = arith.mulf %bitcast3A_1424, %bitcast3A_1428 : vector<32xbf16>
          %mul3A_1434 = arith.mulf %mul3A_1433, %bitcast3A_1432 : vector<32xbf16>
          %unpack3A_1435 = tpu.unpack_subelements %mul3A_1434, 0 {pack_format = #tpu.pack_format<interleaved>} : vector<32xbf16> -> vector<16xf32>
          %unpack3A_1436 = tpu.unpack_subelements %mul3A_1434, 1 {pack_format = #tpu.pack_format<interleaved>} : vector<32xbf16> -> vector<16xf32>
          %get3A_1437 = arith.index_cast %add3A_1420 : i32 to index
          %get3A_1438 = arith.constant 16 : index
          %get3A_1439 = tpu.vector_load %arg13[%get3A_1437, %get3A_1438] {strides = array<i32>} : memref<80x128xf32, #tpu.memory_space<vmem>>, vector<16xf32>,
          %bitcast3A_1440 = vector.bitcast %get3A_1439 : vector<16xf32> to vector<32xbf16>
          %get3A_1441 = arith.index_cast %squeeze3A_1418 : i32 to index
          %get3A_1442 = arith.constant 16 : index
          %get3A_1443 = tpu.vector_load %arg12[%get3A_1441, %get3A_1442] {strides = array<i32>} : memref<237x64xf32, #tpu.memory_space<vmem>>, vector<16xf32>,
          %bitcast3A_1444 = vector.bitcast %get3A_1443 : vector<16xf32> to vector<32xbf16>
          %get3A_1445 = arith.index_cast %add3A_1420 : i32 to index
          %get3A_1446 = arith.constant 16 : index
          %get3A_1447 = tpu.vector_load %arg15[%get3A_1445, %get3A_1446] {strides = array<i32>} : memref<80x128xf32, #tpu.memory_space<vmem>>, vector<16xf32>,
          %bitcast3A_1448 = vector.bitcast %get3A_1447 : vector<16xf32> to vector<32xbf16>
          %mul3A_1449 = arith.mulf %bitcast3A_1440, %bitcast3A_1444 : vector<32xbf16>
          %mul3A_1450 = arith.mulf %mul3A_1449, %bitcast3A_1448 : vector<32xbf16>
          %unpack3A_1451 = tpu.unpack_subelements %mul3A_1450, 0 {pack_format = #tpu.pack_format<interleaved>} : vector<32xbf16> -> vector<16xf32>
          %unpack3A_1452 = tpu.unpack_subelements %mul3A_1450, 1 {pack_format = #tpu.pack_format<interleaved>} : vector<32xbf16> -> vector<16xf32>
          %add3A_1453 = arith.addf %unpack3A_1435, %unpack3A_1451 : vector<16xf32>
          %add3A_1454 = arith.addf %unpack3A_1436, %unpack3A_1452 : vector<16xf32>
          %get3A_1455 = arith.index_cast %add3A_1420 : i32 to index
          %get3A_1456 = arith.constant 32 : index
          %get3A_1457 = tpu.vector_load %arg13[%get3A_1455, %get3A_1456] {strides = array<i32>} : memref<80x128xf32, #tpu.memory_space<vmem>>, vector<16xf32>,
          %bitcast3A_1458 = vector.bitcast %get3A_1457 : vector<16xf32> to vector<32xbf16>
          %get3A_1459 = arith.index_cast %squeeze3A_1418 : i32 to index
          %get3A_1460 = arith.constant 32 : index
          %get3A_1461 = tpu.vector_load %arg12[%get3A_1459, %get3A_1460] {strides = array<i32>} : memref<237x64xf32, #tpu.memory_space<vmem>>, vector<16xf32>,
          %bitcast3A_1462 = vector.bitcast %get3A_1461 : vector<16xf32> to vector<32xbf16>
          %get3A_1463 = arith.index_cast %add3A_1420 : i32 to index
          %get3A_1464 = arith.constant 32 : index
          %get3A_1465 = tpu.vector_load %arg15[%get3A_1463, %get3A_1464] {strides = array<i32>} : memref<80x128xf32, #tpu.memory_space<vmem>>, vector<16xf32>,
          %bitcast3A_1466 = vector.bitcast %get3A_1465 : vector<16xf32> to vector<32xbf16>
          %mul3A_1467 = arith.mulf %bitcast3A_1458, %bitcast3A_1462 : vector<32xbf16>
          %mul3A_1468 = arith.mulf %mul3A_1467, %bitcast3A_1466 : vector<32xbf16>
          %unpack3A_1469 = tpu.unpack_subelements %mul3A_1468, 0 {pack_format = #tpu.pack_format<interleaved>} : vector<32xbf16> -> vector<16xf32>
          %unpack3A_1470 = tpu.unpack_subelements %mul3A_1468, 1 {pack_format = #tpu.pack_format<interleaved>} : vector<32xbf16> -> vector<16xf32>
          %add3A_1471 = arith.addf %add3A_1453, %unpack3A_1469 : vector<16xf32>
          %add3A_1472 = arith.addf %add3A_1454, %unpack3A_1470 : vector<16xf32>
          %get3A_1473 = arith.index_cast %add3A_1420 : i32 to index
          %get3A_1474 = arith.constant 48 : index
          %get3A_1475 = tpu.vector_load %arg13[%get3A_1473, %get3A_1474] {strides = array<i32>} : memref<80x128xf32, #tpu.memory_space<vmem>>, vector<16xf32>,
          %bitcast3A_1476 = vector.bitcast %get3A_1475 : vector<16xf32> to vector<32xbf16>
          %get3A_1477 = arith.index_cast %squeeze3A_1418 : i32 to index
          %get3A_1478 = arith.constant 48 : index
          %get3A_1479 = tpu.vector_load %arg12[%get3A_1477, %get3A_1478] {strides = array<i32>} : memref<237x64xf32, #tpu.memory_space<vmem>>, vector<16xf32>,
          %bitcast3A_1480 = vector.bitcast %get3A_1479 : vector<16xf32> to vector<32xbf16>
          %get3A_1481 = arith.index_cast %add3A_1420 : i32 to index
          %get3A_1482 = arith.constant 48 : index
          %get3A_1483 = tpu.vector_load %arg15[%get3A_1481, %get3A_1482] {strides = array<i32>} : memref<80x128xf32, #tpu.memory_space<vmem>>, vector<16xf32>,
          %bitcast3A_1484 = vector.bitcast %get3A_1483 : vector<16xf32> to vector<32xbf16>
          %mul3A_1485 = arith.mulf %bitcast3A_1476, %bitcast3A_1480 : vector<32xbf16>
          %mul3A_1486 = arith.mulf %mul3A_1485, %bitcast3A_1484 : vector<32xbf16>
          %unpack3A_1487 = tpu.unpack_subelements %mul3A_1486, 0 {pack_format = #tpu.pack_format<interleaved>} : vector<32xbf16> -> vector<16xf32>
          %unpack3A_1488 = tpu.unpack_subelements %mul3A_1486, 1 {pack_format = #tpu.pack_format<interleaved>} : vector<32xbf16> -> vector<16xf32>
          %add3A_1489 = arith.addf %add3A_1471, %unpack3A_1487 : vector<16xf32>
          %add3A_1490 = arith.addf %add3A_1472, %unpack3A_1488 : vector<16xf32>
          %eq3A_1491 = arith.constant 15 : i32
          %eq3A_1492 = vector.broadcast %eq3A_1491 : i32 to vector<16xi32>
          %eq3A_1493 = arith.cmpi eq, %iota3A, %eq3A_1492 : vector<16xi32>
          %add3A_1494 = arith.addf %add3A_1489, %add3A_1490 : vector<16xf32>
          %reduce_sum3A_1495 = arith.constant true
          %reduce_sum3A_1496 = vector.broadcast %reduce_sum3A_1495 : i1 to vector<16xi1>
          %reduce_sum3A_1497 = tpu.scan <sum>, %add3A_1494 masked %reduce_sum3A_1496 : vector<16xf32>, vector<16xi1> -> vector<16xf32>
          %reduce_sum3A_1498 = vector.extract %reduce_sum3A_1497[15] : f32 from vector<16xf32>
          %broadcast_in_dim3A_1499 = vector.broadcast %reduce_sum3A_1498 : f32 to vector<16xf32>
          %select_n3A_1500 = arith.select %eq3A_1493, %broadcast_in_dim3A_1499, %select_n3A_1416 : vector<16xi1>, vector<16xf32>
          %swap3A = arith.index_cast %mul3A_159 : i32 to index
          %swap3A_1501 = tpu.vector_load %arg17[%swap3A] {strides = array<i32>} : memref<80xf32, #tpu.memory_space<vmem>>, vector<16xf32>,
          tpu.vector_store %arg17[%swap3A], %select_n3A_1500 {strides = array<i32>} : memref<80xf32, #tpu.memory_space<vmem>>, vector<16xf32>,
        }
        %scan3A_151 = arith.constant 5 : i32
        %mul3A_152 = arith.constant 80 : i32
        %mul3A_153 = arith.muli %scan3A_102, %mul3A_152 : i32
        %add3A_154 = arith.addi %mul3A_2, %mul3A_153 : i32
        %dma_start3A_155 = tpu.memref_slice %arg7[%add3A_154] : memref<320000xf32, #tpu.memory_space<hbm>> -> memref<80xf32, #tpu.memory_space<hbm>>
        %dma_start3A_156 = tpu.memref_slice %arg7[%add3A_154] : memref<320000xf32, #tpu.memory_space<hbm>> -> memref<80xf32, #tpu.memory_space<hbm>>
        tpu.enqueue_dma source(%arg17 : memref<80xf32, #tpu.memory_space<vmem>>) target(%dma_start3A_156 : memref<80xf32, #tpu.memory_space<hbm>>) target_semaphore(%arg23 : memref<!tpu.dma_semaphore, #tpu.memory_space<semaphore_mem>>)
      } else {
      }
      %rem3A_109 = arith.constant 2 : i32
      %rem3A_110 = arith.remsi %scan3A_102, %rem3A_109 : i32
      %eq3A_111 = arith.constant 1 : i32
      %eq3A_112 = arith.cmpi eq, %rem3A_110, %eq3A_111 : i32
      %convert_element_type3A_113 = arith.extui %eq3A_112 : i1 to i32
      %cond3A_114 = arith.constant 0 : i32
      %cond3A_115 = arith.cmpi ne, %convert_element_type3A_113, %cond3A_114 : i32
      scf.if %cond3A_115 {
        %ge3A = arith.constant 2 : i32
        %ge3A_116 = arith.cmpi sge, %scan3A_102, %ge3A : i32
        %convert_element_type3A_117 = arith.extui %ge3A_116 : i1 to i32
        %cond3A_118 = arith.constant 0 : i32
        %cond3A_119 = arith.cmpi ne, %convert_element_type3A_117, %cond3A_118 : i32
        scf.if %cond3A_119 {
          %sub3A = arith.constant 2 : i32
          %sub3A_157 = arith.subi %scan3A_102, %sub3A : i32
          %mul3A_158 = arith.constant 80 : i32
          %mul3A_159 = arith.muli %sub3A_157, %mul3A_158 : i32
          %add3A_160 = arith.addi %mul3A_2, %mul3A_159 : i32
          %dma_wait3A_161 = tpu.memref_slice %arg7[%add3A_160] : memref<320000xf32, #tpu.memory_space<hbm>> -> memref<80xf32, #tpu.memory_space<hbm>>
          %dma_wait3A_162 = tpu.memref_slice %arg7[%add3A_160] : memref<320000xf32, #tpu.memory_space<hbm>> -> memref<80xf32, #tpu.memory_space<hbm>>
          tpu.wait_dma2 semaphore(%arg24 : memref<!tpu.dma_semaphore, #tpu.memory_space<semaphore_mem>>) src(%arg18 : memref<80xf32, #tpu.memory_space<vmem>>) dst(%dma_wait3A_162 : memref<80xf32, #tpu.memory_space<hbm>>)
        } else {
        }
        %mul3A_120 = arith.constant 80 : i32
        %mul3A_121 = arith.muli %scan3A_102, %mul3A_120 : i32
        %dma_wait3A_122 = tpu.memref_slice %arg9[%mul3A_121] : memref<10000xi32, #tpu.memory_space<vmem>> -> memref<80xi32, #tpu.memory_space<vmem>>
        %dma_wait3A_123 = arith.constant 0 : i32
        %dma_wait3A_124 = arith.constant 0 : i32
        %dma_wait3A_125 = tpu.memref_slice %arg8[%arg0, %dma_wait3A_123, %dma_wait3A_124] : memref<2x10000x128xf32, #tpu.memory_space<hbm>> -> memref<1x10000x128xf32, #tpu.memory_space<hbm>>
        %dma_wait3A_126 = tpu.memref_squeeze %dma_wait3A_125 : memref<1x10000x128xf32, #tpu.memory_space<hbm>> -> memref<10000x128xf32, #tpu.memory_space<hbm>>
        %dma_wait3A_127 = arith.constant 0 : i32
        %dma_wait3A_128 = arith.constant 0 : i32
        %dma_wait3A_129 = tpu.memref_slice %dma_wait3A_126[%dma_wait3A_127, %dma_wait3A_128] : memref<10000x128xf32, #tpu.memory_space<hbm>> -> memref<10000x128xf32, #tpu.memory_space<hbm>>
        tpu.wait_indirect_dma semaphore(%arg22 : memref<!tpu.dma_semaphore, #tpu.memory_space<semaphore_mem>>) src(%dma_wait3A_129 : memref<10000x128xf32, #tpu.memory_space<hbm>>) dst(%arg14 : memref<80x128xf32, #tpu.memory_space<vmem>>)
        %dma_wait3A_130 = tpu.memref_slice %arg11[%mul3A_121] : memref<10000xi32, #tpu.memory_space<vmem>> -> memref<80xi32, #tpu.memory_space<vmem>>
        %dma_wait3A_131 = arith.constant 0 : i32
        %dma_wait3A_132 = arith.constant 0 : i32
        %dma_wait3A_133 = tpu.memref_slice %arg8[%arg0, %dma_wait3A_131, %dma_wait3A_132] : memref<2x10000x128xf32, #tpu.memory_space<hbm>> -> memref<1x10000x128xf32, #tpu.memory_space<hbm>>
        %dma_wait3A_134 = tpu.memref_squeeze %dma_wait3A_133 : memref<1x10000x128xf32, #tpu.memory_space<hbm>> -> memref<10000x128xf32, #tpu.memory_space<hbm>>
        %dma_wait3A_135 = arith.constant 0 : i32
        %dma_wait3A_136 = arith.constant 0 : i32
        %dma_wait3A_137 = tpu.memref_slice %dma_wait3A_134[%dma_wait3A_135, %dma_wait3A_136] : memref<10000x128xf32, #tpu.memory_space<hbm>> -> memref<10000x128xf32, #tpu.memory_space<hbm>>
        tpu.wait_indirect_dma semaphore(%arg22 : memref<!tpu.dma_semaphore, #tpu.memory_space<semaphore_mem>>) src(%dma_wait3A_137 : memref<10000x128xf32, #tpu.memory_space<hbm>>) dst(%arg16 : memref<80x128xf32, #tpu.memory_space<vmem>>)
        %add3A_138 = arith.constant 1 : i32
        %add3A_139 = arith.addi %scan3A_102, %add3A_138 : i32
        %lt3A = arith.constant 125 : i32
        %lt3A_140 = arith.cmpi slt, %add3A_139, %lt3A : i32
        %convert_element_type3A_141 = arith.extui %lt3A_140 : i1 to i32
        %cond3A_142 = arith.constant 0 : i32
        %cond3A_143 = arith.cmpi ne, %convert_element_type3A_141, %cond3A_142 : i32
        scf.if %cond3A_143 {
          %add3A_157 = arith.constant 1 : i32
          %add3A_158 = arith.addi %scan3A_102, %add3A_157 : i32
          %mul3A_159 = arith.constant 80 : i32
          %mul3A_160 = arith.muli %add3A_158, %mul3A_159 : i32
          %dma_start3A_161 = tpu.memref_slice %arg9[%mul3A_160] : memref<10000xi32, #tpu.memory_space<vmem>> -> memref<80xi32, #tpu.memory_space<vmem>>
          %dma_start3A_162 = arith.constant 0 : i32
          %dma_start3A_163 = arith.constant 0 : i32
          %dma_start3A_164 = tpu.memref_slice %arg8[%arg0, %dma_start3A_162, %dma_start3A_163] : memref<2x10000x128xf32, #tpu.memory_space<hbm>> -> memref<1x10000x128xf32, #tpu.memory_space<hbm>>
          %dma_start3A_165 = tpu.memref_squeeze %dma_start3A_164 : memref<1x10000x128xf32, #tpu.memory_space<hbm>> -> memref<10000x128xf32, #tpu.memory_space<hbm>>
          %dma_start3A_166 = arith.constant 0 : i32
          %dma_start3A_167 = arith.constant 0 : i32
          %dma_start3A_168 = tpu.memref_slice %dma_start3A_165[%dma_start3A_166, %dma_start3A_167] : memref<10000x128xf32, #tpu.memory_space<hbm>> -> memref<10000x128xf32, #tpu.memory_space<hbm>>
          tpu.enqueue_indirect_dma source(%dma_start3A_168 : memref<10000x128xf32, #tpu.memory_space<hbm>>) target(%arg13 : memref<80x128xf32, #tpu.memory_space<vmem>>) offsets(%dma_start3A_161 : memref<80xi32, #tpu.memory_space<vmem>>) semaphore(%arg21 : memref<!tpu.dma_semaphore, #tpu.memory_space<semaphore_mem>>)
          %dma_start3A_169 = tpu.memref_slice %arg11[%mul3A_160] : memref<10000xi32, #tpu.memory_space<vmem>> -> memref<80xi32, #tpu.memory_space<vmem>>
          %dma_start3A_170 = arith.constant 0 : i32
          %dma_start3A_171 = arith.constant 0 : i32
          %dma_start3A_172 = tpu.memref_slice %arg8[%arg0, %dma_start3A_170, %dma_start3A_171] : memref<2x10000x128xf32, #tpu.memory_space<hbm>> -> memref<1x10000x128xf32, #tpu.memory_space<hbm>>
          %dma_start3A_173 = tpu.memref_squeeze %dma_start3A_172 : memref<1x10000x128xf32, #tpu.memory_space<hbm>> -> memref<10000x128xf32, #tpu.memory_space<hbm>>
          %dma_start3A_174 = arith.constant 0 : i32
          %dma_start3A_175 = arith.constant 0 : i32
          %dma_start3A_176 = tpu.memref_slice %dma_start3A_173[%dma_start3A_174, %dma_start3A_175] : memref<10000x128xf32, #tpu.memory_space<hbm>> -> memref<10000x128xf32, #tpu.memory_space<hbm>>
          tpu.enqueue_indirect_dma source(%dma_start3A_176 : memref<10000x128xf32, #tpu.memory_space<hbm>>) target(%arg15 : memref<80x128xf32, #tpu.memory_space<vmem>>) offsets(%dma_start3A_169 : memref<80xi32, #tpu.memory_space<vmem>>) semaphore(%arg21 : memref<!tpu.dma_semaphore, #tpu.memory_space<semaphore_mem>>)
        } else {
        }
        %mul3A_144 = arith.constant 80 : i32
        %mul3A_145 = arith.muli %scan3A_102, %mul3A_144 : i32
        %scan3A_146 = arith.constant 0 : i32
        %scan3A_147 = arith.constant 0 : i32
        %scan3A_148 = arith.constant 5 : i32
        %scan3A_149 = arith.addi %scan3A_147, %scan3A_148 : i32
        %scan3A_150 = arith.constant 1 : i32
        scf.for %scan3A_157 = %scan3A_147 to %scan3A_149 step %scan3A_150  : i32 {
          %mul3A_158 = arith.constant 16 : i32
          %mul3A_159 = arith.muli %scan3A_157, %mul3A_158 : i32
          %add3A_160 = arith.addi %mul3A_145, %mul3A_159 : i32
          %get3A = arith.index_cast %add3A_160 : i32 to index
          %get3A_161 = tpu.vector_load %arg10[%get3A] {strides = array<i32>} : memref<10000xi32, #tpu.memory_space<vmem>>, vector<16xi32>,
          %broadcast_in_dim3A = arith.constant 0.000000e+00 : f32
          %broadcast_in_dim3A_162 = vector.broadcast %broadcast_in_dim3A : f32 to vector<16xf32>
          %slice3A = vector.extract_strided_slice %get3A_161 {offsets = [0], sizes = [1], strides = [1]} : vector<16xi32> to vector<1xi32>
          %squeeze3A = vector.extract %slice3A[0] : i32 from vector<1xi32>
          %add3A_163 = arith.constant 0 : i32
          %add3A_164 = arith.addi %mul3A_159, %add3A_163 : i32
          %get3A_165 = arith.index_cast %add3A_164 : i32 to index
          %get3A_166 = arith.constant 0 : index
          %get3A_167 = tpu.vector_load %arg14[%get3A_165, %get3A_166] {strides = array<i32>} : memref<80x128xf32, #tpu.memory_space<vmem>>, vector<16xf32>,
          %bitcast3A = vector.bitcast %get3A_167 : vector<16xf32> to vector<32xbf16>
          %get3A_168 = arith.index_cast %squeeze3A : i32 to index
          %get3A_169 = arith.constant 0 : index
          %get3A_170 = tpu.vector_load %arg12[%get3A_168, %get3A_169] {strides = array<i32>} : memref<237x64xf32, #tpu.memory_space<vmem>>, vector<16xf32>,
          %bitcast3A_171 = vector.bitcast %get3A_170 : vector<16xf32> to vector<32xbf16>
          %get3A_172 = arith.index_cast %add3A_164 : i32 to index
          %get3A_173 = arith.constant 0 : index
          %get3A_174 = tpu.vector_load %arg16[%get3A_172, %get3A_173] {strides = array<i32>} : memref<80x128xf32, #tpu.memory_space<vmem>>, vector<16xf32>,
          %bitcast3A_175 = vector.bitcast %get3A_174 : vector<16xf32> to vector<32xbf16>
          %mul3A_176 = arith.mulf %bitcast3A, %bitcast3A_171 : vector<32xbf16>
          %mul3A_177 = arith.mulf %mul3A_176, %bitcast3A_175 : vector<32xbf16>
          %unpack3A = tpu.unpack_subelements %mul3A_177, 0 {pack_format = #tpu.pack_format<interleaved>} : vector<32xbf16> -> vector<16xf32>
          %unpack3A_178 = tpu.unpack_subelements %mul3A_177, 1 {pack_format = #tpu.pack_format<interleaved>} : vector<32xbf16> -> vector<16xf32>
          %get3A_179 = arith.index_cast %add3A_164 : i32 to index
          %get3A_180 = arith.constant 16 : index
          %get3A_181 = tpu.vector_load %arg14[%get3A_179, %get3A_180] {strides = array<i32>} : memref<80x128xf32, #tpu.memory_space<vmem>>, vector<16xf32>,
          %bitcast3A_182 = vector.bitcast %get3A_181 : vector<16xf32> to vector<32xbf16>
          %get3A_183 = arith.index_cast %squeeze3A : i32 to index
          %get3A_184 = arith.constant 16 : index
          %get3A_185 = tpu.vector_load %arg12[%get3A_183, %get3A_184] {strides = array<i32>} : memref<237x64xf32, #tpu.memory_space<vmem>>, vector<16xf32>,
          %bitcast3A_186 = vector.bitcast %get3A_185 : vector<16xf32> to vector<32xbf16>
          %get3A_187 = arith.index_cast %add3A_164 : i32 to index
          %get3A_188 = arith.constant 16 : index
          %get3A_189 = tpu.vector_load %arg16[%get3A_187, %get3A_188] {strides = array<i32>} : memref<80x128xf32, #tpu.memory_space<vmem>>, vector<16xf32>,
          %bitcast3A_190 = vector.bitcast %get3A_189 : vector<16xf32> to vector<32xbf16>
          %mul3A_191 = arith.mulf %bitcast3A_182, %bitcast3A_186 : vector<32xbf16>
          %mul3A_192 = arith.mulf %mul3A_191, %bitcast3A_190 : vector<32xbf16>
          %unpack3A_193 = tpu.unpack_subelements %mul3A_192, 0 {pack_format = #tpu.pack_format<interleaved>} : vector<32xbf16> -> vector<16xf32>
          %unpack3A_194 = tpu.unpack_subelements %mul3A_192, 1 {pack_format = #tpu.pack_format<interleaved>} : vector<32xbf16> -> vector<16xf32>
          %add3A_195 = arith.addf %unpack3A, %unpack3A_193 : vector<16xf32>
          %add3A_196 = arith.addf %unpack3A_178, %unpack3A_194 : vector<16xf32>
          %get3A_197 = arith.index_cast %add3A_164 : i32 to index
          %get3A_198 = arith.constant 32 : index
          %get3A_199 = tpu.vector_load %arg14[%get3A_197, %get3A_198] {strides = array<i32>} : memref<80x128xf32, #tpu.memory_space<vmem>>, vector<16xf32>,
          %bitcast3A_200 = vector.bitcast %get3A_199 : vector<16xf32> to vector<32xbf16>
          %get3A_201 = arith.index_cast %squeeze3A : i32 to index
          %get3A_202 = arith.constant 32 : index
          %get3A_203 = tpu.vector_load %arg12[%get3A_201, %get3A_202] {strides = array<i32>} : memref<237x64xf32, #tpu.memory_space<vmem>>, vector<16xf32>,
          %bitcast3A_204 = vector.bitcast %get3A_203 : vector<16xf32> to vector<32xbf16>
          %get3A_205 = arith.index_cast %add3A_164 : i32 to index
          %get3A_206 = arith.constant 32 : index
          %get3A_207 = tpu.vector_load %arg16[%get3A_205, %get3A_206] {strides = array<i32>} : memref<80x128xf32, #tpu.memory_space<vmem>>, vector<16xf32>,
          %bitcast3A_208 = vector.bitcast %get3A_207 : vector<16xf32> to vector<32xbf16>
          %mul3A_209 = arith.mulf %bitcast3A_200, %bitcast3A_204 : vector<32xbf16>
          %mul3A_210 = arith.mulf %mul3A_209, %bitcast3A_208 : vector<32xbf16>
          %unpack3A_211 = tpu.unpack_subelements %mul3A_210, 0 {pack_format = #tpu.pack_format<interleaved>} : vector<32xbf16> -> vector<16xf32>
          %unpack3A_212 = tpu.unpack_subelements %mul3A_210, 1 {pack_format = #tpu.pack_format<interleaved>} : vector<32xbf16> -> vector<16xf32>
          %add3A_213 = arith.addf %add3A_195, %unpack3A_211 : vector<16xf32>
          %add3A_214 = arith.addf %add3A_196, %unpack3A_212 : vector<16xf32>
          %get3A_215 = arith.index_cast %add3A_164 : i32 to index
          %get3A_216 = arith.constant 48 : index
          %get3A_217 = tpu.vector_load %arg14[%get3A_215, %get3A_216] {strides = array<i32>} : memref<80x128xf32, #tpu.memory_space<vmem>>, vector<16xf32>,
          %bitcast3A_218 = vector.bitcast %get3A_217 : vector<16xf32> to vector<32xbf16>
          %get3A_219 = arith.index_cast %squeeze3A : i32 to index
          %get3A_220 = arith.constant 48 : index
          %get3A_221 = tpu.vector_load %arg12[%get3A_219, %get3A_220] {strides = array<i32>} : memref<237x64xf32, #tpu.memory_space<vmem>>, vector<16xf32>,
          %bitcast3A_222 = vector.bitcast %get3A_221 : vector<16xf32> to vector<32xbf16>
          %get3A_223 = arith.index_cast %add3A_164 : i32 to index
          %get3A_224 = arith.constant 48 : index
          %get3A_225 = tpu.vector_load %arg16[%get3A_223, %get3A_224] {strides = array<i32>} : memref<80x128xf32, #tpu.memory_space<vmem>>, vector<16xf32>,
          %bitcast3A_226 = vector.bitcast %get3A_225 : vector<16xf32> to vector<32xbf16>
          %mul3A_227 = arith.mulf %bitcast3A_218, %bitcast3A_222 : vector<32xbf16>
          %mul3A_228 = arith.mulf %mul3A_227, %bitcast3A_226 : vector<32xbf16>
          %unpack3A_229 = tpu.unpack_subelements %mul3A_228, 0 {pack_format = #tpu.pack_format<interleaved>} : vector<32xbf16> -> vector<16xf32>
          %unpack3A_230 = tpu.unpack_subelements %mul3A_228, 1 {pack_format = #tpu.pack_format<interleaved>} : vector<32xbf16> -> vector<16xf32>
          %add3A_231 = arith.addf %add3A_213, %unpack3A_229 : vector<16xf32>
          %add3A_232 = arith.addf %add3A_214, %unpack3A_230 : vector<16xf32>
          %eq3A_233 = arith.constant 0 : i32
          %eq3A_234 = vector.broadcast %eq3A_233 : i32 to vector<16xi32>
          %eq3A_235 = arith.cmpi eq, %iota3A, %eq3A_234 : vector<16xi32>
          %add3A_236 = arith.addf %add3A_231, %add3A_232 : vector<16xf32>
          %reduce_sum3A = arith.constant true
          %reduce_sum3A_237 = vector.broadcast %reduce_sum3A : i1 to vector<16xi1>
          %reduce_sum3A_238 = tpu.scan <sum>, %add3A_236 masked %reduce_sum3A_237 : vector<16xf32>, vector<16xi1> -> vector<16xf32>
          %reduce_sum3A_239 = vector.extract %reduce_sum3A_238[15] : f32 from vector<16xf32>
          %broadcast_in_dim3A_240 = vector.broadcast %reduce_sum3A_239 : f32 to vector<16xf32>
          %select_n3A = arith.select %eq3A_235, %broadcast_in_dim3A_240, %broadcast_in_dim3A_162 : vector<16xi1>, vector<16xf32>
          %slice3A_241 = vector.extract_strided_slice %get3A_161 {offsets = [1], sizes = [1], strides = [1]} : vector<16xi32> to vector<1xi32>
          %squeeze3A_242 = vector.extract %slice3A_241[0] : i32 from vector<1xi32>
          %add3A_243 = arith.constant 1 : i32
          %add3A_244 = arith.addi %mul3A_159, %add3A_243 : i32
          %get3A_245 = arith.index_cast %add3A_244 : i32 to index
          %get3A_246 = arith.constant 0 : index
          %get3A_247 = tpu.vector_load %arg14[%get3A_245, %get3A_246] {strides = array<i32>} : memref<80x128xf32, #tpu.memory_space<vmem>>, vector<16xf32>,
          %bitcast3A_248 = vector.bitcast %get3A_247 : vector<16xf32> to vector<32xbf16>
          %get3A_249 = arith.index_cast %squeeze3A_242 : i32 to index
          %get3A_250 = arith.constant 0 : index
          %get3A_251 = tpu.vector_load %arg12[%get3A_249, %get3A_250] {strides = array<i32>} : memref<237x64xf32, #tpu.memory_space<vmem>>, vector<16xf32>,
          %bitcast3A_252 = vector.bitcast %get3A_251 : vector<16xf32> to vector<32xbf16>
          %get3A_253 = arith.index_cast %add3A_244 : i32 to index
          %get3A_254 = arith.constant 0 : index
          %get3A_255 = tpu.vector_load %arg16[%get3A_253, %get3A_254] {strides = array<i32>} : memref<80x128xf32, #tpu.memory_space<vmem>>, vector<16xf32>,
          %bitcast3A_256 = vector.bitcast %get3A_255 : vector<16xf32> to vector<32xbf16>
          %mul3A_257 = arith.mulf %bitcast3A_248, %bitcast3A_252 : vector<32xbf16>
          %mul3A_258 = arith.mulf %mul3A_257, %bitcast3A_256 : vector<32xbf16>
          %unpack3A_259 = tpu.unpack_subelements %mul3A_258, 0 {pack_format = #tpu.pack_format<interleaved>} : vector<32xbf16> -> vector<16xf32>
          %unpack3A_260 = tpu.unpack_subelements %mul3A_258, 1 {pack_format = #tpu.pack_format<interleaved>} : vector<32xbf16> -> vector<16xf32>
          %get3A_261 = arith.index_cast %add3A_244 : i32 to index
          %get3A_262 = arith.constant 16 : index
          %get3A_263 = tpu.vector_load %arg14[%get3A_261, %get3A_262] {strides = array<i32>} : memref<80x128xf32, #tpu.memory_space<vmem>>, vector<16xf32>,
          %bitcast3A_264 = vector.bitcast %get3A_263 : vector<16xf32> to vector<32xbf16>
          %get3A_265 = arith.index_cast %squeeze3A_242 : i32 to index
          %get3A_266 = arith.constant 16 : index
          %get3A_267 = tpu.vector_load %arg12[%get3A_265, %get3A_266] {strides = array<i32>} : memref<237x64xf32, #tpu.memory_space<vmem>>, vector<16xf32>,
          %bitcast3A_268 = vector.bitcast %get3A_267 : vector<16xf32> to vector<32xbf16>
          %get3A_269 = arith.index_cast %add3A_244 : i32 to index
          %get3A_270 = arith.constant 16 : index
          %get3A_271 = tpu.vector_load %arg16[%get3A_269, %get3A_270] {strides = array<i32>} : memref<80x128xf32, #tpu.memory_space<vmem>>, vector<16xf32>,
          %bitcast3A_272 = vector.bitcast %get3A_271 : vector<16xf32> to vector<32xbf16>
          %mul3A_273 = arith.mulf %bitcast3A_264, %bitcast3A_268 : vector<32xbf16>
          %mul3A_274 = arith.mulf %mul3A_273, %bitcast3A_272 : vector<32xbf16>
          %unpack3A_275 = tpu.unpack_subelements %mul3A_274, 0 {pack_format = #tpu.pack_format<interleaved>} : vector<32xbf16> -> vector<16xf32>
          %unpack3A_276 = tpu.unpack_subelements %mul3A_274, 1 {pack_format = #tpu.pack_format<interleaved>} : vector<32xbf16> -> vector<16xf32>
          %add3A_277 = arith.addf %unpack3A_259, %unpack3A_275 : vector<16xf32>
          %add3A_278 = arith.addf %unpack3A_260, %unpack3A_276 : vector<16xf32>
          %get3A_279 = arith.index_cast %add3A_244 : i32 to index
          %get3A_280 = arith.constant 32 : index
          %get3A_281 = tpu.vector_load %arg14[%get3A_279, %get3A_280] {strides = array<i32>} : memref<80x128xf32, #tpu.memory_space<vmem>>, vector<16xf32>,
          %bitcast3A_282 = vector.bitcast %get3A_281 : vector<16xf32> to vector<32xbf16>
          %get3A_283 = arith.index_cast %squeeze3A_242 : i32 to index
          %get3A_284 = arith.constant 32 : index
          %get3A_285 = tpu.vector_load %arg12[%get3A_283, %get3A_284] {strides = array<i32>} : memref<237x64xf32, #tpu.memory_space<vmem>>, vector<16xf32>,
          %bitcast3A_286 = vector.bitcast %get3A_285 : vector<16xf32> to vector<32xbf16>
          %get3A_287 = arith.index_cast %add3A_244 : i32 to index
          %get3A_288 = arith.constant 32 : index
          %get3A_289 = tpu.vector_load %arg16[%get3A_287, %get3A_288] {strides = array<i32>} : memref<80x128xf32, #tpu.memory_space<vmem>>, vector<16xf32>,
          %bitcast3A_290 = vector.bitcast %get3A_289 : vector<16xf32> to vector<32xbf16>
          %mul3A_291 = arith.mulf %bitcast3A_282, %bitcast3A_286 : vector<32xbf16>
          %mul3A_292 = arith.mulf %mul3A_291, %bitcast3A_290 : vector<32xbf16>
          %unpack3A_293 = tpu.unpack_subelements %mul3A_292, 0 {pack_format = #tpu.pack_format<interleaved>} : vector<32xbf16> -> vector<16xf32>
          %unpack3A_294 = tpu.unpack_subelements %mul3A_292, 1 {pack_format = #tpu.pack_format<interleaved>} : vector<32xbf16> -> vector<16xf32>
          %add3A_295 = arith.addf %add3A_277, %unpack3A_293 : vector<16xf32>
          %add3A_296 = arith.addf %add3A_278, %unpack3A_294 : vector<16xf32>
          %get3A_297 = arith.index_cast %add3A_244 : i32 to index
          %get3A_298 = arith.constant 48 : index
          %get3A_299 = tpu.vector_load %arg14[%get3A_297, %get3A_298] {strides = array<i32>} : memref<80x128xf32, #tpu.memory_space<vmem>>, vector<16xf32>,
          %bitcast3A_300 = vector.bitcast %get3A_299 : vector<16xf32> to vector<32xbf16>
          %get3A_301 = arith.index_cast %squeeze3A_242 : i32 to index
          %get3A_302 = arith.constant 48 : index
          %get3A_303 = tpu.vector_load %arg12[%get3A_301, %get3A_302] {strides = array<i32>} : memref<237x64xf32, #tpu.memory_space<vmem>>, vector<16xf32>,
          %bitcast3A_304 = vector.bitcast %get3A_303 : vector<16xf32> to vector<32xbf16>
          %get3A_305 = arith.index_cast %add3A_244 : i32 to index
          %get3A_306 = arith.constant 48 : index
          %get3A_307 = tpu.vector_load %arg16[%get3A_305, %get3A_306] {strides = array<i32>} : memref<80x128xf32, #tpu.memory_space<vmem>>, vector<16xf32>,
          %bitcast3A_308 = vector.bitcast %get3A_307 : vector<16xf32> to vector<32xbf16>
          %mul3A_309 = arith.mulf %bitcast3A_300, %bitcast3A_304 : vector<32xbf16>
          %mul3A_310 = arith.mulf %mul3A_309, %bitcast3A_308 : vector<32xbf16>
          %unpack3A_311 = tpu.unpack_subelements %mul3A_310, 0 {pack_format = #tpu.pack_format<interleaved>} : vector<32xbf16> -> vector<16xf32>
          %unpack3A_312 = tpu.unpack_subelements %mul3A_310, 1 {pack_format = #tpu.pack_format<interleaved>} : vector<32xbf16> -> vector<16xf32>
          %add3A_313 = arith.addf %add3A_295, %unpack3A_311 : vector<16xf32>
          %add3A_314 = arith.addf %add3A_296, %unpack3A_312 : vector<16xf32>
          %eq3A_315 = arith.constant 1 : i32
          %eq3A_316 = vector.broadcast %eq3A_315 : i32 to vector<16xi32>
          %eq3A_317 = arith.cmpi eq, %iota3A, %eq3A_316 : vector<16xi32>
          %add3A_318 = arith.addf %add3A_313, %add3A_314 : vector<16xf32>
          %reduce_sum3A_319 = arith.constant true
          %reduce_sum3A_320 = vector.broadcast %reduce_sum3A_319 : i1 to vector<16xi1>
          %reduce_sum3A_321 = tpu.scan <sum>, %add3A_318 masked %reduce_sum3A_320 : vector<16xf32>, vector<16xi1> -> vector<16xf32>
          %reduce_sum3A_322 = vector.extract %reduce_sum3A_321[15] : f32 from vector<16xf32>
          %broadcast_in_dim3A_323 = vector.broadcast %reduce_sum3A_322 : f32 to vector<16xf32>
          %select_n3A_324 = arith.select %eq3A_317, %broadcast_in_dim3A_323, %select_n3A : vector<16xi1>, vector<16xf32>
          %slice3A_325 = vector.extract_strided_slice %get3A_161 {offsets = [2], sizes = [1], strides = [1]} : vector<16xi32> to vector<1xi32>
          %squeeze3A_326 = vector.extract %slice3A_325[0] : i32 from vector<1xi32>
          %add3A_327 = arith.constant 2 : i32
          %add3A_328 = arith.addi %mul3A_159, %add3A_327 : i32
          %get3A_329 = arith.index_cast %add3A_328 : i32 to index
          %get3A_330 = arith.constant 0 : index
          %get3A_331 = tpu.vector_load %arg14[%get3A_329, %get3A_330] {strides = array<i32>} : memref<80x128xf32, #tpu.memory_space<vmem>>, vector<16xf32>,
          %bitcast3A_332 = vector.bitcast %get3A_331 : vector<16xf32> to vector<32xbf16>
          %get3A_333 = arith.index_cast %squeeze3A_326 : i32 to index
          %get3A_334 = arith.constant 0 : index
          %get3A_335 = tpu.vector_load %arg12[%get3A_333, %get3A_334] {strides = array<i32>} : memref<237x64xf32, #tpu.memory_space<vmem>>, vector<16xf32>,
          %bitcast3A_336 = vector.bitcast %get3A_335 : vector<16xf32> to vector<32xbf16>
          %get3A_337 = arith.index_cast %add3A_328 : i32 to index
          %get3A_338 = arith.constant 0 : index
          %get3A_339 = tpu.vector_load %arg16[%get3A_337, %get3A_338] {strides = array<i32>} : memref<80x128xf32, #tpu.memory_space<vmem>>, vector<16xf32>,
          %bitcast3A_340 = vector.bitcast %get3A_339 : vector<16xf32> to vector<32xbf16>
          %mul3A_341 = arith.mulf %bitcast3A_332, %bitcast3A_336 : vector<32xbf16>
          %mul3A_342 = arith.mulf %mul3A_341, %bitcast3A_340 : vector<32xbf16>
          %unpack3A_343 = tpu.unpack_subelements %mul3A_342, 0 {pack_format = #tpu.pack_format<interleaved>} : vector<32xbf16> -> vector<16xf32>
          %unpack3A_344 = tpu.unpack_subelements %mul3A_342, 1 {pack_format = #tpu.pack_format<interleaved>} : vector<32xbf16> -> vector<16xf32>
          %get3A_345 = arith.index_cast %add3A_328 : i32 to index
          %get3A_346 = arith.constant 16 : index
          %get3A_347 = tpu.vector_load %arg14[%get3A_345, %get3A_346] {strides = array<i32>} : memref<80x128xf32, #tpu.memory_space<vmem>>, vector<16xf32>,
          %bitcast3A_348 = vector.bitcast %get3A_347 : vector<16xf32> to vector<32xbf16>
          %get3A_349 = arith.index_cast %squeeze3A_326 : i32 to index
          %get3A_350 = arith.constant 16 : index
          %get3A_351 = tpu.vector_load %arg12[%get3A_349, %get3A_350] {strides = array<i32>} : memref<237x64xf32, #tpu.memory_space<vmem>>, vector<16xf32>,
          %bitcast3A_352 = vector.bitcast %get3A_351 : vector<16xf32> to vector<32xbf16>
          %get3A_353 = arith.index_cast %add3A_328 : i32 to index
          %get3A_354 = arith.constant 16 : index
          %get3A_355 = tpu.vector_load %arg16[%get3A_353, %get3A_354] {strides = array<i32>} : memref<80x128xf32, #tpu.memory_space<vmem>>, vector<16xf32>,
          %bitcast3A_356 = vector.bitcast %get3A_355 : vector<16xf32> to vector<32xbf16>
          %mul3A_357 = arith.mulf %bitcast3A_348, %bitcast3A_352 : vector<32xbf16>
          %mul3A_358 = arith.mulf %mul3A_357, %bitcast3A_356 : vector<32xbf16>
          %unpack3A_359 = tpu.unpack_subelements %mul3A_358, 0 {pack_format = #tpu.pack_format<interleaved>} : vector<32xbf16> -> vector<16xf32>
          %unpack3A_360 = tpu.unpack_subelements %mul3A_358, 1 {pack_format = #tpu.pack_format<interleaved>} : vector<32xbf16> -> vector<16xf32>
          %add3A_361 = arith.addf %unpack3A_343, %unpack3A_359 : vector<16xf32>
          %add3A_362 = arith.addf %unpack3A_344, %unpack3A_360 : vector<16xf32>
          %get3A_363 = arith.index_cast %add3A_328 : i32 to index
          %get3A_364 = arith.constant 32 : index
          %get3A_365 = tpu.vector_load %arg14[%get3A_363, %get3A_364] {strides = array<i32>} : memref<80x128xf32, #tpu.memory_space<vmem>>, vector<16xf32>,
          %bitcast3A_366 = vector.bitcast %get3A_365 : vector<16xf32> to vector<32xbf16>
          %get3A_367 = arith.index_cast %squeeze3A_326 : i32 to index
          %get3A_368 = arith.constant 32 : index
          %get3A_369 = tpu.vector_load %arg12[%get3A_367, %get3A_368] {strides = array<i32>} : memref<237x64xf32, #tpu.memory_space<vmem>>, vector<16xf32>,
          %bitcast3A_370 = vector.bitcast %get3A_369 : vector<16xf32> to vector<32xbf16>
          %get3A_371 = arith.index_cast %add3A_328 : i32 to index
          %get3A_372 = arith.constant 32 : index
          %get3A_373 = tpu.vector_load %arg16[%get3A_371, %get3A_372] {strides = array<i32>} : memref<80x128xf32, #tpu.memory_space<vmem>>, vector<16xf32>,
          %bitcast3A_374 = vector.bitcast %get3A_373 : vector<16xf32> to vector<32xbf16>
          %mul3A_375 = arith.mulf %bitcast3A_366, %bitcast3A_370 : vector<32xbf16>
          %mul3A_376 = arith.mulf %mul3A_375, %bitcast3A_374 : vector<32xbf16>
          %unpack3A_377 = tpu.unpack_subelements %mul3A_376, 0 {pack_format = #tpu.pack_format<interleaved>} : vector<32xbf16> -> vector<16xf32>
          %unpack3A_378 = tpu.unpack_subelements %mul3A_376, 1 {pack_format = #tpu.pack_format<interleaved>} : vector<32xbf16> -> vector<16xf32>
          %add3A_379 = arith.addf %add3A_361, %unpack3A_377 : vector<16xf32>
          %add3A_380 = arith.addf %add3A_362, %unpack3A_378 : vector<16xf32>
          %get3A_381 = arith.index_cast %add3A_328 : i32 to index
          %get3A_382 = arith.constant 48 : index
          %get3A_383 = tpu.vector_load %arg14[%get3A_381, %get3A_382] {strides = array<i32>} : memref<80x128xf32, #tpu.memory_space<vmem>>, vector<16xf32>,
          %bitcast3A_384 = vector.bitcast %get3A_383 : vector<16xf32> to vector<32xbf16>
          %get3A_385 = arith.index_cast %squeeze3A_326 : i32 to index
          %get3A_386 = arith.constant 48 : index
          %get3A_387 = tpu.vector_load %arg12[%get3A_385, %get3A_386] {strides = array<i32>} : memref<237x64xf32, #tpu.memory_space<vmem>>, vector<16xf32>,
          %bitcast3A_388 = vector.bitcast %get3A_387 : vector<16xf32> to vector<32xbf16>
          %get3A_389 = arith.index_cast %add3A_328 : i32 to index
          %get3A_390 = arith.constant 48 : index
          %get3A_391 = tpu.vector_load %arg16[%get3A_389, %get3A_390] {strides = array<i32>} : memref<80x128xf32, #tpu.memory_space<vmem>>, vector<16xf32>,
          %bitcast3A_392 = vector.bitcast %get3A_391 : vector<16xf32> to vector<32xbf16>
          %mul3A_393 = arith.mulf %bitcast3A_384, %bitcast3A_388 : vector<32xbf16>
          %mul3A_394 = arith.mulf %mul3A_393, %bitcast3A_392 : vector<32xbf16>
          %unpack3A_395 = tpu.unpack_subelements %mul3A_394, 0 {pack_format = #tpu.pack_format<interleaved>} : vector<32xbf16> -> vector<16xf32>
          %unpack3A_396 = tpu.unpack_subelements %mul3A_394, 1 {pack_format = #tpu.pack_format<interleaved>} : vector<32xbf16> -> vector<16xf32>
          %add3A_397 = arith.addf %add3A_379, %unpack3A_395 : vector<16xf32>
          %add3A_398 = arith.addf %add3A_380, %unpack3A_396 : vector<16xf32>
          %eq3A_399 = arith.constant 2 : i32
          %eq3A_400 = vector.broadcast %eq3A_399 : i32 to vector<16xi32>
          %eq3A_401 = arith.cmpi eq, %iota3A, %eq3A_400 : vector<16xi32>
          %add3A_402 = arith.addf %add3A_397, %add3A_398 : vector<16xf32>
          %reduce_sum3A_403 = arith.constant true
          %reduce_sum3A_404 = vector.broadcast %reduce_sum3A_403 : i1 to vector<16xi1>
          %reduce_sum3A_405 = tpu.scan <sum>, %add3A_402 masked %reduce_sum3A_404 : vector<16xf32>, vector<16xi1> -> vector<16xf32>
          %reduce_sum3A_406 = vector.extract %reduce_sum3A_405[15] : f32 from vector<16xf32>
          %broadcast_in_dim3A_407 = vector.broadcast %reduce_sum3A_406 : f32 to vector<16xf32>
          %select_n3A_408 = arith.select %eq3A_401, %broadcast_in_dim3A_407, %select_n3A_324 : vector<16xi1>, vector<16xf32>
          %slice3A_409 = vector.extract_strided_slice %get3A_161 {offsets = [3], sizes = [1], strides = [1]} : vector<16xi32> to vector<1xi32>
          %squeeze3A_410 = vector.extract %slice3A_409[0] : i32 from vector<1xi32>
          %add3A_411 = arith.constant 3 : i32
          %add3A_412 = arith.addi %mul3A_159, %add3A_411 : i32
          %get3A_413 = arith.index_cast %add3A_412 : i32 to index
          %get3A_414 = arith.constant 0 : index
          %get3A_415 = tpu.vector_load %arg14[%get3A_413, %get3A_414] {strides = array<i32>} : memref<80x128xf32, #tpu.memory_space<vmem>>, vector<16xf32>,
          %bitcast3A_416 = vector.bitcast %get3A_415 : vector<16xf32> to vector<32xbf16>
          %get3A_417 = arith.index_cast %squeeze3A_410 : i32 to index
          %get3A_418 = arith.constant 0 : index
          %get3A_419 = tpu.vector_load %arg12[%get3A_417, %get3A_418] {strides = array<i32>} : memref<237x64xf32, #tpu.memory_space<vmem>>, vector<16xf32>,
          %bitcast3A_420 = vector.bitcast %get3A_419 : vector<16xf32> to vector<32xbf16>
          %get3A_421 = arith.index_cast %add3A_412 : i32 to index
          %get3A_422 = arith.constant 0 : index
          %get3A_423 = tpu.vector_load %arg16[%get3A_421, %get3A_422] {strides = array<i32>} : memref<80x128xf32, #tpu.memory_space<vmem>>, vector<16xf32>,
          %bitcast3A_424 = vector.bitcast %get3A_423 : vector<16xf32> to vector<32xbf16>
          %mul3A_425 = arith.mulf %bitcast3A_416, %bitcast3A_420 : vector<32xbf16>
          %mul3A_426 = arith.mulf %mul3A_425, %bitcast3A_424 : vector<32xbf16>
          %unpack3A_427 = tpu.unpack_subelements %mul3A_426, 0 {pack_format = #tpu.pack_format<interleaved>} : vector<32xbf16> -> vector<16xf32>
          %unpack3A_428 = tpu.unpack_subelements %mul3A_426, 1 {pack_format = #tpu.pack_format<interleaved>} : vector<32xbf16> -> vector<16xf32>
          %get3A_429 = arith.index_cast %add3A_412 : i32 to index
          %get3A_430 = arith.constant 16 : index
          %get3A_431 = tpu.vector_load %arg14[%get3A_429, %get3A_430] {strides = array<i32>} : memref<80x128xf32, #tpu.memory_space<vmem>>, vector<16xf32>,
          %bitcast3A_432 = vector.bitcast %get3A_431 : vector<16xf32> to vector<32xbf16>
          %get3A_433 = arith.index_cast %squeeze3A_410 : i32 to index
          %get3A_434 = arith.constant 16 : index
          %get3A_435 = tpu.vector_load %arg12[%get3A_433, %get3A_434] {strides = array<i32>} : memref<237x64xf32, #tpu.memory_space<vmem>>, vector<16xf32>,
          %bitcast3A_436 = vector.bitcast %get3A_435 : vector<16xf32> to vector<32xbf16>
          %get3A_437 = arith.index_cast %add3A_412 : i32 to index
          %get3A_438 = arith.constant 16 : index
          %get3A_439 = tpu.vector_load %arg16[%get3A_437, %get3A_438] {strides = array<i32>} : memref<80x128xf32, #tpu.memory_space<vmem>>, vector<16xf32>,
          %bitcast3A_440 = vector.bitcast %get3A_439 : vector<16xf32> to vector<32xbf16>
          %mul3A_441 = arith.mulf %bitcast3A_432, %bitcast3A_436 : vector<32xbf16>
          %mul3A_442 = arith.mulf %mul3A_441, %bitcast3A_440 : vector<32xbf16>
          %unpack3A_443 = tpu.unpack_subelements %mul3A_442, 0 {pack_format = #tpu.pack_format<interleaved>} : vector<32xbf16> -> vector<16xf32>
          %unpack3A_444 = tpu.unpack_subelements %mul3A_442, 1 {pack_format = #tpu.pack_format<interleaved>} : vector<32xbf16> -> vector<16xf32>
          %add3A_445 = arith.addf %unpack3A_427, %unpack3A_443 : vector<16xf32>
          %add3A_446 = arith.addf %unpack3A_428, %unpack3A_444 : vector<16xf32>
          %get3A_447 = arith.index_cast %add3A_412 : i32 to index
          %get3A_448 = arith.constant 32 : index
          %get3A_449 = tpu.vector_load %arg14[%get3A_447, %get3A_448] {strides = array<i32>} : memref<80x128xf32, #tpu.memory_space<vmem>>, vector<16xf32>,
          %bitcast3A_450 = vector.bitcast %get3A_449 : vector<16xf32> to vector<32xbf16>
          %get3A_451 = arith.index_cast %squeeze3A_410 : i32 to index
          %get3A_452 = arith.constant 32 : index
          %get3A_453 = tpu.vector_load %arg12[%get3A_451, %get3A_452] {strides = array<i32>} : memref<237x64xf32, #tpu.memory_space<vmem>>, vector<16xf32>,
          %bitcast3A_454 = vector.bitcast %get3A_453 : vector<16xf32> to vector<32xbf16>
          %get3A_455 = arith.index_cast %add3A_412 : i32 to index
          %get3A_456 = arith.constant 32 : index
          %get3A_457 = tpu.vector_load %arg16[%get3A_455, %get3A_456] {strides = array<i32>} : memref<80x128xf32, #tpu.memory_space<vmem>>, vector<16xf32>,
          %bitcast3A_458 = vector.bitcast %get3A_457 : vector<16xf32> to vector<32xbf16>
          %mul3A_459 = arith.mulf %bitcast3A_450, %bitcast3A_454 : vector<32xbf16>
          %mul3A_460 = arith.mulf %mul3A_459, %bitcast3A_458 : vector<32xbf16>
          %unpack3A_461 = tpu.unpack_subelements %mul3A_460, 0 {pack_format = #tpu.pack_format<interleaved>} : vector<32xbf16> -> vector<16xf32>
          %unpack3A_462 = tpu.unpack_subelements %mul3A_460, 1 {pack_format = #tpu.pack_format<interleaved>} : vector<32xbf16> -> vector<16xf32>
          %add3A_463 = arith.addf %add3A_445, %unpack3A_461 : vector<16xf32>
          %add3A_464 = arith.addf %add3A_446, %unpack3A_462 : vector<16xf32>
          %get3A_465 = arith.index_cast %add3A_412 : i32 to index
          %get3A_466 = arith.constant 48 : index
          %get3A_467 = tpu.vector_load %arg14[%get3A_465, %get3A_466] {strides = array<i32>} : memref<80x128xf32, #tpu.memory_space<vmem>>, vector<16xf32>,
          %bitcast3A_468 = vector.bitcast %get3A_467 : vector<16xf32> to vector<32xbf16>
          %get3A_469 = arith.index_cast %squeeze3A_410 : i32 to index
          %get3A_470 = arith.constant 48 : index
          %get3A_471 = tpu.vector_load %arg12[%get3A_469, %get3A_470] {strides = array<i32>} : memref<237x64xf32, #tpu.memory_space<vmem>>, vector<16xf32>,
          %bitcast3A_472 = vector.bitcast %get3A_471 : vector<16xf32> to vector<32xbf16>
          %get3A_473 = arith.index_cast %add3A_412 : i32 to index
          %get3A_474 = arith.constant 48 : index
          %get3A_475 = tpu.vector_load %arg16[%get3A_473, %get3A_474] {strides = array<i32>} : memref<80x128xf32, #tpu.memory_space<vmem>>, vector<16xf32>,
          %bitcast3A_476 = vector.bitcast %get3A_475 : vector<16xf32> to vector<32xbf16>
          %mul3A_477 = arith.mulf %bitcast3A_468, %bitcast3A_472 : vector<32xbf16>
          %mul3A_478 = arith.mulf %mul3A_477, %bitcast3A_476 : vector<32xbf16>
          %unpack3A_479 = tpu.unpack_subelements %mul3A_478, 0 {pack_format = #tpu.pack_format<interleaved>} : vector<32xbf16> -> vector<16xf32>
          %unpack3A_480 = tpu.unpack_subelements %mul3A_478, 1 {pack_format = #tpu.pack_format<interleaved>} : vector<32xbf16> -> vector<16xf32>
          %add3A_481 = arith.addf %add3A_463, %unpack3A_479 : vector<16xf32>
          %add3A_482 = arith.addf %add3A_464, %unpack3A_480 : vector<16xf32>
          %eq3A_483 = arith.constant 3 : i32
          %eq3A_484 = vector.broadcast %eq3A_483 : i32 to vector<16xi32>
          %eq3A_485 = arith.cmpi eq, %iota3A, %eq3A_484 : vector<16xi32>
          %add3A_486 = arith.addf %add3A_481, %add3A_482 : vector<16xf32>
          %reduce_sum3A_487 = arith.constant true
          %reduce_sum3A_488 = vector.broadcast %reduce_sum3A_487 : i1 to vector<16xi1>
          %reduce_sum3A_489 = tpu.scan <sum>, %add3A_486 masked %reduce_sum3A_488 : vector<16xf32>, vector<16xi1> -> vector<16xf32>
          %reduce_sum3A_490 = vector.extract %reduce_sum3A_489[15] : f32 from vector<16xf32>
          %broadcast_in_dim3A_491 = vector.broadcast %reduce_sum3A_490 : f32 to vector<16xf32>
          %select_n3A_492 = arith.select %eq3A_485, %broadcast_in_dim3A_491, %select_n3A_408 : vector<16xi1>, vector<16xf32>
          %slice3A_493 = vector.extract_strided_slice %get3A_161 {offsets = [4], sizes = [1], strides = [1]} : vector<16xi32> to vector<1xi32>
          %squeeze3A_494 = vector.extract %slice3A_493[0] : i32 from vector<1xi32>
          %add3A_495 = arith.constant 4 : i32
          %add3A_496 = arith.addi %mul3A_159, %add3A_495 : i32
          %get3A_497 = arith.index_cast %add3A_496 : i32 to index
          %get3A_498 = arith.constant 0 : index
          %get3A_499 = tpu.vector_load %arg14[%get3A_497, %get3A_498] {strides = array<i32>} : memref<80x128xf32, #tpu.memory_space<vmem>>, vector<16xf32>,
          %bitcast3A_500 = vector.bitcast %get3A_499 : vector<16xf32> to vector<32xbf16>
          %get3A_501 = arith.index_cast %squeeze3A_494 : i32 to index
          %get3A_502 = arith.constant 0 : index
          %get3A_503 = tpu.vector_load %arg12[%get3A_501, %get3A_502] {strides = array<i32>} : memref<237x64xf32, #tpu.memory_space<vmem>>, vector<16xf32>,
          %bitcast3A_504 = vector.bitcast %get3A_503 : vector<16xf32> to vector<32xbf16>
          %get3A_505 = arith.index_cast %add3A_496 : i32 to index
          %get3A_506 = arith.constant 0 : index
          %get3A_507 = tpu.vector_load %arg16[%get3A_505, %get3A_506] {strides = array<i32>} : memref<80x128xf32, #tpu.memory_space<vmem>>, vector<16xf32>,
          %bitcast3A_508 = vector.bitcast %get3A_507 : vector<16xf32> to vector<32xbf16>
          %mul3A_509 = arith.mulf %bitcast3A_500, %bitcast3A_504 : vector<32xbf16>
          %mul3A_510 = arith.mulf %mul3A_509, %bitcast3A_508 : vector<32xbf16>
          %unpack3A_511 = tpu.unpack_subelements %mul3A_510, 0 {pack_format = #tpu.pack_format<interleaved>} : vector<32xbf16> -> vector<16xf32>
          %unpack3A_512 = tpu.unpack_subelements %mul3A_510, 1 {pack_format = #tpu.pack_format<interleaved>} : vector<32xbf16> -> vector<16xf32>
          %get3A_513 = arith.index_cast %add3A_496 : i32 to index
          %get3A_514 = arith.constant 16 : index
          %get3A_515 = tpu.vector_load %arg14[%get3A_513, %get3A_514] {strides = array<i32>} : memref<80x128xf32, #tpu.memory_space<vmem>>, vector<16xf32>,
          %bitcast3A_516 = vector.bitcast %get3A_515 : vector<16xf32> to vector<32xbf16>
          %get3A_517 = arith.index_cast %squeeze3A_494 : i32 to index
          %get3A_518 = arith.constant 16 : index
          %get3A_519 = tpu.vector_load %arg12[%get3A_517, %get3A_518] {strides = array<i32>} : memref<237x64xf32, #tpu.memory_space<vmem>>, vector<16xf32>,
          %bitcast3A_520 = vector.bitcast %get3A_519 : vector<16xf32> to vector<32xbf16>
          %get3A_521 = arith.index_cast %add3A_496 : i32 to index
          %get3A_522 = arith.constant 16 : index
          %get3A_523 = tpu.vector_load %arg16[%get3A_521, %get3A_522] {strides = array<i32>} : memref<80x128xf32, #tpu.memory_space<vmem>>, vector<16xf32>,
          %bitcast3A_524 = vector.bitcast %get3A_523 : vector<16xf32> to vector<32xbf16>
          %mul3A_525 = arith.mulf %bitcast3A_516, %bitcast3A_520 : vector<32xbf16>
          %mul3A_526 = arith.mulf %mul3A_525, %bitcast3A_524 : vector<32xbf16>
          %unpack3A_527 = tpu.unpack_subelements %mul3A_526, 0 {pack_format = #tpu.pack_format<interleaved>} : vector<32xbf16> -> vector<16xf32>
          %unpack3A_528 = tpu.unpack_subelements %mul3A_526, 1 {pack_format = #tpu.pack_format<interleaved>} : vector<32xbf16> -> vector<16xf32>
          %add3A_529 = arith.addf %unpack3A_511, %unpack3A_527 : vector<16xf32>
          %add3A_530 = arith.addf %unpack3A_512, %unpack3A_528 : vector<16xf32>
          %get3A_531 = arith.index_cast %add3A_496 : i32 to index
          %get3A_532 = arith.constant 32 : index
          %get3A_533 = tpu.vector_load %arg14[%get3A_531, %get3A_532] {strides = array<i32>} : memref<80x128xf32, #tpu.memory_space<vmem>>, vector<16xf32>,
          %bitcast3A_534 = vector.bitcast %get3A_533 : vector<16xf32> to vector<32xbf16>
          %get3A_535 = arith.index_cast %squeeze3A_494 : i32 to index
          %get3A_536 = arith.constant 32 : index
          %get3A_537 = tpu.vector_load %arg12[%get3A_535, %get3A_536] {strides = array<i32>} : memref<237x64xf32, #tpu.memory_space<vmem>>, vector<16xf32>,
          %bitcast3A_538 = vector.bitcast %get3A_537 : vector<16xf32> to vector<32xbf16>
          %get3A_539 = arith.index_cast %add3A_496 : i32 to index
          %get3A_540 = arith.constant 32 : index
          %get3A_541 = tpu.vector_load %arg16[%get3A_539, %get3A_540] {strides = array<i32>} : memref<80x128xf32, #tpu.memory_space<vmem>>, vector<16xf32>,
          %bitcast3A_542 = vector.bitcast %get3A_541 : vector<16xf32> to vector<32xbf16>
          %mul3A_543 = arith.mulf %bitcast3A_534, %bitcast3A_538 : vector<32xbf16>
          %mul3A_544 = arith.mulf %mul3A_543, %bitcast3A_542 : vector<32xbf16>
          %unpack3A_545 = tpu.unpack_subelements %mul3A_544, 0 {pack_format = #tpu.pack_format<interleaved>} : vector<32xbf16> -> vector<16xf32>
          %unpack3A_546 = tpu.unpack_subelements %mul3A_544, 1 {pack_format = #tpu.pack_format<interleaved>} : vector<32xbf16> -> vector<16xf32>
          %add3A_547 = arith.addf %add3A_529, %unpack3A_545 : vector<16xf32>
          %add3A_548 = arith.addf %add3A_530, %unpack3A_546 : vector<16xf32>
          %get3A_549 = arith.index_cast %add3A_496 : i32 to index
          %get3A_550 = arith.constant 48 : index
          %get3A_551 = tpu.vector_load %arg14[%get3A_549, %get3A_550] {strides = array<i32>} : memref<80x128xf32, #tpu.memory_space<vmem>>, vector<16xf32>,
          %bitcast3A_552 = vector.bitcast %get3A_551 : vector<16xf32> to vector<32xbf16>
          %get3A_553 = arith.index_cast %squeeze3A_494 : i32 to index
          %get3A_554 = arith.constant 48 : index
          %get3A_555 = tpu.vector_load %arg12[%get3A_553, %get3A_554] {strides = array<i32>} : memref<237x64xf32, #tpu.memory_space<vmem>>, vector<16xf32>,
          %bitcast3A_556 = vector.bitcast %get3A_555 : vector<16xf32> to vector<32xbf16>
          %get3A_557 = arith.index_cast %add3A_496 : i32 to index
          %get3A_558 = arith.constant 48 : index
          %get3A_559 = tpu.vector_load %arg16[%get3A_557, %get3A_558] {strides = array<i32>} : memref<80x128xf32, #tpu.memory_space<vmem>>, vector<16xf32>,
          %bitcast3A_560 = vector.bitcast %get3A_559 : vector<16xf32> to vector<32xbf16>
          %mul3A_561 = arith.mulf %bitcast3A_552, %bitcast3A_556 : vector<32xbf16>
          %mul3A_562 = arith.mulf %mul3A_561, %bitcast3A_560 : vector<32xbf16>
          %unpack3A_563 = tpu.unpack_subelements %mul3A_562, 0 {pack_format = #tpu.pack_format<interleaved>} : vector<32xbf16> -> vector<16xf32>
          %unpack3A_564 = tpu.unpack_subelements %mul3A_562, 1 {pack_format = #tpu.pack_format<interleaved>} : vector<32xbf16> -> vector<16xf32>
          %add3A_565 = arith.addf %add3A_547, %unpack3A_563 : vector<16xf32>
          %add3A_566 = arith.addf %add3A_548, %unpack3A_564 : vector<16xf32>
          %eq3A_567 = arith.constant 4 : i32
          %eq3A_568 = vector.broadcast %eq3A_567 : i32 to vector<16xi32>
          %eq3A_569 = arith.cmpi eq, %iota3A, %eq3A_568 : vector<16xi32>
          %add3A_570 = arith.addf %add3A_565, %add3A_566 : vector<16xf32>
          %reduce_sum3A_571 = arith.constant true
          %reduce_sum3A_572 = vector.broadcast %reduce_sum3A_571 : i1 to vector<16xi1>
          %reduce_sum3A_573 = tpu.scan <sum>, %add3A_570 masked %reduce_sum3A_572 : vector<16xf32>, vector<16xi1> -> vector<16xf32>
          %reduce_sum3A_574 = vector.extract %reduce_sum3A_573[15] : f32 from vector<16xf32>
          %broadcast_in_dim3A_575 = vector.broadcast %reduce_sum3A_574 : f32 to vector<16xf32>
          %select_n3A_576 = arith.select %eq3A_569, %broadcast_in_dim3A_575, %select_n3A_492 : vector<16xi1>, vector<16xf32>
          %slice3A_577 = vector.extract_strided_slice %get3A_161 {offsets = [5], sizes = [1], strides = [1]} : vector<16xi32> to vector<1xi32>
          %squeeze3A_578 = vector.extract %slice3A_577[0] : i32 from vector<1xi32>
          %add3A_579 = arith.constant 5 : i32
          %add3A_580 = arith.addi %mul3A_159, %add3A_579 : i32
          %get3A_581 = arith.index_cast %add3A_580 : i32 to index
          %get3A_582 = arith.constant 0 : index
          %get3A_583 = tpu.vector_load %arg14[%get3A_581, %get3A_582] {strides = array<i32>} : memref<80x128xf32, #tpu.memory_space<vmem>>, vector<16xf32>,
          %bitcast3A_584 = vector.bitcast %get3A_583 : vector<16xf32> to vector<32xbf16>
          %get3A_585 = arith.index_cast %squeeze3A_578 : i32 to index
          %get3A_586 = arith.constant 0 : index
          %get3A_587 = tpu.vector_load %arg12[%get3A_585, %get3A_586] {strides = array<i32>} : memref<237x64xf32, #tpu.memory_space<vmem>>, vector<16xf32>,
          %bitcast3A_588 = vector.bitcast %get3A_587 : vector<16xf32> to vector<32xbf16>
          %get3A_589 = arith.index_cast %add3A_580 : i32 to index
          %get3A_590 = arith.constant 0 : index
          %get3A_591 = tpu.vector_load %arg16[%get3A_589, %get3A_590] {strides = array<i32>} : memref<80x128xf32, #tpu.memory_space<vmem>>, vector<16xf32>,
          %bitcast3A_592 = vector.bitcast %get3A_591 : vector<16xf32> to vector<32xbf16>
          %mul3A_593 = arith.mulf %bitcast3A_584, %bitcast3A_588 : vector<32xbf16>
          %mul3A_594 = arith.mulf %mul3A_593, %bitcast3A_592 : vector<32xbf16>
          %unpack3A_595 = tpu.unpack_subelements %mul3A_594, 0 {pack_format = #tpu.pack_format<interleaved>} : vector<32xbf16> -> vector<16xf32>
          %unpack3A_596 = tpu.unpack_subelements %mul3A_594, 1 {pack_format = #tpu.pack_format<interleaved>} : vector<32xbf16> -> vector<16xf32>
          %get3A_597 = arith.index_cast %add3A_580 : i32 to index
          %get3A_598 = arith.constant 16 : index
          %get3A_599 = tpu.vector_load %arg14[%get3A_597, %get3A_598] {strides = array<i32>} : memref<80x128xf32, #tpu.memory_space<vmem>>, vector<16xf32>,
          %bitcast3A_600 = vector.bitcast %get3A_599 : vector<16xf32> to vector<32xbf16>
          %get3A_601 = arith.index_cast %squeeze3A_578 : i32 to index
          %get3A_602 = arith.constant 16 : index
          %get3A_603 = tpu.vector_load %arg12[%get3A_601, %get3A_602] {strides = array<i32>} : memref<237x64xf32, #tpu.memory_space<vmem>>, vector<16xf32>,
          %bitcast3A_604 = vector.bitcast %get3A_603 : vector<16xf32> to vector<32xbf16>
          %get3A_605 = arith.index_cast %add3A_580 : i32 to index
          %get3A_606 = arith.constant 16 : index
          %get3A_607 = tpu.vector_load %arg16[%get3A_605, %get3A_606] {strides = array<i32>} : memref<80x128xf32, #tpu.memory_space<vmem>>, vector<16xf32>,
          %bitcast3A_608 = vector.bitcast %get3A_607 : vector<16xf32> to vector<32xbf16>
          %mul3A_609 = arith.mulf %bitcast3A_600, %bitcast3A_604 : vector<32xbf16>
          %mul3A_610 = arith.mulf %mul3A_609, %bitcast3A_608 : vector<32xbf16>
          %unpack3A_611 = tpu.unpack_subelements %mul3A_610, 0 {pack_format = #tpu.pack_format<interleaved>} : vector<32xbf16> -> vector<16xf32>
          %unpack3A_612 = tpu.unpack_subelements %mul3A_610, 1 {pack_format = #tpu.pack_format<interleaved>} : vector<32xbf16> -> vector<16xf32>
          %add3A_613 = arith.addf %unpack3A_595, %unpack3A_611 : vector<16xf32>
          %add3A_614 = arith.addf %unpack3A_596, %unpack3A_612 : vector<16xf32>
          %get3A_615 = arith.index_cast %add3A_580 : i32 to index
          %get3A_616 = arith.constant 32 : index
          %get3A_617 = tpu.vector_load %arg14[%get3A_615, %get3A_616] {strides = array<i32>} : memref<80x128xf32, #tpu.memory_space<vmem>>, vector<16xf32>,
          %bitcast3A_618 = vector.bitcast %get3A_617 : vector<16xf32> to vector<32xbf16>
          %get3A_619 = arith.index_cast %squeeze3A_578 : i32 to index
          %get3A_620 = arith.constant 32 : index
          %get3A_621 = tpu.vector_load %arg12[%get3A_619, %get3A_620] {strides = array<i32>} : memref<237x64xf32, #tpu.memory_space<vmem>>, vector<16xf32>,
          %bitcast3A_622 = vector.bitcast %get3A_621 : vector<16xf32> to vector<32xbf16>
          %get3A_623 = arith.index_cast %add3A_580 : i32 to index
          %get3A_624 = arith.constant 32 : index
          %get3A_625 = tpu.vector_load %arg16[%get3A_623, %get3A_624] {strides = array<i32>} : memref<80x128xf32, #tpu.memory_space<vmem>>, vector<16xf32>,
          %bitcast3A_626 = vector.bitcast %get3A_625 : vector<16xf32> to vector<32xbf16>
          %mul3A_627 = arith.mulf %bitcast3A_618, %bitcast3A_622 : vector<32xbf16>
          %mul3A_628 = arith.mulf %mul3A_627, %bitcast3A_626 : vector<32xbf16>
          %unpack3A_629 = tpu.unpack_subelements %mul3A_628, 0 {pack_format = #tpu.pack_format<interleaved>} : vector<32xbf16> -> vector<16xf32>
          %unpack3A_630 = tpu.unpack_subelements %mul3A_628, 1 {pack_format = #tpu.pack_format<interleaved>} : vector<32xbf16> -> vector<16xf32>
          %add3A_631 = arith.addf %add3A_613, %unpack3A_629 : vector<16xf32>
          %add3A_632 = arith.addf %add3A_614, %unpack3A_630 : vector<16xf32>
          %get3A_633 = arith.index_cast %add3A_580 : i32 to index
          %get3A_634 = arith.constant 48 : index
          %get3A_635 = tpu.vector_load %arg14[%get3A_633, %get3A_634] {strides = array<i32>} : memref<80x128xf32, #tpu.memory_space<vmem>>, vector<16xf32>,
          %bitcast3A_636 = vector.bitcast %get3A_635 : vector<16xf32> to vector<32xbf16>
          %get3A_637 = arith.index_cast %squeeze3A_578 : i32 to index
          %get3A_638 = arith.constant 48 : index
          %get3A_639 = tpu.vector_load %arg12[%get3A_637, %get3A_638] {strides = array<i32>} : memref<237x64xf32, #tpu.memory_space<vmem>>, vector<16xf32>,
          %bitcast3A_640 = vector.bitcast %get3A_639 : vector<16xf32> to vector<32xbf16>
          %get3A_641 = arith.index_cast %add3A_580 : i32 to index
          %get3A_642 = arith.constant 48 : index
          %get3A_643 = tpu.vector_load %arg16[%get3A_641, %get3A_642] {strides = array<i32>} : memref<80x128xf32, #tpu.memory_space<vmem>>, vector<16xf32>,
          %bitcast3A_644 = vector.bitcast %get3A_643 : vector<16xf32> to vector<32xbf16>
          %mul3A_645 = arith.mulf %bitcast3A_636, %bitcast3A_640 : vector<32xbf16>
          %mul3A_646 = arith.mulf %mul3A_645, %bitcast3A_644 : vector<32xbf16>
          %unpack3A_647 = tpu.unpack_subelements %mul3A_646, 0 {pack_format = #tpu.pack_format<interleaved>} : vector<32xbf16> -> vector<16xf32>
          %unpack3A_648 = tpu.unpack_subelements %mul3A_646, 1 {pack_format = #tpu.pack_format<interleaved>} : vector<32xbf16> -> vector<16xf32>
          %add3A_649 = arith.addf %add3A_631, %unpack3A_647 : vector<16xf32>
          %add3A_650 = arith.addf %add3A_632, %unpack3A_648 : vector<16xf32>
          %eq3A_651 = arith.constant 5 : i32
          %eq3A_652 = vector.broadcast %eq3A_651 : i32 to vector<16xi32>
          %eq3A_653 = arith.cmpi eq, %iota3A, %eq3A_652 : vector<16xi32>
          %add3A_654 = arith.addf %add3A_649, %add3A_650 : vector<16xf32>
          %reduce_sum3A_655 = arith.constant true
          %reduce_sum3A_656 = vector.broadcast %reduce_sum3A_655 : i1 to vector<16xi1>
          %reduce_sum3A_657 = tpu.scan <sum>, %add3A_654 masked %reduce_sum3A_656 : vector<16xf32>, vector<16xi1> -> vector<16xf32>
          %reduce_sum3A_658 = vector.extract %reduce_sum3A_657[15] : f32 from vector<16xf32>
          %broadcast_in_dim3A_659 = vector.broadcast %reduce_sum3A_658 : f32 to vector<16xf32>
          %select_n3A_660 = arith.select %eq3A_653, %broadcast_in_dim3A_659, %select_n3A_576 : vector<16xi1>, vector<16xf32>
          %slice3A_661 = vector.extract_strided_slice %get3A_161 {offsets = [6], sizes = [1], strides = [1]} : vector<16xi32> to vector<1xi32>
          %squeeze3A_662 = vector.extract %slice3A_661[0] : i32 from vector<1xi32>
          %add3A_663 = arith.constant 6 : i32
          %add3A_664 = arith.addi %mul3A_159, %add3A_663 : i32
          %get3A_665 = arith.index_cast %add3A_664 : i32 to index
          %get3A_666 = arith.constant 0 : index
          %get3A_667 = tpu.vector_load %arg14[%get3A_665, %get3A_666] {strides = array<i32>} : memref<80x128xf32, #tpu.memory_space<vmem>>, vector<16xf32>,
          %bitcast3A_668 = vector.bitcast %get3A_667 : vector<16xf32> to vector<32xbf16>
          %get3A_669 = arith.index_cast %squeeze3A_662 : i32 to index
          %get3A_670 = arith.constant 0 : index
          %get3A_671 = tpu.vector_load %arg12[%get3A_669, %get3A_670] {strides = array<i32>} : memref<237x64xf32, #tpu.memory_space<vmem>>, vector<16xf32>,
          %bitcast3A_672 = vector.bitcast %get3A_671 : vector<16xf32> to vector<32xbf16>
          %get3A_673 = arith.index_cast %add3A_664 : i32 to index
          %get3A_674 = arith.constant 0 : index
          %get3A_675 = tpu.vector_load %arg16[%get3A_673, %get3A_674] {strides = array<i32>} : memref<80x128xf32, #tpu.memory_space<vmem>>, vector<16xf32>,
          %bitcast3A_676 = vector.bitcast %get3A_675 : vector<16xf32> to vector<32xbf16>
          %mul3A_677 = arith.mulf %bitcast3A_668, %bitcast3A_672 : vector<32xbf16>
          %mul3A_678 = arith.mulf %mul3A_677, %bitcast3A_676 : vector<32xbf16>
          %unpack3A_679 = tpu.unpack_subelements %mul3A_678, 0 {pack_format = #tpu.pack_format<interleaved>} : vector<32xbf16> -> vector<16xf32>
          %unpack3A_680 = tpu.unpack_subelements %mul3A_678, 1 {pack_format = #tpu.pack_format<interleaved>} : vector<32xbf16> -> vector<16xf32>
          %get3A_681 = arith.index_cast %add3A_664 : i32 to index
          %get3A_682 = arith.constant 16 : index
          %get3A_683 = tpu.vector_load %arg14[%get3A_681, %get3A_682] {strides = array<i32>} : memref<80x128xf32, #tpu.memory_space<vmem>>, vector<16xf32>,
          %bitcast3A_684 = vector.bitcast %get3A_683 : vector<16xf32> to vector<32xbf16>
          %get3A_685 = arith.index_cast %squeeze3A_662 : i32 to index
          %get3A_686 = arith.constant 16 : index
          %get3A_687 = tpu.vector_load %arg12[%get3A_685, %get3A_686] {strides = array<i32>} : memref<237x64xf32, #tpu.memory_space<vmem>>, vector<16xf32>,
          %bitcast3A_688 = vector.bitcast %get3A_687 : vector<16xf32> to vector<32xbf16>
          %get3A_689 = arith.index_cast %add3A_664 : i32 to index
          %get3A_690 = arith.constant 16 : index
          %get3A_691 = tpu.vector_load %arg16[%get3A_689, %get3A_690] {strides = array<i32>} : memref<80x128xf32, #tpu.memory_space<vmem>>, vector<16xf32>,
          %bitcast3A_692 = vector.bitcast %get3A_691 : vector<16xf32> to vector<32xbf16>
          %mul3A_693 = arith.mulf %bitcast3A_684, %bitcast3A_688 : vector<32xbf16>
          %mul3A_694 = arith.mulf %mul3A_693, %bitcast3A_692 : vector<32xbf16>
          %unpack3A_695 = tpu.unpack_subelements %mul3A_694, 0 {pack_format = #tpu.pack_format<interleaved>} : vector<32xbf16> -> vector<16xf32>
          %unpack3A_696 = tpu.unpack_subelements %mul3A_694, 1 {pack_format = #tpu.pack_format<interleaved>} : vector<32xbf16> -> vector<16xf32>
          %add3A_697 = arith.addf %unpack3A_679, %unpack3A_695 : vector<16xf32>
          %add3A_698 = arith.addf %unpack3A_680, %unpack3A_696 : vector<16xf32>
          %get3A_699 = arith.index_cast %add3A_664 : i32 to index
          %get3A_700 = arith.constant 32 : index
          %get3A_701 = tpu.vector_load %arg14[%get3A_699, %get3A_700] {strides = array<i32>} : memref<80x128xf32, #tpu.memory_space<vmem>>, vector<16xf32>,
          %bitcast3A_702 = vector.bitcast %get3A_701 : vector<16xf32> to vector<32xbf16>
          %get3A_703 = arith.index_cast %squeeze3A_662 : i32 to index
          %get3A_704 = arith.constant 32 : index
          %get3A_705 = tpu.vector_load %arg12[%get3A_703, %get3A_704] {strides = array<i32>} : memref<237x64xf32, #tpu.memory_space<vmem>>, vector<16xf32>,
          %bitcast3A_706 = vector.bitcast %get3A_705 : vector<16xf32> to vector<32xbf16>
          %get3A_707 = arith.index_cast %add3A_664 : i32 to index
          %get3A_708 = arith.constant 32 : index
          %get3A_709 = tpu.vector_load %arg16[%get3A_707, %get3A_708] {strides = array<i32>} : memref<80x128xf32, #tpu.memory_space<vmem>>, vector<16xf32>,
          %bitcast3A_710 = vector.bitcast %get3A_709 : vector<16xf32> to vector<32xbf16>
          %mul3A_711 = arith.mulf %bitcast3A_702, %bitcast3A_706 : vector<32xbf16>
          %mul3A_712 = arith.mulf %mul3A_711, %bitcast3A_710 : vector<32xbf16>
          %unpack3A_713 = tpu.unpack_subelements %mul3A_712, 0 {pack_format = #tpu.pack_format<interleaved>} : vector<32xbf16> -> vector<16xf32>
          %unpack3A_714 = tpu.unpack_subelements %mul3A_712, 1 {pack_format = #tpu.pack_format<interleaved>} : vector<32xbf16> -> vector<16xf32>
          %add3A_715 = arith.addf %add3A_697, %unpack3A_713 : vector<16xf32>
          %add3A_716 = arith.addf %add3A_698, %unpack3A_714 : vector<16xf32>
          %get3A_717 = arith.index_cast %add3A_664 : i32 to index
          %get3A_718 = arith.constant 48 : index
          %get3A_719 = tpu.vector_load %arg14[%get3A_717, %get3A_718] {strides = array<i32>} : memref<80x128xf32, #tpu.memory_space<vmem>>, vector<16xf32>,
          %bitcast3A_720 = vector.bitcast %get3A_719 : vector<16xf32> to vector<32xbf16>
          %get3A_721 = arith.index_cast %squeeze3A_662 : i32 to index
          %get3A_722 = arith.constant 48 : index
          %get3A_723 = tpu.vector_load %arg12[%get3A_721, %get3A_722] {strides = array<i32>} : memref<237x64xf32, #tpu.memory_space<vmem>>, vector<16xf32>,
          %bitcast3A_724 = vector.bitcast %get3A_723 : vector<16xf32> to vector<32xbf16>
          %get3A_725 = arith.index_cast %add3A_664 : i32 to index
          %get3A_726 = arith.constant 48 : index
          %get3A_727 = tpu.vector_load %arg16[%get3A_725, %get3A_726] {strides = array<i32>} : memref<80x128xf32, #tpu.memory_space<vmem>>, vector<16xf32>,
          %bitcast3A_728 = vector.bitcast %get3A_727 : vector<16xf32> to vector<32xbf16>
          %mul3A_729 = arith.mulf %bitcast3A_720, %bitcast3A_724 : vector<32xbf16>
          %mul3A_730 = arith.mulf %mul3A_729, %bitcast3A_728 : vector<32xbf16>
          %unpack3A_731 = tpu.unpack_subelements %mul3A_730, 0 {pack_format = #tpu.pack_format<interleaved>} : vector<32xbf16> -> vector<16xf32>
          %unpack3A_732 = tpu.unpack_subelements %mul3A_730, 1 {pack_format = #tpu.pack_format<interleaved>} : vector<32xbf16> -> vector<16xf32>
          %add3A_733 = arith.addf %add3A_715, %unpack3A_731 : vector<16xf32>
          %add3A_734 = arith.addf %add3A_716, %unpack3A_732 : vector<16xf32>
          %eq3A_735 = arith.constant 6 : i32
          %eq3A_736 = vector.broadcast %eq3A_735 : i32 to vector<16xi32>
          %eq3A_737 = arith.cmpi eq, %iota3A, %eq3A_736 : vector<16xi32>
          %add3A_738 = arith.addf %add3A_733, %add3A_734 : vector<16xf32>
          %reduce_sum3A_739 = arith.constant true
          %reduce_sum3A_740 = vector.broadcast %reduce_sum3A_739 : i1 to vector<16xi1>
          %reduce_sum3A_741 = tpu.scan <sum>, %add3A_738 masked %reduce_sum3A_740 : vector<16xf32>, vector<16xi1> -> vector<16xf32>
          %reduce_sum3A_742 = vector.extract %reduce_sum3A_741[15] : f32 from vector<16xf32>
          %broadcast_in_dim3A_743 = vector.broadcast %reduce_sum3A_742 : f32 to vector<16xf32>
          %select_n3A_744 = arith.select %eq3A_737, %broadcast_in_dim3A_743, %select_n3A_660 : vector<16xi1>, vector<16xf32>
          %slice3A_745 = vector.extract_strided_slice %get3A_161 {offsets = [7], sizes = [1], strides = [1]} : vector<16xi32> to vector<1xi32>
          %squeeze3A_746 = vector.extract %slice3A_745[0] : i32 from vector<1xi32>
          %add3A_747 = arith.constant 7 : i32
          %add3A_748 = arith.addi %mul3A_159, %add3A_747 : i32
          %get3A_749 = arith.index_cast %add3A_748 : i32 to index
          %get3A_750 = arith.constant 0 : index
          %get3A_751 = tpu.vector_load %arg14[%get3A_749, %get3A_750] {strides = array<i32>} : memref<80x128xf32, #tpu.memory_space<vmem>>, vector<16xf32>,
          %bitcast3A_752 = vector.bitcast %get3A_751 : vector<16xf32> to vector<32xbf16>
          %get3A_753 = arith.index_cast %squeeze3A_746 : i32 to index
          %get3A_754 = arith.constant 0 : index
          %get3A_755 = tpu.vector_load %arg12[%get3A_753, %get3A_754] {strides = array<i32>} : memref<237x64xf32, #tpu.memory_space<vmem>>, vector<16xf32>,
          %bitcast3A_756 = vector.bitcast %get3A_755 : vector<16xf32> to vector<32xbf16>
          %get3A_757 = arith.index_cast %add3A_748 : i32 to index
          %get3A_758 = arith.constant 0 : index
          %get3A_759 = tpu.vector_load %arg16[%get3A_757, %get3A_758] {strides = array<i32>} : memref<80x128xf32, #tpu.memory_space<vmem>>, vector<16xf32>,
          %bitcast3A_760 = vector.bitcast %get3A_759 : vector<16xf32> to vector<32xbf16>
          %mul3A_761 = arith.mulf %bitcast3A_752, %bitcast3A_756 : vector<32xbf16>
          %mul3A_762 = arith.mulf %mul3A_761, %bitcast3A_760 : vector<32xbf16>
          %unpack3A_763 = tpu.unpack_subelements %mul3A_762, 0 {pack_format = #tpu.pack_format<interleaved>} : vector<32xbf16> -> vector<16xf32>
          %unpack3A_764 = tpu.unpack_subelements %mul3A_762, 1 {pack_format = #tpu.pack_format<interleaved>} : vector<32xbf16> -> vector<16xf32>
          %get3A_765 = arith.index_cast %add3A_748 : i32 to index
          %get3A_766 = arith.constant 16 : index
          %get3A_767 = tpu.vector_load %arg14[%get3A_765, %get3A_766] {strides = array<i32>} : memref<80x128xf32, #tpu.memory_space<vmem>>, vector<16xf32>,
          %bitcast3A_768 = vector.bitcast %get3A_767 : vector<16xf32> to vector<32xbf16>
          %get3A_769 = arith.index_cast %squeeze3A_746 : i32 to index
          %get3A_770 = arith.constant 16 : index
          %get3A_771 = tpu.vector_load %arg12[%get3A_769, %get3A_770] {strides = array<i32>} : memref<237x64xf32, #tpu.memory_space<vmem>>, vector<16xf32>,
          %bitcast3A_772 = vector.bitcast %get3A_771 : vector<16xf32> to vector<32xbf16>
          %get3A_773 = arith.index_cast %add3A_748 : i32 to index
          %get3A_774 = arith.constant 16 : index
          %get3A_775 = tpu.vector_load %arg16[%get3A_773, %get3A_774] {strides = array<i32>} : memref<80x128xf32, #tpu.memory_space<vmem>>, vector<16xf32>,
          %bitcast3A_776 = vector.bitcast %get3A_775 : vector<16xf32> to vector<32xbf16>
          %mul3A_777 = arith.mulf %bitcast3A_768, %bitcast3A_772 : vector<32xbf16>
          %mul3A_778 = arith.mulf %mul3A_777, %bitcast3A_776 : vector<32xbf16>
          %unpack3A_779 = tpu.unpack_subelements %mul3A_778, 0 {pack_format = #tpu.pack_format<interleaved>} : vector<32xbf16> -> vector<16xf32>
          %unpack3A_780 = tpu.unpack_subelements %mul3A_778, 1 {pack_format = #tpu.pack_format<interleaved>} : vector<32xbf16> -> vector<16xf32>
          %add3A_781 = arith.addf %unpack3A_763, %unpack3A_779 : vector<16xf32>
          %add3A_782 = arith.addf %unpack3A_764, %unpack3A_780 : vector<16xf32>
          %get3A_783 = arith.index_cast %add3A_748 : i32 to index
          %get3A_784 = arith.constant 32 : index
          %get3A_785 = tpu.vector_load %arg14[%get3A_783, %get3A_784] {strides = array<i32>} : memref<80x128xf32, #tpu.memory_space<vmem>>, vector<16xf32>,
          %bitcast3A_786 = vector.bitcast %get3A_785 : vector<16xf32> to vector<32xbf16>
          %get3A_787 = arith.index_cast %squeeze3A_746 : i32 to index
          %get3A_788 = arith.constant 32 : index
          %get3A_789 = tpu.vector_load %arg12[%get3A_787, %get3A_788] {strides = array<i32>} : memref<237x64xf32, #tpu.memory_space<vmem>>, vector<16xf32>,
          %bitcast3A_790 = vector.bitcast %get3A_789 : vector<16xf32> to vector<32xbf16>
          %get3A_791 = arith.index_cast %add3A_748 : i32 to index
          %get3A_792 = arith.constant 32 : index
          %get3A_793 = tpu.vector_load %arg16[%get3A_791, %get3A_792] {strides = array<i32>} : memref<80x128xf32, #tpu.memory_space<vmem>>, vector<16xf32>,
          %bitcast3A_794 = vector.bitcast %get3A_793 : vector<16xf32> to vector<32xbf16>
          %mul3A_795 = arith.mulf %bitcast3A_786, %bitcast3A_790 : vector<32xbf16>
          %mul3A_796 = arith.mulf %mul3A_795, %bitcast3A_794 : vector<32xbf16>
          %unpack3A_797 = tpu.unpack_subelements %mul3A_796, 0 {pack_format = #tpu.pack_format<interleaved>} : vector<32xbf16> -> vector<16xf32>
          %unpack3A_798 = tpu.unpack_subelements %mul3A_796, 1 {pack_format = #tpu.pack_format<interleaved>} : vector<32xbf16> -> vector<16xf32>
          %add3A_799 = arith.addf %add3A_781, %unpack3A_797 : vector<16xf32>
          %add3A_800 = arith.addf %add3A_782, %unpack3A_798 : vector<16xf32>
          %get3A_801 = arith.index_cast %add3A_748 : i32 to index
          %get3A_802 = arith.constant 48 : index
          %get3A_803 = tpu.vector_load %arg14[%get3A_801, %get3A_802] {strides = array<i32>} : memref<80x128xf32, #tpu.memory_space<vmem>>, vector<16xf32>,
          %bitcast3A_804 = vector.bitcast %get3A_803 : vector<16xf32> to vector<32xbf16>
          %get3A_805 = arith.index_cast %squeeze3A_746 : i32 to index
          %get3A_806 = arith.constant 48 : index
          %get3A_807 = tpu.vector_load %arg12[%get3A_805, %get3A_806] {strides = array<i32>} : memref<237x64xf32, #tpu.memory_space<vmem>>, vector<16xf32>,
          %bitcast3A_808 = vector.bitcast %get3A_807 : vector<16xf32> to vector<32xbf16>
          %get3A_809 = arith.index_cast %add3A_748 : i32 to index
          %get3A_810 = arith.constant 48 : index
          %get3A_811 = tpu.vector_load %arg16[%get3A_809, %get3A_810] {strides = array<i32>} : memref<80x128xf32, #tpu.memory_space<vmem>>, vector<16xf32>,
          %bitcast3A_812 = vector.bitcast %get3A_811 : vector<16xf32> to vector<32xbf16>
          %mul3A_813 = arith.mulf %bitcast3A_804, %bitcast3A_808 : vector<32xbf16>
          %mul3A_814 = arith.mulf %mul3A_813, %bitcast3A_812 : vector<32xbf16>
          %unpack3A_815 = tpu.unpack_subelements %mul3A_814, 0 {pack_format = #tpu.pack_format<interleaved>} : vector<32xbf16> -> vector<16xf32>
          %unpack3A_816 = tpu.unpack_subelements %mul3A_814, 1 {pack_format = #tpu.pack_format<interleaved>} : vector<32xbf16> -> vector<16xf32>
          %add3A_817 = arith.addf %add3A_799, %unpack3A_815 : vector<16xf32>
          %add3A_818 = arith.addf %add3A_800, %unpack3A_816 : vector<16xf32>
          %eq3A_819 = arith.constant 7 : i32
          %eq3A_820 = vector.broadcast %eq3A_819 : i32 to vector<16xi32>
          %eq3A_821 = arith.cmpi eq, %iota3A, %eq3A_820 : vector<16xi32>
          %add3A_822 = arith.addf %add3A_817, %add3A_818 : vector<16xf32>
          %reduce_sum3A_823 = arith.constant true
          %reduce_sum3A_824 = vector.broadcast %reduce_sum3A_823 : i1 to vector<16xi1>
          %reduce_sum3A_825 = tpu.scan <sum>, %add3A_822 masked %reduce_sum3A_824 : vector<16xf32>, vector<16xi1> -> vector<16xf32>
          %reduce_sum3A_826 = vector.extract %reduce_sum3A_825[15] : f32 from vector<16xf32>
          %broadcast_in_dim3A_827 = vector.broadcast %reduce_sum3A_826 : f32 to vector<16xf32>
          %select_n3A_828 = arith.select %eq3A_821, %broadcast_in_dim3A_827, %select_n3A_744 : vector<16xi1>, vector<16xf32>
          %slice3A_829 = vector.extract_strided_slice %get3A_161 {offsets = [8], sizes = [1], strides = [1]} : vector<16xi32> to vector<1xi32>
          %squeeze3A_830 = vector.extract %slice3A_829[0] : i32 from vector<1xi32>
          %add3A_831 = arith.constant 8 : i32
          %add3A_832 = arith.addi %mul3A_159, %add3A_831 : i32
          %get3A_833 = arith.index_cast %add3A_832 : i32 to index
          %get3A_834 = arith.constant 0 : index
          %get3A_835 = tpu.vector_load %arg14[%get3A_833, %get3A_834] {strides = array<i32>} : memref<80x128xf32, #tpu.memory_space<vmem>>, vector<16xf32>,
          %bitcast3A_836 = vector.bitcast %get3A_835 : vector<16xf32> to vector<32xbf16>
          %get3A_837 = arith.index_cast %squeeze3A_830 : i32 to index
          %get3A_838 = arith.constant 0 : index
          %get3A_839 = tpu.vector_load %arg12[%get3A_837, %get3A_838] {strides = array<i32>} : memref<237x64xf32, #tpu.memory_space<vmem>>, vector<16xf32>,
          %bitcast3A_840 = vector.bitcast %get3A_839 : vector<16xf32> to vector<32xbf16>
          %get3A_841 = arith.index_cast %add3A_832 : i32 to index
          %get3A_842 = arith.constant 0 : index
          %get3A_843 = tpu.vector_load %arg16[%get3A_841, %get3A_842] {strides = array<i32>} : memref<80x128xf32, #tpu.memory_space<vmem>>, vector<16xf32>,
          %bitcast3A_844 = vector.bitcast %get3A_843 : vector<16xf32> to vector<32xbf16>
          %mul3A_845 = arith.mulf %bitcast3A_836, %bitcast3A_840 : vector<32xbf16>
          %mul3A_846 = arith.mulf %mul3A_845, %bitcast3A_844 : vector<32xbf16>
          %unpack3A_847 = tpu.unpack_subelements %mul3A_846, 0 {pack_format = #tpu.pack_format<interleaved>} : vector<32xbf16> -> vector<16xf32>
          %unpack3A_848 = tpu.unpack_subelements %mul3A_846, 1 {pack_format = #tpu.pack_format<interleaved>} : vector<32xbf16> -> vector<16xf32>
          %get3A_849 = arith.index_cast %add3A_832 : i32 to index
          %get3A_850 = arith.constant 16 : index
          %get3A_851 = tpu.vector_load %arg14[%get3A_849, %get3A_850] {strides = array<i32>} : memref<80x128xf32, #tpu.memory_space<vmem>>, vector<16xf32>,
          %bitcast3A_852 = vector.bitcast %get3A_851 : vector<16xf32> to vector<32xbf16>
          %get3A_853 = arith.index_cast %squeeze3A_830 : i32 to index
          %get3A_854 = arith.constant 16 : index
          %get3A_855 = tpu.vector_load %arg12[%get3A_853, %get3A_854] {strides = array<i32>} : memref<237x64xf32, #tpu.memory_space<vmem>>, vector<16xf32>,
          %bitcast3A_856 = vector.bitcast %get3A_855 : vector<16xf32> to vector<32xbf16>
          %get3A_857 = arith.index_cast %add3A_832 : i32 to index
          %get3A_858 = arith.constant 16 : index
          %get3A_859 = tpu.vector_load %arg16[%get3A_857, %get3A_858] {strides = array<i32>} : memref<80x128xf32, #tpu.memory_space<vmem>>, vector<16xf32>,
          %bitcast3A_860 = vector.bitcast %get3A_859 : vector<16xf32> to vector<32xbf16>
          %mul3A_861 = arith.mulf %bitcast3A_852, %bitcast3A_856 : vector<32xbf16>
          %mul3A_862 = arith.mulf %mul3A_861, %bitcast3A_860 : vector<32xbf16>
          %unpack3A_863 = tpu.unpack_subelements %mul3A_862, 0 {pack_format = #tpu.pack_format<interleaved>} : vector<32xbf16> -> vector<16xf32>
          %unpack3A_864 = tpu.unpack_subelements %mul3A_862, 1 {pack_format = #tpu.pack_format<interleaved>} : vector<32xbf16> -> vector<16xf32>
          %add3A_865 = arith.addf %unpack3A_847, %unpack3A_863 : vector<16xf32>
          %add3A_866 = arith.addf %unpack3A_848, %unpack3A_864 : vector<16xf32>
          %get3A_867 = arith.index_cast %add3A_832 : i32 to index
          %get3A_868 = arith.constant 32 : index
          %get3A_869 = tpu.vector_load %arg14[%get3A_867, %get3A_868] {strides = array<i32>} : memref<80x128xf32, #tpu.memory_space<vmem>>, vector<16xf32>,
          %bitcast3A_870 = vector.bitcast %get3A_869 : vector<16xf32> to vector<32xbf16>
          %get3A_871 = arith.index_cast %squeeze3A_830 : i32 to index
          %get3A_872 = arith.constant 32 : index
          %get3A_873 = tpu.vector_load %arg12[%get3A_871, %get3A_872] {strides = array<i32>} : memref<237x64xf32, #tpu.memory_space<vmem>>, vector<16xf32>,
          %bitcast3A_874 = vector.bitcast %get3A_873 : vector<16xf32> to vector<32xbf16>
          %get3A_875 = arith.index_cast %add3A_832 : i32 to index
          %get3A_876 = arith.constant 32 : index
          %get3A_877 = tpu.vector_load %arg16[%get3A_875, %get3A_876] {strides = array<i32>} : memref<80x128xf32, #tpu.memory_space<vmem>>, vector<16xf32>,
          %bitcast3A_878 = vector.bitcast %get3A_877 : vector<16xf32> to vector<32xbf16>
          %mul3A_879 = arith.mulf %bitcast3A_870, %bitcast3A_874 : vector<32xbf16>
          %mul3A_880 = arith.mulf %mul3A_879, %bitcast3A_878 : vector<32xbf16>
          %unpack3A_881 = tpu.unpack_subelements %mul3A_880, 0 {pack_format = #tpu.pack_format<interleaved>} : vector<32xbf16> -> vector<16xf32>
          %unpack3A_882 = tpu.unpack_subelements %mul3A_880, 1 {pack_format = #tpu.pack_format<interleaved>} : vector<32xbf16> -> vector<16xf32>
          %add3A_883 = arith.addf %add3A_865, %unpack3A_881 : vector<16xf32>
          %add3A_884 = arith.addf %add3A_866, %unpack3A_882 : vector<16xf32>
          %get3A_885 = arith.index_cast %add3A_832 : i32 to index
          %get3A_886 = arith.constant 48 : index
          %get3A_887 = tpu.vector_load %arg14[%get3A_885, %get3A_886] {strides = array<i32>} : memref<80x128xf32, #tpu.memory_space<vmem>>, vector<16xf32>,
          %bitcast3A_888 = vector.bitcast %get3A_887 : vector<16xf32> to vector<32xbf16>
          %get3A_889 = arith.index_cast %squeeze3A_830 : i32 to index
          %get3A_890 = arith.constant 48 : index
          %get3A_891 = tpu.vector_load %arg12[%get3A_889, %get3A_890] {strides = array<i32>} : memref<237x64xf32, #tpu.memory_space<vmem>>, vector<16xf32>,
          %bitcast3A_892 = vector.bitcast %get3A_891 : vector<16xf32> to vector<32xbf16>
          %get3A_893 = arith.index_cast %add3A_832 : i32 to index
          %get3A_894 = arith.constant 48 : index
          %get3A_895 = tpu.vector_load %arg16[%get3A_893, %get3A_894] {strides = array<i32>} : memref<80x128xf32, #tpu.memory_space<vmem>>, vector<16xf32>,
          %bitcast3A_896 = vector.bitcast %get3A_895 : vector<16xf32> to vector<32xbf16>
          %mul3A_897 = arith.mulf %bitcast3A_888, %bitcast3A_892 : vector<32xbf16>
          %mul3A_898 = arith.mulf %mul3A_897, %bitcast3A_896 : vector<32xbf16>
          %unpack3A_899 = tpu.unpack_subelements %mul3A_898, 0 {pack_format = #tpu.pack_format<interleaved>} : vector<32xbf16> -> vector<16xf32>
          %unpack3A_900 = tpu.unpack_subelements %mul3A_898, 1 {pack_format = #tpu.pack_format<interleaved>} : vector<32xbf16> -> vector<16xf32>
          %add3A_901 = arith.addf %add3A_883, %unpack3A_899 : vector<16xf32>
          %add3A_902 = arith.addf %add3A_884, %unpack3A_900 : vector<16xf32>
          %eq3A_903 = arith.constant 8 : i32
          %eq3A_904 = vector.broadcast %eq3A_903 : i32 to vector<16xi32>
          %eq3A_905 = arith.cmpi eq, %iota3A, %eq3A_904 : vector<16xi32>
          %add3A_906 = arith.addf %add3A_901, %add3A_902 : vector<16xf32>
          %reduce_sum3A_907 = arith.constant true
          %reduce_sum3A_908 = vector.broadcast %reduce_sum3A_907 : i1 to vector<16xi1>
          %reduce_sum3A_909 = tpu.scan <sum>, %add3A_906 masked %reduce_sum3A_908 : vector<16xf32>, vector<16xi1> -> vector<16xf32>
          %reduce_sum3A_910 = vector.extract %reduce_sum3A_909[15] : f32 from vector<16xf32>
          %broadcast_in_dim3A_911 = vector.broadcast %reduce_sum3A_910 : f32 to vector<16xf32>
          %select_n3A_912 = arith.select %eq3A_905, %broadcast_in_dim3A_911, %select_n3A_828 : vector<16xi1>, vector<16xf32>
          %slice3A_913 = vector.extract_strided_slice %get3A_161 {offsets = [9], sizes = [1], strides = [1]} : vector<16xi32> to vector<1xi32>
          %squeeze3A_914 = vector.extract %slice3A_913[0] : i32 from vector<1xi32>
          %add3A_915 = arith.constant 9 : i32
          %add3A_916 = arith.addi %mul3A_159, %add3A_915 : i32
          %get3A_917 = arith.index_cast %add3A_916 : i32 to index
          %get3A_918 = arith.constant 0 : index
          %get3A_919 = tpu.vector_load %arg14[%get3A_917, %get3A_918] {strides = array<i32>} : memref<80x128xf32, #tpu.memory_space<vmem>>, vector<16xf32>,
          %bitcast3A_920 = vector.bitcast %get3A_919 : vector<16xf32> to vector<32xbf16>
          %get3A_921 = arith.index_cast %squeeze3A_914 : i32 to index
          %get3A_922 = arith.constant 0 : index
          %get3A_923 = tpu.vector_load %arg12[%get3A_921, %get3A_922] {strides = array<i32>} : memref<237x64xf32, #tpu.memory_space<vmem>>, vector<16xf32>,
          %bitcast3A_924 = vector.bitcast %get3A_923 : vector<16xf32> to vector<32xbf16>
          %get3A_925 = arith.index_cast %add3A_916 : i32 to index
          %get3A_926 = arith.constant 0 : index
          %get3A_927 = tpu.vector_load %arg16[%get3A_925, %get3A_926] {strides = array<i32>} : memref<80x128xf32, #tpu.memory_space<vmem>>, vector<16xf32>,
          %bitcast3A_928 = vector.bitcast %get3A_927 : vector<16xf32> to vector<32xbf16>
          %mul3A_929 = arith.mulf %bitcast3A_920, %bitcast3A_924 : vector<32xbf16>
          %mul3A_930 = arith.mulf %mul3A_929, %bitcast3A_928 : vector<32xbf16>
          %unpack3A_931 = tpu.unpack_subelements %mul3A_930, 0 {pack_format = #tpu.pack_format<interleaved>} : vector<32xbf16> -> vector<16xf32>
          %unpack3A_932 = tpu.unpack_subelements %mul3A_930, 1 {pack_format = #tpu.pack_format<interleaved>} : vector<32xbf16> -> vector<16xf32>
          %get3A_933 = arith.index_cast %add3A_916 : i32 to index
          %get3A_934 = arith.constant 16 : index
          %get3A_935 = tpu.vector_load %arg14[%get3A_933, %get3A_934] {strides = array<i32>} : memref<80x128xf32, #tpu.memory_space<vmem>>, vector<16xf32>,
          %bitcast3A_936 = vector.bitcast %get3A_935 : vector<16xf32> to vector<32xbf16>
          %get3A_937 = arith.index_cast %squeeze3A_914 : i32 to index
          %get3A_938 = arith.constant 16 : index
          %get3A_939 = tpu.vector_load %arg12[%get3A_937, %get3A_938] {strides = array<i32>} : memref<237x64xf32, #tpu.memory_space<vmem>>, vector<16xf32>,
          %bitcast3A_940 = vector.bitcast %get3A_939 : vector<16xf32> to vector<32xbf16>
          %get3A_941 = arith.index_cast %add3A_916 : i32 to index
          %get3A_942 = arith.constant 16 : index
          %get3A_943 = tpu.vector_load %arg16[%get3A_941, %get3A_942] {strides = array<i32>} : memref<80x128xf32, #tpu.memory_space<vmem>>, vector<16xf32>,
          %bitcast3A_944 = vector.bitcast %get3A_943 : vector<16xf32> to vector<32xbf16>
          %mul3A_945 = arith.mulf %bitcast3A_936, %bitcast3A_940 : vector<32xbf16>
          %mul3A_946 = arith.mulf %mul3A_945, %bitcast3A_944 : vector<32xbf16>
          %unpack3A_947 = tpu.unpack_subelements %mul3A_946, 0 {pack_format = #tpu.pack_format<interleaved>} : vector<32xbf16> -> vector<16xf32>
          %unpack3A_948 = tpu.unpack_subelements %mul3A_946, 1 {pack_format = #tpu.pack_format<interleaved>} : vector<32xbf16> -> vector<16xf32>
          %add3A_949 = arith.addf %unpack3A_931, %unpack3A_947 : vector<16xf32>
          %add3A_950 = arith.addf %unpack3A_932, %unpack3A_948 : vector<16xf32>
          %get3A_951 = arith.index_cast %add3A_916 : i32 to index
          %get3A_952 = arith.constant 32 : index
          %get3A_953 = tpu.vector_load %arg14[%get3A_951, %get3A_952] {strides = array<i32>} : memref<80x128xf32, #tpu.memory_space<vmem>>, vector<16xf32>,
          %bitcast3A_954 = vector.bitcast %get3A_953 : vector<16xf32> to vector<32xbf16>
          %get3A_955 = arith.index_cast %squeeze3A_914 : i32 to index
          %get3A_956 = arith.constant 32 : index
          %get3A_957 = tpu.vector_load %arg12[%get3A_955, %get3A_956] {strides = array<i32>} : memref<237x64xf32, #tpu.memory_space<vmem>>, vector<16xf32>,
          %bitcast3A_958 = vector.bitcast %get3A_957 : vector<16xf32> to vector<32xbf16>
          %get3A_959 = arith.index_cast %add3A_916 : i32 to index
          %get3A_960 = arith.constant 32 : index
          %get3A_961 = tpu.vector_load %arg16[%get3A_959, %get3A_960] {strides = array<i32>} : memref<80x128xf32, #tpu.memory_space<vmem>>, vector<16xf32>,
          %bitcast3A_962 = vector.bitcast %get3A_961 : vector<16xf32> to vector<32xbf16>
          %mul3A_963 = arith.mulf %bitcast3A_954, %bitcast3A_958 : vector<32xbf16>
          %mul3A_964 = arith.mulf %mul3A_963, %bitcast3A_962 : vector<32xbf16>
          %unpack3A_965 = tpu.unpack_subelements %mul3A_964, 0 {pack_format = #tpu.pack_format<interleaved>} : vector<32xbf16> -> vector<16xf32>
          %unpack3A_966 = tpu.unpack_subelements %mul3A_964, 1 {pack_format = #tpu.pack_format<interleaved>} : vector<32xbf16> -> vector<16xf32>
          %add3A_967 = arith.addf %add3A_949, %unpack3A_965 : vector<16xf32>
          %add3A_968 = arith.addf %add3A_950, %unpack3A_966 : vector<16xf32>
          %get3A_969 = arith.index_cast %add3A_916 : i32 to index
          %get3A_970 = arith.constant 48 : index
          %get3A_971 = tpu.vector_load %arg14[%get3A_969, %get3A_970] {strides = array<i32>} : memref<80x128xf32, #tpu.memory_space<vmem>>, vector<16xf32>,
          %bitcast3A_972 = vector.bitcast %get3A_971 : vector<16xf32> to vector<32xbf16>
          %get3A_973 = arith.index_cast %squeeze3A_914 : i32 to index
          %get3A_974 = arith.constant 48 : index
          %get3A_975 = tpu.vector_load %arg12[%get3A_973, %get3A_974] {strides = array<i32>} : memref<237x64xf32, #tpu.memory_space<vmem>>, vector<16xf32>,
          %bitcast3A_976 = vector.bitcast %get3A_975 : vector<16xf32> to vector<32xbf16>
          %get3A_977 = arith.index_cast %add3A_916 : i32 to index
          %get3A_978 = arith.constant 48 : index
          %get3A_979 = tpu.vector_load %arg16[%get3A_977, %get3A_978] {strides = array<i32>} : memref<80x128xf32, #tpu.memory_space<vmem>>, vector<16xf32>,
          %bitcast3A_980 = vector.bitcast %get3A_979 : vector<16xf32> to vector<32xbf16>
          %mul3A_981 = arith.mulf %bitcast3A_972, %bitcast3A_976 : vector<32xbf16>
          %mul3A_982 = arith.mulf %mul3A_981, %bitcast3A_980 : vector<32xbf16>
          %unpack3A_983 = tpu.unpack_subelements %mul3A_982, 0 {pack_format = #tpu.pack_format<interleaved>} : vector<32xbf16> -> vector<16xf32>
          %unpack3A_984 = tpu.unpack_subelements %mul3A_982, 1 {pack_format = #tpu.pack_format<interleaved>} : vector<32xbf16> -> vector<16xf32>
          %add3A_985 = arith.addf %add3A_967, %unpack3A_983 : vector<16xf32>
          %add3A_986 = arith.addf %add3A_968, %unpack3A_984 : vector<16xf32>
          %eq3A_987 = arith.constant 9 : i32
          %eq3A_988 = vector.broadcast %eq3A_987 : i32 to vector<16xi32>
          %eq3A_989 = arith.cmpi eq, %iota3A, %eq3A_988 : vector<16xi32>
          %add3A_990 = arith.addf %add3A_985, %add3A_986 : vector<16xf32>
          %reduce_sum3A_991 = arith.constant true
          %reduce_sum3A_992 = vector.broadcast %reduce_sum3A_991 : i1 to vector<16xi1>
          %reduce_sum3A_993 = tpu.scan <sum>, %add3A_990 masked %reduce_sum3A_992 : vector<16xf32>, vector<16xi1> -> vector<16xf32>
          %reduce_sum3A_994 = vector.extract %reduce_sum3A_993[15] : f32 from vector<16xf32>
          %broadcast_in_dim3A_995 = vector.broadcast %reduce_sum3A_994 : f32 to vector<16xf32>
          %select_n3A_996 = arith.select %eq3A_989, %broadcast_in_dim3A_995, %select_n3A_912 : vector<16xi1>, vector<16xf32>
          %slice3A_997 = vector.extract_strided_slice %get3A_161 {offsets = [10], sizes = [1], strides = [1]} : vector<16xi32> to vector<1xi32>
          %squeeze3A_998 = vector.extract %slice3A_997[0] : i32 from vector<1xi32>
          %add3A_999 = arith.constant 10 : i32
          %add3A_1000 = arith.addi %mul3A_159, %add3A_999 : i32
          %get3A_1001 = arith.index_cast %add3A_1000 : i32 to index
          %get3A_1002 = arith.constant 0 : index
          %get3A_1003 = tpu.vector_load %arg14[%get3A_1001, %get3A_1002] {strides = array<i32>} : memref<80x128xf32, #tpu.memory_space<vmem>>, vector<16xf32>,
          %bitcast3A_1004 = vector.bitcast %get3A_1003 : vector<16xf32> to vector<32xbf16>
          %get3A_1005 = arith.index_cast %squeeze3A_998 : i32 to index
          %get3A_1006 = arith.constant 0 : index
          %get3A_1007 = tpu.vector_load %arg12[%get3A_1005, %get3A_1006] {strides = array<i32>} : memref<237x64xf32, #tpu.memory_space<vmem>>, vector<16xf32>,
          %bitcast3A_1008 = vector.bitcast %get3A_1007 : vector<16xf32> to vector<32xbf16>
          %get3A_1009 = arith.index_cast %add3A_1000 : i32 to index
          %get3A_1010 = arith.constant 0 : index
          %get3A_1011 = tpu.vector_load %arg16[%get3A_1009, %get3A_1010] {strides = array<i32>} : memref<80x128xf32, #tpu.memory_space<vmem>>, vector<16xf32>,
          %bitcast3A_1012 = vector.bitcast %get3A_1011 : vector<16xf32> to vector<32xbf16>
          %mul3A_1013 = arith.mulf %bitcast3A_1004, %bitcast3A_1008 : vector<32xbf16>
          %mul3A_1014 = arith.mulf %mul3A_1013, %bitcast3A_1012 : vector<32xbf16>
          %unpack3A_1015 = tpu.unpack_subelements %mul3A_1014, 0 {pack_format = #tpu.pack_format<interleaved>} : vector<32xbf16> -> vector<16xf32>
          %unpack3A_1016 = tpu.unpack_subelements %mul3A_1014, 1 {pack_format = #tpu.pack_format<interleaved>} : vector<32xbf16> -> vector<16xf32>
          %get3A_1017 = arith.index_cast %add3A_1000 : i32 to index
          %get3A_1018 = arith.constant 16 : index
          %get3A_1019 = tpu.vector_load %arg14[%get3A_1017, %get3A_1018] {strides = array<i32>} : memref<80x128xf32, #tpu.memory_space<vmem>>, vector<16xf32>,
          %bitcast3A_1020 = vector.bitcast %get3A_1019 : vector<16xf32> to vector<32xbf16>
          %get3A_1021 = arith.index_cast %squeeze3A_998 : i32 to index
          %get3A_1022 = arith.constant 16 : index
          %get3A_1023 = tpu.vector_load %arg12[%get3A_1021, %get3A_1022] {strides = array<i32>} : memref<237x64xf32, #tpu.memory_space<vmem>>, vector<16xf32>,
          %bitcast3A_1024 = vector.bitcast %get3A_1023 : vector<16xf32> to vector<32xbf16>
          %get3A_1025 = arith.index_cast %add3A_1000 : i32 to index
          %get3A_1026 = arith.constant 16 : index
          %get3A_1027 = tpu.vector_load %arg16[%get3A_1025, %get3A_1026] {strides = array<i32>} : memref<80x128xf32, #tpu.memory_space<vmem>>, vector<16xf32>,
          %bitcast3A_1028 = vector.bitcast %get3A_1027 : vector<16xf32> to vector<32xbf16>
          %mul3A_1029 = arith.mulf %bitcast3A_1020, %bitcast3A_1024 : vector<32xbf16>
          %mul3A_1030 = arith.mulf %mul3A_1029, %bitcast3A_1028 : vector<32xbf16>
          %unpack3A_1031 = tpu.unpack_subelements %mul3A_1030, 0 {pack_format = #tpu.pack_format<interleaved>} : vector<32xbf16> -> vector<16xf32>
          %unpack3A_1032 = tpu.unpack_subelements %mul3A_1030, 1 {pack_format = #tpu.pack_format<interleaved>} : vector<32xbf16> -> vector<16xf32>
          %add3A_1033 = arith.addf %unpack3A_1015, %unpack3A_1031 : vector<16xf32>
          %add3A_1034 = arith.addf %unpack3A_1016, %unpack3A_1032 : vector<16xf32>
          %get3A_1035 = arith.index_cast %add3A_1000 : i32 to index
          %get3A_1036 = arith.constant 32 : index
          %get3A_1037 = tpu.vector_load %arg14[%get3A_1035, %get3A_1036] {strides = array<i32>} : memref<80x128xf32, #tpu.memory_space<vmem>>, vector<16xf32>,
          %bitcast3A_1038 = vector.bitcast %get3A_1037 : vector<16xf32> to vector<32xbf16>
          %get3A_1039 = arith.index_cast %squeeze3A_998 : i32 to index
          %get3A_1040 = arith.constant 32 : index
          %get3A_1041 = tpu.vector_load %arg12[%get3A_1039, %get3A_1040] {strides = array<i32>} : memref<237x64xf32, #tpu.memory_space<vmem>>, vector<16xf32>,
          %bitcast3A_1042 = vector.bitcast %get3A_1041 : vector<16xf32> to vector<32xbf16>
          %get3A_1043 = arith.index_cast %add3A_1000 : i32 to index
          %get3A_1044 = arith.constant 32 : index
          %get3A_1045 = tpu.vector_load %arg16[%get3A_1043, %get3A_1044] {strides = array<i32>} : memref<80x128xf32, #tpu.memory_space<vmem>>, vector<16xf32>,
          %bitcast3A_1046 = vector.bitcast %get3A_1045 : vector<16xf32> to vector<32xbf16>
          %mul3A_1047 = arith.mulf %bitcast3A_1038, %bitcast3A_1042 : vector<32xbf16>
          %mul3A_1048 = arith.mulf %mul3A_1047, %bitcast3A_1046 : vector<32xbf16>
          %unpack3A_1049 = tpu.unpack_subelements %mul3A_1048, 0 {pack_format = #tpu.pack_format<interleaved>} : vector<32xbf16> -> vector<16xf32>
          %unpack3A_1050 = tpu.unpack_subelements %mul3A_1048, 1 {pack_format = #tpu.pack_format<interleaved>} : vector<32xbf16> -> vector<16xf32>
          %add3A_1051 = arith.addf %add3A_1033, %unpack3A_1049 : vector<16xf32>
          %add3A_1052 = arith.addf %add3A_1034, %unpack3A_1050 : vector<16xf32>
          %get3A_1053 = arith.index_cast %add3A_1000 : i32 to index
          %get3A_1054 = arith.constant 48 : index
          %get3A_1055 = tpu.vector_load %arg14[%get3A_1053, %get3A_1054] {strides = array<i32>} : memref<80x128xf32, #tpu.memory_space<vmem>>, vector<16xf32>,
          %bitcast3A_1056 = vector.bitcast %get3A_1055 : vector<16xf32> to vector<32xbf16>
          %get3A_1057 = arith.index_cast %squeeze3A_998 : i32 to index
          %get3A_1058 = arith.constant 48 : index
          %get3A_1059 = tpu.vector_load %arg12[%get3A_1057, %get3A_1058] {strides = array<i32>} : memref<237x64xf32, #tpu.memory_space<vmem>>, vector<16xf32>,
          %bitcast3A_1060 = vector.bitcast %get3A_1059 : vector<16xf32> to vector<32xbf16>
          %get3A_1061 = arith.index_cast %add3A_1000 : i32 to index
          %get3A_1062 = arith.constant 48 : index
          %get3A_1063 = tpu.vector_load %arg16[%get3A_1061, %get3A_1062] {strides = array<i32>} : memref<80x128xf32, #tpu.memory_space<vmem>>, vector<16xf32>,
          %bitcast3A_1064 = vector.bitcast %get3A_1063 : vector<16xf32> to vector<32xbf16>
          %mul3A_1065 = arith.mulf %bitcast3A_1056, %bitcast3A_1060 : vector<32xbf16>
          %mul3A_1066 = arith.mulf %mul3A_1065, %bitcast3A_1064 : vector<32xbf16>
          %unpack3A_1067 = tpu.unpack_subelements %mul3A_1066, 0 {pack_format = #tpu.pack_format<interleaved>} : vector<32xbf16> -> vector<16xf32>
          %unpack3A_1068 = tpu.unpack_subelements %mul3A_1066, 1 {pack_format = #tpu.pack_format<interleaved>} : vector<32xbf16> -> vector<16xf32>
          %add3A_1069 = arith.addf %add3A_1051, %unpack3A_1067 : vector<16xf32>
          %add3A_1070 = arith.addf %add3A_1052, %unpack3A_1068 : vector<16xf32>
          %eq3A_1071 = arith.constant 10 : i32
          %eq3A_1072 = vector.broadcast %eq3A_1071 : i32 to vector<16xi32>
          %eq3A_1073 = arith.cmpi eq, %iota3A, %eq3A_1072 : vector<16xi32>
          %add3A_1074 = arith.addf %add3A_1069, %add3A_1070 : vector<16xf32>
          %reduce_sum3A_1075 = arith.constant true
          %reduce_sum3A_1076 = vector.broadcast %reduce_sum3A_1075 : i1 to vector<16xi1>
          %reduce_sum3A_1077 = tpu.scan <sum>, %add3A_1074 masked %reduce_sum3A_1076 : vector<16xf32>, vector<16xi1> -> vector<16xf32>
          %reduce_sum3A_1078 = vector.extract %reduce_sum3A_1077[15] : f32 from vector<16xf32>
          %broadcast_in_dim3A_1079 = vector.broadcast %reduce_sum3A_1078 : f32 to vector<16xf32>
          %select_n3A_1080 = arith.select %eq3A_1073, %broadcast_in_dim3A_1079, %select_n3A_996 : vector<16xi1>, vector<16xf32>
          %slice3A_1081 = vector.extract_strided_slice %get3A_161 {offsets = [11], sizes = [1], strides = [1]} : vector<16xi32> to vector<1xi32>
          %squeeze3A_1082 = vector.extract %slice3A_1081[0] : i32 from vector<1xi32>
          %add3A_1083 = arith.constant 11 : i32
          %add3A_1084 = arith.addi %mul3A_159, %add3A_1083 : i32
          %get3A_1085 = arith.index_cast %add3A_1084 : i32 to index
          %get3A_1086 = arith.constant 0 : index
          %get3A_1087 = tpu.vector_load %arg14[%get3A_1085, %get3A_1086] {strides = array<i32>} : memref<80x128xf32, #tpu.memory_space<vmem>>, vector<16xf32>,
          %bitcast3A_1088 = vector.bitcast %get3A_1087 : vector<16xf32> to vector<32xbf16>
          %get3A_1089 = arith.index_cast %squeeze3A_1082 : i32 to index
          %get3A_1090 = arith.constant 0 : index
          %get3A_1091 = tpu.vector_load %arg12[%get3A_1089, %get3A_1090] {strides = array<i32>} : memref<237x64xf32, #tpu.memory_space<vmem>>, vector<16xf32>,
          %bitcast3A_1092 = vector.bitcast %get3A_1091 : vector<16xf32> to vector<32xbf16>
          %get3A_1093 = arith.index_cast %add3A_1084 : i32 to index
          %get3A_1094 = arith.constant 0 : index
          %get3A_1095 = tpu.vector_load %arg16[%get3A_1093, %get3A_1094] {strides = array<i32>} : memref<80x128xf32, #tpu.memory_space<vmem>>, vector<16xf32>,
          %bitcast3A_1096 = vector.bitcast %get3A_1095 : vector<16xf32> to vector<32xbf16>
          %mul3A_1097 = arith.mulf %bitcast3A_1088, %bitcast3A_1092 : vector<32xbf16>
          %mul3A_1098 = arith.mulf %mul3A_1097, %bitcast3A_1096 : vector<32xbf16>
          %unpack3A_1099 = tpu.unpack_subelements %mul3A_1098, 0 {pack_format = #tpu.pack_format<interleaved>} : vector<32xbf16> -> vector<16xf32>
          %unpack3A_1100 = tpu.unpack_subelements %mul3A_1098, 1 {pack_format = #tpu.pack_format<interleaved>} : vector<32xbf16> -> vector<16xf32>
          %get3A_1101 = arith.index_cast %add3A_1084 : i32 to index
          %get3A_1102 = arith.constant 16 : index
          %get3A_1103 = tpu.vector_load %arg14[%get3A_1101, %get3A_1102] {strides = array<i32>} : memref<80x128xf32, #tpu.memory_space<vmem>>, vector<16xf32>,
          %bitcast3A_1104 = vector.bitcast %get3A_1103 : vector<16xf32> to vector<32xbf16>
          %get3A_1105 = arith.index_cast %squeeze3A_1082 : i32 to index
          %get3A_1106 = arith.constant 16 : index
          %get3A_1107 = tpu.vector_load %arg12[%get3A_1105, %get3A_1106] {strides = array<i32>} : memref<237x64xf32, #tpu.memory_space<vmem>>, vector<16xf32>,
          %bitcast3A_1108 = vector.bitcast %get3A_1107 : vector<16xf32> to vector<32xbf16>
          %get3A_1109 = arith.index_cast %add3A_1084 : i32 to index
          %get3A_1110 = arith.constant 16 : index
          %get3A_1111 = tpu.vector_load %arg16[%get3A_1109, %get3A_1110] {strides = array<i32>} : memref<80x128xf32, #tpu.memory_space<vmem>>, vector<16xf32>,
          %bitcast3A_1112 = vector.bitcast %get3A_1111 : vector<16xf32> to vector<32xbf16>
          %mul3A_1113 = arith.mulf %bitcast3A_1104, %bitcast3A_1108 : vector<32xbf16>
          %mul3A_1114 = arith.mulf %mul3A_1113, %bitcast3A_1112 : vector<32xbf16>
          %unpack3A_1115 = tpu.unpack_subelements %mul3A_1114, 0 {pack_format = #tpu.pack_format<interleaved>} : vector<32xbf16> -> vector<16xf32>
          %unpack3A_1116 = tpu.unpack_subelements %mul3A_1114, 1 {pack_format = #tpu.pack_format<interleaved>} : vector<32xbf16> -> vector<16xf32>
          %add3A_1117 = arith.addf %unpack3A_1099, %unpack3A_1115 : vector<16xf32>
          %add3A_1118 = arith.addf %unpack3A_1100, %unpack3A_1116 : vector<16xf32>
          %get3A_1119 = arith.index_cast %add3A_1084 : i32 to index
          %get3A_1120 = arith.constant 32 : index
          %get3A_1121 = tpu.vector_load %arg14[%get3A_1119, %get3A_1120] {strides = array<i32>} : memref<80x128xf32, #tpu.memory_space<vmem>>, vector<16xf32>,
          %bitcast3A_1122 = vector.bitcast %get3A_1121 : vector<16xf32> to vector<32xbf16>
          %get3A_1123 = arith.index_cast %squeeze3A_1082 : i32 to index
          %get3A_1124 = arith.constant 32 : index
          %get3A_1125 = tpu.vector_load %arg12[%get3A_1123, %get3A_1124] {strides = array<i32>} : memref<237x64xf32, #tpu.memory_space<vmem>>, vector<16xf32>,
          %bitcast3A_1126 = vector.bitcast %get3A_1125 : vector<16xf32> to vector<32xbf16>
          %get3A_1127 = arith.index_cast %add3A_1084 : i32 to index
          %get3A_1128 = arith.constant 32 : index
          %get3A_1129 = tpu.vector_load %arg16[%get3A_1127, %get3A_1128] {strides = array<i32>} : memref<80x128xf32, #tpu.memory_space<vmem>>, vector<16xf32>,
          %bitcast3A_1130 = vector.bitcast %get3A_1129 : vector<16xf32> to vector<32xbf16>
          %mul3A_1131 = arith.mulf %bitcast3A_1122, %bitcast3A_1126 : vector<32xbf16>
          %mul3A_1132 = arith.mulf %mul3A_1131, %bitcast3A_1130 : vector<32xbf16>
          %unpack3A_1133 = tpu.unpack_subelements %mul3A_1132, 0 {pack_format = #tpu.pack_format<interleaved>} : vector<32xbf16> -> vector<16xf32>
          %unpack3A_1134 = tpu.unpack_subelements %mul3A_1132, 1 {pack_format = #tpu.pack_format<interleaved>} : vector<32xbf16> -> vector<16xf32>
          %add3A_1135 = arith.addf %add3A_1117, %unpack3A_1133 : vector<16xf32>
          %add3A_1136 = arith.addf %add3A_1118, %unpack3A_1134 : vector<16xf32>
          %get3A_1137 = arith.index_cast %add3A_1084 : i32 to index
          %get3A_1138 = arith.constant 48 : index
          %get3A_1139 = tpu.vector_load %arg14[%get3A_1137, %get3A_1138] {strides = array<i32>} : memref<80x128xf32, #tpu.memory_space<vmem>>, vector<16xf32>,
          %bitcast3A_1140 = vector.bitcast %get3A_1139 : vector<16xf32> to vector<32xbf16>
          %get3A_1141 = arith.index_cast %squeeze3A_1082 : i32 to index
          %get3A_1142 = arith.constant 48 : index
          %get3A_1143 = tpu.vector_load %arg12[%get3A_1141, %get3A_1142] {strides = array<i32>} : memref<237x64xf32, #tpu.memory_space<vmem>>, vector<16xf32>,
          %bitcast3A_1144 = vector.bitcast %get3A_1143 : vector<16xf32> to vector<32xbf16>
          %get3A_1145 = arith.index_cast %add3A_1084 : i32 to index
          %get3A_1146 = arith.constant 48 : index
          %get3A_1147 = tpu.vector_load %arg16[%get3A_1145, %get3A_1146] {strides = array<i32>} : memref<80x128xf32, #tpu.memory_space<vmem>>, vector<16xf32>,
          %bitcast3A_1148 = vector.bitcast %get3A_1147 : vector<16xf32> to vector<32xbf16>
          %mul3A_1149 = arith.mulf %bitcast3A_1140, %bitcast3A_1144 : vector<32xbf16>
          %mul3A_1150 = arith.mulf %mul3A_1149, %bitcast3A_1148 : vector<32xbf16>
          %unpack3A_1151 = tpu.unpack_subelements %mul3A_1150, 0 {pack_format = #tpu.pack_format<interleaved>} : vector<32xbf16> -> vector<16xf32>
          %unpack3A_1152 = tpu.unpack_subelements %mul3A_1150, 1 {pack_format = #tpu.pack_format<interleaved>} : vector<32xbf16> -> vector<16xf32>
          %add3A_1153 = arith.addf %add3A_1135, %unpack3A_1151 : vector<16xf32>
          %add3A_1154 = arith.addf %add3A_1136, %unpack3A_1152 : vector<16xf32>
          %eq3A_1155 = arith.constant 11 : i32
          %eq3A_1156 = vector.broadcast %eq3A_1155 : i32 to vector<16xi32>
          %eq3A_1157 = arith.cmpi eq, %iota3A, %eq3A_1156 : vector<16xi32>
          %add3A_1158 = arith.addf %add3A_1153, %add3A_1154 : vector<16xf32>
          %reduce_sum3A_1159 = arith.constant true
          %reduce_sum3A_1160 = vector.broadcast %reduce_sum3A_1159 : i1 to vector<16xi1>
          %reduce_sum3A_1161 = tpu.scan <sum>, %add3A_1158 masked %reduce_sum3A_1160 : vector<16xf32>, vector<16xi1> -> vector<16xf32>
          %reduce_sum3A_1162 = vector.extract %reduce_sum3A_1161[15] : f32 from vector<16xf32>
          %broadcast_in_dim3A_1163 = vector.broadcast %reduce_sum3A_1162 : f32 to vector<16xf32>
          %select_n3A_1164 = arith.select %eq3A_1157, %broadcast_in_dim3A_1163, %select_n3A_1080 : vector<16xi1>, vector<16xf32>
          %slice3A_1165 = vector.extract_strided_slice %get3A_161 {offsets = [12], sizes = [1], strides = [1]} : vector<16xi32> to vector<1xi32>
          %squeeze3A_1166 = vector.extract %slice3A_1165[0] : i32 from vector<1xi32>
          %add3A_1167 = arith.constant 12 : i32
          %add3A_1168 = arith.addi %mul3A_159, %add3A_1167 : i32
          %get3A_1169 = arith.index_cast %add3A_1168 : i32 to index
          %get3A_1170 = arith.constant 0 : index
          %get3A_1171 = tpu.vector_load %arg14[%get3A_1169, %get3A_1170] {strides = array<i32>} : memref<80x128xf32, #tpu.memory_space<vmem>>, vector<16xf32>,
          %bitcast3A_1172 = vector.bitcast %get3A_1171 : vector<16xf32> to vector<32xbf16>
          %get3A_1173 = arith.index_cast %squeeze3A_1166 : i32 to index
          %get3A_1174 = arith.constant 0 : index
          %get3A_1175 = tpu.vector_load %arg12[%get3A_1173, %get3A_1174] {strides = array<i32>} : memref<237x64xf32, #tpu.memory_space<vmem>>, vector<16xf32>,
          %bitcast3A_1176 = vector.bitcast %get3A_1175 : vector<16xf32> to vector<32xbf16>
          %get3A_1177 = arith.index_cast %add3A_1168 : i32 to index
          %get3A_1178 = arith.constant 0 : index
          %get3A_1179 = tpu.vector_load %arg16[%get3A_1177, %get3A_1178] {strides = array<i32>} : memref<80x128xf32, #tpu.memory_space<vmem>>, vector<16xf32>,
          %bitcast3A_1180 = vector.bitcast %get3A_1179 : vector<16xf32> to vector<32xbf16>
          %mul3A_1181 = arith.mulf %bitcast3A_1172, %bitcast3A_1176 : vector<32xbf16>
          %mul3A_1182 = arith.mulf %mul3A_1181, %bitcast3A_1180 : vector<32xbf16>
          %unpack3A_1183 = tpu.unpack_subelements %mul3A_1182, 0 {pack_format = #tpu.pack_format<interleaved>} : vector<32xbf16> -> vector<16xf32>
          %unpack3A_1184 = tpu.unpack_subelements %mul3A_1182, 1 {pack_format = #tpu.pack_format<interleaved>} : vector<32xbf16> -> vector<16xf32>
          %get3A_1185 = arith.index_cast %add3A_1168 : i32 to index
          %get3A_1186 = arith.constant 16 : index
          %get3A_1187 = tpu.vector_load %arg14[%get3A_1185, %get3A_1186] {strides = array<i32>} : memref<80x128xf32, #tpu.memory_space<vmem>>, vector<16xf32>,
          %bitcast3A_1188 = vector.bitcast %get3A_1187 : vector<16xf32> to vector<32xbf16>
          %get3A_1189 = arith.index_cast %squeeze3A_1166 : i32 to index
          %get3A_1190 = arith.constant 16 : index
          %get3A_1191 = tpu.vector_load %arg12[%get3A_1189, %get3A_1190] {strides = array<i32>} : memref<237x64xf32, #tpu.memory_space<vmem>>, vector<16xf32>,
          %bitcast3A_1192 = vector.bitcast %get3A_1191 : vector<16xf32> to vector<32xbf16>
          %get3A_1193 = arith.index_cast %add3A_1168 : i32 to index
          %get3A_1194 = arith.constant 16 : index
          %get3A_1195 = tpu.vector_load %arg16[%get3A_1193, %get3A_1194] {strides = array<i32>} : memref<80x128xf32, #tpu.memory_space<vmem>>, vector<16xf32>,
          %bitcast3A_1196 = vector.bitcast %get3A_1195 : vector<16xf32> to vector<32xbf16>
          %mul3A_1197 = arith.mulf %bitcast3A_1188, %bitcast3A_1192 : vector<32xbf16>
          %mul3A_1198 = arith.mulf %mul3A_1197, %bitcast3A_1196 : vector<32xbf16>
          %unpack3A_1199 = tpu.unpack_subelements %mul3A_1198, 0 {pack_format = #tpu.pack_format<interleaved>} : vector<32xbf16> -> vector<16xf32>
          %unpack3A_1200 = tpu.unpack_subelements %mul3A_1198, 1 {pack_format = #tpu.pack_format<interleaved>} : vector<32xbf16> -> vector<16xf32>
          %add3A_1201 = arith.addf %unpack3A_1183, %unpack3A_1199 : vector<16xf32>
          %add3A_1202 = arith.addf %unpack3A_1184, %unpack3A_1200 : vector<16xf32>
          %get3A_1203 = arith.index_cast %add3A_1168 : i32 to index
          %get3A_1204 = arith.constant 32 : index
          %get3A_1205 = tpu.vector_load %arg14[%get3A_1203, %get3A_1204] {strides = array<i32>} : memref<80x128xf32, #tpu.memory_space<vmem>>, vector<16xf32>,
          %bitcast3A_1206 = vector.bitcast %get3A_1205 : vector<16xf32> to vector<32xbf16>
          %get3A_1207 = arith.index_cast %squeeze3A_1166 : i32 to index
          %get3A_1208 = arith.constant 32 : index
          %get3A_1209 = tpu.vector_load %arg12[%get3A_1207, %get3A_1208] {strides = array<i32>} : memref<237x64xf32, #tpu.memory_space<vmem>>, vector<16xf32>,
          %bitcast3A_1210 = vector.bitcast %get3A_1209 : vector<16xf32> to vector<32xbf16>
          %get3A_1211 = arith.index_cast %add3A_1168 : i32 to index
          %get3A_1212 = arith.constant 32 : index
          %get3A_1213 = tpu.vector_load %arg16[%get3A_1211, %get3A_1212] {strides = array<i32>} : memref<80x128xf32, #tpu.memory_space<vmem>>, vector<16xf32>,
          %bitcast3A_1214 = vector.bitcast %get3A_1213 : vector<16xf32> to vector<32xbf16>
          %mul3A_1215 = arith.mulf %bitcast3A_1206, %bitcast3A_1210 : vector<32xbf16>
          %mul3A_1216 = arith.mulf %mul3A_1215, %bitcast3A_1214 : vector<32xbf16>
          %unpack3A_1217 = tpu.unpack_subelements %mul3A_1216, 0 {pack_format = #tpu.pack_format<interleaved>} : vector<32xbf16> -> vector<16xf32>
          %unpack3A_1218 = tpu.unpack_subelements %mul3A_1216, 1 {pack_format = #tpu.pack_format<interleaved>} : vector<32xbf16> -> vector<16xf32>
          %add3A_1219 = arith.addf %add3A_1201, %unpack3A_1217 : vector<16xf32>
          %add3A_1220 = arith.addf %add3A_1202, %unpack3A_1218 : vector<16xf32>
          %get3A_1221 = arith.index_cast %add3A_1168 : i32 to index
          %get3A_1222 = arith.constant 48 : index
          %get3A_1223 = tpu.vector_load %arg14[%get3A_1221, %get3A_1222] {strides = array<i32>} : memref<80x128xf32, #tpu.memory_space<vmem>>, vector<16xf32>,
          %bitcast3A_1224 = vector.bitcast %get3A_1223 : vector<16xf32> to vector<32xbf16>
          %get3A_1225 = arith.index_cast %squeeze3A_1166 : i32 to index
          %get3A_1226 = arith.constant 48 : index
          %get3A_1227 = tpu.vector_load %arg12[%get3A_1225, %get3A_1226] {strides = array<i32>} : memref<237x64xf32, #tpu.memory_space<vmem>>, vector<16xf32>,
          %bitcast3A_1228 = vector.bitcast %get3A_1227 : vector<16xf32> to vector<32xbf16>
          %get3A_1229 = arith.index_cast %add3A_1168 : i32 to index
          %get3A_1230 = arith.constant 48 : index
          %get3A_1231 = tpu.vector_load %arg16[%get3A_1229, %get3A_1230] {strides = array<i32>} : memref<80x128xf32, #tpu.memory_space<vmem>>, vector<16xf32>,
          %bitcast3A_1232 = vector.bitcast %get3A_1231 : vector<16xf32> to vector<32xbf16>
          %mul3A_1233 = arith.mulf %bitcast3A_1224, %bitcast3A_1228 : vector<32xbf16>
          %mul3A_1234 = arith.mulf %mul3A_1233, %bitcast3A_1232 : vector<32xbf16>
          %unpack3A_1235 = tpu.unpack_subelements %mul3A_1234, 0 {pack_format = #tpu.pack_format<interleaved>} : vector<32xbf16> -> vector<16xf32>
          %unpack3A_1236 = tpu.unpack_subelements %mul3A_1234, 1 {pack_format = #tpu.pack_format<interleaved>} : vector<32xbf16> -> vector<16xf32>
          %add3A_1237 = arith.addf %add3A_1219, %unpack3A_1235 : vector<16xf32>
          %add3A_1238 = arith.addf %add3A_1220, %unpack3A_1236 : vector<16xf32>
          %eq3A_1239 = arith.constant 12 : i32
          %eq3A_1240 = vector.broadcast %eq3A_1239 : i32 to vector<16xi32>
          %eq3A_1241 = arith.cmpi eq, %iota3A, %eq3A_1240 : vector<16xi32>
          %add3A_1242 = arith.addf %add3A_1237, %add3A_1238 : vector<16xf32>
          %reduce_sum3A_1243 = arith.constant true
          %reduce_sum3A_1244 = vector.broadcast %reduce_sum3A_1243 : i1 to vector<16xi1>
          %reduce_sum3A_1245 = tpu.scan <sum>, %add3A_1242 masked %reduce_sum3A_1244 : vector<16xf32>, vector<16xi1> -> vector<16xf32>
          %reduce_sum3A_1246 = vector.extract %reduce_sum3A_1245[15] : f32 from vector<16xf32>
          %broadcast_in_dim3A_1247 = vector.broadcast %reduce_sum3A_1246 : f32 to vector<16xf32>
          %select_n3A_1248 = arith.select %eq3A_1241, %broadcast_in_dim3A_1247, %select_n3A_1164 : vector<16xi1>, vector<16xf32>
          %slice3A_1249 = vector.extract_strided_slice %get3A_161 {offsets = [13], sizes = [1], strides = [1]} : vector<16xi32> to vector<1xi32>
          %squeeze3A_1250 = vector.extract %slice3A_1249[0] : i32 from vector<1xi32>
          %add3A_1251 = arith.constant 13 : i32
          %add3A_1252 = arith.addi %mul3A_159, %add3A_1251 : i32
          %get3A_1253 = arith.index_cast %add3A_1252 : i32 to index
          %get3A_1254 = arith.constant 0 : index
          %get3A_1255 = tpu.vector_load %arg14[%get3A_1253, %get3A_1254] {strides = array<i32>} : memref<80x128xf32, #tpu.memory_space<vmem>>, vector<16xf32>,
          %bitcast3A_1256 = vector.bitcast %get3A_1255 : vector<16xf32> to vector<32xbf16>
          %get3A_1257 = arith.index_cast %squeeze3A_1250 : i32 to index
          %get3A_1258 = arith.constant 0 : index
          %get3A_1259 = tpu.vector_load %arg12[%get3A_1257, %get3A_1258] {strides = array<i32>} : memref<237x64xf32, #tpu.memory_space<vmem>>, vector<16xf32>,
          %bitcast3A_1260 = vector.bitcast %get3A_1259 : vector<16xf32> to vector<32xbf16>
          %get3A_1261 = arith.index_cast %add3A_1252 : i32 to index
          %get3A_1262 = arith.constant 0 : index
          %get3A_1263 = tpu.vector_load %arg16[%get3A_1261, %get3A_1262] {strides = array<i32>} : memref<80x128xf32, #tpu.memory_space<vmem>>, vector<16xf32>,
          %bitcast3A_1264 = vector.bitcast %get3A_1263 : vector<16xf32> to vector<32xbf16>
          %mul3A_1265 = arith.mulf %bitcast3A_1256, %bitcast3A_1260 : vector<32xbf16>
          %mul3A_1266 = arith.mulf %mul3A_1265, %bitcast3A_1264 : vector<32xbf16>
          %unpack3A_1267 = tpu.unpack_subelements %mul3A_1266, 0 {pack_format = #tpu.pack_format<interleaved>} : vector<32xbf16> -> vector<16xf32>
          %unpack3A_1268 = tpu.unpack_subelements %mul3A_1266, 1 {pack_format = #tpu.pack_format<interleaved>} : vector<32xbf16> -> vector<16xf32>
          %get3A_1269 = arith.index_cast %add3A_1252 : i32 to index
          %get3A_1270 = arith.constant 16 : index
          %get3A_1271 = tpu.vector_load %arg14[%get3A_1269, %get3A_1270] {strides = array<i32>} : memref<80x128xf32, #tpu.memory_space<vmem>>, vector<16xf32>,
          %bitcast3A_1272 = vector.bitcast %get3A_1271 : vector<16xf32> to vector<32xbf16>
          %get3A_1273 = arith.index_cast %squeeze3A_1250 : i32 to index
          %get3A_1274 = arith.constant 16 : index
          %get3A_1275 = tpu.vector_load %arg12[%get3A_1273, %get3A_1274] {strides = array<i32>} : memref<237x64xf32, #tpu.memory_space<vmem>>, vector<16xf32>,
          %bitcast3A_1276 = vector.bitcast %get3A_1275 : vector<16xf32> to vector<32xbf16>
          %get3A_1277 = arith.index_cast %add3A_1252 : i32 to index
          %get3A_1278 = arith.constant 16 : index
          %get3A_1279 = tpu.vector_load %arg16[%get3A_1277, %get3A_1278] {strides = array<i32>} : memref<80x128xf32, #tpu.memory_space<vmem>>, vector<16xf32>,
          %bitcast3A_1280 = vector.bitcast %get3A_1279 : vector<16xf32> to vector<32xbf16>
          %mul3A_1281 = arith.mulf %bitcast3A_1272, %bitcast3A_1276 : vector<32xbf16>
          %mul3A_1282 = arith.mulf %mul3A_1281, %bitcast3A_1280 : vector<32xbf16>
          %unpack3A_1283 = tpu.unpack_subelements %mul3A_1282, 0 {pack_format = #tpu.pack_format<interleaved>} : vector<32xbf16> -> vector<16xf32>
          %unpack3A_1284 = tpu.unpack_subelements %mul3A_1282, 1 {pack_format = #tpu.pack_format<interleaved>} : vector<32xbf16> -> vector<16xf32>
          %add3A_1285 = arith.addf %unpack3A_1267, %unpack3A_1283 : vector<16xf32>
          %add3A_1286 = arith.addf %unpack3A_1268, %unpack3A_1284 : vector<16xf32>
          %get3A_1287 = arith.index_cast %add3A_1252 : i32 to index
          %get3A_1288 = arith.constant 32 : index
          %get3A_1289 = tpu.vector_load %arg14[%get3A_1287, %get3A_1288] {strides = array<i32>} : memref<80x128xf32, #tpu.memory_space<vmem>>, vector<16xf32>,
          %bitcast3A_1290 = vector.bitcast %get3A_1289 : vector<16xf32> to vector<32xbf16>
          %get3A_1291 = arith.index_cast %squeeze3A_1250 : i32 to index
          %get3A_1292 = arith.constant 32 : index
          %get3A_1293 = tpu.vector_load %arg12[%get3A_1291, %get3A_1292] {strides = array<i32>} : memref<237x64xf32, #tpu.memory_space<vmem>>, vector<16xf32>,
          %bitcast3A_1294 = vector.bitcast %get3A_1293 : vector<16xf32> to vector<32xbf16>
          %get3A_1295 = arith.index_cast %add3A_1252 : i32 to index
          %get3A_1296 = arith.constant 32 : index
          %get3A_1297 = tpu.vector_load %arg16[%get3A_1295, %get3A_1296] {strides = array<i32>} : memref<80x128xf32, #tpu.memory_space<vmem>>, vector<16xf32>,
          %bitcast3A_1298 = vector.bitcast %get3A_1297 : vector<16xf32> to vector<32xbf16>
          %mul3A_1299 = arith.mulf %bitcast3A_1290, %bitcast3A_1294 : vector<32xbf16>
          %mul3A_1300 = arith.mulf %mul3A_1299, %bitcast3A_1298 : vector<32xbf16>
          %unpack3A_1301 = tpu.unpack_subelements %mul3A_1300, 0 {pack_format = #tpu.pack_format<interleaved>} : vector<32xbf16> -> vector<16xf32>
          %unpack3A_1302 = tpu.unpack_subelements %mul3A_1300, 1 {pack_format = #tpu.pack_format<interleaved>} : vector<32xbf16> -> vector<16xf32>
          %add3A_1303 = arith.addf %add3A_1285, %unpack3A_1301 : vector<16xf32>
          %add3A_1304 = arith.addf %add3A_1286, %unpack3A_1302 : vector<16xf32>
          %get3A_1305 = arith.index_cast %add3A_1252 : i32 to index
          %get3A_1306 = arith.constant 48 : index
          %get3A_1307 = tpu.vector_load %arg14[%get3A_1305, %get3A_1306] {strides = array<i32>} : memref<80x128xf32, #tpu.memory_space<vmem>>, vector<16xf32>,
          %bitcast3A_1308 = vector.bitcast %get3A_1307 : vector<16xf32> to vector<32xbf16>
          %get3A_1309 = arith.index_cast %squeeze3A_1250 : i32 to index
          %get3A_1310 = arith.constant 48 : index
          %get3A_1311 = tpu.vector_load %arg12[%get3A_1309, %get3A_1310] {strides = array<i32>} : memref<237x64xf32, #tpu.memory_space<vmem>>, vector<16xf32>,
          %bitcast3A_1312 = vector.bitcast %get3A_1311 : vector<16xf32> to vector<32xbf16>
          %get3A_1313 = arith.index_cast %add3A_1252 : i32 to index
          %get3A_1314 = arith.constant 48 : index
          %get3A_1315 = tpu.vector_load %arg16[%get3A_1313, %get3A_1314] {strides = array<i32>} : memref<80x128xf32, #tpu.memory_space<vmem>>, vector<16xf32>,
          %bitcast3A_1316 = vector.bitcast %get3A_1315 : vector<16xf32> to vector<32xbf16>
          %mul3A_1317 = arith.mulf %bitcast3A_1308, %bitcast3A_1312 : vector<32xbf16>
          %mul3A_1318 = arith.mulf %mul3A_1317, %bitcast3A_1316 : vector<32xbf16>
          %unpack3A_1319 = tpu.unpack_subelements %mul3A_1318, 0 {pack_format = #tpu.pack_format<interleaved>} : vector<32xbf16> -> vector<16xf32>
          %unpack3A_1320 = tpu.unpack_subelements %mul3A_1318, 1 {pack_format = #tpu.pack_format<interleaved>} : vector<32xbf16> -> vector<16xf32>
          %add3A_1321 = arith.addf %add3A_1303, %unpack3A_1319 : vector<16xf32>
          %add3A_1322 = arith.addf %add3A_1304, %unpack3A_1320 : vector<16xf32>
          %eq3A_1323 = arith.constant 13 : i32
          %eq3A_1324 = vector.broadcast %eq3A_1323 : i32 to vector<16xi32>
          %eq3A_1325 = arith.cmpi eq, %iota3A, %eq3A_1324 : vector<16xi32>
          %add3A_1326 = arith.addf %add3A_1321, %add3A_1322 : vector<16xf32>
          %reduce_sum3A_1327 = arith.constant true
          %reduce_sum3A_1328 = vector.broadcast %reduce_sum3A_1327 : i1 to vector<16xi1>
          %reduce_sum3A_1329 = tpu.scan <sum>, %add3A_1326 masked %reduce_sum3A_1328 : vector<16xf32>, vector<16xi1> -> vector<16xf32>
          %reduce_sum3A_1330 = vector.extract %reduce_sum3A_1329[15] : f32 from vector<16xf32>
          %broadcast_in_dim3A_1331 = vector.broadcast %reduce_sum3A_1330 : f32 to vector<16xf32>
          %select_n3A_1332 = arith.select %eq3A_1325, %broadcast_in_dim3A_1331, %select_n3A_1248 : vector<16xi1>, vector<16xf32>
          %slice3A_1333 = vector.extract_strided_slice %get3A_161 {offsets = [14], sizes = [1], strides = [1]} : vector<16xi32> to vector<1xi32>
          %squeeze3A_1334 = vector.extract %slice3A_1333[0] : i32 from vector<1xi32>
          %add3A_1335 = arith.constant 14 : i32
          %add3A_1336 = arith.addi %mul3A_159, %add3A_1335 : i32
          %get3A_1337 = arith.index_cast %add3A_1336 : i32 to index
          %get3A_1338 = arith.constant 0 : index
          %get3A_1339 = tpu.vector_load %arg14[%get3A_1337, %get3A_1338] {strides = array<i32>} : memref<80x128xf32, #tpu.memory_space<vmem>>, vector<16xf32>,
          %bitcast3A_1340 = vector.bitcast %get3A_1339 : vector<16xf32> to vector<32xbf16>
          %get3A_1341 = arith.index_cast %squeeze3A_1334 : i32 to index
          %get3A_1342 = arith.constant 0 : index
          %get3A_1343 = tpu.vector_load %arg12[%get3A_1341, %get3A_1342] {strides = array<i32>} : memref<237x64xf32, #tpu.memory_space<vmem>>, vector<16xf32>,
          %bitcast3A_1344 = vector.bitcast %get3A_1343 : vector<16xf32> to vector<32xbf16>
          %get3A_1345 = arith.index_cast %add3A_1336 : i32 to index
          %get3A_1346 = arith.constant 0 : index
          %get3A_1347 = tpu.vector_load %arg16[%get3A_1345, %get3A_1346] {strides = array<i32>} : memref<80x128xf32, #tpu.memory_space<vmem>>, vector<16xf32>,
          %bitcast3A_1348 = vector.bitcast %get3A_1347 : vector<16xf32> to vector<32xbf16>
          %mul3A_1349 = arith.mulf %bitcast3A_1340, %bitcast3A_1344 : vector<32xbf16>
          %mul3A_1350 = arith.mulf %mul3A_1349, %bitcast3A_1348 : vector<32xbf16>
          %unpack3A_1351 = tpu.unpack_subelements %mul3A_1350, 0 {pack_format = #tpu.pack_format<interleaved>} : vector<32xbf16> -> vector<16xf32>
          %unpack3A_1352 = tpu.unpack_subelements %mul3A_1350, 1 {pack_format = #tpu.pack_format<interleaved>} : vector<32xbf16> -> vector<16xf32>
          %get3A_1353 = arith.index_cast %add3A_1336 : i32 to index
          %get3A_1354 = arith.constant 16 : index
          %get3A_1355 = tpu.vector_load %arg14[%get3A_1353, %get3A_1354] {strides = array<i32>} : memref<80x128xf32, #tpu.memory_space<vmem>>, vector<16xf32>,
          %bitcast3A_1356 = vector.bitcast %get3A_1355 : vector<16xf32> to vector<32xbf16>
          %get3A_1357 = arith.index_cast %squeeze3A_1334 : i32 to index
          %get3A_1358 = arith.constant 16 : index
          %get3A_1359 = tpu.vector_load %arg12[%get3A_1357, %get3A_1358] {strides = array<i32>} : memref<237x64xf32, #tpu.memory_space<vmem>>, vector<16xf32>,
          %bitcast3A_1360 = vector.bitcast %get3A_1359 : vector<16xf32> to vector<32xbf16>
          %get3A_1361 = arith.index_cast %add3A_1336 : i32 to index
          %get3A_1362 = arith.constant 16 : index
          %get3A_1363 = tpu.vector_load %arg16[%get3A_1361, %get3A_1362] {strides = array<i32>} : memref<80x128xf32, #tpu.memory_space<vmem>>, vector<16xf32>,
          %bitcast3A_1364 = vector.bitcast %get3A_1363 : vector<16xf32> to vector<32xbf16>
          %mul3A_1365 = arith.mulf %bitcast3A_1356, %bitcast3A_1360 : vector<32xbf16>
          %mul3A_1366 = arith.mulf %mul3A_1365, %bitcast3A_1364 : vector<32xbf16>
          %unpack3A_1367 = tpu.unpack_subelements %mul3A_1366, 0 {pack_format = #tpu.pack_format<interleaved>} : vector<32xbf16> -> vector<16xf32>
          %unpack3A_1368 = tpu.unpack_subelements %mul3A_1366, 1 {pack_format = #tpu.pack_format<interleaved>} : vector<32xbf16> -> vector<16xf32>
          %add3A_1369 = arith.addf %unpack3A_1351, %unpack3A_1367 : vector<16xf32>
          %add3A_1370 = arith.addf %unpack3A_1352, %unpack3A_1368 : vector<16xf32>
          %get3A_1371 = arith.index_cast %add3A_1336 : i32 to index
          %get3A_1372 = arith.constant 32 : index
          %get3A_1373 = tpu.vector_load %arg14[%get3A_1371, %get3A_1372] {strides = array<i32>} : memref<80x128xf32, #tpu.memory_space<vmem>>, vector<16xf32>,
          %bitcast3A_1374 = vector.bitcast %get3A_1373 : vector<16xf32> to vector<32xbf16>
          %get3A_1375 = arith.index_cast %squeeze3A_1334 : i32 to index
          %get3A_1376 = arith.constant 32 : index
          %get3A_1377 = tpu.vector_load %arg12[%get3A_1375, %get3A_1376] {strides = array<i32>} : memref<237x64xf32, #tpu.memory_space<vmem>>, vector<16xf32>,
          %bitcast3A_1378 = vector.bitcast %get3A_1377 : vector<16xf32> to vector<32xbf16>
          %get3A_1379 = arith.index_cast %add3A_1336 : i32 to index
          %get3A_1380 = arith.constant 32 : index
          %get3A_1381 = tpu.vector_load %arg16[%get3A_1379, %get3A_1380] {strides = array<i32>} : memref<80x128xf32, #tpu.memory_space<vmem>>, vector<16xf32>,
          %bitcast3A_1382 = vector.bitcast %get3A_1381 : vector<16xf32> to vector<32xbf16>
          %mul3A_1383 = arith.mulf %bitcast3A_1374, %bitcast3A_1378 : vector<32xbf16>
          %mul3A_1384 = arith.mulf %mul3A_1383, %bitcast3A_1382 : vector<32xbf16>
          %unpack3A_1385 = tpu.unpack_subelements %mul3A_1384, 0 {pack_format = #tpu.pack_format<interleaved>} : vector<32xbf16> -> vector<16xf32>
          %unpack3A_1386 = tpu.unpack_subelements %mul3A_1384, 1 {pack_format = #tpu.pack_format<interleaved>} : vector<32xbf16> -> vector<16xf32>
          %add3A_1387 = arith.addf %add3A_1369, %unpack3A_1385 : vector<16xf32>
          %add3A_1388 = arith.addf %add3A_1370, %unpack3A_1386 : vector<16xf32>
          %get3A_1389 = arith.index_cast %add3A_1336 : i32 to index
          %get3A_1390 = arith.constant 48 : index
          %get3A_1391 = tpu.vector_load %arg14[%get3A_1389, %get3A_1390] {strides = array<i32>} : memref<80x128xf32, #tpu.memory_space<vmem>>, vector<16xf32>,
          %bitcast3A_1392 = vector.bitcast %get3A_1391 : vector<16xf32> to vector<32xbf16>
          %get3A_1393 = arith.index_cast %squeeze3A_1334 : i32 to index
          %get3A_1394 = arith.constant 48 : index
          %get3A_1395 = tpu.vector_load %arg12[%get3A_1393, %get3A_1394] {strides = array<i32>} : memref<237x64xf32, #tpu.memory_space<vmem>>, vector<16xf32>,
          %bitcast3A_1396 = vector.bitcast %get3A_1395 : vector<16xf32> to vector<32xbf16>
          %get3A_1397 = arith.index_cast %add3A_1336 : i32 to index
          %get3A_1398 = arith.constant 48 : index
          %get3A_1399 = tpu.vector_load %arg16[%get3A_1397, %get3A_1398] {strides = array<i32>} : memref<80x128xf32, #tpu.memory_space<vmem>>, vector<16xf32>,
          %bitcast3A_1400 = vector.bitcast %get3A_1399 : vector<16xf32> to vector<32xbf16>
          %mul3A_1401 = arith.mulf %bitcast3A_1392, %bitcast3A_1396 : vector<32xbf16>
          %mul3A_1402 = arith.mulf %mul3A_1401, %bitcast3A_1400 : vector<32xbf16>
          %unpack3A_1403 = tpu.unpack_subelements %mul3A_1402, 0 {pack_format = #tpu.pack_format<interleaved>} : vector<32xbf16> -> vector<16xf32>
          %unpack3A_1404 = tpu.unpack_subelements %mul3A_1402, 1 {pack_format = #tpu.pack_format<interleaved>} : vector<32xbf16> -> vector<16xf32>
          %add3A_1405 = arith.addf %add3A_1387, %unpack3A_1403 : vector<16xf32>
          %add3A_1406 = arith.addf %add3A_1388, %unpack3A_1404 : vector<16xf32>
          %eq3A_1407 = arith.constant 14 : i32
          %eq3A_1408 = vector.broadcast %eq3A_1407 : i32 to vector<16xi32>
          %eq3A_1409 = arith.cmpi eq, %iota3A, %eq3A_1408 : vector<16xi32>
          %add3A_1410 = arith.addf %add3A_1405, %add3A_1406 : vector<16xf32>
          %reduce_sum3A_1411 = arith.constant true
          %reduce_sum3A_1412 = vector.broadcast %reduce_sum3A_1411 : i1 to vector<16xi1>
          %reduce_sum3A_1413 = tpu.scan <sum>, %add3A_1410 masked %reduce_sum3A_1412 : vector<16xf32>, vector<16xi1> -> vector<16xf32>
          %reduce_sum3A_1414 = vector.extract %reduce_sum3A_1413[15] : f32 from vector<16xf32>
          %broadcast_in_dim3A_1415 = vector.broadcast %reduce_sum3A_1414 : f32 to vector<16xf32>
          %select_n3A_1416 = arith.select %eq3A_1409, %broadcast_in_dim3A_1415, %select_n3A_1332 : vector<16xi1>, vector<16xf32>
          %slice3A_1417 = vector.extract_strided_slice %get3A_161 {offsets = [15], sizes = [1], strides = [1]} : vector<16xi32> to vector<1xi32>
          %squeeze3A_1418 = vector.extract %slice3A_1417[0] : i32 from vector<1xi32>
          %add3A_1419 = arith.constant 15 : i32
          %add3A_1420 = arith.addi %mul3A_159, %add3A_1419 : i32
          %get3A_1421 = arith.index_cast %add3A_1420 : i32 to index
          %get3A_1422 = arith.constant 0 : index
          %get3A_1423 = tpu.vector_load %arg14[%get3A_1421, %get3A_1422] {strides = array<i32>} : memref<80x128xf32, #tpu.memory_space<vmem>>, vector<16xf32>,
          %bitcast3A_1424 = vector.bitcast %get3A_1423 : vector<16xf32> to vector<32xbf16>
          %get3A_1425 = arith.index_cast %squeeze3A_1418 : i32 to index
          %get3A_1426 = arith.constant 0 : index
          %get3A_1427 = tpu.vector_load %arg12[%get3A_1425, %get3A_1426] {strides = array<i32>} : memref<237x64xf32, #tpu.memory_space<vmem>>, vector<16xf32>,
          %bitcast3A_1428 = vector.bitcast %get3A_1427 : vector<16xf32> to vector<32xbf16>
          %get3A_1429 = arith.index_cast %add3A_1420 : i32 to index
          %get3A_1430 = arith.constant 0 : index
          %get3A_1431 = tpu.vector_load %arg16[%get3A_1429, %get3A_1430] {strides = array<i32>} : memref<80x128xf32, #tpu.memory_space<vmem>>, vector<16xf32>,
          %bitcast3A_1432 = vector.bitcast %get3A_1431 : vector<16xf32> to vector<32xbf16>
          %mul3A_1433 = arith.mulf %bitcast3A_1424, %bitcast3A_1428 : vector<32xbf16>
          %mul3A_1434 = arith.mulf %mul3A_1433, %bitcast3A_1432 : vector<32xbf16>
          %unpack3A_1435 = tpu.unpack_subelements %mul3A_1434, 0 {pack_format = #tpu.pack_format<interleaved>} : vector<32xbf16> -> vector<16xf32>
          %unpack3A_1436 = tpu.unpack_subelements %mul3A_1434, 1 {pack_format = #tpu.pack_format<interleaved>} : vector<32xbf16> -> vector<16xf32>
          %get3A_1437 = arith.index_cast %add3A_1420 : i32 to index
          %get3A_1438 = arith.constant 16 : index
          %get3A_1439 = tpu.vector_load %arg14[%get3A_1437, %get3A_1438] {strides = array<i32>} : memref<80x128xf32, #tpu.memory_space<vmem>>, vector<16xf32>,
          %bitcast3A_1440 = vector.bitcast %get3A_1439 : vector<16xf32> to vector<32xbf16>
          %get3A_1441 = arith.index_cast %squeeze3A_1418 : i32 to index
          %get3A_1442 = arith.constant 16 : index
          %get3A_1443 = tpu.vector_load %arg12[%get3A_1441, %get3A_1442] {strides = array<i32>} : memref<237x64xf32, #tpu.memory_space<vmem>>, vector<16xf32>,
          %bitcast3A_1444 = vector.bitcast %get3A_1443 : vector<16xf32> to vector<32xbf16>
          %get3A_1445 = arith.index_cast %add3A_1420 : i32 to index
          %get3A_1446 = arith.constant 16 : index
          %get3A_1447 = tpu.vector_load %arg16[%get3A_1445, %get3A_1446] {strides = array<i32>} : memref<80x128xf32, #tpu.memory_space<vmem>>, vector<16xf32>,
          %bitcast3A_1448 = vector.bitcast %get3A_1447 : vector<16xf32> to vector<32xbf16>
          %mul3A_1449 = arith.mulf %bitcast3A_1440, %bitcast3A_1444 : vector<32xbf16>
          %mul3A_1450 = arith.mulf %mul3A_1449, %bitcast3A_1448 : vector<32xbf16>
          %unpack3A_1451 = tpu.unpack_subelements %mul3A_1450, 0 {pack_format = #tpu.pack_format<interleaved>} : vector<32xbf16> -> vector<16xf32>
          %unpack3A_1452 = tpu.unpack_subelements %mul3A_1450, 1 {pack_format = #tpu.pack_format<interleaved>} : vector<32xbf16> -> vector<16xf32>
          %add3A_1453 = arith.addf %unpack3A_1435, %unpack3A_1451 : vector<16xf32>
          %add3A_1454 = arith.addf %unpack3A_1436, %unpack3A_1452 : vector<16xf32>
          %get3A_1455 = arith.index_cast %add3A_1420 : i32 to index
          %get3A_1456 = arith.constant 32 : index
          %get3A_1457 = tpu.vector_load %arg14[%get3A_1455, %get3A_1456] {strides = array<i32>} : memref<80x128xf32, #tpu.memory_space<vmem>>, vector<16xf32>,
          %bitcast3A_1458 = vector.bitcast %get3A_1457 : vector<16xf32> to vector<32xbf16>
          %get3A_1459 = arith.index_cast %squeeze3A_1418 : i32 to index
          %get3A_1460 = arith.constant 32 : index
          %get3A_1461 = tpu.vector_load %arg12[%get3A_1459, %get3A_1460] {strides = array<i32>} : memref<237x64xf32, #tpu.memory_space<vmem>>, vector<16xf32>,
          %bitcast3A_1462 = vector.bitcast %get3A_1461 : vector<16xf32> to vector<32xbf16>
          %get3A_1463 = arith.index_cast %add3A_1420 : i32 to index
          %get3A_1464 = arith.constant 32 : index
          %get3A_1465 = tpu.vector_load %arg16[%get3A_1463, %get3A_1464] {strides = array<i32>} : memref<80x128xf32, #tpu.memory_space<vmem>>, vector<16xf32>,
          %bitcast3A_1466 = vector.bitcast %get3A_1465 : vector<16xf32> to vector<32xbf16>
          %mul3A_1467 = arith.mulf %bitcast3A_1458, %bitcast3A_1462 : vector<32xbf16>
          %mul3A_1468 = arith.mulf %mul3A_1467, %bitcast3A_1466 : vector<32xbf16>
          %unpack3A_1469 = tpu.unpack_subelements %mul3A_1468, 0 {pack_format = #tpu.pack_format<interleaved>} : vector<32xbf16> -> vector<16xf32>
          %unpack3A_1470 = tpu.unpack_subelements %mul3A_1468, 1 {pack_format = #tpu.pack_format<interleaved>} : vector<32xbf16> -> vector<16xf32>
          %add3A_1471 = arith.addf %add3A_1453, %unpack3A_1469 : vector<16xf32>
          %add3A_1472 = arith.addf %add3A_1454, %unpack3A_1470 : vector<16xf32>
          %get3A_1473 = arith.index_cast %add3A_1420 : i32 to index
          %get3A_1474 = arith.constant 48 : index
          %get3A_1475 = tpu.vector_load %arg14[%get3A_1473, %get3A_1474] {strides = array<i32>} : memref<80x128xf32, #tpu.memory_space<vmem>>, vector<16xf32>,
          %bitcast3A_1476 = vector.bitcast %get3A_1475 : vector<16xf32> to vector<32xbf16>
          %get3A_1477 = arith.index_cast %squeeze3A_1418 : i32 to index
          %get3A_1478 = arith.constant 48 : index
          %get3A_1479 = tpu.vector_load %arg12[%get3A_1477, %get3A_1478] {strides = array<i32>} : memref<237x64xf32, #tpu.memory_space<vmem>>, vector<16xf32>,
          %bitcast3A_1480 = vector.bitcast %get3A_1479 : vector<16xf32> to vector<32xbf16>
          %get3A_1481 = arith.index_cast %add3A_1420 : i32 to index
          %get3A_1482 = arith.constant 48 : index
          %get3A_1483 = tpu.vector_load %arg16[%get3A_1481, %get3A_1482] {strides = array<i32>} : memref<80x128xf32, #tpu.memory_space<vmem>>, vector<16xf32>,
          %bitcast3A_1484 = vector.bitcast %get3A_1483 : vector<16xf32> to vector<32xbf16>
          %mul3A_1485 = arith.mulf %bitcast3A_1476, %bitcast3A_1480 : vector<32xbf16>
          %mul3A_1486 = arith.mulf %mul3A_1485, %bitcast3A_1484 : vector<32xbf16>
          %unpack3A_1487 = tpu.unpack_subelements %mul3A_1486, 0 {pack_format = #tpu.pack_format<interleaved>} : vector<32xbf16> -> vector<16xf32>
          %unpack3A_1488 = tpu.unpack_subelements %mul3A_1486, 1 {pack_format = #tpu.pack_format<interleaved>} : vector<32xbf16> -> vector<16xf32>
          %add3A_1489 = arith.addf %add3A_1471, %unpack3A_1487 : vector<16xf32>
          %add3A_1490 = arith.addf %add3A_1472, %unpack3A_1488 : vector<16xf32>
          %eq3A_1491 = arith.constant 15 : i32
          %eq3A_1492 = vector.broadcast %eq3A_1491 : i32 to vector<16xi32>
          %eq3A_1493 = arith.cmpi eq, %iota3A, %eq3A_1492 : vector<16xi32>
          %add3A_1494 = arith.addf %add3A_1489, %add3A_1490 : vector<16xf32>
          %reduce_sum3A_1495 = arith.constant true
          %reduce_sum3A_1496 = vector.broadcast %reduce_sum3A_1495 : i1 to vector<16xi1>
          %reduce_sum3A_1497 = tpu.scan <sum>, %add3A_1494 masked %reduce_sum3A_1496 : vector<16xf32>, vector<16xi1> -> vector<16xf32>
          %reduce_sum3A_1498 = vector.extract %reduce_sum3A_1497[15] : f32 from vector<16xf32>
          %broadcast_in_dim3A_1499 = vector.broadcast %reduce_sum3A_1498 : f32 to vector<16xf32>
          %select_n3A_1500 = arith.select %eq3A_1493, %broadcast_in_dim3A_1499, %select_n3A_1416 : vector<16xi1>, vector<16xf32>
          %swap3A = arith.index_cast %mul3A_159 : i32 to index
          %swap3A_1501 = tpu.vector_load %arg18[%swap3A] {strides = array<i32>} : memref<80xf32, #tpu.memory_space<vmem>>, vector<16xf32>,
          tpu.vector_store %arg18[%swap3A], %select_n3A_1500 {strides = array<i32>} : memref<80xf32, #tpu.memory_space<vmem>>, vector<16xf32>,
        }
        %scan3A_151 = arith.constant 5 : i32
        %mul3A_152 = arith.constant 80 : i32
        %mul3A_153 = arith.muli %scan3A_102, %mul3A_152 : i32
        %add3A_154 = arith.addi %mul3A_2, %mul3A_153 : i32
        %dma_start3A_155 = tpu.memref_slice %arg7[%add3A_154] : memref<320000xf32, #tpu.memory_space<hbm>> -> memref<80xf32, #tpu.memory_space<hbm>>
        %dma_start3A_156 = tpu.memref_slice %arg7[%add3A_154] : memref<320000xf32, #tpu.memory_space<hbm>> -> memref<80xf32, #tpu.memory_space<hbm>>
        tpu.enqueue_dma source(%arg18 : memref<80xf32, #tpu.memory_space<vmem>>) target(%dma_start3A_156 : memref<80xf32, #tpu.memory_space<hbm>>) target_semaphore(%arg24 : memref<!tpu.dma_semaphore, #tpu.memory_space<semaphore_mem>>)
      } else {
      }
    }
    %scan3A_94 = arith.constant 125 : i32
    %add3A_95 = arith.constant 9840 : i32
    %add3A_96 = arith.addi %mul3A_2, %add3A_95 : i32
    %dma_wait3A = tpu.memref_slice %arg7[%add3A_96] : memref<320000xf32, #tpu.memory_space<hbm>> -> memref<80xf32, #tpu.memory_space<hbm>>
    %dma_wait3A_97 = tpu.memref_slice %arg7[%add3A_96] : memref<320000xf32, #tpu.memory_space<hbm>> -> memref<80xf32, #tpu.memory_space<hbm>>
    tpu.wait_dma2 semaphore(%arg24 : memref<!tpu.dma_semaphore, #tpu.memory_space<semaphore_mem>>) src(%arg18 : memref<80xf32, #tpu.memory_space<vmem>>) dst(%dma_wait3A_97 : memref<80xf32, #tpu.memory_space<hbm>>)
    %add3A_98 = arith.constant 9920 : i32
    %add3A_99 = arith.addi %mul3A_2, %add3A_98 : i32
    %dma_wait3A_100 = tpu.memref_slice %arg7[%add3A_99] : memref<320000xf32, #tpu.memory_space<hbm>> -> memref<80xf32, #tpu.memory_space<hbm>>
    %dma_wait3A_101 = tpu.memref_slice %arg7[%add3A_99] : memref<320000xf32, #tpu.memory_space<hbm>> -> memref<80xf32, #tpu.memory_space<hbm>>
    tpu.wait_dma2 semaphore(%arg23 : memref<!tpu.dma_semaphore, #tpu.memory_space<semaphore_mem>>) src(%arg17 : memref<80xf32, #tpu.memory_space<vmem>>) dst(%dma_wait3A_101 : memref<80xf32, #tpu.memory_space<hbm>>)
    return
  }
}

</mosaic_0001>

<sc_bundles>
// kernel: kernel.3.cloned.1.call-start
scs
__scs_entry_jumppad:
0x0: {  	(pc) =	sbr.rel $0x88, $3  }
0x1: {  	(tag) =	ssettag $0x0;
	lr =	simm.s32 $0x1  }
0x2: {  	[smem:$0x3F9E] =	sst lr;
	_ =	strace $0xD0000000  }
0x3: {  	_ = 	snop  }
0x4: {  	_ = 	snop  }
0x5: {  	_ = 	snop  }
0x6: {  	_ = 	snop  }
0x7: {  	_ = 	snop  }
__scs_overlays_trampoline_lowered:
0x8: {  	[smem:$0x3FAD] =	sst s0  }
0x9: {  	[smem:$0x3FAE] =	sst s1  }
0xa: {  	[smem:$0x3FAF] =	sst s2  }
0xb: {  	[smem:$0x3FB0] =	sst s3  }
0xc: {  	[smem:$0x3FB1] =	sst s4  }
0xd: {  	[smem:$0x3FB2] =	sst s5  }
0xe: {  	[smem:$0x3FB3] =	sst s6  }
0xf: {  	[smem:$0x3FB4] =	sst s7  }
0x10: {  	[smem:$0x3FB5] =	sst s8  }
0x11: {  	[smem:$0x3FB6] =	sst s9;
	s0 =	simm.s32 @!p0 $0x0  }
0x12: {  	s1 =	sld [smem:$0x3F9C];
	s0 =	simm.s32 @p0 $0x1  }
0x13: {  	[smem:$0x3FB7] =	sst s0;
	s0 =	simm.s32 @!p1 $0x0  }
0x14: {  	s2 =	sld [smem:$0x3F9B];
	s0 =	simm.s32 @p1 $0x1  }
0x15: {  	[smem:$0x3FB8] =	sst s0;
	s0 =	simm.s32 @!p2 $0x0  }
0x16: {  	s3 =	sld [smem:$0x3FDB];
	s0 =	simm.s32 @p2 $0x1  }
0x17: {  	s4 =	simm.s32 $0x1BF5;
	[smem:$0x3FBA] =	sst s0  }
0x18: {  	s0 =	sld [smem:$0x3F9D];
	_ =	swait.ge [sflag:s4], $0x0  }
0x19: {  	s7 =	sld [smem:$0x3F9E]  }
0x1a: {  	s8 =	sadd.s32 $0xFFFFE003, lr  }
0x1b: {  	s9 =	sadd.s32 $0xFFFFFEF7, lr;
	s5 =	simm.s32 $0xFFFFFFFF;
	p2 =	slt.u32 s8, $0xFFFFF086  }
0x1c: {  	p1 =	slt.u32 s9, $0xF7A;
	s5 =	simm.s32 @!p2 $0x0  }
0x1d: {  	s5 =	simm.s32 @p1 $0x1;
	p0 =	seq.s32 s7, s2  }
0x1e: {  	s7 =	smul.u32 @!p0 $0xF7A, s2;
	p2 =	seq.s32 @!p0 s5, $0x0  }
0x1f: {  	s9 =	smul.u32 $0xF7A, s1;
	s8 =	simm.s32 @!p0 $0x1BF5;
	p2 =	por !p2, p0  }
0x20: {  	[sflag:s8] =	ssyncset.s32 @!p0 $0xFFFFF086;
	s6 =	sadd.s32 @!p0 s3, s7;
	s7 =	simm.s32 @!p0 $0x108  }
0x21: {  	s3 =	sadd.s32 s3, s9;
	s6 =	sadd.s32 @!p0 $0x88, s6;
	s7 =	simm.s32 @p2 $0x1082  }
0x22: {  	[simem:s7], [sflag:s8] =	dma.local @!p0 [hbm:s6], $0xF7A  }
0x23: {  	s9 =	sor.u32 $0xD0000000, s2;
	s6 =	simm.s32 $0x108;
	_ =	swait.ge @!p0 [sflag:s8], $0x0  }
0x24: {  	s3 =	sadd.s32 $0x88, s3;
	s6 =	simm.s32 @!p1 $0x1082;
	[sflag:s4] =	ssyncset.s32 $0xFFFFF086  }
0x25: {  	[simem:s6], [sflag:s4] =	dma.local [hbm:s3], $0xF7A  }
0x26: {  	[smem:$0x3F9E] =	sst s1;
	(tag) =	ssettag s2;
	_ =	strace s9  }
0x27: {  	s1 =	sld [smem:$0x3FAE]  }
0x28: {  	s2 =	sld [smem:$0x3FAF]  }
0x29: {  	s4 =	sld [smem:$0x3FB1]  }
0x2a: {  	p0 =	seq.s32 s5, $0x0;
	s5 =	sld [smem:$0x3FB2]  }
0x2b: {  	s6 =	sld [smem:$0x3FB3]  }
0x2c: {  	s7 =	sld [smem:$0x3FB4]  }
0x2d: {  	s3 =	simm.s32 $0x108;
	s8 =	sld [smem:$0x3FB5]  }
0x2e: {  	s3 =	simm.s32 @!p0 $0x1082;
	s9 =	sld [smem:$0x3FB6]  }
0x2f: {  	lr =	sadd.s32 s0, s3;
	s0 =	sld [smem:$0x3FAD]  }
0x30: {  	s3 =	sld [smem:$0x3FB0]  }
0x31: {  	[smem:$0x3FB9] =	sst s10  }
0x32: {  	s10 =	sld [smem:$0x3FB7];
	_ =	sdelay $0x3  }
0x33: {  	p0 =	seq.s32 s10, $0x1;
	s10 =	sld [smem:$0x3FB9];
	_ =	sdelay $0x3  }
0x34: {  	[smem:$0x3FB9] =	sst s10  }
0x35: {  	s10 =	sld [smem:$0x3FB8];
	_ =	sdelay $0x3  }
0x36: {  	p1 =	seq.s32 s10, $0x1;
	s10 =	sld [smem:$0x3FB9];
	_ =	sdelay $0x3  }
0x37: {  	[smem:$0x3FB9] =	sst s10  }
0x38: {  	s10 =	sld [smem:$0x3FBA]  }
0x39: {  	_ = 	snop;
	(pc) =	sbr.ind lr, $3  }
0x3a: {  	_ = 	snop  }
0x3b: {  	_ = 	snop  }
0x3c: {  	p2 =	seq.s32 s10, $0x1;
	s10 =	sld [smem:$0x3FB9]  }
0x3d: {  	_ =	shalt  }
0x3e: {  	_ =	shalt  }
0x3f: {  	_ =	shalt  }
0x40: {  	_ =	shalt  }
0x41: {  	_ =	shalt  }
0x42: {  	_ =	shalt  }
0x43: {  	_ =	shalt  }
0x44: {  	_ =	shalt  }
0x45: {  	_ =	shalt  }
0x46: {  	_ =	shalt  }
0x47: {  	_ =	shalt  }
0x48: {  	_ =	shalt  }
0x49: {  	_ =	shalt  }
0x4a: {  	_ =	shalt  }
0x4b: {  	_ =	shalt  }
0x4c: {  	_ =	shalt  }
0x4d: {  	_ =	shalt  }
0x4e: {  	_ =	shalt  }
0x4f: {  	_ =	shalt  }
0x50: {  	_ =	shalt  }
0x51: {  	_ =	shalt  }
0x52: {  	_ =	shalt  }
0x53: {  	_ =	shalt  }
0x54: {  	_ =	shalt  }
0x55: {  	_ =	shalt  }
0x56: {  	_ =	shalt  }
0x57: {  	_ =	shalt  }
0x58: {  	_ =	shalt  }
0x59: {  	_ =	shalt  }
0x5a: {  	_ =	shalt  }
0x5b: {  	_ =	shalt  }
0x5c: {  	_ =	shalt  }
0x5d: {  	_ =	shalt  }
0x5e: {  	_ =	shalt  }
0x5f: {  	_ =	shalt  }
0x60: {  	_ =	shalt  }
0x61: {  	_ =	shalt  }
0x62: {  	_ =	shalt  }
0x63: {  	_ =	shalt  }
0x64: {  	_ =	shalt  }
0x65: {  	_ =	shalt  }
0x66: {  	_ =	shalt  }
0x67: {  	_ =	shalt  }
0x68: {  	_ =	shalt  }
0x69: {  	_ =	shalt  }
0x6a: {  	_ =	shalt  }
0x6b: {  	_ =	shalt  }
0x6c: {  	_ =	shalt  }
0x6d: {  	_ =	shalt  }
0x6e: {  	_ =	shalt  }
0x6f: {  	_ =	shalt  }
0x70: {  	_ =	shalt  }
0x71: {  	_ =	shalt  }
0x72: {  	_ =	shalt  }
0x73: {  	_ =	shalt  }
0x74: {  	_ =	shalt  }
0x75: {  	_ =	shalt  }
0x76: {  	_ =	shalt  }
0x77: {  	_ =	shalt  }
0x78: {  	_ =	shalt  }
0x79: {  	_ =	shalt  }
0x7a: {  	_ =	shalt  }
0x7b: {  	_ =	shalt  }
0x7c: {  	_ =	shalt  }
0x7d: {  	_ =	shalt  }
0x7e: {  	_ =	shalt  }
0x7f: {  	_ =	shalt  }
0x80: {  	_ =	shalt  }
0x81: {  	_ =	shalt  }
0x82: {  	_ =	shalt  }
0x83: {  	_ =	shalt  }
0x84: {  	_ =	shalt  }
0x85: {  	_ =	shalt  }
0x86: {  	_ =	shalt  }
0x87: {  	_ =	shalt  }
.Lfunc_end0:
.L_simem_size_0:
called_computation_lowered:
.L_overlay_start_0:
0x88: {  	s2 =	sld [smem:$0x3FD9]  }
0x89: {  	s3 =	sld [smem:$0x3FFE];
	_ =	sdelay $0x1  }
0x8a: {  	s1 =	srdreg.scid  }
0x8b: {  	s0 =	sand.u32 $0x1, s1  }
0x8c: {  	s17 =	sshll.u32 s0, $0xA;
	s2 =	sadd.s32 s3, s2  }
0x8d: {  	s2 =	sadd.s32 s2, s17  }
0x8e: {  	[smem:$0x3FC5] =	sst s2  }
0x8f: {  	_ = 	snop  }
0x90: {  	s2 =	sld [smem:$0x3FC9]  }
0x91: {  	s18 =	sld [smem:$0x3FC8]  }
0x92: {  	s4 =	sld [smem:$0x3FD0];
	(tm) =	ssettm $0x1  }
0x93: {  	s5 =	sld [smem:$0x3FFB];
	_ =	sdelay $0x3  }
0x94: {  	_ =	strace s5  }
0x95: {  	s5 =	sld [smem:$0x3FFC];
	_ =	sdelay $0x3  }
0x96: {  	_ =	strace s5  }
0x97: {  	s5 =	sld [smem:$0x3FFD];
	_ =	sdelay $0x3  }
0x98: {  	_ =	strace s5  }
0x99: {  	_ =	strace $0x8FFFFFFF  }
0x9a: {  	s19 =	sld [smem:$0x3FDB];
	_ =	sdelay $0x1  }
0x9b: {  	s6 =	simm.s32 $_scs_section_size  }
0x9c: {  	s7 =	simm.s32 $_size__tile_overlayer_lowered;
	s8 =	simm.s32 $_tile_overlayer_lowered  }
0x9d: {  	s22 =	simm.s32 $0x1BFF;
	s21 =	sshll.u32 s8, $0x1;
	s5 =	sadd.s32 s6, s19  }
0x9e: {  	s9 =	simm.s32 $0x0;
	s20 =	sshll.u32 s7, $0x1;
	s7 =	sadd.s32 s21, s5  }
0x9f: {  	[timem:s9], [sflag:s22] =	dma.local [hbm:s7], s20  }
0xa0: {  	_ =	swait.ge [sflag:s22], s20  }
0xa1: {  	s6 =	ssub.s32 $0x0, s20;
	[sflag:s22] =	ssyncset.done $0x0  }
0xa2: {  	[sflag:s22] =	ssyncadd.s32 s6;
	_ =	sdelay $0x1  }
0xa3: {  	s23 =	simm.s32 $0x1B8B  }
0xa4: {  	_ =	swait.ge [sflag:s23], $0x1  }
0xa5: {  	[sflag:s23] =	ssyncset.done $0x0  }
0xa6: {  	s25 =	simm.s32 $0x1B8E;
	s24 =	sld [smem:$0x3FFE];
	[sflag:s23] =	ssyncadd.s32 $0xFFFFFFFF  }
0xa7: {  	s26 =	simm.s32 $execute0_lowered;
	[smem:$0x3FD2] =	sst s25  }
0xa8: {  	s7 =	sshll.u32 s26, $0x1;
	_ =	strace $0x80000046;
	[dreg:$0x1] =	wrdreg $0xFFFFFFFF  }
0xa9: {  	s28 =	simm.s32 $_size_execute0_lowered;
	s5 =	sadd.s32 s5, s7;
	[dreg:$0x0] =	wrdreg $0x0  }
0xaa: {  	s7 =	sshll.u32 s28, $0x1;
	[dreg:$0x2] =	wrdreg s5  }
0xab: {  	[dreg:$0x3] =	wrdreg s7  }
0xac: {  	[dreg:$0x4] =	wrdreg $0xC0  }
0xad: {  	_ =	task [dreg:s9], $0x5FFFF  }
0xae: {  	[dreg:$0x1] =	wrdreg $0xFFFFFFFF  }
0xaf: {  	[dreg:$0x0] =	wrdreg $0x60  }
0xb0: {  	[dreg:$0x2] =	wrdreg s2  }
0xb1: {  	[dreg:$0x3] =	wrdreg s18  }
0xb2: {  	[dreg:$0x4] =	wrdreg s24  }
0xb3: {  	[dreg:$0x5] =	wrdreg s4  }
0xb4: {  	[dreg:$0x6] =	wrdreg $0x9  }
0xb5: {  	_ =	task.clear_ibuf [dreg:s9], $0x7FFFF;
	_ =	strace $0x90000046  }
0xb6: {  	s29 =	simm.s32 $0x9;
	_ =	strace $0x80000048  }
0xb7: {  	_ =	swait.ge [sflag:s29], $0x1  }
0xb8: {  	[sflag:s29] =	ssyncadd.s32 $0xFFFFFFFF  }
0xb9: {  	_ =	strace $0x90000048  }
0xba: {  	_ =	sfence  }
0xbb: {  	s30 =	sld [smem:$0x0];
	_ =	sdelay $0x2  }
0xbc: {  	s31 =	sshll.u32 s1, $0xD;
	s1 =	sshrl.u32 s1, $0x2  }
0xbd: {  	s3 =	sand.u32 $0x4000, s31;
	s1 =	sadd.s32 s1, s30  }
0xbe: {  	s0 =	sor.u32 s3, s0;
	s1 =	sshll.u32 s1, $0x11  }
0xbf: {  	s0 =	sor.u32 s1, s0  }
0xc0: {  	s0 =	sadd.s32 $0x8F2B, s0  }
0xc1: {  	[sflag:s0] =	ssyncadd.remote.s32 $0x1  }
0xc2: {  	_ =	sfence.sel $0xFFFF  }
0xc3: {  	[dreg:$0x0] =	wrdreg $0xFFFFFFFF;
	(pc) =	sbr.abs _section_cstart, $3  }
0xc4: {  	[dreg:$0x1] =	wrdreg $0xFFFFFFFF  }
0xc5: {  	_ =	task.clear_ibuf [dreg:s9], $0x2FFFF;
	_ =	strace $0x9FFFFFFF  }
0xc6: {  	(tm) =	ssettm $0x7FFFFFFF  }
0xc7: {  	_ =	shalt  }
tec
execute0_lowered:
.L_overlay_start_1:
0x0: {  	(tag) =	ssettag $0x1  }
0x1: {  	s0 =	rddreg [dreg:$0x0]  }
0x2: {  	s15 =	rddreg [dreg:$0x1]  }
0x3: {  	s1 =	rddreg [dreg:$0x2]  }
0x4: {  	s2 =	rddreg [dreg:$0x3];
	s4 =	srdreg.scid;
	s3 =	simm.s32 $0x0  }
0x5: {  	s6 =	stileid.u32;
	s28 =	simm.s32 $0x1C380;
	s30 =	simm.s32 $0x50  }
0x6: {  	s31 =	simm.s32 $0xEE80;
	s29 =	simm.s32 $0x4;
	s5 =	sand.u32 $0x1, s4  }
0x7: {  	[smem:$0x7FF] =	sst s3;
	s9 =	smul.u32 $0x13800, s6;
	s11 =	sshll.u32 s6, $0x1  }
0x8: {  	s16 =	smul.u32 $0x2700, s6;
	s23 =	sadd.s32 $0x680, s15;
	s24 =	sadd.s32 $0xD00, s15  }
0x9: {  	p0 =	sne.s32 s6, $0x0;
	s6 =	simm.s32 $0x3;
	s4 =	smul.u32 $0x27100, s5  }
0xa: {  	_ =	strace $0x80000047;
	s7 =	ssub.s32 $0x2, s5;
	[dreg:$0xd] =	wrdreg s23  }
0xb: {  	s5 =	sor.u32 s5, s11;
	[dreg:$0xe] =	wrdreg s24;
	s11 =	simm.s32 $0x18E80  }
0xc: {  	s10 =	sshrl.u32 s7, $0x1;
	s9 =	sshrl.u32 s9, $0x3;
	s5 =	smul.u32 $0x2710, s5  }
0xd: {  	[dreg:$0x5] =	wrdreg s16;
	s8 =	sadd.s32 s4, s1;
	s14 =	ssub.s32 s7, s10  }
0xe: {  	s4 =	sadd.s32 s0, s16;
	s7 =	sadd.s32 $0x680, s9;
	s10 =	sadd.s32 $0xD00, s9  }
0xf: {  	s12 =	sadd.s32 $0x1380, s9;
	[dreg:$0x6] =	wrdreg s4;
	s17 =	sadd.s32 s0, s7  }
0x10: {  	s13 =	sadd.s32 $0x1A00, s9;
	s18 =	sadd.s32 s0, s10;
	[dreg:$0x7] =	wrdreg s17  }
0x11: {  	s16 =	sadd.s32 $0x2080, s9;
	s19 =	sadd.s32 s0, s12;
	[dreg:$0x8] =	wrdreg s18  }
0x12: {  	s9 =	simm.s32 $0x1;
	s20 =	sadd.s32 s0, s13;
	[dreg:$0x9] =	wrdreg s19  }
0x13: {  	s8 =	sadd.s32 $0x1DA00, s8;
	s21 =	sadd.s32 s0, s16;
	[dreg:$0xa] =	wrdreg s20  }
0x14: {  	s0 =	sadd.s32 $0x27000, s0;
	s22 =	sshrl.u32 s5, $0x3;
	[dreg:$0xb] =	wrdreg s21  }
.Ltmp0:
0x15: {  	vm0 =	vmmov $0x1;
	vm1 =	vmmov $0x3;
	vm2 =	vmmov $0x7;
	s26 =	smax.u32 s14, $0x1;
	[dreg:$0xc] =	wrdreg s0;
	(pc) =	sbr.rel .LBB2_1-.Ltmp0, $4  }
0x16: {  	vm3 =	vmmov $0xf;
	vm4 =	vmmov $0x1f;
	vm5 =	vmmov $0x3f;
	s14 =	simm.s32 $0x0;
	s21 =	sadd.s32 s1, s22;
	[dreg:$0x11] =	wrdreg s26  }
0x17: {  	vm6 =	vmmov $0x7f;
	vm7 =	vmmov $0xff;
	vm8 =	vmmov $0x1ff;
	s26 =	simm.s32 $0x5;
	s18 =	simm.s32 $0x2;
	s0 =	sadd.s32 $0x13C00, s21  }
0x18: {  	vm9 =	vmmov $0x3ff;
	vm10 =	vmmov $0x7ff;
	vm11 =	vmmov $0xfff;
	s1 =	simm.s32 $0x18F00;
	s25 =	sadd.s32 $0x9E00, s21;
	[dreg:$0xf] =	wrdreg s0  }
0x19: {  	vm12 =	vmmov $0x1fff;
	vm13 =	vmmov $0x3fff;
	vm14 =	vmmov $0x7fff;
	[dreg:$0x10] =	wrdreg s25;
	s25 =	simm.s32 $0x18F80;
	s0 =	simm.s32 $0x13E80  }
.LBB2_32:
0x1a: {  	_ =	swait.ge [sflag:s29], $0x50  }
0x1b: {  	[sflag:s29] =	ssyncset.done $0x0  }
0x1c: {  	[sflag:s29] =	ssyncadd.s32 $0xFFFFFFB0  }
0x1d: {  	_ =	swait.ge [sflag:s6], $0x50  }
0x1e: {  	s14 =	sadd.s32 $0x1, s14;
	s4 =	rddreg [dreg:$0x11]  }
0x1f: {  	p1 =	sne.s32 s14, s4  }
.Ltmp1:
0x20: {  	_ = 	snop;
	(pc) =	sbr.rel @!p1 .LBB2_33-.Ltmp1, $3  }
0x21: {  	_ =	sdelay $0x1  }
0x22: {  	[sflag:s6] =	ssyncset.done $0x0  }
0x23: {  	[sflag:s6] =	ssyncadd.s32 $0xFFFFFFB0  }
.LBB2_1:
0x24: {  	s4 =	rddreg [dreg:$0x6]  }
0x25: {  	[tilespmem:s25], [sflag:$0x5] =	stream.linear.gather [hbm4b:s4+s3], $0x3400, $0x38;
	[tilespmem:$0x1F780] =	vst v63  }
0x26: {  	_ =	swait.ge [sflag:s26], $0x3400  }
0x27: {  	[sflag:s26] =	ssyncset.done $0x0  }
0x28: {  	s15 =	simm.s32 $0x0;
	[sflag:s26] =	ssyncadd.s32 $0xFFFFCC00  }
0x29: {  	v1 =	vld [tilespmem:s15+$0x18FE0]  }
0x2a: {  	v4 =	vld [tilespmem:s15+$0x18FF0]  }
0x2b: {  	v5 =	vld [tilespmem:s15+$0x18F80]  }
0x2c: {  	v6 =	vld [tilespmem:s15+$0x18F90]  }
0x2d: {  	v2 =	vld [tilespmem:s15+$0x18FA0]  }
0x2e: {  	v3 =	vld [tilespmem:s15+$0x18FB0]  }
0x2f: {  	v0 =	vld [tilespmem:s15+$0x18FC0];
	v1 =	vpack.i.f32.bf16 v4, v1  }
0x30: {  	s17 =	simm.s32 $0x80;
	v4 =	vld [tilespmem:s15+$0x18FD0];
	[tilespmem:s15+$0x1C3B0] =	vst v1  }
0x31: {  	s19 =	simm.s32 $0x400;
	v5 =	vpack.i.f32.bf16 v6, v5;
	v1 =	vld [tilespmem:s17+$0x18FE0]  }
.LBB2_2:
0x32: {  	p1 =	sne.s32 s19, $0xCE00;
	v6 =	vld [tilespmem:s17+$0x18FF0];
	[tilespmem:s15+$0x1C380] =	vst v5  }
0x33: {  	v5 =	vld [tilespmem:s17+$0x18F80];
	v2 =	vpack.i.f32.bf16 v3, v2  }
0x34: {  	v7 =	vld [tilespmem:s17+$0x18F90];
	[tilespmem:s15+$0x1C390] =	vst v2  }
.Ltmp2:
0x35: {  	v2 =	vld [tilespmem:s17+$0x18FA0];
	v0 =	vpack.i.f32.bf16 v4, v0;
	(pc) =	sbr.rel @p1 .LBB2_2-.Ltmp2, $4  }
0x36: {  	v3 =	vld [tilespmem:s17+$0x18FB0];
	[tilespmem:s15+$0x1C3A0] =	vst v0;
	s15 =	smov.u32 s17  }
0x37: {  	v0 =	vld [tilespmem:s15+$0x18FC0];
	v1 =	vpack.i.f32.bf16 v6, v1  }
0x38: {  	s17 =	sshra.s32 s19, $0x2;
	v4 =	vld [tilespmem:s15+$0x18FD0];
	[tilespmem:s15+$0x1C3B0] =	vst v1  }
0x39: {  	s19 =	sadd.s32 $0x200, s19;
	v1 =	vld [tilespmem:s17+$0x18FE0];
	v5 =	vpack.i.f32.bf16 v7, v5  }
0x3a: {  	v6 =	vld [tilespmem:s17+$0x18FF0];
	[tilespmem:s15+$0x1C380] =	vst v5  }
0x3b: {  	v5 =	vld [tilespmem:s17+$0x18F80];
	v2 =	vpack.i.f32.bf16 v3, v2  }
0x3c: {  	v3 =	vld [tilespmem:s17+$0x18F90];
	[tilespmem:s15+$0x1C390] =	vst v2  }
0x3d: {  	v2 =	vld [tilespmem:s17+$0x18FA0];
	v0 =	vpack.i.f32.bf16 v4, v0  }
0x3e: {  	v4 =	vld [tilespmem:s17+$0x18FB0];
	[tilespmem:s15+$0x1C3A0] =	vst v0  }
0x3f: {  	v0 =	vld [tilespmem:s17+$0x18FC0]  }
0x40: {  	v7 =	vld [tilespmem:s17+$0x18FD0];
	_ =	sdelay $0x1  }
0x41: {  	v1 =	vpack.i.f32.bf16 v6, v1  }
0x42: {  	[tilespmem:s17+$0x1C3B0] =	vst v1;
	v1 =	vpack.i.f32.bf16 v3, v5  }
0x43: {  	[tilespmem:s17+$0x1C380] =	vst v1;
	v1 =	vpack.i.f32.bf16 v4, v2  }
0x44: {  	s4 =	rddreg [dreg:$0x5];
	[tilespmem:s17+$0x1C390] =	vst v1;
	v0 =	vpack.i.f32.bf16 v7, v0  }
0x45: {  	s23 =	simm.s32 $0x0;
	s22 =	sadd.s32 s4, s8;
	[tilespmem:s17+$0x1C3A0] =	vst v0  }
0x46: {  	[hbm4b:s22+s23] =	stream.linear.scatter [tilespmem:s28], [sflag:$0x5], $0x3400, $0x38;
	[tilespmem:$0x1F780] =	vst v63  }
0x47: {  	_ =	swait.ge [sflag:s26], $0x3400  }
0x48: {  	[sflag:s26] =	ssyncset.done $0x0  }
0x49: {  	s24 =	rddreg [dreg:$0x7];
	[sflag:s26] =	ssyncadd.s32 $0xFFFFCC00  }
0x4a: {  	[tilespmem:s25], [sflag:$0x5] =	stream.linear.gather [hbm4b:s24+s23], $0x3400, $0x38;
	[tilespmem:$0x1F780] =	vst v63  }
0x4b: {  	_ =	swait.ge [sflag:s26], $0x3400  }
0x4c: {  	[sflag:s26] =	ssyncset.done $0x0  }
0x4d: {  	s15 =	simm.s32 $0x0;
	[sflag:s26] =	ssyncadd.s32 $0xFFFFCC00  }
0x4e: {  	v1 =	vld [tilespmem:s15+$0x18FE0]  }
0x4f: {  	v4 =	vld [tilespmem:s15+$0x18FF0]  }
0x50: {  	v5 =	vld [tilespmem:s15+$0x18F80]  }
0x51: {  	v6 =	vld [tilespmem:s15+$0x18F90]  }
0x52: {  	v2 =	vld [tilespmem:s15+$0x18FA0]  }
0x53: {  	v3 =	vld [tilespmem:s15+$0x18FB0]  }
0x54: {  	v0 =	vld [tilespmem:s15+$0x18FC0];
	v1 =	vpack.i.f32.bf16 v4, v1  }
0x55: {  	s17 =	simm.s32 $0x80;
	v4 =	vld [tilespmem:s15+$0x18FD0];
	[tilespmem:s15+$0x1C3B0] =	vst v1  }
0x56: {  	s19 =	simm.s32 $0x400;
	v5 =	vpack.i.f32.bf16 v6, v5;
	v1 =	vld [tilespmem:s17+$0x18FE0]  }
.LBB2_4:
0x57: {  	p1 =	sne.s32 s19, $0xCE00;
	v6 =	vld [tilespmem:s17+$0x18FF0];
	[tilespmem:s15+$0x1C380] =	vst v5  }
0x58: {  	v5 =	vld [tilespmem:s17+$0x18F80];
	v2 =	vpack.i.f32.bf16 v3, v2  }
0x59: {  	v7 =	vld [tilespmem:s17+$0x18F90];
	[tilespmem:s15+$0x1C390] =	vst v2  }
.Ltmp3:
0x5a: {  	v2 =	vld [tilespmem:s17+$0x18FA0];
	v0 =	vpack.i.f32.bf16 v4, v0;
	(pc) =	sbr.rel @p1 .LBB2_4-.Ltmp3, $4  }
0x5b: {  	v3 =	vld [tilespmem:s17+$0x18FB0];
	[tilespmem:s15+$0x1C3A0] =	vst v0;
	s15 =	smov.u32 s17  }
0x5c: {  	v0 =	vld [tilespmem:s15+$0x18FC0];
	v1 =	vpack.i.f32.bf16 v6, v1  }
0x5d: {  	s17 =	sshra.s32 s19, $0x2;
	v4 =	vld [tilespmem:s15+$0x18FD0];
	[tilespmem:s15+$0x1C3B0] =	vst v1  }
0x5e: {  	s19 =	sadd.s32 $0x200, s19;
	v1 =	vld [tilespmem:s17+$0x18FE0];
	v5 =	vpack.i.f32.bf16 v7, v5  }
0x5f: {  	v6 =	vld [tilespmem:s17+$0x18FF0];
	[tilespmem:s15+$0x1C380] =	vst v5  }
0x60: {  	v5 =	vld [tilespmem:s17+$0x18F80];
	v2 =	vpack.i.f32.bf16 v3, v2  }
0x61: {  	v3 =	vld [tilespmem:s17+$0x18F90];
	[tilespmem:s15+$0x1C390] =	vst v2  }
0x62: {  	v2 =	vld [tilespmem:s17+$0x18FA0];
	v0 =	vpack.i.f32.bf16 v4, v0  }
0x63: {  	v4 =	vld [tilespmem:s17+$0x18FB0];
	[tilespmem:s15+$0x1C3A0] =	vst v0  }
0x64: {  	v0 =	vld [tilespmem:s17+$0x18FC0]  }
0x65: {  	v7 =	vld [tilespmem:s17+$0x18FD0];
	_ =	sdelay $0x1  }
0x66: {  	v1 =	vpack.i.f32.bf16 v6, v1  }
0x67: {  	[tilespmem:s17+$0x1C3B0] =	vst v1;
	v1 =	vpack.i.f32.bf16 v3, v5  }
0x68: {  	[tilespmem:s17+$0x1C380] =	vst v1;
	v1 =	vpack.i.f32.bf16 v4, v2  }
0x69: {  	[tilespmem:s17+$0x1C390] =	vst v1;
	v0 =	vpack.i.f32.bf16 v7, v0  }
0x6a: {  	s23 =	sadd.s32 s7, s8;
	s24 =	simm.s32 $0x0;
	[tilespmem:s17+$0x1C3A0] =	vst v0  }
0x6b: {  	[hbm4b:s23+s24] =	stream.linear.scatter [tilespmem:s28], [sflag:$0x5], $0x3400, $0x38;
	[tilespmem:$0x1F780] =	vst v63  }
0x6c: {  	_ =	swait.ge [sflag:s26], $0x3400  }
0x6d: {  	[sflag:s26] =	ssyncset.done $0x0  }
0x6e: {  	s4 =	rddreg [dreg:$0x8];
	[sflag:s26] =	ssyncadd.s32 $0xFFFFCC00  }
0x6f: {  	[tilespmem:s25], [sflag:$0x5] =	stream.linear.gather [hbm4b:s4+s24], $0x3400, $0x38;
	[tilespmem:$0x1F780] =	vst v63  }
0x70: {  	_ =	swait.ge [sflag:s26], $0x3400  }
0x71: {  	[sflag:s26] =	ssyncset.done $0x0  }
0x72: {  	s15 =	simm.s32 $0x0;
	[sflag:s26] =	ssyncadd.s32 $0xFFFFCC00  }
0x73: {  	v1 =	vld [tilespmem:s15+$0x18FE0]  }
0x74: {  	v4 =	vld [tilespmem:s15+$0x18FF0]  }
0x75: {  	v5 =	vld [tilespmem:s15+$0x18F80]  }
0x76: {  	v6 =	vld [tilespmem:s15+$0x18F90]  }
0x77: {  	v2 =	vld [tilespmem:s15+$0x18FA0]  }
0x78: {  	v3 =	vld [tilespmem:s15+$0x18FB0]  }
0x79: {  	v0 =	vld [tilespmem:s15+$0x18FC0];
	v1 =	vpack.i.f32.bf16 v4, v1  }
0x7a: {  	s17 =	simm.s32 $0x80;
	v4 =	vld [tilespmem:s15+$0x18FD0];
	[tilespmem:s15+$0x1C3B0] =	vst v1  }
0x7b: {  	s19 =	simm.s32 $0x400;
	v5 =	vpack.i.f32.bf16 v6, v5;
	v1 =	vld [tilespmem:s17+$0x18FE0]  }
.LBB2_6:
0x7c: {  	p1 =	sne.s32 s19, $0xCE00;
	v6 =	vld [tilespmem:s17+$0x18FF0];
	[tilespmem:s15+$0x1C380] =	vst v5  }
0x7d: {  	v5 =	vld [tilespmem:s17+$0x18F80];
	v2 =	vpack.i.f32.bf16 v3, v2  }
0x7e: {  	v7 =	vld [tilespmem:s17+$0x18F90];
	[tilespmem:s15+$0x1C390] =	vst v2  }
.Ltmp4:
0x7f: {  	v2 =	vld [tilespmem:s17+$0x18FA0];
	v0 =	vpack.i.f32.bf16 v4, v0;
	(pc) =	sbr.rel @p1 .LBB2_6-.Ltmp4, $4  }
0x80: {  	v3 =	vld [tilespmem:s17+$0x18FB0];
	[tilespmem:s15+$0x1C3A0] =	vst v0;
	s15 =	smov.u32 s17  }
0x81: {  	v0 =	vld [tilespmem:s15+$0x18FC0];
	v1 =	vpack.i.f32.bf16 v6, v1  }
0x82: {  	s17 =	sshra.s32 s19, $0x2;
	v4 =	vld [tilespmem:s15+$0x18FD0];
	[tilespmem:s15+$0x1C3B0] =	vst v1  }
0x83: {  	s19 =	sadd.s32 $0x200, s19;
	v1 =	vld [tilespmem:s17+$0x18FE0];
	v5 =	vpack.i.f32.bf16 v7, v5  }
0x84: {  	v6 =	vld [tilespmem:s17+$0x18FF0];
	[tilespmem:s15+$0x1C380] =	vst v5  }
0x85: {  	v5 =	vld [tilespmem:s17+$0x18F80];
	v2 =	vpack.i.f32.bf16 v3, v2  }
0x86: {  	v3 =	vld [tilespmem:s17+$0x18F90];
	[tilespmem:s15+$0x1C390] =	vst v2  }
0x87: {  	v2 =	vld [tilespmem:s17+$0x18FA0];
	v0 =	vpack.i.f32.bf16 v4, v0  }
0x88: {  	v4 =	vld [tilespmem:s17+$0x18FB0];
	[tilespmem:s15+$0x1C3A0] =	vst v0  }
0x89: {  	v0 =	vld [tilespmem:s17+$0x18FC0]  }
0x8a: {  	v7 =	vld [tilespmem:s17+$0x18FD0];
	_ =	sdelay $0x1  }
0x8b: {  	v1 =	vpack.i.f32.bf16 v6, v1  }
0x8c: {  	[tilespmem:s17+$0x1C3B0] =	vst v1;
	v1 =	vpack.i.f32.bf16 v3, v5  }
0x8d: {  	[tilespmem:s17+$0x1C380] =	vst v1;
	v1 =	vpack.i.f32.bf16 v4, v2  }
0x8e: {  	[tilespmem:s17+$0x1C390] =	vst v1;
	v0 =	vpack.i.f32.bf16 v7, v0  }
0x8f: {  	s23 =	sadd.s32 s10, s8;
	s24 =	simm.s32 $0x0;
	[tilespmem:s17+$0x1C3A0] =	vst v0  }
0x90: {  	[hbm4b:s23+s24] =	stream.linear.scatter [tilespmem:s28], [sflag:$0x5], $0x3400, $0x38;
	[tilespmem:$0x1F780] =	vst v63  }
0x91: {  	_ =	swait.ge [sflag:s26], $0x3400  }
0x92: {  	[sflag:s26] =	ssyncset.done $0x0  }
0x93: {  	s4 =	rddreg [dreg:$0x9];
	[sflag:s26] =	ssyncadd.s32 $0xFFFFCC00  }
0x94: {  	[tilespmem:s25], [sflag:$0x5] =	stream.linear.gather [hbm4b:s4+s24], $0x3400, $0x38;
	[tilespmem:$0x1F780] =	vst v63  }
0x95: {  	_ =	swait.ge [sflag:s26], $0x3400  }
0x96: {  	[sflag:s26] =	ssyncset.done $0x0  }
0x97: {  	s15 =	simm.s32 $0x0;
	[sflag:s26] =	ssyncadd.s32 $0xFFFFCC00  }
0x98: {  	v1 =	vld [tilespmem:s15+$0x18FE0]  }
0x99: {  	v4 =	vld [tilespmem:s15+$0x18FF0]  }
0x9a: {  	v5 =	vld [tilespmem:s15+$0x18F80]  }
0x9b: {  	v6 =	vld [tilespmem:s15+$0x18F90]  }
0x9c: {  	v2 =	vld [tilespmem:s15+$0x18FA0]  }
0x9d: {  	v3 =	vld [tilespmem:s15+$0x18FB0]  }
0x9e: {  	v0 =	vld [tilespmem:s15+$0x18FC0];
	v1 =	vpack.i.f32.bf16 v4, v1  }
0x9f: {  	s17 =	simm.s32 $0x80;
	v4 =	vld [tilespmem:s15+$0x18FD0];
	[tilespmem:s15+$0x1C3B0] =	vst v1  }
0xa0: {  	s19 =	simm.s32 $0x400;
	v5 =	vpack.i.f32.bf16 v6, v5;
	v1 =	vld [tilespmem:s17+$0x18FE0]  }
.LBB2_8:
0xa1: {  	p1 =	sne.s32 s19, $0xCE00;
	v6 =	vld [tilespmem:s17+$0x18FF0];
	[tilespmem:s15+$0x1C380] =	vst v5  }
0xa2: {  	v5 =	vld [tilespmem:s17+$0x18F80];
	v2 =	vpack.i.f32.bf16 v3, v2  }
0xa3: {  	v7 =	vld [tilespmem:s17+$0x18F90];
	[tilespmem:s15+$0x1C390] =	vst v2  }
.Ltmp5:
0xa4: {  	v2 =	vld [tilespmem:s17+$0x18FA0];
	v0 =	vpack.i.f32.bf16 v4, v0;
	(pc) =	sbr.rel @p1 .LBB2_8-.Ltmp5, $4  }
0xa5: {  	v3 =	vld [tilespmem:s17+$0x18FB0];
	[tilespmem:s15+$0x1C3A0] =	vst v0;
	s15 =	smov.u32 s17  }
0xa6: {  	v0 =	vld [tilespmem:s15+$0x18FC0];
	v1 =	vpack.i.f32.bf16 v6, v1  }
0xa7: {  	s17 =	sshra.s32 s19, $0x2;
	v4 =	vld [tilespmem:s15+$0x18FD0];
	[tilespmem:s15+$0x1C3B0] =	vst v1  }
0xa8: {  	s19 =	sadd.s32 $0x200, s19;
	v1 =	vld [tilespmem:s17+$0x18FE0];
	v5 =	vpack.i.f32.bf16 v7, v5  }
0xa9: {  	v6 =	vld [tilespmem:s17+$0x18FF0];
	[tilespmem:s15+$0x1C380] =	vst v5  }
0xaa: {  	v5 =	vld [tilespmem:s17+$0x18F80];
	v2 =	vpack.i.f32.bf16 v3, v2  }
0xab: {  	v3 =	vld [tilespmem:s17+$0x18F90];
	[tilespmem:s15+$0x1C390] =	vst v2  }
0xac: {  	v2 =	vld [tilespmem:s17+$0x18FA0];
	v0 =	vpack.i.f32.bf16 v4, v0  }
0xad: {  	v4 =	vld [tilespmem:s17+$0x18FB0];
	[tilespmem:s15+$0x1C3A0] =	vst v0  }
0xae: {  	v0 =	vld [tilespmem:s17+$0x18FC0]  }
0xaf: {  	v7 =	vld [tilespmem:s17+$0x18FD0];
	_ =	sdelay $0x1  }
0xb0: {  	v1 =	vpack.i.f32.bf16 v6, v1  }
0xb1: {  	[tilespmem:s17+$0x1C3B0] =	vst v1;
	v1 =	vpack.i.f32.bf16 v3, v5  }
0xb2: {  	[tilespmem:s17+$0x1C380] =	vst v1;
	v1 =	vpack.i.f32.bf16 v4, v2  }
0xb3: {  	[tilespmem:s17+$0x1C390] =	vst v1;
	v0 =	vpack.i.f32.bf16 v7, v0  }
0xb4: {  	s23 =	sadd.s32 s12, s8;
	s24 =	simm.s32 $0x0;
	[tilespmem:s17+$0x1C3A0] =	vst v0  }
0xb5: {  	[hbm4b:s23+s24] =	stream.linear.scatter [tilespmem:s28], [sflag:$0x5], $0x3400, $0x38;
	[tilespmem:$0x1F780] =	vst v63  }
0xb6: {  	_ =	swait.ge [sflag:s26], $0x3400  }
0xb7: {  	[sflag:s26] =	ssyncset.done $0x0  }
0xb8: {  	s4 =	rddreg [dreg:$0xa];
	[sflag:s26] =	ssyncadd.s32 $0xFFFFCC00  }
0xb9: {  	[tilespmem:s25], [sflag:$0x5] =	stream.linear.gather [hbm4b:s4+s24], $0x3400, $0x38;
	[tilespmem:$0x1F780] =	vst v63  }
0xba: {  	_ =	swait.ge [sflag:s26], $0x3400  }
0xbb: {  	[sflag:s26] =	ssyncset.done $0x0  }
0xbc: {  	s15 =	simm.s32 $0x0;
	[sflag:s26] =	ssyncadd.s32 $0xFFFFCC00  }
0xbd: {  	v1 =	vld [tilespmem:s15+$0x18FE0]  }
0xbe: {  	v4 =	vld [tilespmem:s15+$0x18FF0]  }
0xbf: {  	v5 =	vld [tilespmem:s15+$0x18F80]  }
0xc0: {  	v6 =	vld [tilespmem:s15+$0x18F90]  }
0xc1: {  	v2 =	vld [tilespmem:s15+$0x18FA0]  }
0xc2: {  	v3 =	vld [tilespmem:s15+$0x18FB0]  }
0xc3: {  	v0 =	vld [tilespmem:s15+$0x18FC0];
	v1 =	vpack.i.f32.bf16 v4, v1  }
0xc4: {  	s17 =	simm.s32 $0x80;
	v4 =	vld [tilespmem:s15+$0x18FD0];
	[tilespmem:s15+$0x1C3B0] =	vst v1  }
0xc5: {  	s19 =	simm.s32 $0x400;
	v5 =	vpack.i.f32.bf16 v6, v5;
	v1 =	vld [tilespmem:s17+$0x18FE0]  }
.LBB2_10:
0xc6: {  	p1 =	sne.s32 s19, $0xCE00;
	v6 =	vld [tilespmem:s17+$0x18FF0];
	[tilespmem:s15+$0x1C380] =	vst v5  }
0xc7: {  	v5 =	vld [tilespmem:s17+$0x18F80];
	v2 =	vpack.i.f32.bf16 v3, v2  }
0xc8: {  	v7 =	vld [tilespmem:s17+$0x18F90];
	[tilespmem:s15+$0x1C390] =	vst v2  }
.Ltmp6:
0xc9: {  	v2 =	vld [tilespmem:s17+$0x18FA0];
	v0 =	vpack.i.f32.bf16 v4, v0;
	(pc) =	sbr.rel @p1 .LBB2_10-.Ltmp6, $4  }
0xca: {  	v3 =	vld [tilespmem:s17+$0x18FB0];
	[tilespmem:s15+$0x1C3A0] =	vst v0;
	s15 =	smov.u32 s17  }
0xcb: {  	v0 =	vld [tilespmem:s15+$0x18FC0];
	v1 =	vpack.i.f32.bf16 v6, v1  }
0xcc: {  	s17 =	sshra.s32 s19, $0x2;
	v4 =	vld [tilespmem:s15+$0x18FD0];
	[tilespmem:s15+$0x1C3B0] =	vst v1  }
0xcd: {  	s19 =	sadd.s32 $0x200, s19;
	v1 =	vld [tilespmem:s17+$0x18FE0];
	v5 =	vpack.i.f32.bf16 v7, v5  }
0xce: {  	v6 =	vld [tilespmem:s17+$0x18FF0];
	[tilespmem:s15+$0x1C380] =	vst v5  }
0xcf: {  	v5 =	vld [tilespmem:s17+$0x18F80];
	v2 =	vpack.i.f32.bf16 v3, v2  }
0xd0: {  	v3 =	vld [tilespmem:s17+$0x18F90];
	[tilespmem:s15+$0x1C390] =	vst v2  }
0xd1: {  	v2 =	vld [tilespmem:s17+$0x18FA0];
	v0 =	vpack.i.f32.bf16 v4, v0  }
0xd2: {  	v4 =	vld [tilespmem:s17+$0x18FB0];
	[tilespmem:s15+$0x1C3A0] =	vst v0  }
0xd3: {  	v0 =	vld [tilespmem:s17+$0x18FC0]  }
0xd4: {  	v7 =	vld [tilespmem:s17+$0x18FD0];
	_ =	sdelay $0x1  }
0xd5: {  	v1 =	vpack.i.f32.bf16 v6, v1  }
0xd6: {  	[tilespmem:s17+$0x1C3B0] =	vst v1;
	v1 =	vpack.i.f32.bf16 v3, v5  }
0xd7: {  	[tilespmem:s17+$0x1C380] =	vst v1;
	v1 =	vpack.i.f32.bf16 v4, v2  }
0xd8: {  	[tilespmem:s17+$0x1C390] =	vst v1;
	v0 =	vpack.i.f32.bf16 v7, v0  }
0xd9: {  	s23 =	sadd.s32 s13, s8;
	s24 =	simm.s32 $0x0;
	[tilespmem:s17+$0x1C3A0] =	vst v0  }
0xda: {  	[hbm4b:s23+s24] =	stream.linear.scatter [tilespmem:s28], [sflag:$0x5], $0x3400, $0x38;
	[tilespmem:$0x1F780] =	vst v63  }
0xdb: {  	_ =	swait.ge [sflag:s26], $0x3400  }
0xdc: {  	[sflag:s26] =	ssyncset.done $0x0  }
0xdd: {  	s4 =	rddreg [dreg:$0xb];
	[sflag:s26] =	ssyncadd.s32 $0xFFFFCC00  }
0xde: {  	[tilespmem:s25], [sflag:$0x5] =	stream.linear.gather [hbm4b:s4+s24], $0x3400, $0x38;
	[tilespmem:$0x1F780] =	vst v63  }
0xdf: {  	_ =	swait.ge [sflag:s26], $0x3400  }
0xe0: {  	[sflag:s26] =	ssyncset.done $0x0  }
0xe1: {  	s15 =	simm.s32 $0x0;
	[sflag:s26] =	ssyncadd.s32 $0xFFFFCC00  }
0xe2: {  	v1 =	vld [tilespmem:s15+$0x18FE0]  }
0xe3: {  	v4 =	vld [tilespmem:s15+$0x18FF0]  }
0xe4: {  	v5 =	vld [tilespmem:s15+$0x18F80]  }
0xe5: {  	v6 =	vld [tilespmem:s15+$0x18F90]  }
0xe6: {  	v2 =	vld [tilespmem:s15+$0x18FA0]  }
0xe7: {  	v3 =	vld [tilespmem:s15+$0x18FB0]  }
0xe8: {  	v0 =	vld [tilespmem:s15+$0x18FC0];
	v1 =	vpack.i.f32.bf16 v4, v1  }
0xe9: {  	s17 =	simm.s32 $0x80;
	v4 =	vld [tilespmem:s15+$0x18FD0];
	[tilespmem:s15+$0x1C3B0] =	vst v1  }
0xea: {  	s19 =	simm.s32 $0x400;
	v5 =	vpack.i.f32.bf16 v6, v5;
	v1 =	vld [tilespmem:s17+$0x18FE0]  }
.LBB2_12:
0xeb: {  	p1 =	sne.s32 s19, $0xCE00;
	v6 =	vld [tilespmem:s17+$0x18FF0];
	[tilespmem:s15+$0x1C380] =	vst v5  }
0xec: {  	v5 =	vld [tilespmem:s17+$0x18F80];
	v2 =	vpack.i.f32.bf16 v3, v2  }
0xed: {  	v7 =	vld [tilespmem:s17+$0x18F90];
	[tilespmem:s15+$0x1C390] =	vst v2  }
.Ltmp7:
0xee: {  	v2 =	vld [tilespmem:s17+$0x18FA0];
	v0 =	vpack.i.f32.bf16 v4, v0;
	(pc) =	sbr.rel @p1 .LBB2_12-.Ltmp7, $4  }
0xef: {  	v3 =	vld [tilespmem:s17+$0x18FB0];
	[tilespmem:s15+$0x1C3A0] =	vst v0;
	s15 =	smov.u32 s17  }
0xf0: {  	v0 =	vld [tilespmem:s15+$0x18FC0];
	v1 =	vpack.i.f32.bf16 v6, v1  }
0xf1: {  	s17 =	sshra.s32 s19, $0x2;
	v4 =	vld [tilespmem:s15+$0x18FD0];
	[tilespmem:s15+$0x1C3B0] =	vst v1  }
0xf2: {  	s19 =	sadd.s32 $0x200, s19;
	v1 =	vld [tilespmem:s17+$0x18FE0];
	v5 =	vpack.i.f32.bf16 v7, v5  }
0xf3: {  	v6 =	vld [tilespmem:s17+$0x18FF0];
	[tilespmem:s15+$0x1C380] =	vst v5  }
0xf4: {  	v5 =	vld [tilespmem:s17+$0x18F80];
	v2 =	vpack.i.f32.bf16 v3, v2  }
0xf5: {  	v60 =	vld [tilespmem:s17+$0x18F90];
	[tilespmem:s15+$0x1C390] =	vst v2  }
0xf6: {  	v2 =	vld [tilespmem:s17+$0x18FA0];
	v0 =	vpack.i.f32.bf16 v4, v0  }
0xf7: {  	v61 =	vld [tilespmem:s17+$0x18FB0];
	[tilespmem:s15+$0x1C3A0] =	vst v0  }
0xf8: {  	v0 =	vld [tilespmem:s17+$0x18FC0]  }
0xf9: {  	v7 =	vld [tilespmem:s17+$0x18FD0];
	_ =	sdelay $0x1  }
0xfa: {  	v1 =	vpack.i.f32.bf16 v6, v1  }
0xfb: {  	[tilespmem:s17+$0x1C3B0] =	vst v1;
	v62 =	vpack.i.f32.bf16 v60, v5  }
0xfc: {  	[tilespmem:s17+$0x1C380] =	vst v62;
	v63 =	vpack.i.f32.bf16 v61, v2  }
0xfd: {  	[tilespmem:s17+$0x1C390] =	vst v63;
	v0 =	vpack.i.f32.bf16 v7, v0  }
.Ltmp8:
0xfe: {  	s24 =	sadd.s32 s16, s8;
	[tilespmem:s17+$0x1C3A0] =	vst v0;
	(pc) =	sbr.rel @p0 .LBB2_17-.Ltmp8, $4  }
0xff: {  	[hbm4b:s24+s3] =	stream.linear.scatter [tilespmem:s28], [sflag:$0x5], $0x3400, $0x38;
	[tilespmem:$0x1F780] =	vst v63  }
0x100: {  	_ =	swait.ge [sflag:s26], $0x3400  }
0x101: {  	[sflag:s26] =	ssyncset.done $0x0  }
0x102: {  	[sflag:s26] =	ssyncadd.s32 $0xFFFFCC00  }
0x103: {  	s15 =	simm.s32 $0x0;
	s4 =	rddreg [dreg:$0xc]  }
0x104: {  	[tilespmem:s25], [sflag:$0x5] =	stream.linear.gather [hbm4b:s4+s15], $0x800, $0x38;
	[tilespmem:$0x1F780] =	vst v63  }
0x105: {  	_ =	swait.ge [sflag:s26], $0x800  }
0x106: {  	[sflag:s26] =	ssyncset.done $0x0  }
0x107: {  	s15 =	simm.s32 $0x0;
	[sflag:s26] =	ssyncadd.s32 $0xFFFFF800  }
0x108: {  	v1 =	vld [tilespmem:s15+$0x18FE0]  }
0x109: {  	v4 =	vld [tilespmem:s15+$0x18FF0]  }
0x10a: {  	v5 =	vld [tilespmem:s15+$0x18F80]  }
0x10b: {  	v6 =	vld [tilespmem:s15+$0x18F90]  }
0x10c: {  	v2 =	vld [tilespmem:s15+$0x18FA0]  }
0x10d: {  	v3 =	vld [tilespmem:s15+$0x18FB0]  }
0x10e: {  	v0 =	vld [tilespmem:s15+$0x18FC0];
	v1 =	vpack.i.f32.bf16 v4, v1  }
0x10f: {  	s17 =	simm.s32 $0x80;
	v4 =	vld [tilespmem:s15+$0x18FD0];
	[tilespmem:s15+$0x1C3B0] =	vst v1  }
0x110: {  	s19 =	simm.s32 $0x400;
	v5 =	vpack.i.f32.bf16 v6, v5;
	v1 =	vld [tilespmem:s17+$0x18FE0]  }
.LBB2_15:
0x111: {  	p1 =	sne.s32 s19, $0x1E00;
	v6 =	vld [tilespmem:s17+$0x18FF0];
	[tilespmem:s15+$0x1C380] =	vst v5  }
0x112: {  	v5 =	vld [tilespmem:s17+$0x18F80];
	v2 =	vpack.i.f32.bf16 v3, v2  }
0x113: {  	v7 =	vld [tilespmem:s17+$0x18F90];
	[tilespmem:s15+$0x1C390] =	vst v2  }
.Ltmp9:
0x114: {  	v2 =	vld [tilespmem:s17+$0x18FA0];
	v0 =	vpack.i.f32.bf16 v4, v0;
	(pc) =	sbr.rel @p1 .LBB2_15-.Ltmp9, $4  }
0x115: {  	v3 =	vld [tilespmem:s17+$0x18FB0];
	[tilespmem:s15+$0x1C3A0] =	vst v0;
	s15 =	smov.u32 s17  }
0x116: {  	v0 =	vld [tilespmem:s15+$0x18FC0];
	v1 =	vpack.i.f32.bf16 v6, v1  }
0x117: {  	s17 =	sshra.s32 s19, $0x2;
	v4 =	vld [tilespmem:s15+$0x18FD0];
	[tilespmem:s15+$0x1C3B0] =	vst v1  }
0x118: {  	s19 =	sadd.s32 $0x200, s19;
	v1 =	vld [tilespmem:s17+$0x18FE0];
	v5 =	vpack.i.f32.bf16 v7, v5  }
0x119: {  	v6 =	vld [tilespmem:s17+$0x18FF0];
	[tilespmem:s15+$0x1C380] =	vst v5  }
0x11a: {  	v5 =	vld [tilespmem:s17+$0x18F80];
	v2 =	vpack.i.f32.bf16 v3, v2  }
0x11b: {  	v60 =	vld [tilespmem:s17+$0x18F90];
	[tilespmem:s15+$0x1C390] =	vst v2  }
0x11c: {  	v2 =	vld [tilespmem:s17+$0x18FA0];
	v0 =	vpack.i.f32.bf16 v4, v0  }
0x11d: {  	v61 =	vld [tilespmem:s17+$0x18FB0];
	[tilespmem:s15+$0x1C3A0] =	vst v0  }
0x11e: {  	v0 =	vld [tilespmem:s17+$0x18FC0]  }
0x11f: {  	v7 =	vld [tilespmem:s17+$0x18FD0];
	_ =	sdelay $0x1  }
0x120: {  	v1 =	vpack.i.f32.bf16 v6, v1  }
0x121: {  	[tilespmem:s17+$0x1C3B0] =	vst v1;
	v62 =	vpack.i.f32.bf16 v60, v5  }
0x122: {  	[tilespmem:s17+$0x1C380] =	vst v62;
	v63 =	vpack.i.f32.bf16 v61, v2  }
0x123: {  	[tilespmem:s17+$0x1C390] =	vst v63;
	v0 =	vpack.i.f32.bf16 v7, v0  }
0x124: {  	s24 =	sadd.s32 $0x27000, s8;
	[tilespmem:s17+$0x1C3A0] =	vst v0  }
0x125: {  	[hbm4b:s24+s3] =	stream.linear.scatter [tilespmem:s28], [sflag:$0x5], $0x800, $0x38;
	[tilespmem:$0x1F780] =	vst v63  }
0x126: {  	_ =	swait.ge [sflag:s26], $0x800  }
0x127: {  	[sflag:s26] =	ssyncset.done $0x0  }
0x128: {  	[sflag:s26] =	ssyncadd.s32 $0xFFFFF800  }
.LBB2_17:
0x129: {  	s15 =	simm.s32 $0x0;
	s4 =	rddreg [dreg:$0x1]  }
0x12a: {  	[tilespmem:s25], [sflag:$0x5] =	stream.linear.gather [hbm4b:s4+s15], $0x3400, $0x38;
	[tilespmem:$0x1F780] =	vst v63  }
0x12b: {  	_ =	swait.ge [sflag:s26], $0x3400  }
0x12c: {  	[sflag:s26] =	ssyncset.done $0x0  }
0x12d: {  	s15 =	simm.s32 $0x0;
	[sflag:s26] =	ssyncadd.s32 $0xFFFFCC00  }
0x12e: {  	v1 =	vld [tilespmem:s15+$0x18FE0]  }
0x12f: {  	v4 =	vld [tilespmem:s15+$0x18FF0]  }
0x130: {  	v5 =	vld [tilespmem:s15+$0x18F80]  }
0x131: {  	v6 =	vld [tilespmem:s15+$0x18F90]  }
0x132: {  	v2 =	vld [tilespmem:s15+$0x18FA0]  }
0x133: {  	v3 =	vld [tilespmem:s15+$0x18FB0]  }
0x134: {  	v0 =	vld [tilespmem:s15+$0x18FC0];
	v1 =	vpack.i.f32.bf16 v4, v1  }
0x135: {  	s17 =	simm.s32 $0x80;
	v4 =	vld [tilespmem:s15+$0x18FD0];
	[tilespmem:s15+$0x76B0] =	vst v1  }
0x136: {  	s19 =	simm.s32 $0x400;
	v5 =	vpack.i.f32.bf16 v6, v5;
	v1 =	vld [tilespmem:s17+$0x18FE0]  }
.LBB2_18:
0x137: {  	p1 =	sne.s32 s19, $0xCE00;
	v6 =	vld [tilespmem:s17+$0x18FF0];
	[tilespmem:s15+$0x7680] =	vst v5  }
0x138: {  	v5 =	vld [tilespmem:s17+$0x18F80];
	v2 =	vpack.i.f32.bf16 v3, v2  }
0x139: {  	v7 =	vld [tilespmem:s17+$0x18F90];
	[tilespmem:s15+$0x7690] =	vst v2  }
.Ltmp10:
0x13a: {  	v2 =	vld [tilespmem:s17+$0x18FA0];
	v0 =	vpack.i.f32.bf16 v4, v0;
	(pc) =	sbr.rel @p1 .LBB2_18-.Ltmp10, $4  }
0x13b: {  	v3 =	vld [tilespmem:s17+$0x18FB0];
	[tilespmem:s15+$0x76A0] =	vst v0;
	s15 =	smov.u32 s17  }
0x13c: {  	v0 =	vld [tilespmem:s15+$0x18FC0];
	v1 =	vpack.i.f32.bf16 v6, v1  }
0x13d: {  	s17 =	sshra.s32 s19, $0x2;
	v4 =	vld [tilespmem:s15+$0x18FD0];
	[tilespmem:s15+$0x76B0] =	vst v1  }
0x13e: {  	s19 =	sadd.s32 $0x200, s19;
	v1 =	vld [tilespmem:s17+$0x18FE0];
	v5 =	vpack.i.f32.bf16 v7, v5  }
0x13f: {  	v6 =	vld [tilespmem:s17+$0x18FF0];
	[tilespmem:s15+$0x7680] =	vst v5  }
0x140: {  	v5 =	vld [tilespmem:s17+$0x18F80];
	v2 =	vpack.i.f32.bf16 v3, v2  }
0x141: {  	v3 =	vld [tilespmem:s17+$0x18F90];
	[tilespmem:s15+$0x7690] =	vst v2  }
0x142: {  	v2 =	vld [tilespmem:s17+$0x18FA0];
	v0 =	vpack.i.f32.bf16 v4, v0  }
0x143: {  	v4 =	vld [tilespmem:s17+$0x18FB0];
	[tilespmem:s15+$0x76A0] =	vst v0  }
0x144: {  	v0 =	vld [tilespmem:s17+$0x18FC0]  }
0x145: {  	v7 =	vld [tilespmem:s17+$0x18FD0];
	_ =	sdelay $0x1  }
0x146: {  	v1 =	vpack.i.f32.bf16 v6, v1  }
0x147: {  	[tilespmem:s17+$0x76B0] =	vst v1;
	v1 =	vpack.i.f32.bf16 v3, v5  }
0x148: {  	[tilespmem:s17+$0x7680] =	vst v1;
	v1 =	vpack.i.f32.bf16 v4, v2  }
0x149: {  	[tilespmem:s17+$0x7690] =	vst v1;
	v0 =	vpack.i.f32.bf16 v7, v0  }
0x14a: {  	s24 =	simm.s32 $0x0;
	s4 =	rddreg [dreg:$0xd];
	[tilespmem:s17+$0x76A0] =	vst v0  }
0x14b: {  	[tilespmem:s25], [sflag:$0x5] =	stream.linear.gather [hbm4b:s4+s24], $0x3400, $0x38;
	[tilespmem:$0x1F780] =	vst v63  }
0x14c: {  	_ =	swait.ge [sflag:s26], $0x3400  }
0x14d: {  	[sflag:s26] =	ssyncset.done $0x0  }
0x14e: {  	s15 =	simm.s32 $0x0;
	[sflag:s26] =	ssyncadd.s32 $0xFFFFCC00  }
0x14f: {  	v1 =	vld [tilespmem:s15+$0x18FE0]  }
0x150: {  	v4 =	vld [tilespmem:s15+$0x18FF0]  }
0x151: {  	v5 =	vld [tilespmem:s15+$0x18F80]  }
0x152: {  	v6 =	vld [tilespmem:s15+$0x18F90]  }
0x153: {  	v2 =	vld [tilespmem:s15+$0x18FA0]  }
0x154: {  	v3 =	vld [tilespmem:s15+$0x18FB0]  }
0x155: {  	v0 =	vld [tilespmem:s15+$0x18FC0];
	v1 =	vpack.i.f32.bf16 v4, v1  }
0x156: {  	s17 =	simm.s32 $0x80;
	v4 =	vld [tilespmem:s15+$0x18FD0];
	[tilespmem:s15+$0xAAB0] =	vst v1  }
0x157: {  	s19 =	simm.s32 $0x400;
	v5 =	vpack.i.f32.bf16 v6, v5;
	v1 =	vld [tilespmem:s17+$0x18FE0]  }
.LBB2_20:
0x158: {  	p1 =	sne.s32 s19, $0xCE00;
	v6 =	vld [tilespmem:s17+$0x18FF0];
	[tilespmem:s15+$0xAA80] =	vst v5  }
0x159: {  	v5 =	vld [tilespmem:s17+$0x18F80];
	v2 =	vpack.i.f32.bf16 v3, v2  }
0x15a: {  	v7 =	vld [tilespmem:s17+$0x18F90];
	[tilespmem:s15+$0xAA90] =	vst v2  }
.Ltmp11:
0x15b: {  	v2 =	vld [tilespmem:s17+$0x18FA0];
	v0 =	vpack.i.f32.bf16 v4, v0;
	(pc) =	sbr.rel @p1 .LBB2_20-.Ltmp11, $4  }
0x15c: {  	v3 =	vld [tilespmem:s17+$0x18FB0];
	[tilespmem:s15+$0xAAA0] =	vst v0;
	s15 =	smov.u32 s17  }
0x15d: {  	v0 =	vld [tilespmem:s15+$0x18FC0];
	v1 =	vpack.i.f32.bf16 v6, v1  }
0x15e: {  	s17 =	sshra.s32 s19, $0x2;
	v4 =	vld [tilespmem:s15+$0x18FD0];
	[tilespmem:s15+$0xAAB0] =	vst v1  }
0x15f: {  	s19 =	sadd.s32 $0x200, s19;
	v1 =	vld [tilespmem:s17+$0x18FE0];
	v5 =	vpack.i.f32.bf16 v7, v5  }
0x160: {  	v6 =	vld [tilespmem:s17+$0x18FF0];
	[tilespmem:s15+$0xAA80] =	vst v5  }
0x161: {  	v5 =	vld [tilespmem:s17+$0x18F80];
	v2 =	vpack.i.f32.bf16 v3, v2  }
0x162: {  	v3 =	vld [tilespmem:s17+$0x18F90];
	[tilespmem:s15+$0xAA90] =	vst v2  }
0x163: {  	v2 =	vld [tilespmem:s17+$0x18FA0];
	v0 =	vpack.i.f32.bf16 v4, v0  }
0x164: {  	v4 =	vld [tilespmem:s17+$0x18FB0];
	[tilespmem:s15+$0xAAA0] =	vst v0  }
0x165: {  	v0 =	vld [tilespmem:s17+$0x18FC0]  }
0x166: {  	v7 =	vld [tilespmem:s17+$0x18FD0];
	_ =	sdelay $0x1  }
0x167: {  	v1 =	vpack.i.f32.bf16 v6, v1  }
0x168: {  	[tilespmem:s17+$0xAAB0] =	vst v1;
	v1 =	vpack.i.f32.bf16 v3, v5  }
0x169: {  	[tilespmem:s17+$0xAA80] =	vst v1;
	v1 =	vpack.i.f32.bf16 v4, v2  }
0x16a: {  	[tilespmem:s17+$0xAA90] =	vst v1;
	v0 =	vpack.i.f32.bf16 v7, v0  }
0x16b: {  	s24 =	simm.s32 $0x0;
	s4 =	rddreg [dreg:$0xe];
	[tilespmem:s17+$0xAAA0] =	vst v0  }
0x16c: {  	[tilespmem:s25], [sflag:$0x5] =	stream.linear.gather [hbm4b:s4+s24], $0xE80, $0x38;
	[tilespmem:$0x1F780] =	vst v63  }
0x16d: {  	_ =	swait.ge [sflag:s26], $0xE80  }
0x16e: {  	[sflag:s26] =	ssyncset.done $0x0  }
0x16f: {  	s15 =	simm.s32 $0x0;
	[sflag:s26] =	ssyncadd.s32 $0xFFFFF180  }
0x170: {  	v1 =	vld [tilespmem:s15+$0x18FE0]  }
0x171: {  	v4 =	vld [tilespmem:s15+$0x18FF0]  }
0x172: {  	v5 =	vld [tilespmem:s15+$0x18F80]  }
0x173: {  	v6 =	vld [tilespmem:s15+$0x18F90]  }
0x174: {  	v2 =	vld [tilespmem:s15+$0x18FA0]  }
0x175: {  	v3 =	vld [tilespmem:s15+$0x18FB0]  }
0x176: {  	v0 =	vld [tilespmem:s15+$0x18FC0];
	v1 =	vpack.i.f32.bf16 v4, v1  }
0x177: {  	s17 =	simm.s32 $0x80;
	v4 =	vld [tilespmem:s15+$0x18FD0];
	[tilespmem:s15+$0xDEB0] =	vst v1  }
0x178: {  	s19 =	simm.s32 $0x400;
	v5 =	vpack.i.f32.bf16 v6, v5;
	v1 =	vld [tilespmem:s17+$0x18FE0]  }
.LBB2_22:
0x179: {  	p1 =	sne.s32 s19, $0x3800;
	v6 =	vld [tilespmem:s17+$0x18FF0];
	[tilespmem:s15+$0xDE80] =	vst v5  }
0x17a: {  	v5 =	vld [tilespmem:s17+$0x18F80];
	v2 =	vpack.i.f32.bf16 v3, v2  }
0x17b: {  	v7 =	vld [tilespmem:s17+$0x18F90];
	[tilespmem:s15+$0xDE90] =	vst v2  }
.Ltmp12:
0x17c: {  	v2 =	vld [tilespmem:s17+$0x18FA0];
	v0 =	vpack.i.f32.bf16 v4, v0;
	(pc) =	sbr.rel @p1 .LBB2_22-.Ltmp12, $4  }
0x17d: {  	v3 =	vld [tilespmem:s17+$0x18FB0];
	[tilespmem:s15+$0xDEA0] =	vst v0;
	s15 =	smov.u32 s17  }
0x17e: {  	v0 =	vld [tilespmem:s15+$0x18FC0];
	v1 =	vpack.i.f32.bf16 v6, v1  }
0x17f: {  	s17 =	sshra.s32 s19, $0x2;
	v4 =	vld [tilespmem:s15+$0x18FD0];
	[tilespmem:s15+$0xDEB0] =	vst v1  }
0x180: {  	s19 =	sadd.s32 $0x200, s19;
	v1 =	vld [tilespmem:s17+$0x18FE0];
	v5 =	vpack.i.f32.bf16 v7, v5  }
0x181: {  	v6 =	vld [tilespmem:s17+$0x18FF0];
	[tilespmem:s15+$0xDE80] =	vst v5  }
0x182: {  	v5 =	vld [tilespmem:s17+$0x18F80];
	v2 =	vpack.i.f32.bf16 v3, v2  }
0x183: {  	v60 =	vld [tilespmem:s17+$0x18F90];
	[tilespmem:s15+$0xDE90] =	vst v2  }
0x184: {  	v2 =	vld [tilespmem:s17+$0x18FA0];
	v0 =	vpack.i.f32.bf16 v4, v0  }
0x185: {  	v61 =	vld [tilespmem:s17+$0x18FB0];
	[tilespmem:s15+$0xDEA0] =	vst v0  }
0x186: {  	v0 =	vld [tilespmem:s17+$0x18FC0]  }
0x187: {  	v7 =	vld [tilespmem:s17+$0x18FD0];
	_ =	sdelay $0x1  }
0x188: {  	v1 =	vpack.i.f32.bf16 v6, v1  }
0x189: {  	[tilespmem:s17+$0xDEB0] =	vst v1;
	v62 =	vpack.i.f32.bf16 v60, v5  }
0x18a: {  	[tilespmem:s17+$0xDE80] =	vst v62;
	v63 =	vpack.i.f32.bf16 v61, v2  }
0x18b: {  	[tilespmem:s17+$0xDE90] =	vst v63;
	v0 =	vpack.i.f32.bf16 v7, v0  }
0x18c: {  	s4 =	rddreg [dreg:$0xf];
	s15 =	simm.s32 $0x0;
	[tilespmem:s17+$0xDEA0] =	vst v0  }
0x18d: {  	[tilespmem:s15], [sflag:$0x5] =	stream.linear.gather [hbm4b:s4+s15], $0x2710, $0x38;
	[tilespmem:$0x1F780] =	vst v63  }
0x18e: {  	_ =	swait.ge [sflag:s26], $0x2710  }
0x18f: {  	[sflag:s26] =	ssyncset.done $0x0  }
0x190: {  	s17 =	simm.s32 $0x2780;
	s23 =	rddreg [dreg:$0x10];
	[sflag:s26] =	ssyncadd.s32 $0xFFFFD8F0  }
0x191: {  	[tilespmem:s17], [sflag:$0x5] =	stream.linear.gather [hbm4b:s23+s15], $0x2710, $0x38;
	[tilespmem:$0x1F780] =	vst v63  }
0x192: {  	_ =	swait.ge [sflag:s26], $0x2710  }
0x193: {  	[sflag:s26] =	ssyncset.done $0x0  }
0x194: {  	s24 =	simm.s32 $0x4F00;
	[sflag:s26] =	ssyncadd.s32 $0xFFFFD8F0  }
0x195: {  	[tilespmem:s24], [sflag:$0x5] =	stream.linear.gather [hbm4b:s21+s15], $0x2710, $0x38;
	[tilespmem:$0x1F780] =	vst v63  }
0x196: {  	_ =	swait.ge [sflag:s26], $0x2710  }
0x197: {  	[sflag:s26] =	ssyncset.done $0x0  }
.Ltmp13:
0x198: {  	[sflag:s26] =	ssyncadd.s32 $0xFFFFD8F0;
	(pc) =	sbr.rel .LBB2_24-.Ltmp13, $4  }
0x199: {  	[bflag:$0x0] =	sbarrier.arrive $0xFFFF  }
0x19a: {  	[tilespmem:s31], [sflag:$0x1] =	stream.indirect.gather [hbm4b:s8+s30], $0x80, s15, s30, $0xb8;
	[tilespmem:$0x1F780] =	vst v63  }
0x19b: {  	_ = 	snop  }
0x19c: {  	[tilespmem:s0], [sflag:$0x1] =	stream.indirect.gather [hbm4b:s8+s30], $0x80, s24, s30, $0xb8;
	[tilespmem:$0x1F780] =	vst v63  }
.LBB2_31:
0x19d: {  	s15 =	sadd.s32 $0x1, s15  }
0x19e: {  	p1 =	sne.s32 s15, $0x7D  }
.Ltmp14:
0x19f: {  	_ = 	snop;
	(pc) =	sbr.rel @!p1 .LBB2_32-.Ltmp14, $2  }
0x1a0: {  	_ =	sdelay $0x2  }
0x1a1: {  	s17 =	sadd.s32 $0x50, s17  }
.LBB2_24:
0x1a2: {  	s19 =	sand.u32 $0x1, s15  }
0x1a3: {  	p2 =	seq.s32 s19, $0x1  }
.Ltmp15:
0x1a4: {  	_ = 	snop;
	(pc) =	sbr.rel @!p2 .LBB2_25-.Ltmp15, $2  }
0x1a5: {  	_ =	sdelay $0x2  }
0x1a6: {  	p1 =	slt.u32 s15, $0x2  }
0x1a7: {  	s4 =	simm.s32 @!p1 $0x4  }
0x1a8: {  	_ =	swait.ge @!p1 [sflag:s4], $0x50  }
0x1a9: {  	[sflag:s4] =	ssyncset.done @!p1 $0x0  }
0x1aa: {  	[sflag:s4] =	ssyncadd.s32 @!p1 $0xFFFFFFB0  }
0x1ab: {  	_ =	swait.ge [sflag:s18], $0x2800  }
0x1ac: {  	[sflag:s18] =	ssyncset.done $0x0  }
0x1ad: {  	[sflag:s18] =	ssyncadd.s32 $0xFFFFD800  }
0x1ae: {  	s19 =	smul.u32 $0x50, s15;
	_ =	swait.ge [sflag:s18], $0x2800  }
0x1af: {  	[sflag:s18] =	ssyncset.done $0x0  }
0x1b0: {  	s20 =	simm.s32 $0x0;
	s23 =	sadd.s32 $0x50, s19;
	[sflag:s18] =	ssyncadd.s32 $0xFFFFD800  }
0x1b1: {  	v0 =	vmov s17;
	[tilespmem:s31], [sflag:$0x1] =	stream.indirect.gather [hbm4b:s8+s30], $0x80, s23, s30, $0xb8;
	[tilespmem:$0x1F780] =	vst v63  }
0x1b2: {  	s22 =	simm.s32 $0x11A80;
	s24 =	sadd.s32 $0x4F50, s19;
	[tilespmem:$0x1FF40] =	vst v0;
	s23 =	simm.s32 $0x16A80  }
0x1b3: {  	[tilespmem:s0], [sflag:$0x1] =	stream.indirect.gather [hbm4b:s8+s30], $0x80, s24, s30, $0xb8;
	[tilespmem:$0x1F780] =	vst v63  }
.LBB2_29:
0x1b4: {  	v0 =	vld [tilespmem:$0x1FF40]  }
0x1b5: {  	v5 =	vld [tilespmem:s22+$0xFFFFFC00]  }
0x1b6: {  	v7 =	vld [tilespmem:s23+$0xFFFFFC00]  }
0x1b7: {  	v8 =	vld [tilespmem:s22+$0xFFFFFC10]  }
0x1b8: {  	v10 =	vld [tilespmem:s23+$0xFFFFFC10]  }
0x1b9: {  	v11 =	vld [tilespmem:s22+$0xFFFFFC20]  }
0x1ba: {  	v14 =	vld [tilespmem:s23+$0xFFFFFC20]  }
0x1bb: {  	s24 =	sshra.s32 s20, $0x2;
	v18 =	vld [tilespmem:s22+$0xFFFFFC30]  }
0x1bc: {  	v1 =	vld.idx.msk [tilespmem:v0+s24+$0x0 ss:$0x1], $0xffff  }
0x1bd: {  	v20 =	vld [tilespmem:s23+$0xFFFFFC30]  }
0x1be: {  	v23 =	vld [tilespmem:s22+$0xFFFFFC80]  }
0x1bf: {  	v29 =	vld [tilespmem:s23+$0xFFFFFC80]  }
0x1c0: {  	v30 =	vld [tilespmem:s22+$0xFFFFFC90]  }
0x1c1: {  	v33 =	vld [tilespmem:s23+$0xFFFFFC90];
	v1 =	vshll.u32 v1, $0x9  }
0x1c2: {  	v38 =	vld [tilespmem:s22+$0xFFFFFCA0];
	v1 =	vshra.s32 v1, $0x2  }
0x1c3: {  	v40 =	vld [tilespmem:s23+$0xFFFFFCA0];
	(v2sf) =	vpush v1, $0x0  }
0x1c4: {  	v42 =	vld [tilespmem:s22+$0xFFFFFCB0]  }
0x1c5: {  	v48 =	vld [tilespmem:s23+$0xFFFFFCB0]  }
0x1c6: {  	v50 =	vld [tilespmem:s22+$0xFFFFFD00]  }
0x1c7: {  	v60 =	vld [tilespmem:s23+$0xFFFFFD00];
	(v2sf) =	vpush v1, $0x1  }
0x1c8: {  	v61 =	vld [tilespmem:s22+$0xFFFFFD10]  }
0x1c9: {  	v63 =	vld [tilespmem:s23+$0xFFFFFD10]  }
0x1ca: {  	v3 =	vld [tilespmem:s22+$0xFFFFFD20]  }
0x1cb: {  	v12 =	vld [tilespmem:s23+$0xFFFFFD20]  }
0x1cc: {  	v15 =	vld [tilespmem:s22+$0xFFFFFD30]  }
0x1cd: {  	v16 =	vld [tilespmem:s23+$0xFFFFFD30]  }
0x1ce: {  	v41 =	vld [tilespmem:s22+$0xFFFFFD80]  }
0x1cf: {  	v24 =	vld [tilespmem:s23+$0xFFFFFD80]  }
0x1d0: {  	v22 =	vld [tilespmem:s22+$0xFFFFFD90]  }
0x1d1: {  	v26 =	vld [tilespmem:s23+$0xFFFFFD90]  }
0x1d2: {  	v25 =	vld [tilespmem:s22+$0xFFFFFDA0];
	s4 =	spop (v2sf);
	(v2sf) =	vpush v1, $0x2  }
0x1d3: {  	v6 =	vld [tilespmem:s4+$0x7680]  }
0x1d4: {  	v9 =	vld [tilespmem:s4+$0x7690]  }
0x1d5: {  	v13 =	vld [tilespmem:s4+$0x76A0]  }
0x1d6: {  	v19 =	vld [tilespmem:s4+$0x76B0];
	s4 =	spop (v2sf);
	(v2sf) =	vpush v1, $0x3  }
0x1d7: {  	v58 =	vld [tilespmem:s23+$0xFFFFFDA0]  }
0x1d8: {  	v55 =	vld [tilespmem:s22+$0xFFFFFDB0]  }
0x1d9: {  	v53 =	vld [tilespmem:s23+$0xFFFFFDB0]  }
0x1da: {  	v52 =	vld [tilespmem:s22+$0xFFFFFE00]  }
0x1db: {  	v45 =	vld [tilespmem:s23+$0xFFFFFE00]  }
0x1dc: {  	v56 =	vld [tilespmem:s22+$0xFFFFFE10]  }
0x1dd: {  	v49 =	vld [tilespmem:s23+$0xFFFFFE10]  }
0x1de: {  	v28 =	vld [tilespmem:s4+$0x7680]  }
0x1df: {  	v32 =	vld [tilespmem:s4+$0x7690]  }
0x1e0: {  	v39 =	vld [tilespmem:s4+$0x76A0]  }
0x1e1: {  	v43 =	vld [tilespmem:s4+$0x76B0];
	s4 =	spop (v2sf);
	(v2sf) =	vpush v1, $0x4  }
0x1e2: {  	v51 =	vld [tilespmem:s4+$0x7680]  }
0x1e3: {  	v62 =	vld [tilespmem:s4+$0x7690]  }
0x1e4: {  	v2 =	vld [tilespmem:s4+$0x76A0]  }
0x1e5: {  	v4 =	vld [tilespmem:s4+$0x76B0];
	s4 =	spop (v2sf);
	(v2sf) =	vpush v1, $0x5  }
0x1e6: {  	v46 =	vld [tilespmem:s22+$0xFFFFFE20]  }
0x1e7: {  	v0 =	vld [tilespmem:s23+$0xFFFFFE90]  }
0x1e8: {  	v37 =	vld [tilespmem:s23+$0xFFFFFE20]  }
0x1e9: {  	v34 =	vld [tilespmem:s22+$0xFFFFFE30]  }
0x1ea: {  	v35 =	vld [tilespmem:s23+$0xFFFFFE30]  }
0x1eb: {  	v27 =	vld [tilespmem:s23+$0xFFFFFE80]  }
0x1ec: {  	[tilespmem:$0x1FEF0] =	vst v0;
	v0 =	vld [tilespmem:s22+$0xFFFFFEA0]  }
0x1ed: {  	v21 =	vld [tilespmem:s4+$0x7680]  }
0x1ee: {  	v17 =	vld [tilespmem:s4+$0x7690]  }
0x1ef: {  	v44 =	vld [tilespmem:s4+$0x76A0]  }
0x1f0: {  	v59 =	vld [tilespmem:s4+$0x76B0];
	s4 =	spop (v2sf)  }
0x1f1: {  	(v2sf) =	vpush v1, $0x6;
	v54 =	vld [tilespmem:s4+$0x7680]  }
0x1f2: {  	v57 =	vld [tilespmem:s4+$0x7690]  }
0x1f3: {  	v47 =	vld [tilespmem:s4+$0x76A0]  }
0x1f4: {  	v36 =	vld [tilespmem:s4+$0x76B0];
	s4 =	spop (v2sf)  }
0x1f5: {  	[tilespmem:$0x1FED0] =	vst v0;
	v0 =	vld [tilespmem:s4+$0x76A0]  }
0x1f6: {  	v31 =	vld [tilespmem:s22+$0xFFFFFE80];
	(v2sf) =	vpush v1, $0x7  }
0x1f7: {  	[tilespmem:$0x1FEB0] =	vst v27;
	v27 =	vld [tilespmem:s22+$0xFFFFFE90]  }
0x1f8: {  	v9 =	vmul.bf16 v9, v8;
	v8 =	vld [tilespmem:s23+$0xFFFFFEB0]  }
0x1f9: {  	v18 =	vmul.bf16 v19, v18;
	v19 =	vld [tilespmem:s22+$0xFFFFFF30]  }
0x1fa: {  	[tilespmem:$0x1FEE0] =	vst v0;
	v0 =	vld [tilespmem:s23+$0xFFFFFEA0]  }
0x1fb: {  	v10 =	vmul.bf16 v10, v9;
	v9 =	vld [tilespmem:s22+$0xFFFFFF00]  }
0x1fc: {  	v25 =	vmul.bf16 v44, v25;
	v44 =	vld [tilespmem:s23+$0x0]  }
0x1fd: {  	[tilespmem:$0x1FEA0] =	vst v35;
	v35 =	vld [tilespmem:s4+$0x7680]  }
0x1fe: {  	[tilespmem:$0x1FEC0] =	vst v27;
	v27 =	vld [tilespmem:s4+$0x7690]  }
0x1ff: {  	v11 =	vmul.bf16 v13, v11;
	[tilespmem:$0x1FF00] =	vst v0;
	v0 =	vld [tilespmem:s22+$0xFFFFFEB0]  }
0x200: {  	v6 =	vmul.bf16 v6, v5;
	v23 =	vmul.bf16 v28, v23;
	v5 =	vld [tilespmem:s4+$0x76B0];
	s4 =	spop (v2sf)  }
0x201: {  	v28 =	vmul.bf16 v32, v30;
	v11 =	vmul.bf16 v14, v11;
	v14 =	vld [tilespmem:s4+$0x7690]  }
0x202: {  	v20 =	vmul.bf16 v20, v18;
	v18 =	vld [tilespmem:s4+$0x76A0]  }
0x203: {  	v23 =	vmul.bf16 v29, v23;
	v29 =	vmul.bf16 v33, v28;
	v28 =	vld [tilespmem:s4+$0x76B0]  }
0x204: {  	[tilespmem:$0x1FF10] =	vst v0;
	v0 =	vmul.bf16 v7, v6;
	v6 =	vld [tilespmem:s23+$0xFFFFFF00]  }
0x205: {  	v13 =	vunpack.i.l.bf16.f32 v10;
	v7 =	vld [tilespmem:s4+$0x7680];
	s4 =	spop (v2sf)  }
0x206: {  	v10 =	vunpack.i.u.bf16.f32 v10;
	[tilespmem:$0x1FF20] =	vst v9;
	v30 =	vld [tilespmem:s4+$0x7680];
	v9 =	vunpack.i.l.bf16.f32 v0;
	v0 =	vunpack.i.u.bf16.f32 v0  }
0x207: {  	v32 =	vunpack.i.u.bf16.f32 v11;
	v13 =	vadd.f32 v13, v9;
	v9 =	vld [tilespmem:s22+$0xFFFFFF10];
	v0 =	vadd.f32 v10, v0  }
0x208: {  	v11 =	vunpack.i.l.bf16.f32 v11;
	v33 =	vunpack.i.l.bf16.f32 v20;
	(v2sf) =	vpush v1, $0x8;
	v10 =	vld [tilespmem:s23+$0xFFFFFF10]  }
0x209: {  	v20 =	vunpack.i.u.bf16.f32 v20;
	[tilespmem:$0x1FF30] =	vst v6;
	v6 =	vld [tilespmem:s22+$0xFFFFFF20];
	v13 =	vadd.f32 v11, v13;
	v0 =	vadd.f32 v32, v0  }
0x20a: {  	v51 =	vmul.bf16 v51, v50;
	v11 =	vld [tilespmem:s23+$0xFFFFFF20];
	v32 =	vmul.bf16 v39, v38;
	v38 =	vunpack.i.l.bf16.f32 v29  }
0x20b: {  	v13 =	vadd.f32 v33, v13;
	v33 =	vunpack.i.l.bf16.f32 v23;
	v0 =	vadd.f32 v20, v0;
	v20 =	vld [tilespmem:s23+$0xFFFFFF30]  }
0x20c: {  	v33 =	vadd.f32 v38, v33;
	v38 =	vmul.bf16 v43, v42;
	v43 =	vunpack.i.u.bf16.f32 v23;
	v23 =	vld [tilespmem:s22+$0xFFFFFF80]  }
0x20d: {  	v32 =	vmul.bf16 v40, v32;
	v40 =	vmul.bf16 v60, v51;
	v42 =	vld [tilespmem:s22+$0xFFFFFFA0]  }
0x20e: {  	v29 =	vunpack.i.u.bf16.f32 v29;
	v51 =	vmul.bf16 v62, v61;
	v9 =	vmul.bf16 v14, v9;
	v14 =	vld [tilespmem:s22+$0x100]  }
0x20f: {  	v39 =	vadd.f32 v29, v43;
	v29 =	vld [tilespmem:s23+$0xFFFFFF80]  }
0x210: {  	v51 =	vmul.bf16 v63, v51;
	v62 =	vunpack.i.u.bf16.f32 v40;
	v63 =	vunpack.i.l.bf16.f32 v40;
	v40 =	vld [tilespmem:s22+$0xFFFFFFB0]  }
0x211: {  	v50 =	vunpack.i.l.bf16.f32 v32;
	v32 =	vunpack.i.u.bf16.f32 v32;
	v43 =	vld [tilespmem:s22+$0x0];
	v38 =	vmul.bf16 v48, v38  }
0x212: {  	v33 =	vadd.f32 v50, v33;
	v39 =	vadd.f32 v32, v39;
	v32 =	vld [tilespmem:s22+$0xFFFFFF90]  }
0x213: {  	v48 =	vunpack.i.u.bf16.f32 v38;
	v50 =	vunpack.i.l.bf16.f32 v38;
	v38 =	vld [tilespmem:s4+$0x7690]  }
0x214: {  	v60 =	vadd.f32 v50, v33;
	v33 =	vld [tilespmem:s23+$0xFFFFFF90]  }
0x215: {  	v2 =	vmul.bf16 v2, v3;
	(v2sf) =	vpush v1, $0x9;
	v50 =	vld [tilespmem:s4+$0x76A0]  }
0x216: {  	v4 =	vmul.bf16 v4, v15;
	v3 =	vadd.f32 v48, v39;
	v39 =	vunpack.i.l.bf16.f32 v51;
	v48 =	vld [tilespmem:s4+$0x76B0]  }
0x217: {  	v2 =	vmul.bf16 v12, v2;
	v15 =	vadd.f32 v39, v63;
	v39 =	vld [tilespmem:s23+$0xFFFFFFA0]  }
0x218: {  	v4 =	vmul.bf16 v16, v4;
	v61 =	vunpack.i.u.bf16.f32 v51;
	s4 =	spop (v2sf);
	v63 =	vmul.bf16 v21, v41;
	v41 =	vld [tilespmem:s23+$0xFFFFFFB0]  }
0x219: {  	v12 =	vadd.f32 v61, v62;
	v62 =	vunpack.i.u.bf16.f32 v2;
	v2 =	vunpack.i.l.bf16.f32 v2;
	v51 =	vld [tilespmem:s4+$0x7680]  }
0x21a: {  	v21 =	vmul.bf16 v17, v22;
	v3 =	vadd.f32 v60, v3;
	v60 =	vmul.bf16 v59, v55;
	v55 =	vld [tilespmem:s22+$0x10]  }
0x21b: {  	v2 =	vadd.f32 v2, v15;
	v15 =	vmul.bf16 v24, v63;
	v63 =	vmul.bf16 v54, v52;
	v52 =	vld [tilespmem:s22+$0x20]  }
0x21c: {  	v54 =	vld [tilespmem:s4+$0x76A0]  }
0x21d: {  	v22 =	vunpack.i.u.bf16.f32 v4;
	v4 =	vunpack.i.l.bf16.f32 v4;
	v24 =	vmul.bf16 v26, v21;
	v21 =	vld [tilespmem:s23+$0x80]  }
0x21e: {  	v12 =	vadd.f32 v62, v12;
	v62 =	vmul.bf16 v53, v60;
	v53 =	vld [tilespmem:s23+$0x10];
	v2 =	vadd.f32 v4, v2  }
0x21f: {  	v4 =	vadd.f32 v13, v0;
	v13 =	vmul.bf16 v58, v25;
	v16 =	vunpack.i.l.bf16.f32 v24;
	v58 =	vld [tilespmem:s4+$0x7690]  }
0x220: {  	v0 =	vunpack.i.u.bf16.f32 v24;
	v24 =	vmul.bf16 v57, v56;
	v56 =	vmul.bf16 v47, v46;
	v46 =	vld [tilespmem:s22+$0x30]  }
0x221: {  	v12 =	vadd.f32 v22, v12;
	v47 =	vld [tilespmem:s4+$0x76B0]  }
0x222: {  	v26 =	vunpack.i.l.bf16.f32 v15;
	v15 =	vunpack.i.u.bf16.f32 v15;
	v48 =	vmul.bf16 v48, v40;
	v40 =	vld [tilespmem:s22+$0x1A0]  }
0x223: {  	v2 =	vadd.f32 v2, v12;
	v12 =	vadd.f32 v16, v26;
	v26 =	vmul.bf16 v45, v63;
	v45 =	vld [tilespmem:s23+$0x20]  }
0x224: {  	s4 =	spop (v2sf);
	v25 =	vunpack.i.u.bf16.f32 v62;
	v16 =	vunpack.i.l.bf16.f32 v62;
	v62 =	vmul.bf16 v36, v34;
	v34 =	vld [tilespmem:s22+$0x80]  }
0x225: {  	v0 =	vadd.f32 v0, v15;
	v49 =	vmul.bf16 v49, v24;
	v24 =	vmul.bf16 v35, v31;
	v31 =	vld [tilespmem:s4+$0x7680]  }
0x226: {  	v61 =	vunpack.i.u.bf16.f32 v13;
	v35 =	vld [tilespmem:$0x1FEC0]  }
0x227: {  	v0 =	vadd.f32 v61, v0;
	v61 =	vmul.bf16 v37, v56;
	v37 =	vld [tilespmem:s23+$0x30]  }
0x228: {  	(v2sf) =	vpush v1, $0xA;
	v56 =	vld [tilespmem:$0x1FEE0]  }
0x229: {  	v13 =	vunpack.i.l.bf16.f32 v13;
	v57 =	vunpack.i.l.bf16.f32 v26;
	v15 =	vunpack.i.u.bf16.f32 v26;
	v26 =	vld [tilespmem:$0x1FEB0]  }
0x22a: {  	v12 =	vadd.f32 v13, v12;
	v59 =	vunpack.i.l.bf16.f32 v49;
	v17 =	vunpack.i.u.bf16.f32 v49;
	v49 =	vld [tilespmem:$0x1FED0]  }
0x22b: {  	v0 =	vadd.f32 v25, v0;
	v15 =	vadd.f32 v17, v15;
	v25 =	vld [tilespmem:$0x1FEA0]  }
0x22c: {  	v60 =	vadd.f32 v59, v57;
	v57 =	vld [tilespmem:$0x1FEF0];
	v12 =	vadd.f32 v16, v12;
	v16 =	vunpack.i.u.bf16.f32 v61  }
0x22d: {  	v63 =	vunpack.i.l.bf16.f32 v61;
	v15 =	vadd.f32 v16, v15;
	v16 =	vmul.bf16 v27, v35;
	v27 =	vld [tilespmem:s4+$0x7690]  }
0x22e: {  	v13 =	vadd.f32 v63, v60;
	v60 =	vld [tilespmem:$0x1FF00]  }
0x22f: {  	v35 =	vld [tilespmem:s22+$0xA0]  }
0x230: {  	v31 =	vmul.bf16 v31, v34;
	v34 =	vld [tilespmem:s23+$0x1B0]  }
0x231: {  	v22 =	vmul.bf16 v26, v24;
	v24 =	vld [tilespmem:s22+$0x90]  }
0x232: {  	(v2sf) =	vpush v1, $0xB;
	v26 =	vmul.bf16 v56, v49;
	v49 =	vld [tilespmem:s4+$0x76A0];
	v17 =	vmul.bf16 v25, v62  }
0x233: {  	v62 =	vld [tilespmem:$0x1FF10]  }
0x234: {  	v56 =	vld [tilespmem:s22+$0xB0];
	v36 =	vunpack.i.u.bf16.f32 v17;
	v17 =	vunpack.i.l.bf16.f32 v17  }
0x235: {  	v13 =	vadd.f32 v17, v13;
	v17 =	vmul.bf16 v57, v16;
	v16 =	vld [tilespmem:s23+$0x90]  }
0x236: {  	v6 =	vmul.bf16 v18, v6;
	v59 =	vunpack.i.u.bf16.f32 v22;
	v15 =	vadd.f32 v36, v15;
	v36 =	vld [tilespmem:s23+$0xA0]  }
0x237: {  	v22 =	vunpack.i.l.bf16.f32 v22;
	v26 =	vmul.bf16 v60, v26;
	v57 =	vld [tilespmem:s23+$0xB0];
	v24 =	vmul.bf16 v27, v24  }
0x238: {  	v27 =	vld [tilespmem:s22+$0x200];
	v61 =	vunpack.i.u.bf16.f32 v17;
	v17 =	vunpack.i.l.bf16.f32 v17;
	v5 =	vmul.bf16 v5, v62  }
0x239: {  	v6 =	vmul.bf16 v11, v6;
	v17 =	vadd.f32 v17, v22;
	v63 =	vadd.f32 v61, v59;
	v59 =	vld [tilespmem:$0x1FF20]  }
0x23a: {  	v60 =	vunpack.i.u.bf16.f32 v26;
	v26 =	vunpack.i.l.bf16.f32 v26;
	v22 =	vld [tilespmem:s4+$0x76B0];
	s4 =	spop (v2sf);
	v5 =	vmul.bf16 v8, v5  }
0x23b: {  	v21 =	vmul.bf16 v21, v31;
	v25 =	vmul.bf16 v28, v19;
	v11 =	vld [tilespmem:s4+$0x7690];
	v61 =	vadd.f32 v26, v17  }
0x23c: {  	v62 =	vadd.f32 v60, v63;
	v17 =	vld [tilespmem:s22+$0x110];
	v63 =	vunpack.i.u.bf16.f32 v5;
	v5 =	vunpack.i.l.bf16.f32 v5  }
0x23d: {  	v28 =	vunpack.i.u.bf16.f32 v6;
	v6 =	vunpack.i.l.bf16.f32 v6;
	v5 =	vadd.f32 v5, v61;
	v61 =	vld [tilespmem:$0x1FF30]  }
0x23e: {  	v26 =	vmul.bf16 v7, v59;
	v7 =	vadd.f32 v12, v0;
	v0 =	vadd.f32 v13, v15;
	v13 =	vld [tilespmem:s4+$0x7680]  }
0x23f: {  	v16 =	vmul.bf16 v16, v24;
	v60 =	vadd.f32 v63, v62;
	v15 =	vld [tilespmem:s23+$0x110];
	v22 =	vmul.bf16 v22, v56  }
0x240: {  	(v2sf) =	vpush v1, $0xC;
	v18 =	vld [tilespmem:s4+$0x76A0];
	v62 =	vmul.bf16 v10, v9;
	v59 =	vmul.bf16 v30, v23  }
0x241: {  	v19 =	vld [tilespmem:s4+$0x76B0];
	s4 =	spop (v2sf);
	(v2sf) =	vpush v1, $0xD;
	v5 =	vadd.f32 v5, v60;
	v22 =	vmul.bf16 v57, v22  }
0x242: {  	v10 =	vld [tilespmem:s23+$0x100];
	v8 =	vunpack.i.l.bf16.f32 v62;
	v11 =	vmul.bf16 v11, v17;
	v12 =	vmul.bf16 v61, v26  }
0x243: {  	v30 =	vld [tilespmem:s22+$0x190];
	v26 =	vunpack.i.u.bf16.f32 v62;
	v61 =	vmul.bf16 v29, v59;
	v13 =	vmul.bf16 v13, v14  }
0x244: {  	v23 =	vld [tilespmem:s4+$0x7680];
	v11 =	vmul.bf16 v15, v11;
	v63 =	vunpack.i.u.bf16.f32 v12;
	v12 =	vunpack.i.l.bf16.f32 v12  }
0x245: {  	v17 =	vld [tilespmem:s23+$0x220];
	v8 =	vadd.f32 v8, v12;
	v9 =	vadd.f32 v26, v63;
	v12 =	vmul.bf16 v20, v25  }
0x246: {  	v29 =	vld [tilespmem:s23+$0x130];
	v63 =	vmul.bf16 v38, v32;
	v32 =	vmul.bf16 v50, v42;
	v38 =	vunpack.i.u.bf16.f32 v61  }
0x247: {  	v14 =	vld [tilespmem:s22+$0x220];
	v10 =	vmul.bf16 v10, v13;
	v6 =	vadd.f32 v6, v8;
	v60 =	vadd.f32 v28, v9  }
0x248: {  	v20 =	vld [tilespmem:s22+$0x120];
	v62 =	vunpack.i.u.bf16.f32 v12;
	v12 =	vunpack.i.l.bf16.f32 v12;
	v33 =	vmul.bf16 v33, v63  }
0x249: {  	v25 =	vld [tilespmem:s23+$0x120];
	v9 =	vunpack.i.l.bf16.f32 v61;
	v26 =	vmul.bf16 v39, v32;
	v32 =	vmul.bf16 v41, v48  }
0x24a: {  	v28 =	vld [tilespmem:s22+$0x130];
	v48 =	vmul.bf16 v54, v52;
	v52 =	vmul.bf16 v47, v46;
	v46 =	vunpack.i.u.bf16.f32 v22  }
0x24b: {  	v41 =	vld [tilespmem:s4+$0x7690];
	v22 =	vunpack.i.l.bf16.f32 v22;
	v47 =	vunpack.i.u.bf16.f32 v10;
	v10 =	vunpack.i.l.bf16.f32 v10  }
0x24c: {  	v6 =	vadd.f32 v12, v6;
	v42 =	vunpack.i.u.bf16.f32 v33;
	v12 =	vunpack.i.l.bf16.f32 v33;
	v33 =	vld [tilespmem:s22+$0x180]  }
0x24d: {  	v8 =	vadd.f32 v62, v60;
	v59 =	vunpack.i.u.bf16.f32 v26;
	v39 =	vmul.bf16 v45, v48;
	v45 =	vld [tilespmem:s23+$0x1A0]  }
0x24e: {  	v26 =	vunpack.i.l.bf16.f32 v26;
	v60 =	vmul.bf16 v51, v43;
	v61 =	vunpack.i.u.bf16.f32 v32;
	v43 =	vld [tilespmem:s22+$0x1B0]  }
0x24f: {  	v32 =	vunpack.i.l.bf16.f32 v32;
	v62 =	vmul.bf16 v58, v55;
	v50 =	vadd.f32 v42, v38;
	v38 =	vld [tilespmem:s23+$0x180]  }
0x250: {  	v37 =	vmul.bf16 v37, v52;
	v48 =	vunpack.i.u.bf16.f32 v11;
	v11 =	vunpack.i.l.bf16.f32 v11;
	v42 =	vld [tilespmem:s4+$0x76A0]  }
0x251: {  	v9 =	vadd.f32 v12, v9;
	v18 =	vmul.bf16 v18, v20;
	v20 =	vld [tilespmem:s22+$0x230];
	v10 =	vadd.f32 v11, v10  }
0x252: {  	v8 =	vadd.f32 v6, v8;
	v55 =	vunpack.i.l.bf16.f32 v37;
	v58 =	vunpack.i.u.bf16.f32 v37;
	v37 =	vld [tilespmem:s22+$0x210]  }
0x253: {  	v63 =	vmul.bf16 v53, v62;
	v9 =	vadd.f32 v26, v9;
	v26 =	vmul.bf16 v44, v60;
	v44 =	vld [tilespmem:s4+$0x76B0]  }
0x254: {  	v53 =	vunpack.i.l.bf16.f32 v39;
	v12 =	vadd.f32 v59, v50;
	v59 =	vmul.bf16 v49, v35;
	v35 =	vld [tilespmem:s23+$0x210]  }
0x255: {  	v54 =	vunpack.i.u.bf16.f32 v39;
	v60 =	vunpack.i.u.bf16.f32 v21;
	v19 =	vmul.bf16 v19, v28;
	v28 =	vld [tilespmem:s22+$0x280]  }
0x256: {  	s4 =	spop (v2sf);
	v21 =	vunpack.i.l.bf16.f32 v21;
	(v2sf) =	vpush v1, $0xE;
	v18 =	vmul.bf16 v25, v18;
	v25 =	vld [tilespmem:s23+$0x290]  }
0x257: {  	v49 =	vadd.f32 v48, v47;
	v30 =	vmul.bf16 v41, v30;
	v51 =	vunpack.i.l.bf16.f32 v63;
	v31 =	vld [tilespmem:s4+$0x7680]  }
0x258: {  	v6 =	vunpack.i.u.bf16.f32 v63;
	v15 =	vld [tilespmem:s4+$0x76B0];
	v9 =	vadd.f32 v32, v9;
	v12 =	vadd.f32 v61, v12  }
0x259: {  	v32 =	vld [tilespmem:s23+$0x190];
	v50 =	vunpack.i.u.bf16.f32 v26;
	v26 =	vunpack.i.l.bf16.f32 v26;
	v61 =	vunpack.i.u.bf16.f32 v16  }
0x25a: {  	v16 =	vunpack.i.l.bf16.f32 v16;
	v24 =	vmul.bf16 v36, v59;
	v36 =	vld [tilespmem:s4+$0x7690];
	v26 =	vadd.f32 v51, v26  }
0x25b: {  	v19 =	vmul.bf16 v29, v19;
	v29 =	vld [tilespmem:s23+$0x280];
	v6 =	vadd.f32 v6, v50;
	v16 =	vadd.f32 v16, v21  }
0x25c: {  	v62 =	vadd.f32 v61, v60;
	v50 =	vunpack.i.u.bf16.f32 v18;
	v51 =	vmul.bf16 v23, v33;
	v23 =	vld [tilespmem:s22+$0x290]  }
0x25d: {  	v18 =	vunpack.i.l.bf16.f32 v18;
	v9 =	vadd.f32 v9, v12;
	v11 =	vadd.f32 v50, v49;
	v50 =	vld [tilespmem:s23+$0x310]  }
0x25e: {  	v63 =	vunpack.i.u.bf16.f32 v24;
	v24 =	vunpack.i.l.bf16.f32 v24;
	v12 =	vadd.f32 v53, v26;
	v26 =	vld [tilespmem:s23+$0x200]  }
0x25f: {  	v10 =	vadd.f32 v18, v10;
	v52 =	vunpack.i.u.bf16.f32 v19;
	v16 =	vadd.f32 v24, v16;
	v24 =	vld [tilespmem:s4+$0x76A0]  }
0x260: {  	v19 =	vunpack.i.l.bf16.f32 v19;
	v6 =	vadd.f32 v54, v6;
	v54 =	vmul.bf16 v38, v51;
	v38 =	vld [tilespmem:s23+$0x2A0]  }
0x261: {  	v21 =	vadd.f32 v63, v62;
	s4 =	spop (v2sf);
	v59 =	vmul.bf16 v44, v43;
	(v2sf) =	vpush v1, $0xF;
	v1 =	vld [tilespmem:s22+$0x2B0]  }
0x262: {  	v44 =	vld [tilespmem:s23+$0x300];
	v10 =	vadd.f32 v19, v10;
	v53 =	vadd.f32 v52, v11;
	v61 =	vmul.bf16 v31, v27  }
0x263: {  	v33 =	vld [tilespmem:s4+$0x7690];
	v15 =	vmul.bf16 v15, v20;
	v12 =	vadd.f32 v55, v12;
	v6 =	vadd.f32 v58, v6  }
0x264: {  	v39 =	vld [tilespmem:s4+$0x76B0];
	v16 =	vadd.f32 v22, v16;
	v13 =	vadd.f32 v46, v21;
	v55 =	vmul.bf16 v32, v30  }
0x265: {  	v27 =	vld [tilespmem:s23+$0x2B0];
	v56 =	vunpack.i.l.bf16.f32 v54;
	v58 =	vmul.bf16 v42, v40;
	v60 =	vmul.bf16 v34, v59  }
0x266: {  	v52 =	vld [tilespmem:s22+$0x320];
	v63 =	vmul.bf16 v36, v37;
	v10 =	vadd.f32 v10, v53;
	v11 =	vadd.f32 v12, v6  }
0x267: {  	v22 =	vld [tilespmem:s23+$0x230];
	v12 =	vadd.f32 v16, v13;
	v57 =	vunpack.i.l.bf16.f32 v55;
	v6 =	vunpack.i.u.bf16.f32 v54  }
0x268: {  	v21 =	vld [tilespmem:s4+$0x7680];
	v18 =	vunpack.i.u.bf16.f32 v55;
	v32 =	vmul.bf16 v45, v58;
	v42 =	vunpack.i.u.bf16.f32 v60  }
0x269: {  	v30 =	vld [tilespmem:s22+$0x2A0];
	v43 =	vmul.bf16 v35, v63;
	v16 =	vadd.f32 v57, v56;
	v6 =	vadd.f32 v18, v6  }
0x26a: {  	v40 =	vld [tilespmem:s22+$0x300];
	v19 =	vmul.bf16 v26, v61;
	v18 =	vunpack.i.l.bf16.f32 v60;
	v14 =	vmul.bf16 v24, v14  }
0x26b: {  	v37 =	vld [tilespmem:s22+$0x390];
	v62 =	vunpack.i.u.bf16.f32 v32;
	v32 =	vunpack.i.l.bf16.f32 v32;
	v47 =	vunpack.i.l.bf16.f32 v43  }
0x26c: {  	v13 =	vld [tilespmem:s4+$0x76A0];
	v51 =	vunpack.i.u.bf16.f32 v43;
	v23 =	vmul.bf16 v33, v23;
	v1 =	vmul.bf16 v39, v1  }
0x26d: {  	v45 =	vld [tilespmem:s22+$0x310];
	v16 =	vadd.f32 v32, v16;
	v6 =	vadd.f32 v62, v6;
	v46 =	vunpack.i.l.bf16.f32 v19  }
0x26e: {  	v55 =	vld [tilespmem:s23+$0x320];
	v14 =	vmul.bf16 v17, v14;
	v19 =	vunpack.i.u.bf16.f32 v19;
	v15 =	vmul.bf16 v22, v15  }
0x26f: {  	v63 =	vld [tilespmem:s22+$0x380];
	v21 =	vmul.bf16 v21, v28;
	v49 =	vadd.f32 v47, v46;
	v19 =	vadd.f32 v51, v19  }
0x270: {  	(xrf2) =	vadd.scan.msk.f32 $0xffff, v4;
	v35 =	vld [tilespmem:s23+$0x380];
	v23 =	vmul.bf16 v25, v23;
	v1 =	vmul.bf16 v27, v1;
	v16 =	vadd.f32 v18, v16  }
0x271: {  	(xrf2) =	vadd.scan.msk.f32 $0xffff, v3;
	v57 =	vld [tilespmem:s22+$0x330];
	v6 =	vadd.f32 v42, v6;
	v53 =	vunpack.i.l.bf16.f32 v14;
	v14 =	vunpack.i.u.bf16.f32 v14;
	s4 =	spop (v2sf)  }
0x272: {  	v56 =	vunpack.i.l.bf16.f32 v15;
	v21 =	vmul.bf16 v29, v21;
	v13 =	vmul.bf16 v13, v30;
	v41 =	vld [tilespmem:s4+$0x7680]  }
0x273: {  	v14 =	vadd.f32 v14, v19;
	v60 =	vunpack.i.l.bf16.f32 v23;
	v23 =	vunpack.i.u.bf16.f32 v23;
	v48 =	vld [tilespmem:s4+$0x7690]  }
0x274: {  	v6 =	vadd.f32 v16, v6;
	v54 =	vld [tilespmem:s4+$0x76A0];
	v16 =	vadd.f32 v53, v49;
	v59 =	vunpack.i.l.bf16.f32 v21  }
0x275: {  	v58 =	vld [tilespmem:s4+$0x76B0];
	v21 =	vunpack.i.u.bf16.f32 v21;
	v13 =	vmul.bf16 v38, v13;
	v62 =	vadd.f32 v60, v59  }
0x276: {  	v15 =	vunpack.i.u.bf16.f32 v15;
	v21 =	vadd.f32 v23, v21;
	v16 =	vadd.f32 v56, v16;
	v56 =	vld [tilespmem:s22+$0x3B0];
	s4 =	spop (v2sf)  }
0x277: {  	(xrf2) =	vadd.scan.msk.f32 $0xffff, v2;
	v14 =	vadd.f32 v15, v14;
	v36 =	vunpack.i.u.bf16.f32 v13;
	v13 =	vunpack.i.l.bf16.f32 v13;
	v32 =	vld [tilespmem:s4+$0x7680]  }
0x278: {  	(xrf2) =	vadd.scan.msk.f32 $0xffff, v7;
	v13 =	vadd.f32 v13, v62;
	v38 =	vadd.f32 v36, v21;
	v33 =	vmul.bf16 v41, v40;
	v40 =	vld [tilespmem:s4+$0x7690]  }
0x279: {  	(xrf2) =	vadd.scan.msk.f32 $0xffff, v0;
	v18 =	vmul.bf16 v48, v45;
	v41 =	vunpack.i.u.bf16.f32 v1;
	v1 =	vunpack.i.l.bf16.f32 v1;
	v45 =	vld [tilespmem:s22+$0x3A0]  }
0x27a: {  	(xrf2) =	vadd.scan.msk.f32 $0xffff, v5;
	v31, _, _ =	vpop (xrf2);
	v49 =	vld [tilespmem:s4+$0x76A0];
	v1 =	vadd.f32 v1, v13;
	v43 =	vadd.f32 v41, v38;
	v39 =	vmul.bf16 v44, v33  }
0x27b: {  	(xrf2) =	vadd.scan.msk.f32 $0xffff, v8;
	v34, _, _ =	vpop (xrf2);
	v59 =	vld [tilespmem:s4+$0x76B0];
	v17 =	vmul.bf16 v50, v18;
	v44 =	vmul.bf16 v54, v52  }
0x27c: {  	(xrf2) =	vadd.scan.msk.f32 $0xffff, v9;
	v9 =	vbroadcast v34, $0xF;
	v61 =	vld [tilespmem:s23+$0x330];
	v46 =	vadd.f32 v16, v14;
	v1 =	vadd.f32 v1, v43  }
0x27d: {  	v42 =	vld [tilespmem:s23+$0x390];
	v47 =	vunpack.i.l.bf16.f32 v39;
	v48 =	vunpack.i.l.bf16.f32 v17;
	v51 =	vmul.bf16 v55, v44  }
0x27e: {  	v52 =	vld [tilespmem:s23+$0x3A0];
	v53 =	vunpack.i.u.bf16.f32 v39;
	v54 =	vunpack.i.u.bf16.f32 v17;
	v55 =	vmul.bf16 v58, v57  }
0x27f: {  	v25 =	vld [tilespmem:s23+$0x3B0];
	v50 =	vadd.f32 v48, v47;
	v57 =	vmul.bf16 v32, v63;
	v20 =	vmul.bf16 v40, v37  }
0x280: {  	v60 =	vadd.f32 v54, v53;
	v24 =	vmul.bf16 v49, v45;
	v29 =	vmul.bf16 v59, v56  }
0x281: {  	v58 =	vunpack.i.l.bf16.f32 v51;
	v61 =	vmul.bf16 v61, v55;
	v13 =	vunpack.i.u.bf16.f32 v51  }
0x282: {  	v3 =	vadd.f32 v58, v50;
	v62 =	vmul.bf16 v35, v57;
	v63 =	vmul.bf16 v42, v20  }
0x283: {  	v20 =	vadd.f32 v13, v60;
	v28 =	vmul.bf16 v52, v24;
	v21 =	vunpack.i.l.bf16.f32 v61  }
0x284: {  	v33 =	vmul.bf16 v25, v29;
	v3 =	vadd.f32 v21, v3;
	v26 =	vunpack.i.l.bf16.f32 v62  }
0x285: {  	(xrf2) =	vadd.scan.msk.f32 $0xffff, v11;
	v27 =	vunpack.i.l.bf16.f32 v63;
	v0 =	vunpack.i.u.bf16.f32 v62;
	v2 =	vunpack.i.u.bf16.f32 v63  }
0x286: {  	(xrf2) =	vadd.scan.msk.f32 $0xffff, v12;
	v30 =	vunpack.i.u.bf16.f32 v61;
	v7 =	vadd.f32 v27, v26;
	v0 =	vadd.f32 v2, v0  }
0x287: {  	(xrf2) =	vadd.scan.msk.f32 $0xffff, v10;
	v5 =	vadd.f32 v30, v20;
	v32 =	vunpack.i.l.bf16.f32 v28;
	v8 =	vunpack.i.u.bf16.f32 v28  }
0x288: {  	(xrf2) =	vadd.scan.msk.f32 $0xffff, v6;
	v35 =	vbroadcast v31, $0xF;
	v2 =	vadd.f32 v32, v7;
	v0 =	vadd.f32 v8, v0  }
0x289: {  	v36, _, _ =	vpop (xrf2);
	(xrf2) =	vadd.scan.msk.f32 $0xffff, v46;
	v37 =	vunpack.i.u.bf16.f32 v33;
	v38 =	vunpack.i.l.bf16.f32 v33;
	v3 =	vadd.f32 v3, v5  }
0x28a: {  	v41 =	vbroadcast v36, $0xF;
	v39, _, _ =	vpop (xrf2);
	(xrf2) =	vadd.scan.msk.f32 $0xffff, v1;
	v40 =	vadd.f32 v38, v2;
	v0 =	vadd.f32 v37, v0  }
0x28b: {  	v43 =	vbroadcast v39, $0xF;
	v44, _, _ =	vpop (xrf2);
	v42 =	vsel vm0, v35, v9;
	(xrf2) =	vadd.scan.msk.f32 $0xffff, v3  }
0x28c: {  	v45, _, _ =	vpop (xrf2);
	v46 =	vbroadcast v44, $0xF;
	v2 =	vsel vm1, v42, v41;
	v0 =	vadd.f32 v40, v0  }
0x28d: {  	v47, _, _ =	vpop (xrf2);
	v3 =	vbroadcast v45, $0xF;
	v2 =	vsel vm2, v2, v43  }
0x28e: {  	v1 =	vbroadcast v47, $0xF;
	v48, _, _ =	vpop (xrf2);
	v2 =	vsel vm3, v2, v46;
	(xrf2) =	vadd.scan.msk.f32 $0xffff, v0  }
0x28f: {  	v49, _, _ =	vpop (xrf2);
	v50 =	vbroadcast v48, $0xF;
	v2 =	vsel vm4, v2, v3  }
0x290: {  	v51, _, _ =	vpop (xrf2);
	v1 =	vsel vm5, v2, v1;
	v0 =	vbroadcast v49, $0xF  }
0x291: {  	v52, _, _ =	vpop (xrf2);
	v53 =	vbroadcast v51, $0xF;
	v1 =	vsel vm6, v1, v50  }
0x292: {  	v54, _, _ =	vpop (xrf2);
	v55 =	vbroadcast v52, $0xF;
	v0 =	vsel vm7, v1, v0  }
0x293: {  	v56, _, _ =	vpop (xrf2);
	v57 =	vbroadcast v54, $0xF;
	v0 =	vsel vm8, v0, v53  }
0x294: {  	v58, _, _ =	vpop (xrf2);
	v59 =	vbroadcast v56, $0xF;
	v0 =	vsel vm9, v0, v55  }
0x295: {  	p1 =	sne.s32 s20, $0x100;
	v61 =	vbroadcast v58, $0xF;
	v60, _, _ =	vpop (xrf2);
	v0 =	vsel vm10, v0, v57  }
.Ltmp16:
0x296: {  	v0 =	vsel vm11, v0, v59;
	v62 =	vbroadcast v60, $0xF;
	(pc) =	sbr.rel @p1 .LBB2_29-.Ltmp16, $4  }
0x297: {  	v0 =	vsel vm12, v0, v61  }
0x298: {  	v0 =	vsel vm13, v0, v62;
	v63, _, _ =	vpop (xrf2)  }
0x299: {  	v0 =	vsel vm14, v0, v63  }
0x29a: {  	s20 =	sadd.s32 $0x40, s20;
	s22 =	sadd.s32 $0x800, s22;
	s23 =	sadd.s32 $0x800, s23;
	[tilespmem:s24+$0x18F00] =	vst v0  }
.Ltmp17:
0x29b: {  	(pc) =	sbr.rel .LBB2_31-.Ltmp17, $4  }
0x29c: {  	s4 =	sadd.s32 s5, s19  }
0x29d: {  	s4 =	sshrl.u32 s4, $0x3  }
0x29e: {  	s4 =	sadd.s32 s2, s4  }
0x29f: {  	[hbm4b:s4+s3] =	stream.linear.scatter [tilespmem:s1], [sflag:$0x4], $0x50, $0x38;
	[tilespmem:$0x1F780] =	vst v63  }
.LBB2_25:
0x2a0: {  	s19 =	simm.s32 @!p1 $0x3  }
0x2a1: {  	_ =	swait.ge @!p1 [sflag:s19], $0x50  }
0x2a2: {  	[sflag:s19] =	ssyncset.done @!p1 $0x0  }
0x2a3: {  	[sflag:s19] =	ssyncadd.s32 @!p1 $0xFFFFFFB0  }
0x2a4: {  	_ =	swait.ge [sflag:s9], $0x2800  }
0x2a5: {  	[sflag:s9] =	ssyncset.done $0x0  }
0x2a6: {  	p1 =	seq.s32 s15, $0x7C;
	[sflag:s9] =	ssyncadd.s32 $0xFFFFD800  }
0x2a7: {  	s19 =	smul.u32 @!p1 $0x50, s15;
	_ =	swait.ge [sflag:s9], $0x2800  }
0x2a8: {  	s22 =	simm.s32 @!p1 $0x50;
	[sflag:s9] =	ssyncset.done $0x0  }
0x2a9: {  	s23 =	simm.s32 @!p1 $0x11680;
	s20 =	sadd.s32 @!p1 $0x50, s19;
	[sflag:s9] =	ssyncadd.s32 $0xFFFFD800  }
0x2aa: {  	[tilespmem:s23], [sflag:$0x2] =	stream.indirect.gather @!p1 [hbm4b:s8+s22], $0x80, s20, s22, $0xb8;
	[tilespmem:$0x1F780] =	vst v63  }
0x2ab: {  	s20 =	sadd.s32 @!p1 $0x4F50, s19;
	s19 =	simm.s32 @p1 $0x26C0  }
0x2ac: {  	s23 =	simm.s32 @!p1 $0x16680;
	s24 =	sadd.s32 $0x2780, s19  }
0x2ad: {  	[tilespmem:s23], [sflag:$0x2] =	stream.indirect.gather @!p1 [hbm4b:s8+s22], $0x80, s20, s22, $0xb8;
	v0 =	vmov s24;
	[tilespmem:$0x1F780] =	vst v63  }
0x2ae: {  	s20 =	simm.s32 $0x0;
	s22 =	simm.s32 $0xF280;
	s23 =	simm.s32 $0x14280;
	[tilespmem:$0x1FFF0] =	vst v0  }
.LBB2_26:
0x2af: {  	v0 =	vld [tilespmem:$0x1FFF0]  }
0x2b0: {  	v5 =	vld [tilespmem:s22+$0xFFFFFC00]  }
0x2b1: {  	v7 =	vld [tilespmem:s23+$0xFFFFFC00]  }
0x2b2: {  	v8 =	vld [tilespmem:s22+$0xFFFFFC10]  }
0x2b3: {  	v10 =	vld [tilespmem:s23+$0xFFFFFC10]  }
0x2b4: {  	v11 =	vld [tilespmem:s22+$0xFFFFFC20]  }
0x2b5: {  	v14 =	vld [tilespmem:s23+$0xFFFFFC20]  }
0x2b6: {  	s24 =	sshra.s32 s20, $0x2;
	v18 =	vld [tilespmem:s22+$0xFFFFFC30]  }
0x2b7: {  	v1 =	vld.idx.msk [tilespmem:v0+s24+$0x0 ss:$0x1], $0xffff  }
0x2b8: {  	v20 =	vld [tilespmem:s23+$0xFFFFFC30]  }
0x2b9: {  	v23 =	vld [tilespmem:s22+$0xFFFFFC80]  }
0x2ba: {  	v29 =	vld [tilespmem:s23+$0xFFFFFC80]  }
0x2bb: {  	v30 =	vld [tilespmem:s22+$0xFFFFFC90]  }
0x2bc: {  	v33 =	vld [tilespmem:s23+$0xFFFFFC90];
	v1 =	vshll.u32 v1, $0x9  }
0x2bd: {  	v38 =	vld [tilespmem:s22+$0xFFFFFCA0];
	v1 =	vshra.s32 v1, $0x2  }
0x2be: {  	v40 =	vld [tilespmem:s23+$0xFFFFFCA0];
	(v2sf) =	vpush v1, $0x0  }
0x2bf: {  	v42 =	vld [tilespmem:s22+$0xFFFFFCB0]  }
0x2c0: {  	v48 =	vld [tilespmem:s23+$0xFFFFFCB0]  }
0x2c1: {  	v50 =	vld [tilespmem:s22+$0xFFFFFD00]  }
0x2c2: {  	v60 =	vld [tilespmem:s23+$0xFFFFFD00];
	(v2sf) =	vpush v1, $0x1  }
0x2c3: {  	v61 =	vld [tilespmem:s22+$0xFFFFFD10]  }
0x2c4: {  	v63 =	vld [tilespmem:s23+$0xFFFFFD10]  }
0x2c5: {  	v3 =	vld [tilespmem:s22+$0xFFFFFD20]  }
0x2c6: {  	v12 =	vld [tilespmem:s23+$0xFFFFFD20]  }
0x2c7: {  	v15 =	vld [tilespmem:s22+$0xFFFFFD30]  }
0x2c8: {  	v16 =	vld [tilespmem:s23+$0xFFFFFD30]  }
0x2c9: {  	v41 =	vld [tilespmem:s22+$0xFFFFFD80]  }
0x2ca: {  	v24 =	vld [tilespmem:s23+$0xFFFFFD80]  }
0x2cb: {  	v22 =	vld [tilespmem:s22+$0xFFFFFD90]  }
0x2cc: {  	v26 =	vld [tilespmem:s23+$0xFFFFFD90]  }
0x2cd: {  	v25 =	vld [tilespmem:s22+$0xFFFFFDA0];
	s4 =	spop (v2sf);
	(v2sf) =	vpush v1, $0x2  }
0x2ce: {  	v6 =	vld [tilespmem:s4+$0x7680]  }
0x2cf: {  	v9 =	vld [tilespmem:s4+$0x7690]  }
0x2d0: {  	v13 =	vld [tilespmem:s4+$0x76A0]  }
0x2d1: {  	v19 =	vld [tilespmem:s4+$0x76B0];
	s4 =	spop (v2sf);
	(v2sf) =	vpush v1, $0x3  }
0x2d2: {  	v58 =	vld [tilespmem:s23+$0xFFFFFDA0]  }
0x2d3: {  	v55 =	vld [tilespmem:s22+$0xFFFFFDB0]  }
0x2d4: {  	v53 =	vld [tilespmem:s23+$0xFFFFFDB0]  }
0x2d5: {  	v52 =	vld [tilespmem:s22+$0xFFFFFE00]  }
0x2d6: {  	v45 =	vld [tilespmem:s23+$0xFFFFFE00]  }
0x2d7: {  	v56 =	vld [tilespmem:s22+$0xFFFFFE10]  }
0x2d8: {  	v49 =	vld [tilespmem:s23+$0xFFFFFE10]  }
0x2d9: {  	v28 =	vld [tilespmem:s4+$0x7680]  }
0x2da: {  	v32 =	vld [tilespmem:s4+$0x7690]  }
0x2db: {  	v39 =	vld [tilespmem:s4+$0x76A0]  }
0x2dc: {  	v43 =	vld [tilespmem:s4+$0x76B0];
	s4 =	spop (v2sf);
	(v2sf) =	vpush v1, $0x4  }
0x2dd: {  	v51 =	vld [tilespmem:s4+$0x7680]  }
0x2de: {  	v62 =	vld [tilespmem:s4+$0x7690]  }
0x2df: {  	v2 =	vld [tilespmem:s4+$0x76A0]  }
0x2e0: {  	v4 =	vld [tilespmem:s4+$0x76B0];
	s4 =	spop (v2sf);
	(v2sf) =	vpush v1, $0x5  }
0x2e1: {  	v46 =	vld [tilespmem:s22+$0xFFFFFE20]  }
0x2e2: {  	v0 =	vld [tilespmem:s23+$0xFFFFFE90]  }
0x2e3: {  	v37 =	vld [tilespmem:s23+$0xFFFFFE20]  }
0x2e4: {  	v34 =	vld [tilespmem:s22+$0xFFFFFE30]  }
0x2e5: {  	v35 =	vld [tilespmem:s23+$0xFFFFFE30]  }
0x2e6: {  	v27 =	vld [tilespmem:s23+$0xFFFFFE80]  }
0x2e7: {  	[tilespmem:$0x1FFA0] =	vst v0;
	v0 =	vld [tilespmem:s22+$0xFFFFFEA0]  }
0x2e8: {  	v21 =	vld [tilespmem:s4+$0x7680]  }
0x2e9: {  	v17 =	vld [tilespmem:s4+$0x7690]  }
0x2ea: {  	v44 =	vld [tilespmem:s4+$0x76A0]  }
0x2eb: {  	v59 =	vld [tilespmem:s4+$0x76B0];
	s4 =	spop (v2sf)  }
0x2ec: {  	(v2sf) =	vpush v1, $0x6;
	v54 =	vld [tilespmem:s4+$0x7680]  }
0x2ed: {  	v57 =	vld [tilespmem:s4+$0x7690]  }
0x2ee: {  	v47 =	vld [tilespmem:s4+$0x76A0]  }
0x2ef: {  	v36 =	vld [tilespmem:s4+$0x76B0];
	s4 =	spop (v2sf)  }
0x2f0: {  	[tilespmem:$0x1FF80] =	vst v0;
	v0 =	vld [tilespmem:s4+$0x76A0]  }
0x2f1: {  	v31 =	vld [tilespmem:s22+$0xFFFFFE80];
	(v2sf) =	vpush v1, $0x7  }
0x2f2: {  	[tilespmem:$0x1FF60] =	vst v27;
	v27 =	vld [tilespmem:s22+$0xFFFFFE90]  }
0x2f3: {  	v9 =	vmul.bf16 v9, v8;
	v8 =	vld [tilespmem:s23+$0xFFFFFEB0]  }
0x2f4: {  	v18 =	vmul.bf16 v19, v18;
	v19 =	vld [tilespmem:s22+$0xFFFFFF30]  }
0x2f5: {  	[tilespmem:$0x1FF90] =	vst v0;
	v0 =	vld [tilespmem:s23+$0xFFFFFEA0]  }
0x2f6: {  	v10 =	vmul.bf16 v10, v9;
	v9 =	vld [tilespmem:s22+$0xFFFFFF00]  }
0x2f7: {  	v25 =	vmul.bf16 v44, v25;
	v44 =	vld [tilespmem:s23+$0x0]  }
0x2f8: {  	[tilespmem:$0x1FF50] =	vst v35;
	v35 =	vld [tilespmem:s4+$0x7680]  }
0x2f9: {  	[tilespmem:$0x1FF70] =	vst v27;
	v27 =	vld [tilespmem:s4+$0x7690]  }
0x2fa: {  	v11 =	vmul.bf16 v13, v11;
	[tilespmem:$0x1FFB0] =	vst v0;
	v0 =	vld [tilespmem:s22+$0xFFFFFEB0]  }
0x2fb: {  	v6 =	vmul.bf16 v6, v5;
	v23 =	vmul.bf16 v28, v23;
	v5 =	vld [tilespmem:s4+$0x76B0];
	s4 =	spop (v2sf)  }
0x2fc: {  	v28 =	vmul.bf16 v32, v30;
	v11 =	vmul.bf16 v14, v11;
	v14 =	vld [tilespmem:s4+$0x7690]  }
0x2fd: {  	v20 =	vmul.bf16 v20, v18;
	v18 =	vld [tilespmem:s4+$0x76A0]  }
0x2fe: {  	v23 =	vmul.bf16 v29, v23;
	v29 =	vmul.bf16 v33, v28;
	v28 =	vld [tilespmem:s4+$0x76B0]  }
0x2ff: {  	[tilespmem:$0x1FFC0] =	vst v0;
	v0 =	vmul.bf16 v7, v6;
	v6 =	vld [tilespmem:s23+$0xFFFFFF00]  }
0x300: {  	v13 =	vunpack.i.l.bf16.f32 v10;
	v7 =	vld [tilespmem:s4+$0x7680];
	s4 =	spop (v2sf)  }
0x301: {  	v10 =	vunpack.i.u.bf16.f32 v10;
	[tilespmem:$0x1FFD0] =	vst v9;
	v30 =	vld [tilespmem:s4+$0x7680];
	v9 =	vunpack.i.l.bf16.f32 v0;
	v0 =	vunpack.i.u.bf16.f32 v0  }
0x302: {  	v32 =	vunpack.i.u.bf16.f32 v11;
	v13 =	vadd.f32 v13, v9;
	v9 =	vld [tilespmem:s22+$0xFFFFFF10];
	v0 =	vadd.f32 v10, v0  }
0x303: {  	v11 =	vunpack.i.l.bf16.f32 v11;
	v33 =	vunpack.i.l.bf16.f32 v20;
	(v2sf) =	vpush v1, $0x8;
	v10 =	vld [tilespmem:s23+$0xFFFFFF10]  }
0x304: {  	v20 =	vunpack.i.u.bf16.f32 v20;
	[tilespmem:$0x1FFE0] =	vst v6;
	v6 =	vld [tilespmem:s22+$0xFFFFFF20];
	v13 =	vadd.f32 v11, v13;
	v0 =	vadd.f32 v32, v0  }
0x305: {  	v51 =	vmul.bf16 v51, v50;
	v11 =	vld [tilespmem:s23+$0xFFFFFF20];
	v32 =	vmul.bf16 v39, v38;
	v38 =	vunpack.i.l.bf16.f32 v29  }
0x306: {  	v13 =	vadd.f32 v33, v13;
	v33 =	vunpack.i.l.bf16.f32 v23;
	v0 =	vadd.f32 v20, v0;
	v20 =	vld [tilespmem:s23+$0xFFFFFF30]  }
0x307: {  	v33 =	vadd.f32 v38, v33;
	v38 =	vmul.bf16 v43, v42;
	v43 =	vunpack.i.u.bf16.f32 v23;
	v23 =	vld [tilespmem:s22+$0xFFFFFF80]  }
0x308: {  	v32 =	vmul.bf16 v40, v32;
	v40 =	vmul.bf16 v60, v51;
	v42 =	vld [tilespmem:s22+$0xFFFFFFA0]  }
0x309: {  	v29 =	vunpack.i.u.bf16.f32 v29;
	v51 =	vmul.bf16 v62, v61;
	v9 =	vmul.bf16 v14, v9;
	v14 =	vld [tilespmem:s22+$0x100]  }
0x30a: {  	v39 =	vadd.f32 v29, v43;
	v29 =	vld [tilespmem:s23+$0xFFFFFF80]  }
0x30b: {  	v51 =	vmul.bf16 v63, v51;
	v62 =	vunpack.i.u.bf16.f32 v40;
	v63 =	vunpack.i.l.bf16.f32 v40;
	v40 =	vld [tilespmem:s22+$0xFFFFFFB0]  }
0x30c: {  	v50 =	vunpack.i.l.bf16.f32 v32;
	v32 =	vunpack.i.u.bf16.f32 v32;
	v43 =	vld [tilespmem:s22+$0x0];
	v38 =	vmul.bf16 v48, v38  }
0x30d: {  	v33 =	vadd.f32 v50, v33;
	v39 =	vadd.f32 v32, v39;
	v32 =	vld [tilespmem:s22+$0xFFFFFF90]  }
0x30e: {  	v48 =	vunpack.i.u.bf16.f32 v38;
	v50 =	vunpack.i.l.bf16.f32 v38;
	v38 =	vld [tilespmem:s4+$0x7690]  }
0x30f: {  	v60 =	vadd.f32 v50, v33;
	v33 =	vld [tilespmem:s23+$0xFFFFFF90]  }
0x310: {  	v2 =	vmul.bf16 v2, v3;
	(v2sf) =	vpush v1, $0x9;
	v50 =	vld [tilespmem:s4+$0x76A0]  }
0x311: {  	v4 =	vmul.bf16 v4, v15;
	v3 =	vadd.f32 v48, v39;
	v39 =	vunpack.i.l.bf16.f32 v51;
	v48 =	vld [tilespmem:s4+$0x76B0]  }
0x312: {  	v2 =	vmul.bf16 v12, v2;
	v15 =	vadd.f32 v39, v63;
	v39 =	vld [tilespmem:s23+$0xFFFFFFA0]  }
0x313: {  	v4 =	vmul.bf16 v16, v4;
	v61 =	vunpack.i.u.bf16.f32 v51;
	s4 =	spop (v2sf);
	v63 =	vmul.bf16 v21, v41;
	v41 =	vld [tilespmem:s23+$0xFFFFFFB0]  }
0x314: {  	v12 =	vadd.f32 v61, v62;
	v62 =	vunpack.i.u.bf16.f32 v2;
	v2 =	vunpack.i.l.bf16.f32 v2;
	v51 =	vld [tilespmem:s4+$0x7680]  }
0x315: {  	v21 =	vmul.bf16 v17, v22;
	v3 =	vadd.f32 v60, v3;
	v60 =	vmul.bf16 v59, v55;
	v55 =	vld [tilespmem:s22+$0x10]  }
0x316: {  	v2 =	vadd.f32 v2, v15;
	v15 =	vmul.bf16 v24, v63;
	v63 =	vmul.bf16 v54, v52;
	v52 =	vld [tilespmem:s22+$0x20]  }
0x317: {  	v54 =	vld [tilespmem:s4+$0x76A0]  }
0x318: {  	v22 =	vunpack.i.u.bf16.f32 v4;
	v4 =	vunpack.i.l.bf16.f32 v4;
	v24 =	vmul.bf16 v26, v21;
	v21 =	vld [tilespmem:s23+$0x80]  }
0x319: {  	v12 =	vadd.f32 v62, v12;
	v62 =	vmul.bf16 v53, v60;
	v53 =	vld [tilespmem:s23+$0x10];
	v2 =	vadd.f32 v4, v2  }
0x31a: {  	v4 =	vadd.f32 v13, v0;
	v13 =	vmul.bf16 v58, v25;
	v16 =	vunpack.i.l.bf16.f32 v24;
	v58 =	vld [tilespmem:s4+$0x7690]  }
0x31b: {  	v0 =	vunpack.i.u.bf16.f32 v24;
	v24 =	vmul.bf16 v57, v56;
	v56 =	vmul.bf16 v47, v46;
	v46 =	vld [tilespmem:s22+$0x30]  }
0x31c: {  	v12 =	vadd.f32 v22, v12;
	v47 =	vld [tilespmem:s4+$0x76B0]  }
0x31d: {  	v26 =	vunpack.i.l.bf16.f32 v15;
	v15 =	vunpack.i.u.bf16.f32 v15;
	v48 =	vmul.bf16 v48, v40;
	v40 =	vld [tilespmem:s22+$0x1A0]  }
0x31e: {  	v2 =	vadd.f32 v2, v12;
	v12 =	vadd.f32 v16, v26;
	v26 =	vmul.bf16 v45, v63;
	v45 =	vld [tilespmem:s23+$0x20]  }
0x31f: {  	s4 =	spop (v2sf);
	v25 =	vunpack.i.u.bf16.f32 v62;
	v16 =	vunpack.i.l.bf16.f32 v62;
	v62 =	vmul.bf16 v36, v34;
	v34 =	vld [tilespmem:s22+$0x80]  }
0x320: {  	v0 =	vadd.f32 v0, v15;
	v49 =	vmul.bf16 v49, v24;
	v24 =	vmul.bf16 v35, v31;
	v31 =	vld [tilespmem:s4+$0x7680]  }
0x321: {  	v61 =	vunpack.i.u.bf16.f32 v13;
	v35 =	vld [tilespmem:$0x1FF70]  }
0x322: {  	v0 =	vadd.f32 v61, v0;
	v61 =	vmul.bf16 v37, v56;
	v37 =	vld [tilespmem:s23+$0x30]  }
0x323: {  	(v2sf) =	vpush v1, $0xA;
	v56 =	vld [tilespmem:$0x1FF90]  }
0x324: {  	v13 =	vunpack.i.l.bf16.f32 v13;
	v57 =	vunpack.i.l.bf16.f32 v26;
	v15 =	vunpack.i.u.bf16.f32 v26;
	v26 =	vld [tilespmem:$0x1FF60]  }
0x325: {  	v12 =	vadd.f32 v13, v12;
	v59 =	vunpack.i.l.bf16.f32 v49;
	v17 =	vunpack.i.u.bf16.f32 v49;
	v49 =	vld [tilespmem:$0x1FF80]  }
0x326: {  	v0 =	vadd.f32 v25, v0;
	v15 =	vadd.f32 v17, v15;
	v25 =	vld [tilespmem:$0x1FF50]  }
0x327: {  	v60 =	vadd.f32 v59, v57;
	v57 =	vld [tilespmem:$0x1FFA0];
	v12 =	vadd.f32 v16, v12;
	v16 =	vunpack.i.u.bf16.f32 v61  }
0x328: {  	v63 =	vunpack.i.l.bf16.f32 v61;
	v15 =	vadd.f32 v16, v15;
	v16 =	vmul.bf16 v27, v35;
	v27 =	vld [tilespmem:s4+$0x7690]  }
0x329: {  	v13 =	vadd.f32 v63, v60;
	v60 =	vld [tilespmem:$0x1FFB0]  }
0x32a: {  	v35 =	vld [tilespmem:s22+$0xA0]  }
0x32b: {  	v31 =	vmul.bf16 v31, v34;
	v34 =	vld [tilespmem:s23+$0x1B0]  }
0x32c: {  	v22 =	vmul.bf16 v26, v24;
	v24 =	vld [tilespmem:s22+$0x90]  }
0x32d: {  	(v2sf) =	vpush v1, $0xB;
	v26 =	vmul.bf16 v56, v49;
	v49 =	vld [tilespmem:s4+$0x76A0];
	v17 =	vmul.bf16 v25, v62  }
0x32e: {  	v62 =	vld [tilespmem:$0x1FFC0]  }
0x32f: {  	v56 =	vld [tilespmem:s22+$0xB0];
	v36 =	vunpack.i.u.bf16.f32 v17;
	v17 =	vunpack.i.l.bf16.f32 v17  }
0x330: {  	v13 =	vadd.f32 v17, v13;
	v17 =	vmul.bf16 v57, v16;
	v16 =	vld [tilespmem:s23+$0x90]  }
0x331: {  	v6 =	vmul.bf16 v18, v6;
	v59 =	vunpack.i.u.bf16.f32 v22;
	v15 =	vadd.f32 v36, v15;
	v36 =	vld [tilespmem:s23+$0xA0]  }
0x332: {  	v22 =	vunpack.i.l.bf16.f32 v22;
	v26 =	vmul.bf16 v60, v26;
	v57 =	vld [tilespmem:s23+$0xB0];
	v24 =	vmul.bf16 v27, v24  }
0x333: {  	v27 =	vld [tilespmem:s22+$0x200];
	v61 =	vunpack.i.u.bf16.f32 v17;
	v17 =	vunpack.i.l.bf16.f32 v17;
	v5 =	vmul.bf16 v5, v62  }
0x334: {  	v6 =	vmul.bf16 v11, v6;
	v17 =	vadd.f32 v17, v22;
	v63 =	vadd.f32 v61, v59;
	v59 =	vld [tilespmem:$0x1FFD0]  }
0x335: {  	v60 =	vunpack.i.u.bf16.f32 v26;
	v26 =	vunpack.i.l.bf16.f32 v26;
	v22 =	vld [tilespmem:s4+$0x76B0];
	s4 =	spop (v2sf);
	v5 =	vmul.bf16 v8, v5  }
0x336: {  	v21 =	vmul.bf16 v21, v31;
	v25 =	vmul.bf16 v28, v19;
	v11 =	vld [tilespmem:s4+$0x7690];
	v61 =	vadd.f32 v26, v17  }
0x337: {  	v62 =	vadd.f32 v60, v63;
	v17 =	vld [tilespmem:s22+$0x110];
	v63 =	vunpack.i.u.bf16.f32 v5;
	v5 =	vunpack.i.l.bf16.f32 v5  }
0x338: {  	v28 =	vunpack.i.u.bf16.f32 v6;
	v6 =	vunpack.i.l.bf16.f32 v6;
	v5 =	vadd.f32 v5, v61;
	v61 =	vld [tilespmem:$0x1FFE0]  }
0x339: {  	v26 =	vmul.bf16 v7, v59;
	v7 =	vadd.f32 v12, v0;
	v0 =	vadd.f32 v13, v15;
	v13 =	vld [tilespmem:s4+$0x7680]  }
0x33a: {  	v16 =	vmul.bf16 v16, v24;
	v60 =	vadd.f32 v63, v62;
	v15 =	vld [tilespmem:s23+$0x110];
	v22 =	vmul.bf16 v22, v56  }
0x33b: {  	(v2sf) =	vpush v1, $0xC;
	v18 =	vld [tilespmem:s4+$0x76A0];
	v62 =	vmul.bf16 v10, v9;
	v59 =	vmul.bf16 v30, v23  }
0x33c: {  	v19 =	vld [tilespmem:s4+$0x76B0];
	s4 =	spop (v2sf);
	(v2sf) =	vpush v1, $0xD;
	v5 =	vadd.f32 v5, v60;
	v22 =	vmul.bf16 v57, v22  }
0x33d: {  	v10 =	vld [tilespmem:s23+$0x100];
	v8 =	vunpack.i.l.bf16.f32 v62;
	v11 =	vmul.bf16 v11, v17;
	v12 =	vmul.bf16 v61, v26  }
0x33e: {  	v30 =	vld [tilespmem:s22+$0x190];
	v26 =	vunpack.i.u.bf16.f32 v62;
	v61 =	vmul.bf16 v29, v59;
	v13 =	vmul.bf16 v13, v14  }
0x33f: {  	v23 =	vld [tilespmem:s4+$0x7680];
	v11 =	vmul.bf16 v15, v11;
	v63 =	vunpack.i.u.bf16.f32 v12;
	v12 =	vunpack.i.l.bf16.f32 v12  }
0x340: {  	v17 =	vld [tilespmem:s23+$0x220];
	v8 =	vadd.f32 v8, v12;
	v9 =	vadd.f32 v26, v63;
	v12 =	vmul.bf16 v20, v25  }
0x341: {  	v29 =	vld [tilespmem:s23+$0x130];
	v63 =	vmul.bf16 v38, v32;
	v32 =	vmul.bf16 v50, v42;
	v38 =	vunpack.i.u.bf16.f32 v61  }
0x342: {  	v14 =	vld [tilespmem:s22+$0x220];
	v10 =	vmul.bf16 v10, v13;
	v6 =	vadd.f32 v6, v8;
	v60 =	vadd.f32 v28, v9  }
0x343: {  	v20 =	vld [tilespmem:s22+$0x120];
	v62 =	vunpack.i.u.bf16.f32 v12;
	v12 =	vunpack.i.l.bf16.f32 v12;
	v33 =	vmul.bf16 v33, v63  }
0x344: {  	v25 =	vld [tilespmem:s23+$0x120];
	v9 =	vunpack.i.l.bf16.f32 v61;
	v26 =	vmul.bf16 v39, v32;
	v32 =	vmul.bf16 v41, v48  }
0x345: {  	v28 =	vld [tilespmem:s22+$0x130];
	v48 =	vmul.bf16 v54, v52;
	v52 =	vmul.bf16 v47, v46;
	v46 =	vunpack.i.u.bf16.f32 v22  }
0x346: {  	v41 =	vld [tilespmem:s4+$0x7690];
	v22 =	vunpack.i.l.bf16.f32 v22;
	v47 =	vunpack.i.u.bf16.f32 v10;
	v10 =	vunpack.i.l.bf16.f32 v10  }
0x347: {  	v6 =	vadd.f32 v12, v6;
	v42 =	vunpack.i.u.bf16.f32 v33;
	v12 =	vunpack.i.l.bf16.f32 v33;
	v33 =	vld [tilespmem:s22+$0x180]  }
0x348: {  	v8 =	vadd.f32 v62, v60;
	v59 =	vunpack.i.u.bf16.f32 v26;
	v39 =	vmul.bf16 v45, v48;
	v45 =	vld [tilespmem:s23+$0x1A0]  }
0x349: {  	v26 =	vunpack.i.l.bf16.f32 v26;
	v60 =	vmul.bf16 v51, v43;
	v61 =	vunpack.i.u.bf16.f32 v32;
	v43 =	vld [tilespmem:s22+$0x1B0]  }
0x34a: {  	v32 =	vunpack.i.l.bf16.f32 v32;
	v62 =	vmul.bf16 v58, v55;
	v50 =	vadd.f32 v42, v38;
	v38 =	vld [tilespmem:s23+$0x180]  }
0x34b: {  	v37 =	vmul.bf16 v37, v52;
	v48 =	vunpack.i.u.bf16.f32 v11;
	v11 =	vunpack.i.l.bf16.f32 v11;
	v42 =	vld [tilespmem:s4+$0x76A0]  }
0x34c: {  	v9 =	vadd.f32 v12, v9;
	v18 =	vmul.bf16 v18, v20;
	v20 =	vld [tilespmem:s22+$0x230];
	v10 =	vadd.f32 v11, v10  }
0x34d: {  	v8 =	vadd.f32 v6, v8;
	v55 =	vunpack.i.l.bf16.f32 v37;
	v58 =	vunpack.i.u.bf16.f32 v37;
	v37 =	vld [tilespmem:s22+$0x210]  }
0x34e: {  	v63 =	vmul.bf16 v53, v62;
	v9 =	vadd.f32 v26, v9;
	v26 =	vmul.bf16 v44, v60;
	v44 =	vld [tilespmem:s4+$0x76B0]  }
0x34f: {  	v53 =	vunpack.i.l.bf16.f32 v39;
	v12 =	vadd.f32 v59, v50;
	v59 =	vmul.bf16 v49, v35;
	v35 =	vld [tilespmem:s23+$0x210]  }
0x350: {  	v54 =	vunpack.i.u.bf16.f32 v39;
	v60 =	vunpack.i.u.bf16.f32 v21;
	v19 =	vmul.bf16 v19, v28;
	v28 =	vld [tilespmem:s22+$0x280]  }
0x351: {  	s4 =	spop (v2sf);
	v21 =	vunpack.i.l.bf16.f32 v21;
	(v2sf) =	vpush v1, $0xE;
	v18 =	vmul.bf16 v25, v18;
	v25 =	vld [tilespmem:s23+$0x290]  }
0x352: {  	v49 =	vadd.f32 v48, v47;
	v30 =	vmul.bf16 v41, v30;
	v51 =	vunpack.i.l.bf16.f32 v63;
	v31 =	vld [tilespmem:s4+$0x7680]  }
0x353: {  	v6 =	vunpack.i.u.bf16.f32 v63;
	v15 =	vld [tilespmem:s4+$0x76B0];
	v9 =	vadd.f32 v32, v9;
	v12 =	vadd.f32 v61, v12  }
0x354: {  	v32 =	vld [tilespmem:s23+$0x190];
	v50 =	vunpack.i.u.bf16.f32 v26;
	v26 =	vunpack.i.l.bf16.f32 v26;
	v61 =	vunpack.i.u.bf16.f32 v16  }
0x355: {  	v16 =	vunpack.i.l.bf16.f32 v16;
	v24 =	vmul.bf16 v36, v59;
	v36 =	vld [tilespmem:s4+$0x7690];
	v26 =	vadd.f32 v51, v26  }
0x356: {  	v19 =	vmul.bf16 v29, v19;
	v29 =	vld [tilespmem:s23+$0x280];
	v6 =	vadd.f32 v6, v50;
	v16 =	vadd.f32 v16, v21  }
0x357: {  	v62 =	vadd.f32 v61, v60;
	v50 =	vunpack.i.u.bf16.f32 v18;
	v51 =	vmul.bf16 v23, v33;
	v23 =	vld [tilespmem:s22+$0x290]  }
0x358: {  	v18 =	vunpack.i.l.bf16.f32 v18;
	v9 =	vadd.f32 v9, v12;
	v11 =	vadd.f32 v50, v49;
	v50 =	vld [tilespmem:s23+$0x310]  }
0x359: {  	v63 =	vunpack.i.u.bf16.f32 v24;
	v24 =	vunpack.i.l.bf16.f32 v24;
	v12 =	vadd.f32 v53, v26;
	v26 =	vld [tilespmem:s23+$0x200]  }
0x35a: {  	v10 =	vadd.f32 v18, v10;
	v52 =	vunpack.i.u.bf16.f32 v19;
	v16 =	vadd.f32 v24, v16;
	v24 =	vld [tilespmem:s4+$0x76A0]  }
0x35b: {  	v19 =	vunpack.i.l.bf16.f32 v19;
	v6 =	vadd.f32 v54, v6;
	v54 =	vmul.bf16 v38, v51;
	v38 =	vld [tilespmem:s23+$0x2A0]  }
0x35c: {  	v21 =	vadd.f32 v63, v62;
	s4 =	spop (v2sf);
	v59 =	vmul.bf16 v44, v43;
	(v2sf) =	vpush v1, $0xF;
	v1 =	vld [tilespmem:s22+$0x2B0]  }
0x35d: {  	v44 =	vld [tilespmem:s23+$0x300];
	v10 =	vadd.f32 v19, v10;
	v53 =	vadd.f32 v52, v11;
	v61 =	vmul.bf16 v31, v27  }
0x35e: {  	v33 =	vld [tilespmem:s4+$0x7690];
	v15 =	vmul.bf16 v15, v20;
	v12 =	vadd.f32 v55, v12;
	v6 =	vadd.f32 v58, v6  }
0x35f: {  	v39 =	vld [tilespmem:s4+$0x76B0];
	v16 =	vadd.f32 v22, v16;
	v13 =	vadd.f32 v46, v21;
	v55 =	vmul.bf16 v32, v30  }
0x360: {  	v27 =	vld [tilespmem:s23+$0x2B0];
	v56 =	vunpack.i.l.bf16.f32 v54;
	v58 =	vmul.bf16 v42, v40;
	v60 =	vmul.bf16 v34, v59  }
0x361: {  	v52 =	vld [tilespmem:s22+$0x320];
	v63 =	vmul.bf16 v36, v37;
	v10 =	vadd.f32 v10, v53;
	v11 =	vadd.f32 v12, v6  }
0x362: {  	v22 =	vld [tilespmem:s23+$0x230];
	v12 =	vadd.f32 v16, v13;
	v57 =	vunpack.i.l.bf16.f32 v55;
	v6 =	vunpack.i.u.bf16.f32 v54  }
0x363: {  	v21 =	vld [tilespmem:s4+$0x7680];
	v18 =	vunpack.i.u.bf16.f32 v55;
	v32 =	vmul.bf16 v45, v58;
	v42 =	vunpack.i.u.bf16.f32 v60  }
0x364: {  	v30 =	vld [tilespmem:s22+$0x2A0];
	v43 =	vmul.bf16 v35, v63;
	v16 =	vadd.f32 v57, v56;
	v6 =	vadd.f32 v18, v6  }
0x365: {  	v40 =	vld [tilespmem:s22+$0x300];
	v19 =	vmul.bf16 v26, v61;
	v18 =	vunpack.i.l.bf16.f32 v60;
	v14 =	vmul.bf16 v24, v14  }
0x366: {  	v37 =	vld [tilespmem:s22+$0x390];
	v62 =	vunpack.i.u.bf16.f32 v32;
	v32 =	vunpack.i.l.bf16.f32 v32;
	v47 =	vunpack.i.l.bf16.f32 v43  }
0x367: {  	v13 =	vld [tilespmem:s4+$0x76A0];
	v51 =	vunpack.i.u.bf16.f32 v43;
	v23 =	vmul.bf16 v33, v23;
	v1 =	vmul.bf16 v39, v1  }
0x368: {  	v45 =	vld [tilespmem:s22+$0x310];
	v16 =	vadd.f32 v32, v16;
	v6 =	vadd.f32 v62, v6;
	v46 =	vunpack.i.l.bf16.f32 v19  }
0x369: {  	v55 =	vld [tilespmem:s23+$0x320];
	v14 =	vmul.bf16 v17, v14;
	v19 =	vunpack.i.u.bf16.f32 v19;
	v15 =	vmul.bf16 v22, v15  }
0x36a: {  	v63 =	vld [tilespmem:s22+$0x380];
	v21 =	vmul.bf16 v21, v28;
	v49 =	vadd.f32 v47, v46;
	v19 =	vadd.f32 v51, v19  }
0x36b: {  	(xrf2) =	vadd.scan.msk.f32 $0xffff, v4;
	v35 =	vld [tilespmem:s23+$0x380];
	v23 =	vmul.bf16 v25, v23;
	v1 =	vmul.bf16 v27, v1;
	v16 =	vadd.f32 v18, v16  }
0x36c: {  	(xrf2) =	vadd.scan.msk.f32 $0xffff, v3;
	v57 =	vld [tilespmem:s22+$0x330];
	v6 =	vadd.f32 v42, v6;
	v53 =	vunpack.i.l.bf16.f32 v14;
	v14 =	vunpack.i.u.bf16.f32 v14;
	s4 =	spop (v2sf)  }
0x36d: {  	v56 =	vunpack.i.l.bf16.f32 v15;
	v21 =	vmul.bf16 v29, v21;
	v13 =	vmul.bf16 v13, v30;
	v41 =	vld [tilespmem:s4+$0x7680]  }
0x36e: {  	v14 =	vadd.f32 v14, v19;
	v60 =	vunpack.i.l.bf16.f32 v23;
	v23 =	vunpack.i.u.bf16.f32 v23;
	v48 =	vld [tilespmem:s4+$0x7690]  }
0x36f: {  	v6 =	vadd.f32 v16, v6;
	v54 =	vld [tilespmem:s4+$0x76A0];
	v16 =	vadd.f32 v53, v49;
	v59 =	vunpack.i.l.bf16.f32 v21  }
0x370: {  	v58 =	vld [tilespmem:s4+$0x76B0];
	v21 =	vunpack.i.u.bf16.f32 v21;
	v13 =	vmul.bf16 v38, v13;
	v62 =	vadd.f32 v60, v59  }
0x371: {  	v15 =	vunpack.i.u.bf16.f32 v15;
	v21 =	vadd.f32 v23, v21;
	v16 =	vadd.f32 v56, v16;
	v56 =	vld [tilespmem:s22+$0x3B0];
	s4 =	spop (v2sf)  }
0x372: {  	(xrf2) =	vadd.scan.msk.f32 $0xffff, v2;
	v14 =	vadd.f32 v15, v14;
	v36 =	vunpack.i.u.bf16.f32 v13;
	v13 =	vunpack.i.l.bf16.f32 v13;
	v32 =	vld [tilespmem:s4+$0x7680]  }
0x373: {  	(xrf2) =	vadd.scan.msk.f32 $0xffff, v7;
	v13 =	vadd.f32 v13, v62;
	v38 =	vadd.f32 v36, v21;
	v33 =	vmul.bf16 v41, v40;
	v40 =	vld [tilespmem:s4+$0x7690]  }
0x374: {  	(xrf2) =	vadd.scan.msk.f32 $0xffff, v0;
	v18 =	vmul.bf16 v48, v45;
	v41 =	vunpack.i.u.bf16.f32 v1;
	v1 =	vunpack.i.l.bf16.f32 v1;
	v45 =	vld [tilespmem:s22+$0x3A0]  }
0x375: {  	(xrf2) =	vadd.scan.msk.f32 $0xffff, v5;
	v31, _, _ =	vpop (xrf2);
	v49 =	vld [tilespmem:s4+$0x76A0];
	v1 =	vadd.f32 v1, v13;
	v43 =	vadd.f32 v41, v38;
	v39 =	vmul.bf16 v44, v33  }
0x376: {  	(xrf2) =	vadd.scan.msk.f32 $0xffff, v8;
	v34, _, _ =	vpop (xrf2);
	v59 =	vld [tilespmem:s4+$0x76B0];
	v17 =	vmul.bf16 v50, v18;
	v44 =	vmul.bf16 v54, v52  }
0x377: {  	(xrf2) =	vadd.scan.msk.f32 $0xffff, v9;
	v9 =	vbroadcast v34, $0xF;
	v61 =	vld [tilespmem:s23+$0x330];
	v46 =	vadd.f32 v16, v14;
	v1 =	vadd.f32 v1, v43  }
0x378: {  	v42 =	vld [tilespmem:s23+$0x390];
	v47 =	vunpack.i.l.bf16.f32 v39;
	v48 =	vunpack.i.l.bf16.f32 v17;
	v51 =	vmul.bf16 v55, v44  }
0x379: {  	v52 =	vld [tilespmem:s23+$0x3A0];
	v53 =	vunpack.i.u.bf16.f32 v39;
	v54 =	vunpack.i.u.bf16.f32 v17;
	v55 =	vmul.bf16 v58, v57  }
0x37a: {  	v25 =	vld [tilespmem:s23+$0x3B0];
	v50 =	vadd.f32 v48, v47;
	v57 =	vmul.bf16 v32, v63;
	v20 =	vmul.bf16 v40, v37  }
0x37b: {  	v60 =	vadd.f32 v54, v53;
	v24 =	vmul.bf16 v49, v45;
	v29 =	vmul.bf16 v59, v56  }
0x37c: {  	v58 =	vunpack.i.l.bf16.f32 v51;
	v61 =	vmul.bf16 v61, v55;
	v13 =	vunpack.i.u.bf16.f32 v51  }
0x37d: {  	v3 =	vadd.f32 v58, v50;
	v62 =	vmul.bf16 v35, v57;
	v63 =	vmul.bf16 v42, v20  }
0x37e: {  	v20 =	vadd.f32 v13, v60;
	v28 =	vmul.bf16 v52, v24;
	v21 =	vunpack.i.l.bf16.f32 v61  }
0x37f: {  	v33 =	vmul.bf16 v25, v29;
	v3 =	vadd.f32 v21, v3;
	v26 =	vunpack.i.l.bf16.f32 v62  }
0x380: {  	(xrf2) =	vadd.scan.msk.f32 $0xffff, v11;
	v27 =	vunpack.i.l.bf16.f32 v63;
	v0 =	vunpack.i.u.bf16.f32 v62;
	v2 =	vunpack.i.u.bf16.f32 v63  }
0x381: {  	(xrf2) =	vadd.scan.msk.f32 $0xffff, v12;
	v30 =	vunpack.i.u.bf16.f32 v61;
	v7 =	vadd.f32 v27, v26;
	v0 =	vadd.f32 v2, v0  }
0x382: {  	(xrf2) =	vadd.scan.msk.f32 $0xffff, v10;
	v5 =	vadd.f32 v30, v20;
	v32 =	vunpack.i.l.bf16.f32 v28;
	v8 =	vunpack.i.u.bf16.f32 v28  }
0x383: {  	(xrf2) =	vadd.scan.msk.f32 $0xffff, v6;
	v35 =	vbroadcast v31, $0xF;
	v2 =	vadd.f32 v32, v7;
	v0 =	vadd.f32 v8, v0  }
0x384: {  	v36, _, _ =	vpop (xrf2);
	(xrf2) =	vadd.scan.msk.f32 $0xffff, v46;
	v37 =	vunpack.i.u.bf16.f32 v33;
	v38 =	vunpack.i.l.bf16.f32 v33;
	v3 =	vadd.f32 v3, v5  }
0x385: {  	v41 =	vbroadcast v36, $0xF;
	v39, _, _ =	vpop (xrf2);
	(xrf2) =	vadd.scan.msk.f32 $0xffff, v1;
	v40 =	vadd.f32 v38, v2;
	v0 =	vadd.f32 v37, v0  }
0x386: {  	v43 =	vbroadcast v39, $0xF;
	v44, _, _ =	vpop (xrf2);
	v42 =	vsel vm0, v35, v9;
	(xrf2) =	vadd.scan.msk.f32 $0xffff, v3  }
0x387: {  	v45, _, _ =	vpop (xrf2);
	v46 =	vbroadcast v44, $0xF;
	v2 =	vsel vm1, v42, v41;
	v0 =	vadd.f32 v40, v0  }
0x388: {  	v47, _, _ =	vpop (xrf2);
	v3 =	vbroadcast v45, $0xF;
	v2 =	vsel vm2, v2, v43  }
0x389: {  	v1 =	vbroadcast v47, $0xF;
	v48, _, _ =	vpop (xrf2);
	v2 =	vsel vm3, v2, v46;
	(xrf2) =	vadd.scan.msk.f32 $0xffff, v0  }
0x38a: {  	v49, _, _ =	vpop (xrf2);
	v50 =	vbroadcast v48, $0xF;
	v2 =	vsel vm4, v2, v3  }
0x38b: {  	v51, _, _ =	vpop (xrf2);
	v1 =	vsel vm5, v2, v1;
	v0 =	vbroadcast v49, $0xF  }
0x38c: {  	v52, _, _ =	vpop (xrf2);
	v53 =	vbroadcast v51, $0xF;
	v1 =	vsel vm6, v1, v50  }
0x38d: {  	v54, _, _ =	vpop (xrf2);
	v55 =	vbroadcast v52, $0xF;
	v0 =	vsel vm7, v1, v0  }
0x38e: {  	v56, _, _ =	vpop (xrf2);
	v57 =	vbroadcast v54, $0xF;
	v0 =	vsel vm8, v0, v53  }
0x38f: {  	v58, _, _ =	vpop (xrf2);
	v59 =	vbroadcast v56, $0xF;
	v0 =	vsel vm9, v0, v55  }
0x390: {  	p1 =	sne.s32 s20, $0x100;
	v61 =	vbroadcast v58, $0xF;
	v60, _, _ =	vpop (xrf2);
	v0 =	vsel vm10, v0, v57  }
.Ltmp18:
0x391: {  	v0 =	vsel vm11, v0, v59;
	v62 =	vbroadcast v60, $0xF;
	(pc) =	sbr.rel @p1 .LBB2_26-.Ltmp18, $4  }
0x392: {  	v0 =	vsel vm12, v0, v61  }
0x393: {  	v0 =	vsel vm13, v0, v62;
	v63, _, _ =	vpop (xrf2)  }
0x394: {  	v0 =	vsel vm14, v0, v63  }
0x395: {  	s20 =	sadd.s32 $0x40, s20;
	s22 =	sadd.s32 $0x800, s22;
	s23 =	sadd.s32 $0x800, s23;
	[tilespmem:s24+$0x18E80] =	vst v0  }
.Ltmp19:
0x396: {  	(pc) =	sbr.rel .LBB2_31-.Ltmp19, $4  }
0x397: {  	s4 =	sadd.s32 s5, s19  }
0x398: {  	s4 =	sshrl.u32 s4, $0x3  }
0x399: {  	s4 =	sadd.s32 s2, s4  }
0x39a: {  	[hbm4b:s4+s3] =	stream.linear.scatter [tilespmem:s11], [sflag:$0x3], $0x50, $0x38;
	[tilespmem:$0x1F780] =	vst v63  }
.LBB2_33:
0x39b: {  	_ =	sfence.sel $0x180000  }
0x39c: {  	[bflag:$0x0] =	sbarrier.arrive $0xFFFF  }
0x39d: {  	_ =	strace $0x90000047  }
0x39e: {  	[bflag:$0x2] =	sbarrier.arrive $0xFFFF  }
0x39f: {  	s0 =	rddreg [dreg:$0x4]  }
0x3a0: {  	s0 =	sadd.s32 @!p0 $0x100000, s0  }
0x3a1: {  	[sflag:s0] =	ssyncadd.tile.s32 @!p0 $0x1;
	_ =	shalt  }
.Lfunc_end2:
_tile_overlayer_lowered:
.L_overlay_start_2:
0x3a2: {  	(tag) =	ssettag $0x2  }
0x3a3: {  	s0 =	rddreg [dreg:$0x0];
	s2 =	stileid.u32  }
0x3a4: {  	s1 =	rddreg [dreg:$0x1];
	p0 =	sne.s32 s2, $0x0  }
0x3a5: {  	s3 =	rddreg [dreg:$0x2];
	[bflag:$0x3] =	sbarrier.arrive $0xFFFF;
	s2 =	simm.s32 @!p0 $0x1C05  }
0x3a6: {  	[timem:s3], [sflag:s2] =	dma.local @!p0 [hbm:s0], s1  }
0x3a7: {  	s0 =	simm.s32 @!p0 $0x5  }
0x3a8: {  	_ =	swait.ge @!p0 [sflag:s0], s1  }
0x3a9: {  	s1 =	ssub.s32 @!p0 $0x0, s1;
	[sflag:s0] =	ssyncset.done @!p0 $0x0  }
0x3aa: {  	[sflag:s0] =	ssyncadd.s32 @!p0 s1  }
0x3ab: {  	[bflag:$0x3] =	sbarrier.arrive $0xFFFF  }
0x3ac: {  	_ =	shalt  }

</sc_bundles>
